<compile_context>
chip_gen: v7x
topology: tpu7x:2x2x1
jax: 0.10.2.dev20260603
libtpu: 0.0.44.dev20260713+nightly
codegen_flags: <defaults>
</compile_context>

<pallas_src>
import functools

import jax
import jax.numpy as jnp
from jax import lax
from jax.experimental import pallas as pl
from jax.experimental.pallas import tpu as pltpu
from jax.experimental.pallas import tpu_sc as plsc

N = 131072
K = 512
L = 16
NC = 2
NS = 16
NW = NC * NS
SPLIT = 98304
SC_ROWS = N - SPLIT
ROWS_W = SC_ROWS // NW
CH = 64
NCHUNK = ROWS_W // CH
JCH = K // L


def _sc_body(lls_hbm, w_hbm, part_hbm, buf, obuf, w_v, sem, osem):
    wid = lax.axis_index("s") * NC + lax.axis_index("c")
    base = SPLIT + wid * ROWS_W
    pltpu.sync_copy(w_hbm, w_v)

    def start_in(c, slot):
        pltpu.async_copy(
            lls_hbm.at[pl.ds(base + c * CH, CH)], buf.at[slot], sem.at[slot]
        )

    def wait_in(c, slot):
        pltpu.make_async_copy(
            lls_hbm.at[pl.ds(base + c * CH, CH)], buf.at[slot], sem.at[slot]
        ).wait()

    def start_out(c, slot):
        start = pl.multiple_of(wid * ROWS_W + c * CH, 8)
        pltpu.async_copy(
            obuf.at[slot], part_hbm.at[pl.ds(start, CH)], osem.at[slot]
        )

    def wait_out(c, slot):
        start = pl.multiple_of(wid * ROWS_W + c * CH, 8)
        pltpu.make_async_copy(
            obuf.at[slot], part_hbm.at[pl.ds(start, CH)], osem.at[slot]
        ).wait()

    start_in(0, 0)

    def do_chunk(c, carry):
        slot = lax.rem(c, 2)

        @pl.when(c + 1 < NCHUNK)
        def _():
            start_in(c + 1, 1 - slot)

        wait_in(c, slot)

        @pl.when(c >= 2)
        def _():
            wait_out(c - 2, slot)

        for j in range(JCH):
            wj = w_v[pl.ds(j * L, L)]

            @plsc.parallel_loop(0, CH, unroll=8)
            def _row(r):
                v = wj * jnp.exp(buf[slot, r, pl.ds(j * L, L)])
                if j == 0:
                    obuf[slot, r, :] = v
                else:
                    plsc.addupdate(obuf.at[slot, r], v)

        start_out(c, slot)
        return carry

    lax.fori_loop(0, NCHUNK, do_chunk, 0)
    for c in range(max(NCHUNK - 2, 0), NCHUNK):
        wait_out(c, c % 2)


@functools.cache
def _sc_partial():
    return pl.kernel(
        _sc_body,
        out_type=jax.ShapeDtypeStruct((SC_ROWS, L), jnp.float32),
        mesh=plsc.VectorSubcoreMesh(
            core_axis_name="c", subcore_axis_name="s", num_cores=NC, num_subcores=NS
        ),
        scratch_types=[
            pltpu.VMEM((2, CH, K), jnp.float32),
            pltpu.VMEM((2, CH, L), jnp.float32),
            pltpu.VMEM((K,), jnp.float32),
            pltpu.SemaphoreType.DMA((2,)),
            pltpu.SemaphoreType.DMA((2,)),
        ],
    )


def _tc_finish_body(p_ref, o_ref):
    i128 = lax.broadcasted_iota(jnp.int32, (128, 8), 0)
    i8 = lax.broadcasted_iota(jnp.int32, (128, 8), 1)
    seg = (i128 // L == i8).astype(jnp.float32)
    o_ref[...] = jnp.log(
        jnp.dot(
            p_ref[...], seg, precision=jax.lax.Precision.HIGHEST,
            preferred_element_type=jnp.float32,
        )
    )


def _tc_finish(part8):
    return pl.pallas_call(
        _tc_finish_body,
        in_specs=[pl.BlockSpec((SC_ROWS // 8, 128), lambda: (0, 0))],
        out_specs=pl.BlockSpec((SC_ROWS // 8, 8), lambda: (0, 0)),
        out_shape=jax.ShapeDtypeStruct((SC_ROWS // 8, 8), jnp.float32),
    )(part8)


BR = 4096


def _tc_main_body(x_ref, w_ref, o_ref):
    e = jnp.exp(x_ref[...]) * w_ref[...][None, :]
    s1 = e[:, 0:128] + e[:, 128:256] + e[:, 256:384] + e[:, 384:512]
    onesl = jnp.ones((8, 128), jnp.float32)
    b = jax.lax.dot_general(
        onesl, s1, (((1,), (1,)), ((), ())),
        precision=jax.lax.Precision.HIGHEST,
        preferred_element_type=jnp.float32,
    )
    o_ref[...] = jnp.log(b[0:1, :])[None]


def _tc_main(lls, w):
    return pl.pallas_call(
        _tc_main_body,
        grid=(SPLIT // BR,),
        in_specs=[
            pl.BlockSpec((BR, K), lambda i: (i, 0)),
            pl.BlockSpec((K,), lambda i: (0,)),
        ],
        out_specs=pl.BlockSpec((1, 1, BR), lambda i: (i, 0, 0)),
        out_shape=jax.ShapeDtypeStruct((SPLIT // BR, 1, BR), jnp.float32),
    )(lls, w)


def kernel(lls, mixing_weights):
    part = _sc_partial()(lls, mixing_weights)
    part8 = jnp.reshape(part, (SC_ROWS // 8, 128))
    out_tc = jnp.reshape(_tc_main(lls, mixing_weights), (SPLIT,))
    out_sc = jnp.reshape(_tc_finish(part8), (SC_ROWS,))
    return jnp.concatenate([out_tc, out_sc])

# --- scband reference (transcript-rebuilt; emitter-appended) ---
"""Pipeline reference for scband-mixture-model-27187142983809 (READ-ONLY COPY).

The authoritative reference and input builder live on the scoring server;
editing this copy changes nothing except your own understanding.
"""

import jax, jax.numpy as jnp
import numpy as np

N = 131072
K = 512

def setup_inputs(seed: int = 0) -> dict:
    key = jax.random.key(seed)
    k1, = jax.random.split(key, 1)
    lls = jax.random.normal(k1, (N, K), dtype=jnp.float32)
    # Module parameter: uniform mixing weights, as built by __init__ when
    # mixing_weights is None and n_components=K.
    mixing_weights = jnp.ones((K,), dtype=jnp.float32) / float(K)
    return {"lls": lls, "mixing_weights": mixing_weights}

def reference(lls, mixing_weights):
    # Faithful translation of MixtureModel.logsumexp:
    #   log_w = log(mixing_weights).unsqueeze(0)
    #   return torch.logsumexp(lls + log_w, dim=1)
    log_w = jnp.log(mixing_weights)[None, :]
    return jax.scipy.special.logsumexp(lls + log_w, axis=1)

if __name__ == "__main__":
    import jax
    _d = setup_inputs()
    print(jax.jit(kernel)(*tuple(_d.values())))

</pallas_src>

<mosaic_0001>
#map = affine_map<(d0, d1) -> (0, 0)>
#map1 = affine_map<(d0, d1) -> (0)>
module attributes {stable_mosaic.version = 14 : i64} {
  func.func @_sc_body(%arg0: i32, %arg1: i32, %arg2: memref<131072x512xf32, #tpu.memory_space<hbm>>, %arg3: memref<512xf32, #tpu.memory_space<hbm>>, %arg4: memref<32768x16xf32, #tpu.memory_space<hbm>>, %arg5: memref<2x64x512xf32, #tpu.memory_space<vmem>>, %arg6: memref<2x64x16xf32, #tpu.memory_space<vmem>>, %arg7: memref<512xf32, #tpu.memory_space<vmem>>, %arg8: memref<2x!tpu.dma_semaphore, #tpu.memory_space<semaphore_mem>>, %arg9: memref<2x!tpu.dma_semaphore, #tpu.memory_space<semaphore_mem>>) attributes {dimension_semantics = [#tpu.dimension_semantics<core_parallel>, #tpu.dimension_semantics<subcore_parallel>], iteration_bounds = array<i64: 2, 16>, scalar_prefetch = 0 : i64, scratch_operands = 5 : i64, tpu.core_type = #tpu.core_type<sc_vector_subcore>, window_params = [{transform_indices = #map}, {transform_indices = #map1}, {transform_indices = #map}]} {
    %mul3A = arith.constant 2 : i32
    %mul3A_0 = arith.muli %arg1, %mul3A : i32
    %add3A = arith.addi %mul3A_0, %arg0 : i32
    %mul3A_1 = arith.constant 1024 : i32
    %mul3A_2 = arith.muli %add3A, %mul3A_1 : i32
    %add3A_3 = arith.constant 98304 : i32
    %add3A_4 = arith.addi %add3A_3, %mul3A_2 : i32
    "tpu.region"() ({
      %run_scoped3A = tpu.sem_alloc : memref<!tpu.dma_semaphore, #tpu.memory_space<semaphore_mem>>
      tpu.enqueue_dma source(%arg3 : memref<512xf32, #tpu.memory_space<hbm>>) target(%arg7 : memref<512xf32, #tpu.memory_space<vmem>>) target_semaphore(%run_scoped3A : memref<!tpu.dma_semaphore, #tpu.memory_space<semaphore_mem>>)
      tpu.wait_dma2 semaphore(%run_scoped3A : memref<!tpu.dma_semaphore, #tpu.memory_space<semaphore_mem>>) src(%arg3 : memref<512xf32, #tpu.memory_space<hbm>>) dst(%arg7 : memref<512xf32, #tpu.memory_space<vmem>>)
      tpu.yield
    }) : () -> ()
    %add3A_5 = arith.constant 0 : i32
    %add3A_6 = arith.addi %add3A_4, %add3A_5 : i32
    %dma_start3A = arith.constant 0 : i32
    %dma_start3A_7 = arith.constant 0 : i32
    %dma_start3A_8 = arith.constant 0 : i32
    %dma_start3A_9 = arith.constant 0 : i32
    %dma_start3A_10 = tpu.memref_slice %arg5[%dma_start3A, %dma_start3A_8, %dma_start3A_9] : memref<2x64x512xf32, #tpu.memory_space<vmem>> -> memref<1x64x512xf32, #tpu.memory_space<vmem>>
    %dma_start3A_11 = tpu.memref_squeeze %dma_start3A_10 : memref<1x64x512xf32, #tpu.memory_space<vmem>> -> memref<64x512xf32, #tpu.memory_space<vmem>>
    %dma_start3A_12 = arith.constant 0 : i32
    %dma_start3A_13 = tpu.memref_slice %arg2[%add3A_6, %dma_start3A_12] : memref<131072x512xf32, #tpu.memory_space<hbm>> -> memref<64x512xf32, #tpu.memory_space<hbm>>
    %dma_start3A_14 = tpu.memref_slice %arg8[%dma_start3A_7] : memref<2x!tpu.dma_semaphore, #tpu.memory_space<semaphore_mem>> -> memref<1x!tpu.dma_semaphore, #tpu.memory_space<semaphore_mem>>
    %dma_start3A_15 = tpu.memref_squeeze %dma_start3A_14 : memref<1x!tpu.dma_semaphore, #tpu.memory_space<semaphore_mem>> -> memref<!tpu.dma_semaphore, #tpu.memory_space<semaphore_mem>>
    %dma_start3A_16 = arith.constant 0 : i32
    %dma_start3A_17 = arith.constant 0 : i32
    %dma_start3A_18 = tpu.memref_slice %arg5[%dma_start3A, %dma_start3A_16, %dma_start3A_17] : memref<2x64x512xf32, #tpu.memory_space<vmem>> -> memref<1x64x512xf32, #tpu.memory_space<vmem>>
    %dma_start3A_19 = tpu.memref_squeeze %dma_start3A_18 : memref<1x64x512xf32, #tpu.memory_space<vmem>> -> memref<64x512xf32, #tpu.memory_space<vmem>>
    %dma_start3A_20 = arith.constant 0 : i32
    %dma_start3A_21 = tpu.memref_slice %arg2[%add3A_6, %dma_start3A_20] : memref<131072x512xf32, #tpu.memory_space<hbm>> -> memref<64x512xf32, #tpu.memory_space<hbm>>
    tpu.enqueue_dma source(%dma_start3A_21 : memref<64x512xf32, #tpu.memory_space<hbm>>) target(%dma_start3A_19 : memref<64x512xf32, #tpu.memory_space<vmem>>) target_semaphore(%dma_start3A_15 : memref<!tpu.dma_semaphore, #tpu.memory_space<semaphore_mem>>)
    %scan3A = arith.constant 0 : i32
    %scan3A_22 = arith.constant 0 : i32
    %scan3A_23 = arith.constant 16 : i32
    %scan3A_24 = arith.addi %scan3A_22, %scan3A_23 : i32
    %scan3A_25 = arith.constant 1 : i32
    scf.for %scan3A_67 = %scan3A_22 to %scan3A_24 step %scan3A_25  : i32 {
      %rem3A = arith.constant 2 : i32
      %rem3A_68 = arith.remsi %scan3A_67, %rem3A : i32
      %add3A_69 = arith.constant 1 : i32
      %add3A_70 = arith.addi %scan3A_67, %add3A_69 : i32
      %lt3A = arith.constant 16 : i32
      %lt3A_71 = arith.cmpi slt, %add3A_70, %lt3A : i32
      %convert_element_type3A = arith.extui %lt3A_71 : i1 to i32
      %cond3A = arith.constant 0 : i32
      %cond3A_72 = arith.cmpi ne, %convert_element_type3A, %cond3A : i32
      scf.if %cond3A_72 {
        %add3A_304 = arith.constant 1 : i32
        %add3A_305 = arith.addi %scan3A_67, %add3A_304 : i32
        %sub3A = arith.constant 1 : i32
        %sub3A_306 = arith.subi %sub3A, %rem3A_68 : i32
        %mul3A_307 = arith.constant 64 : i32
        %mul3A_308 = arith.muli %add3A_305, %mul3A_307 : i32
        %add3A_309 = arith.addi %add3A_4, %mul3A_308 : i32
        %dma_start3A_310 = arith.constant 0 : i32
        %dma_start3A_311 = arith.constant 0 : i32
        %dma_start3A_312 = tpu.memref_slice %arg5[%sub3A_306, %dma_start3A_310, %dma_start3A_311] : memref<2x64x512xf32, #tpu.memory_space<vmem>> -> memref<1x64x512xf32, #tpu.memory_space<vmem>>
        %dma_start3A_313 = tpu.memref_squeeze %dma_start3A_312 : memref<1x64x512xf32, #tpu.memory_space<vmem>> -> memref<64x512xf32, #tpu.memory_space<vmem>>
        %dma_start3A_314 = arith.constant 0 : i32
        %dma_start3A_315 = tpu.memref_slice %arg2[%add3A_309, %dma_start3A_314] : memref<131072x512xf32, #tpu.memory_space<hbm>> -> memref<64x512xf32, #tpu.memory_space<hbm>>
        %dma_start3A_316 = tpu.memref_slice %arg8[%sub3A_306] : memref<2x!tpu.dma_semaphore, #tpu.memory_space<semaphore_mem>> -> memref<1x!tpu.dma_semaphore, #tpu.memory_space<semaphore_mem>>
        %dma_start3A_317 = tpu.memref_squeeze %dma_start3A_316 : memref<1x!tpu.dma_semaphore, #tpu.memory_space<semaphore_mem>> -> memref<!tpu.dma_semaphore, #tpu.memory_space<semaphore_mem>>
        %dma_start3A_318 = arith.constant 0 : i32
        %dma_start3A_319 = arith.constant 0 : i32
        %dma_start3A_320 = tpu.memref_slice %arg5[%sub3A_306, %dma_start3A_318, %dma_start3A_319] : memref<2x64x512xf32, #tpu.memory_space<vmem>> -> memref<1x64x512xf32, #tpu.memory_space<vmem>>
        %dma_start3A_321 = tpu.memref_squeeze %dma_start3A_320 : memref<1x64x512xf32, #tpu.memory_space<vmem>> -> memref<64x512xf32, #tpu.memory_space<vmem>>
        %dma_start3A_322 = arith.constant 0 : i32
        %dma_start3A_323 = tpu.memref_slice %arg2[%add3A_309, %dma_start3A_322] : memref<131072x512xf32, #tpu.memory_space<hbm>> -> memref<64x512xf32, #tpu.memory_space<hbm>>
        tpu.enqueue_dma source(%dma_start3A_323 : memref<64x512xf32, #tpu.memory_space<hbm>>) target(%dma_start3A_321 : memref<64x512xf32, #tpu.memory_space<vmem>>) target_semaphore(%dma_start3A_317 : memref<!tpu.dma_semaphore, #tpu.memory_space<semaphore_mem>>)
      } else {
      }
      %mul3A_73 = arith.constant 64 : i32
      %mul3A_74 = arith.muli %scan3A_67, %mul3A_73 : i32
      %add3A_75 = arith.addi %add3A_4, %mul3A_74 : i32
      %dma_wait3A_76 = arith.constant 0 : i32
      %dma_wait3A_77 = arith.constant 0 : i32
      %dma_wait3A_78 = tpu.memref_slice %arg5[%rem3A_68, %dma_wait3A_76, %dma_wait3A_77] : memref<2x64x512xf32, #tpu.memory_space<vmem>> -> memref<1x64x512xf32, #tpu.memory_space<vmem>>
      %dma_wait3A_79 = tpu.memref_squeeze %dma_wait3A_78 : memref<1x64x512xf32, #tpu.memory_space<vmem>> -> memref<64x512xf32, #tpu.memory_space<vmem>>
      %dma_wait3A_80 = arith.constant 0 : i32
      %dma_wait3A_81 = tpu.memref_slice %arg2[%add3A_75, %dma_wait3A_80] : memref<131072x512xf32, #tpu.memory_space<hbm>> -> memref<64x512xf32, #tpu.memory_space<hbm>>
      %dma_wait3A_82 = tpu.memref_slice %arg8[%rem3A_68] : memref<2x!tpu.dma_semaphore, #tpu.memory_space<semaphore_mem>> -> memref<1x!tpu.dma_semaphore, #tpu.memory_space<semaphore_mem>>
      %dma_wait3A_83 = tpu.memref_squeeze %dma_wait3A_82 : memref<1x!tpu.dma_semaphore, #tpu.memory_space<semaphore_mem>> -> memref<!tpu.dma_semaphore, #tpu.memory_space<semaphore_mem>>
      %dma_wait3A_84 = arith.constant 0 : i32
      %dma_wait3A_85 = arith.constant 0 : i32
      %dma_wait3A_86 = tpu.memref_slice %arg5[%rem3A_68, %dma_wait3A_84, %dma_wait3A_85] : memref<2x64x512xf32, #tpu.memory_space<vmem>> -> memref<1x64x512xf32, #tpu.memory_space<vmem>>
      %dma_wait3A_87 = tpu.memref_squeeze %dma_wait3A_86 : memref<1x64x512xf32, #tpu.memory_space<vmem>> -> memref<64x512xf32, #tpu.memory_space<vmem>>
      %dma_wait3A_88 = arith.constant 0 : i32
      %dma_wait3A_89 = tpu.memref_slice %arg2[%add3A_75, %dma_wait3A_88] : memref<131072x512xf32, #tpu.memory_space<hbm>> -> memref<64x512xf32, #tpu.memory_space<hbm>>
      tpu.wait_dma2 semaphore(%dma_wait3A_83 : memref<!tpu.dma_semaphore, #tpu.memory_space<semaphore_mem>>) src(%dma_wait3A_89 : memref<64x512xf32, #tpu.memory_space<hbm>>) dst(%dma_wait3A_87 : memref<64x512xf32, #tpu.memory_space<vmem>>)
      %ge3A = arith.constant 2 : i32
      %ge3A_90 = arith.cmpi sge, %scan3A_67, %ge3A : i32
      %convert_element_type3A_91 = arith.extui %ge3A_90 : i1 to i32
      %cond3A_92 = arith.constant 0 : i32
      %cond3A_93 = arith.cmpi ne, %convert_element_type3A_91, %cond3A_92 : i32
      scf.if %cond3A_93 {
        %sub3A = arith.constant 2 : i32
        %sub3A_304 = arith.subi %scan3A_67, %sub3A : i32
        %mul3A_305 = arith.constant 1024 : i32
        %mul3A_306 = arith.muli %add3A, %mul3A_305 : i32
        %mul3A_307 = arith.constant 64 : i32
        %mul3A_308 = arith.muli %sub3A_304, %mul3A_307 : i32
        %add3A_309 = arith.addi %mul3A_306, %mul3A_308 : i32
        %multiple_of3A_310 = tpu.assume_multiple %add3A_309, 8 : i32
        %dma_wait3A_311 = arith.constant 0 : i32
        %dma_wait3A_312 = arith.constant 0 : i32
        %dma_wait3A_313 = tpu.memref_slice %arg6[%rem3A_68, %dma_wait3A_311, %dma_wait3A_312] : memref<2x64x16xf32, #tpu.memory_space<vmem>> -> memref<1x64x16xf32, #tpu.memory_space<vmem>>
        %dma_wait3A_314 = tpu.memref_squeeze %dma_wait3A_313 : memref<1x64x16xf32, #tpu.memory_space<vmem>> -> memref<64x16xf32, #tpu.memory_space<vmem>>
        %dma_wait3A_315 = arith.constant 0 : i32
        %dma_wait3A_316 = tpu.memref_slice %arg4[%multiple_of3A_310, %dma_wait3A_315] : memref<32768x16xf32, #tpu.memory_space<hbm>> -> memref<64x16xf32, #tpu.memory_space<hbm>>
        %dma_wait3A_317 = tpu.memref_slice %arg9[%rem3A_68] : memref<2x!tpu.dma_semaphore, #tpu.memory_space<semaphore_mem>> -> memref<1x!tpu.dma_semaphore, #tpu.memory_space<semaphore_mem>>
        %dma_wait3A_318 = tpu.memref_squeeze %dma_wait3A_317 : memref<1x!tpu.dma_semaphore, #tpu.memory_space<semaphore_mem>> -> memref<!tpu.dma_semaphore, #tpu.memory_space<semaphore_mem>>
        %dma_wait3A_319 = arith.constant 0 : i32
        %dma_wait3A_320 = tpu.memref_slice %arg4[%multiple_of3A_310, %dma_wait3A_319] : memref<32768x16xf32, #tpu.memory_space<hbm>> -> memref<64x16xf32, #tpu.memory_space<hbm>>
        %dma_wait3A_321 = arith.constant 0 : i32
        %dma_wait3A_322 = arith.constant 0 : i32
        %dma_wait3A_323 = tpu.memref_slice %arg6[%rem3A_68, %dma_wait3A_321, %dma_wait3A_322] : memref<2x64x16xf32, #tpu.memory_space<vmem>> -> memref<1x64x16xf32, #tpu.memory_space<vmem>>
        %dma_wait3A_324 = tpu.memref_squeeze %dma_wait3A_323 : memref<1x64x16xf32, #tpu.memory_space<vmem>> -> memref<64x16xf32, #tpu.memory_space<vmem>>
        tpu.wait_dma2 semaphore(%dma_wait3A_318 : memref<!tpu.dma_semaphore, #tpu.memory_space<semaphore_mem>>) src(%dma_wait3A_324 : memref<64x16xf32, #tpu.memory_space<vmem>>) dst(%dma_wait3A_320 : memref<64x16xf32, #tpu.memory_space<hbm>>)
      } else {
      }
      %get3A = arith.constant 0 : index
      %get3A_94 = tpu.vector_load %arg7[%get3A] {strides = array<i32>} : memref<512xf32, #tpu.memory_space<vmem>>, vector<16xf32>,
      %get3A_95 = vector.shape_cast %get3A_94 : vector<16xf32> to vector<16xf32>
      %parallel_loop3A = arith.constant 0 : i32
      %parallel_loop3A_96 = arith.constant 64 : i32
      %parallel_loop3A_97 = arith.constant 1 : i32
      scf.for %parallel_loop3A_304 = %parallel_loop3A to %parallel_loop3A_96 step %parallel_loop3A_97  : i32 {
        %parallel_loop3A_305 = arith.index_cast %rem3A_68 : i32 to index
        %parallel_loop3A_306 = arith.index_cast %parallel_loop3A_304 : i32 to index
        %parallel_loop3A_307 = arith.constant 0 : index
        %parallel_loop3A_308 = tpu.vector_load %arg5[%parallel_loop3A_305, %parallel_loop3A_306, %parallel_loop3A_307] {strides = array<i32>} : memref<2x64x512xf32, #tpu.memory_space<vmem>>, vector<1x1x16xf32>,
        %parallel_loop3A_309 = vector.shape_cast %parallel_loop3A_308 : vector<1x1x16xf32> to vector<16xf32>
        %parallel_loop3A_310 = math.exp %parallel_loop3A_309 : vector<16xf32>
        %parallel_loop3A_311 = arith.mulf %get3A_95, %parallel_loop3A_310 : vector<16xf32>
        %parallel_loop3A_312 = arith.index_cast %rem3A_68 : i32 to index
        %parallel_loop3A_313 = arith.index_cast %parallel_loop3A_304 : i32 to index
        %parallel_loop3A_314 = arith.constant 0 : index
        %parallel_loop3A_315 = tpu.vector_load %arg6[%parallel_loop3A_312, %parallel_loop3A_313, %parallel_loop3A_314] {strides = array<i32>} : memref<2x64x16xf32, #tpu.memory_space<vmem>>, vector<1x1x16xf32>,
        %parallel_loop3A_316 = vector.shape_cast %parallel_loop3A_315 : vector<1x1x16xf32> to vector<16xf32>
        %parallel_loop3A_317 = vector.shape_cast %parallel_loop3A_311 : vector<16xf32> to vector<1x1x16xf32>
        tpu.vector_store %arg6[%parallel_loop3A_312, %parallel_loop3A_313, %parallel_loop3A_314], %parallel_loop3A_317 {strides = array<i32>} : memref<2x64x16xf32, #tpu.memory_space<vmem>>, vector<1x1x16xf32>,
      } {sc.loop_unroll_factor = 8 : i64, sc.parallel_access}
      %get3A_98 = arith.constant 16 : index
      %get3A_99 = tpu.vector_load %arg7[%get3A_98] {strides = array<i32>} : memref<512xf32, #tpu.memory_space<vmem>>, vector<16xf32>,
      %get3A_100 = vector.shape_cast %get3A_99 : vector<16xf32> to vector<16xf32>
      %parallel_loop3A_101 = arith.constant 0 : i32
      %parallel_loop3A_102 = arith.constant 64 : i32
      %parallel_loop3A_103 = arith.constant 1 : i32
      scf.for %parallel_loop3A_304 = %parallel_loop3A_101 to %parallel_loop3A_102 step %parallel_loop3A_103  : i32 {
        %parallel_loop3A_305 = arith.index_cast %rem3A_68 : i32 to index
        %parallel_loop3A_306 = arith.index_cast %parallel_loop3A_304 : i32 to index
        %parallel_loop3A_307 = arith.constant 16 : index
        %parallel_loop3A_308 = tpu.vector_load %arg5[%parallel_loop3A_305, %parallel_loop3A_306, %parallel_loop3A_307] {strides = array<i32>} : memref<2x64x512xf32, #tpu.memory_space<vmem>>, vector<1x1x16xf32>,
        %parallel_loop3A_309 = vector.shape_cast %parallel_loop3A_308 : vector<1x1x16xf32> to vector<16xf32>
        %parallel_loop3A_310 = math.exp %parallel_loop3A_309 : vector<16xf32>
        %parallel_loop3A_311 = arith.mulf %get3A_100, %parallel_loop3A_310 : vector<16xf32>
        %parallel_loop3A_312 = arith.index_cast %rem3A_68 : i32 to index
        %parallel_loop3A_313 = arith.index_cast %parallel_loop3A_304 : i32 to index
        %parallel_loop3A_314 = arith.constant 0 : index
        %parallel_loop3A_315 = tpu.vector_load %arg6[%parallel_loop3A_312, %parallel_loop3A_313, %parallel_loop3A_314] {strides = array<i32>} : memref<2x64x16xf32, #tpu.memory_space<vmem>>, vector<1x1x16xf32>,
        %parallel_loop3A_316 = vector.shape_cast %parallel_loop3A_315 : vector<1x1x16xf32> to vector<16xf32>
        %parallel_loop3A_317 = vector.shape_cast %parallel_loop3A_311 : vector<16xf32> to vector<1x1x16xf32>
        tpu.vector_store %arg6[%parallel_loop3A_312, %parallel_loop3A_313, %parallel_loop3A_314], %parallel_loop3A_317 {add = true, strides = array<i32>} : memref<2x64x16xf32, #tpu.memory_space<vmem>>, vector<1x1x16xf32>,
      } {sc.loop_unroll_factor = 8 : i64, sc.parallel_access}
      %get3A_104 = arith.constant 32 : index
      %get3A_105 = tpu.vector_load %arg7[%get3A_104] {strides = array<i32>} : memref<512xf32, #tpu.memory_space<vmem>>, vector<16xf32>,
      %get3A_106 = vector.shape_cast %get3A_105 : vector<16xf32> to vector<16xf32>
      %parallel_loop3A_107 = arith.constant 0 : i32
      %parallel_loop3A_108 = arith.constant 64 : i32
      %parallel_loop3A_109 = arith.constant 1 : i32
      scf.for %parallel_loop3A_304 = %parallel_loop3A_107 to %parallel_loop3A_108 step %parallel_loop3A_109  : i32 {
        %parallel_loop3A_305 = arith.index_cast %rem3A_68 : i32 to index
        %parallel_loop3A_306 = arith.index_cast %parallel_loop3A_304 : i32 to index
        %parallel_loop3A_307 = arith.constant 32 : index
        %parallel_loop3A_308 = tpu.vector_load %arg5[%parallel_loop3A_305, %parallel_loop3A_306, %parallel_loop3A_307] {strides = array<i32>} : memref<2x64x512xf32, #tpu.memory_space<vmem>>, vector<1x1x16xf32>,
        %parallel_loop3A_309 = vector.shape_cast %parallel_loop3A_308 : vector<1x1x16xf32> to vector<16xf32>
        %parallel_loop3A_310 = math.exp %parallel_loop3A_309 : vector<16xf32>
        %parallel_loop3A_311 = arith.mulf %get3A_106, %parallel_loop3A_310 : vector<16xf32>
        %parallel_loop3A_312 = arith.index_cast %rem3A_68 : i32 to index
        %parallel_loop3A_313 = arith.index_cast %parallel_loop3A_304 : i32 to index
        %parallel_loop3A_314 = arith.constant 0 : index
        %parallel_loop3A_315 = tpu.vector_load %arg6[%parallel_loop3A_312, %parallel_loop3A_313, %parallel_loop3A_314] {strides = array<i32>} : memref<2x64x16xf32, #tpu.memory_space<vmem>>, vector<1x1x16xf32>,
        %parallel_loop3A_316 = vector.shape_cast %parallel_loop3A_315 : vector<1x1x16xf32> to vector<16xf32>
        %parallel_loop3A_317 = vector.shape_cast %parallel_loop3A_311 : vector<16xf32> to vector<1x1x16xf32>
        tpu.vector_store %arg6[%parallel_loop3A_312, %parallel_loop3A_313, %parallel_loop3A_314], %parallel_loop3A_317 {add = true, strides = array<i32>} : memref<2x64x16xf32, #tpu.memory_space<vmem>>, vector<1x1x16xf32>,
      } {sc.loop_unroll_factor = 8 : i64, sc.parallel_access}
      %get3A_110 = arith.constant 48 : index
      %get3A_111 = tpu.vector_load %arg7[%get3A_110] {strides = array<i32>} : memref<512xf32, #tpu.memory_space<vmem>>, vector<16xf32>,
      %get3A_112 = vector.shape_cast %get3A_111 : vector<16xf32> to vector<16xf32>
      %parallel_loop3A_113 = arith.constant 0 : i32
      %parallel_loop3A_114 = arith.constant 64 : i32
      %parallel_loop3A_115 = arith.constant 1 : i32
      scf.for %parallel_loop3A_304 = %parallel_loop3A_113 to %parallel_loop3A_114 step %parallel_loop3A_115  : i32 {
        %parallel_loop3A_305 = arith.index_cast %rem3A_68 : i32 to index
        %parallel_loop3A_306 = arith.index_cast %parallel_loop3A_304 : i32 to index
        %parallel_loop3A_307 = arith.constant 48 : index
        %parallel_loop3A_308 = tpu.vector_load %arg5[%parallel_loop3A_305, %parallel_loop3A_306, %parallel_loop3A_307] {strides = array<i32>} : memref<2x64x512xf32, #tpu.memory_space<vmem>>, vector<1x1x16xf32>,
        %parallel_loop3A_309 = vector.shape_cast %parallel_loop3A_308 : vector<1x1x16xf32> to vector<16xf32>
        %parallel_loop3A_310 = math.exp %parallel_loop3A_309 : vector<16xf32>
        %parallel_loop3A_311 = arith.mulf %get3A_112, %parallel_loop3A_310 : vector<16xf32>
        %parallel_loop3A_312 = arith.index_cast %rem3A_68 : i32 to index
        %parallel_loop3A_313 = arith.index_cast %parallel_loop3A_304 : i32 to index
        %parallel_loop3A_314 = arith.constant 0 : index
        %parallel_loop3A_315 = tpu.vector_load %arg6[%parallel_loop3A_312, %parallel_loop3A_313, %parallel_loop3A_314] {strides = array<i32>} : memref<2x64x16xf32, #tpu.memory_space<vmem>>, vector<1x1x16xf32>,
        %parallel_loop3A_316 = vector.shape_cast %parallel_loop3A_315 : vector<1x1x16xf32> to vector<16xf32>
        %parallel_loop3A_317 = vector.shape_cast %parallel_loop3A_311 : vector<16xf32> to vector<1x1x16xf32>
        tpu.vector_store %arg6[%parallel_loop3A_312, %parallel_loop3A_313, %parallel_loop3A_314], %parallel_loop3A_317 {add = true, strides = array<i32>} : memref<2x64x16xf32, #tpu.memory_space<vmem>>, vector<1x1x16xf32>,
      } {sc.loop_unroll_factor = 8 : i64, sc.parallel_access}
      %get3A_116 = arith.constant 64 : index
      %get3A_117 = tpu.vector_load %arg7[%get3A_116] {strides = array<i32>} : memref<512xf32, #tpu.memory_space<vmem>>, vector<16xf32>,
      %get3A_118 = vector.shape_cast %get3A_117 : vector<16xf32> to vector<16xf32>
      %parallel_loop3A_119 = arith.constant 0 : i32
      %parallel_loop3A_120 = arith.constant 64 : i32
      %parallel_loop3A_121 = arith.constant 1 : i32
      scf.for %parallel_loop3A_304 = %parallel_loop3A_119 to %parallel_loop3A_120 step %parallel_loop3A_121  : i32 {
        %parallel_loop3A_305 = arith.index_cast %rem3A_68 : i32 to index
        %parallel_loop3A_306 = arith.index_cast %parallel_loop3A_304 : i32 to index
        %parallel_loop3A_307 = arith.constant 64 : index
        %parallel_loop3A_308 = tpu.vector_load %arg5[%parallel_loop3A_305, %parallel_loop3A_306, %parallel_loop3A_307] {strides = array<i32>} : memref<2x64x512xf32, #tpu.memory_space<vmem>>, vector<1x1x16xf32>,
        %parallel_loop3A_309 = vector.shape_cast %parallel_loop3A_308 : vector<1x1x16xf32> to vector<16xf32>
        %parallel_loop3A_310 = math.exp %parallel_loop3A_309 : vector<16xf32>
        %parallel_loop3A_311 = arith.mulf %get3A_118, %parallel_loop3A_310 : vector<16xf32>
        %parallel_loop3A_312 = arith.index_cast %rem3A_68 : i32 to index
        %parallel_loop3A_313 = arith.index_cast %parallel_loop3A_304 : i32 to index
        %parallel_loop3A_314 = arith.constant 0 : index
        %parallel_loop3A_315 = tpu.vector_load %arg6[%parallel_loop3A_312, %parallel_loop3A_313, %parallel_loop3A_314] {strides = array<i32>} : memref<2x64x16xf32, #tpu.memory_space<vmem>>, vector<1x1x16xf32>,
        %parallel_loop3A_316 = vector.shape_cast %parallel_loop3A_315 : vector<1x1x16xf32> to vector<16xf32>
        %parallel_loop3A_317 = vector.shape_cast %parallel_loop3A_311 : vector<16xf32> to vector<1x1x16xf32>
        tpu.vector_store %arg6[%parallel_loop3A_312, %parallel_loop3A_313, %parallel_loop3A_314], %parallel_loop3A_317 {add = true, strides = array<i32>} : memref<2x64x16xf32, #tpu.memory_space<vmem>>, vector<1x1x16xf32>,
      } {sc.loop_unroll_factor = 8 : i64, sc.parallel_access}
      %get3A_122 = arith.constant 80 : index
      %get3A_123 = tpu.vector_load %arg7[%get3A_122] {strides = array<i32>} : memref<512xf32, #tpu.memory_space<vmem>>, vector<16xf32>,
      %get3A_124 = vector.shape_cast %get3A_123 : vector<16xf32> to vector<16xf32>
      %parallel_loop3A_125 = arith.constant 0 : i32
      %parallel_loop3A_126 = arith.constant 64 : i32
      %parallel_loop3A_127 = arith.constant 1 : i32
      scf.for %parallel_loop3A_304 = %parallel_loop3A_125 to %parallel_loop3A_126 step %parallel_loop3A_127  : i32 {
        %parallel_loop3A_305 = arith.index_cast %rem3A_68 : i32 to index
        %parallel_loop3A_306 = arith.index_cast %parallel_loop3A_304 : i32 to index
        %parallel_loop3A_307 = arith.constant 80 : index
        %parallel_loop3A_308 = tpu.vector_load %arg5[%parallel_loop3A_305, %parallel_loop3A_306, %parallel_loop3A_307] {strides = array<i32>} : memref<2x64x512xf32, #tpu.memory_space<vmem>>, vector<1x1x16xf32>,
        %parallel_loop3A_309 = vector.shape_cast %parallel_loop3A_308 : vector<1x1x16xf32> to vector<16xf32>
        %parallel_loop3A_310 = math.exp %parallel_loop3A_309 : vector<16xf32>
        %parallel_loop3A_311 = arith.mulf %get3A_124, %parallel_loop3A_310 : vector<16xf32>
        %parallel_loop3A_312 = arith.index_cast %rem3A_68 : i32 to index
        %parallel_loop3A_313 = arith.index_cast %parallel_loop3A_304 : i32 to index
        %parallel_loop3A_314 = arith.constant 0 : index
        %parallel_loop3A_315 = tpu.vector_load %arg6[%parallel_loop3A_312, %parallel_loop3A_313, %parallel_loop3A_314] {strides = array<i32>} : memref<2x64x16xf32, #tpu.memory_space<vmem>>, vector<1x1x16xf32>,
        %parallel_loop3A_316 = vector.shape_cast %parallel_loop3A_315 : vector<1x1x16xf32> to vector<16xf32>
        %parallel_loop3A_317 = vector.shape_cast %parallel_loop3A_311 : vector<16xf32> to vector<1x1x16xf32>
        tpu.vector_store %arg6[%parallel_loop3A_312, %parallel_loop3A_313, %parallel_loop3A_314], %parallel_loop3A_317 {add = true, strides = array<i32>} : memref<2x64x16xf32, #tpu.memory_space<vmem>>, vector<1x1x16xf32>,
      } {sc.loop_unroll_factor = 8 : i64, sc.parallel_access}
      %get3A_128 = arith.constant 96 : index
      %get3A_129 = tpu.vector_load %arg7[%get3A_128] {strides = array<i32>} : memref<512xf32, #tpu.memory_space<vmem>>, vector<16xf32>,
      %get3A_130 = vector.shape_cast %get3A_129 : vector<16xf32> to vector<16xf32>
      %parallel_loop3A_131 = arith.constant 0 : i32
      %parallel_loop3A_132 = arith.constant 64 : i32
      %parallel_loop3A_133 = arith.constant 1 : i32
      scf.for %parallel_loop3A_304 = %parallel_loop3A_131 to %parallel_loop3A_132 step %parallel_loop3A_133  : i32 {
        %parallel_loop3A_305 = arith.index_cast %rem3A_68 : i32 to index
        %parallel_loop3A_306 = arith.index_cast %parallel_loop3A_304 : i32 to index
        %parallel_loop3A_307 = arith.constant 96 : index
        %parallel_loop3A_308 = tpu.vector_load %arg5[%parallel_loop3A_305, %parallel_loop3A_306, %parallel_loop3A_307] {strides = array<i32>} : memref<2x64x512xf32, #tpu.memory_space<vmem>>, vector<1x1x16xf32>,
        %parallel_loop3A_309 = vector.shape_cast %parallel_loop3A_308 : vector<1x1x16xf32> to vector<16xf32>
        %parallel_loop3A_310 = math.exp %parallel_loop3A_309 : vector<16xf32>
        %parallel_loop3A_311 = arith.mulf %get3A_130, %parallel_loop3A_310 : vector<16xf32>
        %parallel_loop3A_312 = arith.index_cast %rem3A_68 : i32 to index
        %parallel_loop3A_313 = arith.index_cast %parallel_loop3A_304 : i32 to index
        %parallel_loop3A_314 = arith.constant 0 : index
        %parallel_loop3A_315 = tpu.vector_load %arg6[%parallel_loop3A_312, %parallel_loop3A_313, %parallel_loop3A_314] {strides = array<i32>} : memref<2x64x16xf32, #tpu.memory_space<vmem>>, vector<1x1x16xf32>,
        %parallel_loop3A_316 = vector.shape_cast %parallel_loop3A_315 : vector<1x1x16xf32> to vector<16xf32>
        %parallel_loop3A_317 = vector.shape_cast %parallel_loop3A_311 : vector<16xf32> to vector<1x1x16xf32>
        tpu.vector_store %arg6[%parallel_loop3A_312, %parallel_loop3A_313, %parallel_loop3A_314], %parallel_loop3A_317 {add = true, strides = array<i32>} : memref<2x64x16xf32, #tpu.memory_space<vmem>>, vector<1x1x16xf32>,
      } {sc.loop_unroll_factor = 8 : i64, sc.parallel_access}
      %get3A_134 = arith.constant 112 : index
      %get3A_135 = tpu.vector_load %arg7[%get3A_134] {strides = array<i32>} : memref<512xf32, #tpu.memory_space<vmem>>, vector<16xf32>,
      %get3A_136 = vector.shape_cast %get3A_135 : vector<16xf32> to vector<16xf32>
      %parallel_loop3A_137 = arith.constant 0 : i32
      %parallel_loop3A_138 = arith.constant 64 : i32
      %parallel_loop3A_139 = arith.constant 1 : i32
      scf.for %parallel_loop3A_304 = %parallel_loop3A_137 to %parallel_loop3A_138 step %parallel_loop3A_139  : i32 {
        %parallel_loop3A_305 = arith.index_cast %rem3A_68 : i32 to index
        %parallel_loop3A_306 = arith.index_cast %parallel_loop3A_304 : i32 to index
        %parallel_loop3A_307 = arith.constant 112 : index
        %parallel_loop3A_308 = tpu.vector_load %arg5[%parallel_loop3A_305, %parallel_loop3A_306, %parallel_loop3A_307] {strides = array<i32>} : memref<2x64x512xf32, #tpu.memory_space<vmem>>, vector<1x1x16xf32>,
        %parallel_loop3A_309 = vector.shape_cast %parallel_loop3A_308 : vector<1x1x16xf32> to vector<16xf32>
        %parallel_loop3A_310 = math.exp %parallel_loop3A_309 : vector<16xf32>
        %parallel_loop3A_311 = arith.mulf %get3A_136, %parallel_loop3A_310 : vector<16xf32>
        %parallel_loop3A_312 = arith.index_cast %rem3A_68 : i32 to index
        %parallel_loop3A_313 = arith.index_cast %parallel_loop3A_304 : i32 to index
        %parallel_loop3A_314 = arith.constant 0 : index
        %parallel_loop3A_315 = tpu.vector_load %arg6[%parallel_loop3A_312, %parallel_loop3A_313, %parallel_loop3A_314] {strides = array<i32>} : memref<2x64x16xf32, #tpu.memory_space<vmem>>, vector<1x1x16xf32>,
        %parallel_loop3A_316 = vector.shape_cast %parallel_loop3A_315 : vector<1x1x16xf32> to vector<16xf32>
        %parallel_loop3A_317 = vector.shape_cast %parallel_loop3A_311 : vector<16xf32> to vector<1x1x16xf32>
        tpu.vector_store %arg6[%parallel_loop3A_312, %parallel_loop3A_313, %parallel_loop3A_314], %parallel_loop3A_317 {add = true, strides = array<i32>} : memref<2x64x16xf32, #tpu.memory_space<vmem>>, vector<1x1x16xf32>,
      } {sc.loop_unroll_factor = 8 : i64, sc.parallel_access}
      %get3A_140 = arith.constant 128 : index
      %get3A_141 = tpu.vector_load %arg7[%get3A_140] {strides = array<i32>} : memref<512xf32, #tpu.memory_space<vmem>>, vector<16xf32>,
      %get3A_142 = vector.shape_cast %get3A_141 : vector<16xf32> to vector<16xf32>
      %parallel_loop3A_143 = arith.constant 0 : i32
      %parallel_loop3A_144 = arith.constant 64 : i32
      %parallel_loop3A_145 = arith.constant 1 : i32
      scf.for %parallel_loop3A_304 = %parallel_loop3A_143 to %parallel_loop3A_144 step %parallel_loop3A_145  : i32 {
        %parallel_loop3A_305 = arith.index_cast %rem3A_68 : i32 to index
        %parallel_loop3A_306 = arith.index_cast %parallel_loop3A_304 : i32 to index
        %parallel_loop3A_307 = arith.constant 128 : index
        %parallel_loop3A_308 = tpu.vector_load %arg5[%parallel_loop3A_305, %parallel_loop3A_306, %parallel_loop3A_307] {strides = array<i32>} : memref<2x64x512xf32, #tpu.memory_space<vmem>>, vector<1x1x16xf32>,
        %parallel_loop3A_309 = vector.shape_cast %parallel_loop3A_308 : vector<1x1x16xf32> to vector<16xf32>
        %parallel_loop3A_310 = math.exp %parallel_loop3A_309 : vector<16xf32>
        %parallel_loop3A_311 = arith.mulf %get3A_142, %parallel_loop3A_310 : vector<16xf32>
        %parallel_loop3A_312 = arith.index_cast %rem3A_68 : i32 to index
        %parallel_loop3A_313 = arith.index_cast %parallel_loop3A_304 : i32 to index
        %parallel_loop3A_314 = arith.constant 0 : index
        %parallel_loop3A_315 = tpu.vector_load %arg6[%parallel_loop3A_312, %parallel_loop3A_313, %parallel_loop3A_314] {strides = array<i32>} : memref<2x64x16xf32, #tpu.memory_space<vmem>>, vector<1x1x16xf32>,
        %parallel_loop3A_316 = vector.shape_cast %parallel_loop3A_315 : vector<1x1x16xf32> to vector<16xf32>
        %parallel_loop3A_317 = vector.shape_cast %parallel_loop3A_311 : vector<16xf32> to vector<1x1x16xf32>
        tpu.vector_store %arg6[%parallel_loop3A_312, %parallel_loop3A_313, %parallel_loop3A_314], %parallel_loop3A_317 {add = true, strides = array<i32>} : memref<2x64x16xf32, #tpu.memory_space<vmem>>, vector<1x1x16xf32>,
      } {sc.loop_unroll_factor = 8 : i64, sc.parallel_access}
      %get3A_146 = arith.constant 144 : index
      %get3A_147 = tpu.vector_load %arg7[%get3A_146] {strides = array<i32>} : memref<512xf32, #tpu.memory_space<vmem>>, vector<16xf32>,
      %get3A_148 = vector.shape_cast %get3A_147 : vector<16xf32> to vector<16xf32>
      %parallel_loop3A_149 = arith.constant 0 : i32
      %parallel_loop3A_150 = arith.constant 64 : i32
      %parallel_loop3A_151 = arith.constant 1 : i32
      scf.for %parallel_loop3A_304 = %parallel_loop3A_149 to %parallel_loop3A_150 step %parallel_loop3A_151  : i32 {
        %parallel_loop3A_305 = arith.index_cast %rem3A_68 : i32 to index
        %parallel_loop3A_306 = arith.index_cast %parallel_loop3A_304 : i32 to index
        %parallel_loop3A_307 = arith.constant 144 : index
        %parallel_loop3A_308 = tpu.vector_load %arg5[%parallel_loop3A_305, %parallel_loop3A_306, %parallel_loop3A_307] {strides = array<i32>} : memref<2x64x512xf32, #tpu.memory_space<vmem>>, vector<1x1x16xf32>,
        %parallel_loop3A_309 = vector.shape_cast %parallel_loop3A_308 : vector<1x1x16xf32> to vector<16xf32>
        %parallel_loop3A_310 = math.exp %parallel_loop3A_309 : vector<16xf32>
        %parallel_loop3A_311 = arith.mulf %get3A_148, %parallel_loop3A_310 : vector<16xf32>
        %parallel_loop3A_312 = arith.index_cast %rem3A_68 : i32 to index
        %parallel_loop3A_313 = arith.index_cast %parallel_loop3A_304 : i32 to index
        %parallel_loop3A_314 = arith.constant 0 : index
        %parallel_loop3A_315 = tpu.vector_load %arg6[%parallel_loop3A_312, %parallel_loop3A_313, %parallel_loop3A_314] {strides = array<i32>} : memref<2x64x16xf32, #tpu.memory_space<vmem>>, vector<1x1x16xf32>,
        %parallel_loop3A_316 = vector.shape_cast %parallel_loop3A_315 : vector<1x1x16xf32> to vector<16xf32>
        %parallel_loop3A_317 = vector.shape_cast %parallel_loop3A_311 : vector<16xf32> to vector<1x1x16xf32>
        tpu.vector_store %arg6[%parallel_loop3A_312, %parallel_loop3A_313, %parallel_loop3A_314], %parallel_loop3A_317 {add = true, strides = array<i32>} : memref<2x64x16xf32, #tpu.memory_space<vmem>>, vector<1x1x16xf32>,
      } {sc.loop_unroll_factor = 8 : i64, sc.parallel_access}
      %get3A_152 = arith.constant 160 : index
      %get3A_153 = tpu.vector_load %arg7[%get3A_152] {strides = array<i32>} : memref<512xf32, #tpu.memory_space<vmem>>, vector<16xf32>,
      %get3A_154 = vector.shape_cast %get3A_153 : vector<16xf32> to vector<16xf32>
      %parallel_loop3A_155 = arith.constant 0 : i32
      %parallel_loop3A_156 = arith.constant 64 : i32
      %parallel_loop3A_157 = arith.constant 1 : i32
      scf.for %parallel_loop3A_304 = %parallel_loop3A_155 to %parallel_loop3A_156 step %parallel_loop3A_157  : i32 {
        %parallel_loop3A_305 = arith.index_cast %rem3A_68 : i32 to index
        %parallel_loop3A_306 = arith.index_cast %parallel_loop3A_304 : i32 to index
        %parallel_loop3A_307 = arith.constant 160 : index
        %parallel_loop3A_308 = tpu.vector_load %arg5[%parallel_loop3A_305, %parallel_loop3A_306, %parallel_loop3A_307] {strides = array<i32>} : memref<2x64x512xf32, #tpu.memory_space<vmem>>, vector<1x1x16xf32>,
        %parallel_loop3A_309 = vector.shape_cast %parallel_loop3A_308 : vector<1x1x16xf32> to vector<16xf32>
        %parallel_loop3A_310 = math.exp %parallel_loop3A_309 : vector<16xf32>
        %parallel_loop3A_311 = arith.mulf %get3A_154, %parallel_loop3A_310 : vector<16xf32>
        %parallel_loop3A_312 = arith.index_cast %rem3A_68 : i32 to index
        %parallel_loop3A_313 = arith.index_cast %parallel_loop3A_304 : i32 to index
        %parallel_loop3A_314 = arith.constant 0 : index
        %parallel_loop3A_315 = tpu.vector_load %arg6[%parallel_loop3A_312, %parallel_loop3A_313, %parallel_loop3A_314] {strides = array<i32>} : memref<2x64x16xf32, #tpu.memory_space<vmem>>, vector<1x1x16xf32>,
        %parallel_loop3A_316 = vector.shape_cast %parallel_loop3A_315 : vector<1x1x16xf32> to vector<16xf32>
        %parallel_loop3A_317 = vector.shape_cast %parallel_loop3A_311 : vector<16xf32> to vector<1x1x16xf32>
        tpu.vector_store %arg6[%parallel_loop3A_312, %parallel_loop3A_313, %parallel_loop3A_314], %parallel_loop3A_317 {add = true, strides = array<i32>} : memref<2x64x16xf32, #tpu.memory_space<vmem>>, vector<1x1x16xf32>,
      } {sc.loop_unroll_factor = 8 : i64, sc.parallel_access}
      %get3A_158 = arith.constant 176 : index
      %get3A_159 = tpu.vector_load %arg7[%get3A_158] {strides = array<i32>} : memref<512xf32, #tpu.memory_space<vmem>>, vector<16xf32>,
      %get3A_160 = vector.shape_cast %get3A_159 : vector<16xf32> to vector<16xf32>
      %parallel_loop3A_161 = arith.constant 0 : i32
      %parallel_loop3A_162 = arith.constant 64 : i32
      %parallel_loop3A_163 = arith.constant 1 : i32
      scf.for %parallel_loop3A_304 = %parallel_loop3A_161 to %parallel_loop3A_162 step %parallel_loop3A_163  : i32 {
        %parallel_loop3A_305 = arith.index_cast %rem3A_68 : i32 to index
        %parallel_loop3A_306 = arith.index_cast %parallel_loop3A_304 : i32 to index
        %parallel_loop3A_307 = arith.constant 176 : index
        %parallel_loop3A_308 = tpu.vector_load %arg5[%parallel_loop3A_305, %parallel_loop3A_306, %parallel_loop3A_307] {strides = array<i32>} : memref<2x64x512xf32, #tpu.memory_space<vmem>>, vector<1x1x16xf32>,
        %parallel_loop3A_309 = vector.shape_cast %parallel_loop3A_308 : vector<1x1x16xf32> to vector<16xf32>
        %parallel_loop3A_310 = math.exp %parallel_loop3A_309 : vector<16xf32>
        %parallel_loop3A_311 = arith.mulf %get3A_160, %parallel_loop3A_310 : vector<16xf32>
        %parallel_loop3A_312 = arith.index_cast %rem3A_68 : i32 to index
        %parallel_loop3A_313 = arith.index_cast %parallel_loop3A_304 : i32 to index
        %parallel_loop3A_314 = arith.constant 0 : index
        %parallel_loop3A_315 = tpu.vector_load %arg6[%parallel_loop3A_312, %parallel_loop3A_313, %parallel_loop3A_314] {strides = array<i32>} : memref<2x64x16xf32, #tpu.memory_space<vmem>>, vector<1x1x16xf32>,
        %parallel_loop3A_316 = vector.shape_cast %parallel_loop3A_315 : vector<1x1x16xf32> to vector<16xf32>
        %parallel_loop3A_317 = vector.shape_cast %parallel_loop3A_311 : vector<16xf32> to vector<1x1x16xf32>
        tpu.vector_store %arg6[%parallel_loop3A_312, %parallel_loop3A_313, %parallel_loop3A_314], %parallel_loop3A_317 {add = true, strides = array<i32>} : memref<2x64x16xf32, #tpu.memory_space<vmem>>, vector<1x1x16xf32>,
      } {sc.loop_unroll_factor = 8 : i64, sc.parallel_access}
      %get3A_164 = arith.constant 192 : index
      %get3A_165 = tpu.vector_load %arg7[%get3A_164] {strides = array<i32>} : memref<512xf32, #tpu.memory_space<vmem>>, vector<16xf32>,
      %get3A_166 = vector.shape_cast %get3A_165 : vector<16xf32> to vector<16xf32>
      %parallel_loop3A_167 = arith.constant 0 : i32
      %parallel_loop3A_168 = arith.constant 64 : i32
      %parallel_loop3A_169 = arith.constant 1 : i32
      scf.for %parallel_loop3A_304 = %parallel_loop3A_167 to %parallel_loop3A_168 step %parallel_loop3A_169  : i32 {
        %parallel_loop3A_305 = arith.index_cast %rem3A_68 : i32 to index
        %parallel_loop3A_306 = arith.index_cast %parallel_loop3A_304 : i32 to index
        %parallel_loop3A_307 = arith.constant 192 : index
        %parallel_loop3A_308 = tpu.vector_load %arg5[%parallel_loop3A_305, %parallel_loop3A_306, %parallel_loop3A_307] {strides = array<i32>} : memref<2x64x512xf32, #tpu.memory_space<vmem>>, vector<1x1x16xf32>,
        %parallel_loop3A_309 = vector.shape_cast %parallel_loop3A_308 : vector<1x1x16xf32> to vector<16xf32>
        %parallel_loop3A_310 = math.exp %parallel_loop3A_309 : vector<16xf32>
        %parallel_loop3A_311 = arith.mulf %get3A_166, %parallel_loop3A_310 : vector<16xf32>
        %parallel_loop3A_312 = arith.index_cast %rem3A_68 : i32 to index
        %parallel_loop3A_313 = arith.index_cast %parallel_loop3A_304 : i32 to index
        %parallel_loop3A_314 = arith.constant 0 : index
        %parallel_loop3A_315 = tpu.vector_load %arg6[%parallel_loop3A_312, %parallel_loop3A_313, %parallel_loop3A_314] {strides = array<i32>} : memref<2x64x16xf32, #tpu.memory_space<vmem>>, vector<1x1x16xf32>,
        %parallel_loop3A_316 = vector.shape_cast %parallel_loop3A_315 : vector<1x1x16xf32> to vector<16xf32>
        %parallel_loop3A_317 = vector.shape_cast %parallel_loop3A_311 : vector<16xf32> to vector<1x1x16xf32>
        tpu.vector_store %arg6[%parallel_loop3A_312, %parallel_loop3A_313, %parallel_loop3A_314], %parallel_loop3A_317 {add = true, strides = array<i32>} : memref<2x64x16xf32, #tpu.memory_space<vmem>>, vector<1x1x16xf32>,
      } {sc.loop_unroll_factor = 8 : i64, sc.parallel_access}
      %get3A_170 = arith.constant 208 : index
      %get3A_171 = tpu.vector_load %arg7[%get3A_170] {strides = array<i32>} : memref<512xf32, #tpu.memory_space<vmem>>, vector<16xf32>,
      %get3A_172 = vector.shape_cast %get3A_171 : vector<16xf32> to vector<16xf32>
      %parallel_loop3A_173 = arith.constant 0 : i32
      %parallel_loop3A_174 = arith.constant 64 : i32
      %parallel_loop3A_175 = arith.constant 1 : i32
      scf.for %parallel_loop3A_304 = %parallel_loop3A_173 to %parallel_loop3A_174 step %parallel_loop3A_175  : i32 {
        %parallel_loop3A_305 = arith.index_cast %rem3A_68 : i32 to index
        %parallel_loop3A_306 = arith.index_cast %parallel_loop3A_304 : i32 to index
        %parallel_loop3A_307 = arith.constant 208 : index
        %parallel_loop3A_308 = tpu.vector_load %arg5[%parallel_loop3A_305, %parallel_loop3A_306, %parallel_loop3A_307] {strides = array<i32>} : memref<2x64x512xf32, #tpu.memory_space<vmem>>, vector<1x1x16xf32>,
        %parallel_loop3A_309 = vector.shape_cast %parallel_loop3A_308 : vector<1x1x16xf32> to vector<16xf32>
        %parallel_loop3A_310 = math.exp %parallel_loop3A_309 : vector<16xf32>
        %parallel_loop3A_311 = arith.mulf %get3A_172, %parallel_loop3A_310 : vector<16xf32>
        %parallel_loop3A_312 = arith.index_cast %rem3A_68 : i32 to index
        %parallel_loop3A_313 = arith.index_cast %parallel_loop3A_304 : i32 to index
        %parallel_loop3A_314 = arith.constant 0 : index
        %parallel_loop3A_315 = tpu.vector_load %arg6[%parallel_loop3A_312, %parallel_loop3A_313, %parallel_loop3A_314] {strides = array<i32>} : memref<2x64x16xf32, #tpu.memory_space<vmem>>, vector<1x1x16xf32>,
        %parallel_loop3A_316 = vector.shape_cast %parallel_loop3A_315 : vector<1x1x16xf32> to vector<16xf32>
        %parallel_loop3A_317 = vector.shape_cast %parallel_loop3A_311 : vector<16xf32> to vector<1x1x16xf32>
        tpu.vector_store %arg6[%parallel_loop3A_312, %parallel_loop3A_313, %parallel_loop3A_314], %parallel_loop3A_317 {add = true, strides = array<i32>} : memref<2x64x16xf32, #tpu.memory_space<vmem>>, vector<1x1x16xf32>,
      } {sc.loop_unroll_factor = 8 : i64, sc.parallel_access}
      %get3A_176 = arith.constant 224 : index
      %get3A_177 = tpu.vector_load %arg7[%get3A_176] {strides = array<i32>} : memref<512xf32, #tpu.memory_space<vmem>>, vector<16xf32>,
      %get3A_178 = vector.shape_cast %get3A_177 : vector<16xf32> to vector<16xf32>
      %parallel_loop3A_179 = arith.constant 0 : i32
      %parallel_loop3A_180 = arith.constant 64 : i32
      %parallel_loop3A_181 = arith.constant 1 : i32
      scf.for %parallel_loop3A_304 = %parallel_loop3A_179 to %parallel_loop3A_180 step %parallel_loop3A_181  : i32 {
        %parallel_loop3A_305 = arith.index_cast %rem3A_68 : i32 to index
        %parallel_loop3A_306 = arith.index_cast %parallel_loop3A_304 : i32 to index
        %parallel_loop3A_307 = arith.constant 224 : index
        %parallel_loop3A_308 = tpu.vector_load %arg5[%parallel_loop3A_305, %parallel_loop3A_306, %parallel_loop3A_307] {strides = array<i32>} : memref<2x64x512xf32, #tpu.memory_space<vmem>>, vector<1x1x16xf32>,
        %parallel_loop3A_309 = vector.shape_cast %parallel_loop3A_308 : vector<1x1x16xf32> to vector<16xf32>
        %parallel_loop3A_310 = math.exp %parallel_loop3A_309 : vector<16xf32>
        %parallel_loop3A_311 = arith.mulf %get3A_178, %parallel_loop3A_310 : vector<16xf32>
        %parallel_loop3A_312 = arith.index_cast %rem3A_68 : i32 to index
        %parallel_loop3A_313 = arith.index_cast %parallel_loop3A_304 : i32 to index
        %parallel_loop3A_314 = arith.constant 0 : index
        %parallel_loop3A_315 = tpu.vector_load %arg6[%parallel_loop3A_312, %parallel_loop3A_313, %parallel_loop3A_314] {strides = array<i32>} : memref<2x64x16xf32, #tpu.memory_space<vmem>>, vector<1x1x16xf32>,
        %parallel_loop3A_316 = vector.shape_cast %parallel_loop3A_315 : vector<1x1x16xf32> to vector<16xf32>
        %parallel_loop3A_317 = vector.shape_cast %parallel_loop3A_311 : vector<16xf32> to vector<1x1x16xf32>
        tpu.vector_store %arg6[%parallel_loop3A_312, %parallel_loop3A_313, %parallel_loop3A_314], %parallel_loop3A_317 {add = true, strides = array<i32>} : memref<2x64x16xf32, #tpu.memory_space<vmem>>, vector<1x1x16xf32>,
      } {sc.loop_unroll_factor = 8 : i64, sc.parallel_access}
      %get3A_182 = arith.constant 240 : index
      %get3A_183 = tpu.vector_load %arg7[%get3A_182] {strides = array<i32>} : memref<512xf32, #tpu.memory_space<vmem>>, vector<16xf32>,
      %get3A_184 = vector.shape_cast %get3A_183 : vector<16xf32> to vector<16xf32>
      %parallel_loop3A_185 = arith.constant 0 : i32
      %parallel_loop3A_186 = arith.constant 64 : i32
      %parallel_loop3A_187 = arith.constant 1 : i32
      scf.for %parallel_loop3A_304 = %parallel_loop3A_185 to %parallel_loop3A_186 step %parallel_loop3A_187  : i32 {
        %parallel_loop3A_305 = arith.index_cast %rem3A_68 : i32 to index
        %parallel_loop3A_306 = arith.index_cast %parallel_loop3A_304 : i32 to index
        %parallel_loop3A_307 = arith.constant 240 : index
        %parallel_loop3A_308 = tpu.vector_load %arg5[%parallel_loop3A_305, %parallel_loop3A_306, %parallel_loop3A_307] {strides = array<i32>} : memref<2x64x512xf32, #tpu.memory_space<vmem>>, vector<1x1x16xf32>,
        %parallel_loop3A_309 = vector.shape_cast %parallel_loop3A_308 : vector<1x1x16xf32> to vector<16xf32>
        %parallel_loop3A_310 = math.exp %parallel_loop3A_309 : vector<16xf32>
        %parallel_loop3A_311 = arith.mulf %get3A_184, %parallel_loop3A_310 : vector<16xf32>
        %parallel_loop3A_312 = arith.index_cast %rem3A_68 : i32 to index
        %parallel_loop3A_313 = arith.index_cast %parallel_loop3A_304 : i32 to index
        %parallel_loop3A_314 = arith.constant 0 : index
        %parallel_loop3A_315 = tpu.vector_load %arg6[%parallel_loop3A_312, %parallel_loop3A_313, %parallel_loop3A_314] {strides = array<i32>} : memref<2x64x16xf32, #tpu.memory_space<vmem>>, vector<1x1x16xf32>,
        %parallel_loop3A_316 = vector.shape_cast %parallel_loop3A_315 : vector<1x1x16xf32> to vector<16xf32>
        %parallel_loop3A_317 = vector.shape_cast %parallel_loop3A_311 : vector<16xf32> to vector<1x1x16xf32>
        tpu.vector_store %arg6[%parallel_loop3A_312, %parallel_loop3A_313, %parallel_loop3A_314], %parallel_loop3A_317 {add = true, strides = array<i32>} : memref<2x64x16xf32, #tpu.memory_space<vmem>>, vector<1x1x16xf32>,
      } {sc.loop_unroll_factor = 8 : i64, sc.parallel_access}
      %get3A_188 = arith.constant 256 : index
      %get3A_189 = tpu.vector_load %arg7[%get3A_188] {strides = array<i32>} : memref<512xf32, #tpu.memory_space<vmem>>, vector<16xf32>,
      %get3A_190 = vector.shape_cast %get3A_189 : vector<16xf32> to vector<16xf32>
      %parallel_loop3A_191 = arith.constant 0 : i32
      %parallel_loop3A_192 = arith.constant 64 : i32
      %parallel_loop3A_193 = arith.constant 1 : i32
      scf.for %parallel_loop3A_304 = %parallel_loop3A_191 to %parallel_loop3A_192 step %parallel_loop3A_193  : i32 {
        %parallel_loop3A_305 = arith.index_cast %rem3A_68 : i32 to index
        %parallel_loop3A_306 = arith.index_cast %parallel_loop3A_304 : i32 to index
        %parallel_loop3A_307 = arith.constant 256 : index
        %parallel_loop3A_308 = tpu.vector_load %arg5[%parallel_loop3A_305, %parallel_loop3A_306, %parallel_loop3A_307] {strides = array<i32>} : memref<2x64x512xf32, #tpu.memory_space<vmem>>, vector<1x1x16xf32>,
        %parallel_loop3A_309 = vector.shape_cast %parallel_loop3A_308 : vector<1x1x16xf32> to vector<16xf32>
        %parallel_loop3A_310 = math.exp %parallel_loop3A_309 : vector<16xf32>
        %parallel_loop3A_311 = arith.mulf %get3A_190, %parallel_loop3A_310 : vector<16xf32>
        %parallel_loop3A_312 = arith.index_cast %rem3A_68 : i32 to index
        %parallel_loop3A_313 = arith.index_cast %parallel_loop3A_304 : i32 to index
        %parallel_loop3A_314 = arith.constant 0 : index
        %parallel_loop3A_315 = tpu.vector_load %arg6[%parallel_loop3A_312, %parallel_loop3A_313, %parallel_loop3A_314] {strides = array<i32>} : memref<2x64x16xf32, #tpu.memory_space<vmem>>, vector<1x1x16xf32>,
        %parallel_loop3A_316 = vector.shape_cast %parallel_loop3A_315 : vector<1x1x16xf32> to vector<16xf32>
        %parallel_loop3A_317 = vector.shape_cast %parallel_loop3A_311 : vector<16xf32> to vector<1x1x16xf32>
        tpu.vector_store %arg6[%parallel_loop3A_312, %parallel_loop3A_313, %parallel_loop3A_314], %parallel_loop3A_317 {add = true, strides = array<i32>} : memref<2x64x16xf32, #tpu.memory_space<vmem>>, vector<1x1x16xf32>,
      } {sc.loop_unroll_factor = 8 : i64, sc.parallel_access}
      %get3A_194 = arith.constant 272 : index
      %get3A_195 = tpu.vector_load %arg7[%get3A_194] {strides = array<i32>} : memref<512xf32, #tpu.memory_space<vmem>>, vector<16xf32>,
      %get3A_196 = vector.shape_cast %get3A_195 : vector<16xf32> to vector<16xf32>
      %parallel_loop3A_197 = arith.constant 0 : i32
      %parallel_loop3A_198 = arith.constant 64 : i32
      %parallel_loop3A_199 = arith.constant 1 : i32
      scf.for %parallel_loop3A_304 = %parallel_loop3A_197 to %parallel_loop3A_198 step %parallel_loop3A_199  : i32 {
        %parallel_loop3A_305 = arith.index_cast %rem3A_68 : i32 to index
        %parallel_loop3A_306 = arith.index_cast %parallel_loop3A_304 : i32 to index
        %parallel_loop3A_307 = arith.constant 272 : index
        %parallel_loop3A_308 = tpu.vector_load %arg5[%parallel_loop3A_305, %parallel_loop3A_306, %parallel_loop3A_307] {strides = array<i32>} : memref<2x64x512xf32, #tpu.memory_space<vmem>>, vector<1x1x16xf32>,
        %parallel_loop3A_309 = vector.shape_cast %parallel_loop3A_308 : vector<1x1x16xf32> to vector<16xf32>
        %parallel_loop3A_310 = math.exp %parallel_loop3A_309 : vector<16xf32>
        %parallel_loop3A_311 = arith.mulf %get3A_196, %parallel_loop3A_310 : vector<16xf32>
        %parallel_loop3A_312 = arith.index_cast %rem3A_68 : i32 to index
        %parallel_loop3A_313 = arith.index_cast %parallel_loop3A_304 : i32 to index
        %parallel_loop3A_314 = arith.constant 0 : index
        %parallel_loop3A_315 = tpu.vector_load %arg6[%parallel_loop3A_312, %parallel_loop3A_313, %parallel_loop3A_314] {strides = array<i32>} : memref<2x64x16xf32, #tpu.memory_space<vmem>>, vector<1x1x16xf32>,
        %parallel_loop3A_316 = vector.shape_cast %parallel_loop3A_315 : vector<1x1x16xf32> to vector<16xf32>
        %parallel_loop3A_317 = vector.shape_cast %parallel_loop3A_311 : vector<16xf32> to vector<1x1x16xf32>
        tpu.vector_store %arg6[%parallel_loop3A_312, %parallel_loop3A_313, %parallel_loop3A_314], %parallel_loop3A_317 {add = true, strides = array<i32>} : memref<2x64x16xf32, #tpu.memory_space<vmem>>, vector<1x1x16xf32>,
      } {sc.loop_unroll_factor = 8 : i64, sc.parallel_access}
      %get3A_200 = arith.constant 288 : index
      %get3A_201 = tpu.vector_load %arg7[%get3A_200] {strides = array<i32>} : memref<512xf32, #tpu.memory_space<vmem>>, vector<16xf32>,
      %get3A_202 = vector.shape_cast %get3A_201 : vector<16xf32> to vector<16xf32>
      %parallel_loop3A_203 = arith.constant 0 : i32
      %parallel_loop3A_204 = arith.constant 64 : i32
      %parallel_loop3A_205 = arith.constant 1 : i32
      scf.for %parallel_loop3A_304 = %parallel_loop3A_203 to %parallel_loop3A_204 step %parallel_loop3A_205  : i32 {
        %parallel_loop3A_305 = arith.index_cast %rem3A_68 : i32 to index
        %parallel_loop3A_306 = arith.index_cast %parallel_loop3A_304 : i32 to index
        %parallel_loop3A_307 = arith.constant 288 : index
        %parallel_loop3A_308 = tpu.vector_load %arg5[%parallel_loop3A_305, %parallel_loop3A_306, %parallel_loop3A_307] {strides = array<i32>} : memref<2x64x512xf32, #tpu.memory_space<vmem>>, vector<1x1x16xf32>,
        %parallel_loop3A_309 = vector.shape_cast %parallel_loop3A_308 : vector<1x1x16xf32> to vector<16xf32>
        %parallel_loop3A_310 = math.exp %parallel_loop3A_309 : vector<16xf32>
        %parallel_loop3A_311 = arith.mulf %get3A_202, %parallel_loop3A_310 : vector<16xf32>
        %parallel_loop3A_312 = arith.index_cast %rem3A_68 : i32 to index
        %parallel_loop3A_313 = arith.index_cast %parallel_loop3A_304 : i32 to index
        %parallel_loop3A_314 = arith.constant 0 : index
        %parallel_loop3A_315 = tpu.vector_load %arg6[%parallel_loop3A_312, %parallel_loop3A_313, %parallel_loop3A_314] {strides = array<i32>} : memref<2x64x16xf32, #tpu.memory_space<vmem>>, vector<1x1x16xf32>,
        %parallel_loop3A_316 = vector.shape_cast %parallel_loop3A_315 : vector<1x1x16xf32> to vector<16xf32>
        %parallel_loop3A_317 = vector.shape_cast %parallel_loop3A_311 : vector<16xf32> to vector<1x1x16xf32>
        tpu.vector_store %arg6[%parallel_loop3A_312, %parallel_loop3A_313, %parallel_loop3A_314], %parallel_loop3A_317 {add = true, strides = array<i32>} : memref<2x64x16xf32, #tpu.memory_space<vmem>>, vector<1x1x16xf32>,
      } {sc.loop_unroll_factor = 8 : i64, sc.parallel_access}
      %get3A_206 = arith.constant 304 : index
      %get3A_207 = tpu.vector_load %arg7[%get3A_206] {strides = array<i32>} : memref<512xf32, #tpu.memory_space<vmem>>, vector<16xf32>,
      %get3A_208 = vector.shape_cast %get3A_207 : vector<16xf32> to vector<16xf32>
      %parallel_loop3A_209 = arith.constant 0 : i32
      %parallel_loop3A_210 = arith.constant 64 : i32
      %parallel_loop3A_211 = arith.constant 1 : i32
      scf.for %parallel_loop3A_304 = %parallel_loop3A_209 to %parallel_loop3A_210 step %parallel_loop3A_211  : i32 {
        %parallel_loop3A_305 = arith.index_cast %rem3A_68 : i32 to index
        %parallel_loop3A_306 = arith.index_cast %parallel_loop3A_304 : i32 to index
        %parallel_loop3A_307 = arith.constant 304 : index
        %parallel_loop3A_308 = tpu.vector_load %arg5[%parallel_loop3A_305, %parallel_loop3A_306, %parallel_loop3A_307] {strides = array<i32>} : memref<2x64x512xf32, #tpu.memory_space<vmem>>, vector<1x1x16xf32>,
        %parallel_loop3A_309 = vector.shape_cast %parallel_loop3A_308 : vector<1x1x16xf32> to vector<16xf32>
        %parallel_loop3A_310 = math.exp %parallel_loop3A_309 : vector<16xf32>
        %parallel_loop3A_311 = arith.mulf %get3A_208, %parallel_loop3A_310 : vector<16xf32>
        %parallel_loop3A_312 = arith.index_cast %rem3A_68 : i32 to index
        %parallel_loop3A_313 = arith.index_cast %parallel_loop3A_304 : i32 to index
        %parallel_loop3A_314 = arith.constant 0 : index
        %parallel_loop3A_315 = tpu.vector_load %arg6[%parallel_loop3A_312, %parallel_loop3A_313, %parallel_loop3A_314] {strides = array<i32>} : memref<2x64x16xf32, #tpu.memory_space<vmem>>, vector<1x1x16xf32>,
        %parallel_loop3A_316 = vector.shape_cast %parallel_loop3A_315 : vector<1x1x16xf32> to vector<16xf32>
        %parallel_loop3A_317 = vector.shape_cast %parallel_loop3A_311 : vector<16xf32> to vector<1x1x16xf32>
        tpu.vector_store %arg6[%parallel_loop3A_312, %parallel_loop3A_313, %parallel_loop3A_314], %parallel_loop3A_317 {add = true, strides = array<i32>} : memref<2x64x16xf32, #tpu.memory_space<vmem>>, vector<1x1x16xf32>,
      } {sc.loop_unroll_factor = 8 : i64, sc.parallel_access}
      %get3A_212 = arith.constant 320 : index
      %get3A_213 = tpu.vector_load %arg7[%get3A_212] {strides = array<i32>} : memref<512xf32, #tpu.memory_space<vmem>>, vector<16xf32>,
      %get3A_214 = vector.shape_cast %get3A_213 : vector<16xf32> to vector<16xf32>
      %parallel_loop3A_215 = arith.constant 0 : i32
      %parallel_loop3A_216 = arith.constant 64 : i32
      %parallel_loop3A_217 = arith.constant 1 : i32
      scf.for %parallel_loop3A_304 = %parallel_loop3A_215 to %parallel_loop3A_216 step %parallel_loop3A_217  : i32 {
        %parallel_loop3A_305 = arith.index_cast %rem3A_68 : i32 to index
        %parallel_loop3A_306 = arith.index_cast %parallel_loop3A_304 : i32 to index
        %parallel_loop3A_307 = arith.constant 320 : index
        %parallel_loop3A_308 = tpu.vector_load %arg5[%parallel_loop3A_305, %parallel_loop3A_306, %parallel_loop3A_307] {strides = array<i32>} : memref<2x64x512xf32, #tpu.memory_space<vmem>>, vector<1x1x16xf32>,
        %parallel_loop3A_309 = vector.shape_cast %parallel_loop3A_308 : vector<1x1x16xf32> to vector<16xf32>
        %parallel_loop3A_310 = math.exp %parallel_loop3A_309 : vector<16xf32>
        %parallel_loop3A_311 = arith.mulf %get3A_214, %parallel_loop3A_310 : vector<16xf32>
        %parallel_loop3A_312 = arith.index_cast %rem3A_68 : i32 to index
        %parallel_loop3A_313 = arith.index_cast %parallel_loop3A_304 : i32 to index
        %parallel_loop3A_314 = arith.constant 0 : index
        %parallel_loop3A_315 = tpu.vector_load %arg6[%parallel_loop3A_312, %parallel_loop3A_313, %parallel_loop3A_314] {strides = array<i32>} : memref<2x64x16xf32, #tpu.memory_space<vmem>>, vector<1x1x16xf32>,
        %parallel_loop3A_316 = vector.shape_cast %parallel_loop3A_315 : vector<1x1x16xf32> to vector<16xf32>
        %parallel_loop3A_317 = vector.shape_cast %parallel_loop3A_311 : vector<16xf32> to vector<1x1x16xf32>
        tpu.vector_store %arg6[%parallel_loop3A_312, %parallel_loop3A_313, %parallel_loop3A_314], %parallel_loop3A_317 {add = true, strides = array<i32>} : memref<2x64x16xf32, #tpu.memory_space<vmem>>, vector<1x1x16xf32>,
      } {sc.loop_unroll_factor = 8 : i64, sc.parallel_access}
      %get3A_218 = arith.constant 336 : index
      %get3A_219 = tpu.vector_load %arg7[%get3A_218] {strides = array<i32>} : memref<512xf32, #tpu.memory_space<vmem>>, vector<16xf32>,
      %get3A_220 = vector.shape_cast %get3A_219 : vector<16xf32> to vector<16xf32>
      %parallel_loop3A_221 = arith.constant 0 : i32
      %parallel_loop3A_222 = arith.constant 64 : i32
      %parallel_loop3A_223 = arith.constant 1 : i32
      scf.for %parallel_loop3A_304 = %parallel_loop3A_221 to %parallel_loop3A_222 step %parallel_loop3A_223  : i32 {
        %parallel_loop3A_305 = arith.index_cast %rem3A_68 : i32 to index
        %parallel_loop3A_306 = arith.index_cast %parallel_loop3A_304 : i32 to index
        %parallel_loop3A_307 = arith.constant 336 : index
        %parallel_loop3A_308 = tpu.vector_load %arg5[%parallel_loop3A_305, %parallel_loop3A_306, %parallel_loop3A_307] {strides = array<i32>} : memref<2x64x512xf32, #tpu.memory_space<vmem>>, vector<1x1x16xf32>,
        %parallel_loop3A_309 = vector.shape_cast %parallel_loop3A_308 : vector<1x1x16xf32> to vector<16xf32>
        %parallel_loop3A_310 = math.exp %parallel_loop3A_309 : vector<16xf32>
        %parallel_loop3A_311 = arith.mulf %get3A_220, %parallel_loop3A_310 : vector<16xf32>
        %parallel_loop3A_312 = arith.index_cast %rem3A_68 : i32 to index
        %parallel_loop3A_313 = arith.index_cast %parallel_loop3A_304 : i32 to index
        %parallel_loop3A_314 = arith.constant 0 : index
        %parallel_loop3A_315 = tpu.vector_load %arg6[%parallel_loop3A_312, %parallel_loop3A_313, %parallel_loop3A_314] {strides = array<i32>} : memref<2x64x16xf32, #tpu.memory_space<vmem>>, vector<1x1x16xf32>,
        %parallel_loop3A_316 = vector.shape_cast %parallel_loop3A_315 : vector<1x1x16xf32> to vector<16xf32>
        %parallel_loop3A_317 = vector.shape_cast %parallel_loop3A_311 : vector<16xf32> to vector<1x1x16xf32>
        tpu.vector_store %arg6[%parallel_loop3A_312, %parallel_loop3A_313, %parallel_loop3A_314], %parallel_loop3A_317 {add = true, strides = array<i32>} : memref<2x64x16xf32, #tpu.memory_space<vmem>>, vector<1x1x16xf32>,
      } {sc.loop_unroll_factor = 8 : i64, sc.parallel_access}
      %get3A_224 = arith.constant 352 : index
      %get3A_225 = tpu.vector_load %arg7[%get3A_224] {strides = array<i32>} : memref<512xf32, #tpu.memory_space<vmem>>, vector<16xf32>,
      %get3A_226 = vector.shape_cast %get3A_225 : vector<16xf32> to vector<16xf32>
      %parallel_loop3A_227 = arith.constant 0 : i32
      %parallel_loop3A_228 = arith.constant 64 : i32
      %parallel_loop3A_229 = arith.constant 1 : i32
      scf.for %parallel_loop3A_304 = %parallel_loop3A_227 to %parallel_loop3A_228 step %parallel_loop3A_229  : i32 {
        %parallel_loop3A_305 = arith.index_cast %rem3A_68 : i32 to index
        %parallel_loop3A_306 = arith.index_cast %parallel_loop3A_304 : i32 to index
        %parallel_loop3A_307 = arith.constant 352 : index
        %parallel_loop3A_308 = tpu.vector_load %arg5[%parallel_loop3A_305, %parallel_loop3A_306, %parallel_loop3A_307] {strides = array<i32>} : memref<2x64x512xf32, #tpu.memory_space<vmem>>, vector<1x1x16xf32>,
        %parallel_loop3A_309 = vector.shape_cast %parallel_loop3A_308 : vector<1x1x16xf32> to vector<16xf32>
        %parallel_loop3A_310 = math.exp %parallel_loop3A_309 : vector<16xf32>
        %parallel_loop3A_311 = arith.mulf %get3A_226, %parallel_loop3A_310 : vector<16xf32>
        %parallel_loop3A_312 = arith.index_cast %rem3A_68 : i32 to index
        %parallel_loop3A_313 = arith.index_cast %parallel_loop3A_304 : i32 to index
        %parallel_loop3A_314 = arith.constant 0 : index
        %parallel_loop3A_315 = tpu.vector_load %arg6[%parallel_loop3A_312, %parallel_loop3A_313, %parallel_loop3A_314] {strides = array<i32>} : memref<2x64x16xf32, #tpu.memory_space<vmem>>, vector<1x1x16xf32>,
        %parallel_loop3A_316 = vector.shape_cast %parallel_loop3A_315 : vector<1x1x16xf32> to vector<16xf32>
        %parallel_loop3A_317 = vector.shape_cast %parallel_loop3A_311 : vector<16xf32> to vector<1x1x16xf32>
        tpu.vector_store %arg6[%parallel_loop3A_312, %parallel_loop3A_313, %parallel_loop3A_314], %parallel_loop3A_317 {add = true, strides = array<i32>} : memref<2x64x16xf32, #tpu.memory_space<vmem>>, vector<1x1x16xf32>,
      } {sc.loop_unroll_factor = 8 : i64, sc.parallel_access}
      %get3A_230 = arith.constant 368 : index
      %get3A_231 = tpu.vector_load %arg7[%get3A_230] {strides = array<i32>} : memref<512xf32, #tpu.memory_space<vmem>>, vector<16xf32>,
      %get3A_232 = vector.shape_cast %get3A_231 : vector<16xf32> to vector<16xf32>
      %parallel_loop3A_233 = arith.constant 0 : i32
      %parallel_loop3A_234 = arith.constant 64 : i32
      %parallel_loop3A_235 = arith.constant 1 : i32
      scf.for %parallel_loop3A_304 = %parallel_loop3A_233 to %parallel_loop3A_234 step %parallel_loop3A_235  : i32 {
        %parallel_loop3A_305 = arith.index_cast %rem3A_68 : i32 to index
        %parallel_loop3A_306 = arith.index_cast %parallel_loop3A_304 : i32 to index
        %parallel_loop3A_307 = arith.constant 368 : index
        %parallel_loop3A_308 = tpu.vector_load %arg5[%parallel_loop3A_305, %parallel_loop3A_306, %parallel_loop3A_307] {strides = array<i32>} : memref<2x64x512xf32, #tpu.memory_space<vmem>>, vector<1x1x16xf32>,
        %parallel_loop3A_309 = vector.shape_cast %parallel_loop3A_308 : vector<1x1x16xf32> to vector<16xf32>
        %parallel_loop3A_310 = math.exp %parallel_loop3A_309 : vector<16xf32>
        %parallel_loop3A_311 = arith.mulf %get3A_232, %parallel_loop3A_310 : vector<16xf32>
        %parallel_loop3A_312 = arith.index_cast %rem3A_68 : i32 to index
        %parallel_loop3A_313 = arith.index_cast %parallel_loop3A_304 : i32 to index
        %parallel_loop3A_314 = arith.constant 0 : index
        %parallel_loop3A_315 = tpu.vector_load %arg6[%parallel_loop3A_312, %parallel_loop3A_313, %parallel_loop3A_314] {strides = array<i32>} : memref<2x64x16xf32, #tpu.memory_space<vmem>>, vector<1x1x16xf32>,
        %parallel_loop3A_316 = vector.shape_cast %parallel_loop3A_315 : vector<1x1x16xf32> to vector<16xf32>
        %parallel_loop3A_317 = vector.shape_cast %parallel_loop3A_311 : vector<16xf32> to vector<1x1x16xf32>
        tpu.vector_store %arg6[%parallel_loop3A_312, %parallel_loop3A_313, %parallel_loop3A_314], %parallel_loop3A_317 {add = true, strides = array<i32>} : memref<2x64x16xf32, #tpu.memory_space<vmem>>, vector<1x1x16xf32>,
      } {sc.loop_unroll_factor = 8 : i64, sc.parallel_access}
      %get3A_236 = arith.constant 384 : index
      %get3A_237 = tpu.vector_load %arg7[%get3A_236] {strides = array<i32>} : memref<512xf32, #tpu.memory_space<vmem>>, vector<16xf32>,
      %get3A_238 = vector.shape_cast %get3A_237 : vector<16xf32> to vector<16xf32>
      %parallel_loop3A_239 = arith.constant 0 : i32
      %parallel_loop3A_240 = arith.constant 64 : i32
      %parallel_loop3A_241 = arith.constant 1 : i32
      scf.for %parallel_loop3A_304 = %parallel_loop3A_239 to %parallel_loop3A_240 step %parallel_loop3A_241  : i32 {
        %parallel_loop3A_305 = arith.index_cast %rem3A_68 : i32 to index
        %parallel_loop3A_306 = arith.index_cast %parallel_loop3A_304 : i32 to index
        %parallel_loop3A_307 = arith.constant 384 : index
        %parallel_loop3A_308 = tpu.vector_load %arg5[%parallel_loop3A_305, %parallel_loop3A_306, %parallel_loop3A_307] {strides = array<i32>} : memref<2x64x512xf32, #tpu.memory_space<vmem>>, vector<1x1x16xf32>,
        %parallel_loop3A_309 = vector.shape_cast %parallel_loop3A_308 : vector<1x1x16xf32> to vector<16xf32>
        %parallel_loop3A_310 = math.exp %parallel_loop3A_309 : vector<16xf32>
        %parallel_loop3A_311 = arith.mulf %get3A_238, %parallel_loop3A_310 : vector<16xf32>
        %parallel_loop3A_312 = arith.index_cast %rem3A_68 : i32 to index
        %parallel_loop3A_313 = arith.index_cast %parallel_loop3A_304 : i32 to index
        %parallel_loop3A_314 = arith.constant 0 : index
        %parallel_loop3A_315 = tpu.vector_load %arg6[%parallel_loop3A_312, %parallel_loop3A_313, %parallel_loop3A_314] {strides = array<i32>} : memref<2x64x16xf32, #tpu.memory_space<vmem>>, vector<1x1x16xf32>,
        %parallel_loop3A_316 = vector.shape_cast %parallel_loop3A_315 : vector<1x1x16xf32> to vector<16xf32>
        %parallel_loop3A_317 = vector.shape_cast %parallel_loop3A_311 : vector<16xf32> to vector<1x1x16xf32>
        tpu.vector_store %arg6[%parallel_loop3A_312, %parallel_loop3A_313, %parallel_loop3A_314], %parallel_loop3A_317 {add = true, strides = array<i32>} : memref<2x64x16xf32, #tpu.memory_space<vmem>>, vector<1x1x16xf32>,
      } {sc.loop_unroll_factor = 8 : i64, sc.parallel_access}
      %get3A_242 = arith.constant 400 : index
      %get3A_243 = tpu.vector_load %arg7[%get3A_242] {strides = array<i32>} : memref<512xf32, #tpu.memory_space<vmem>>, vector<16xf32>,
      %get3A_244 = vector.shape_cast %get3A_243 : vector<16xf32> to vector<16xf32>
      %parallel_loop3A_245 = arith.constant 0 : i32
      %parallel_loop3A_246 = arith.constant 64 : i32
      %parallel_loop3A_247 = arith.constant 1 : i32
      scf.for %parallel_loop3A_304 = %parallel_loop3A_245 to %parallel_loop3A_246 step %parallel_loop3A_247  : i32 {
        %parallel_loop3A_305 = arith.index_cast %rem3A_68 : i32 to index
        %parallel_loop3A_306 = arith.index_cast %parallel_loop3A_304 : i32 to index
        %parallel_loop3A_307 = arith.constant 400 : index
        %parallel_loop3A_308 = tpu.vector_load %arg5[%parallel_loop3A_305, %parallel_loop3A_306, %parallel_loop3A_307] {strides = array<i32>} : memref<2x64x512xf32, #tpu.memory_space<vmem>>, vector<1x1x16xf32>,
        %parallel_loop3A_309 = vector.shape_cast %parallel_loop3A_308 : vector<1x1x16xf32> to vector<16xf32>
        %parallel_loop3A_310 = math.exp %parallel_loop3A_309 : vector<16xf32>
        %parallel_loop3A_311 = arith.mulf %get3A_244, %parallel_loop3A_310 : vector<16xf32>
        %parallel_loop3A_312 = arith.index_cast %rem3A_68 : i32 to index
        %parallel_loop3A_313 = arith.index_cast %parallel_loop3A_304 : i32 to index
        %parallel_loop3A_314 = arith.constant 0 : index
        %parallel_loop3A_315 = tpu.vector_load %arg6[%parallel_loop3A_312, %parallel_loop3A_313, %parallel_loop3A_314] {strides = array<i32>} : memref<2x64x16xf32, #tpu.memory_space<vmem>>, vector<1x1x16xf32>,
        %parallel_loop3A_316 = vector.shape_cast %parallel_loop3A_315 : vector<1x1x16xf32> to vector<16xf32>
        %parallel_loop3A_317 = vector.shape_cast %parallel_loop3A_311 : vector<16xf32> to vector<1x1x16xf32>
        tpu.vector_store %arg6[%parallel_loop3A_312, %parallel_loop3A_313, %parallel_loop3A_314], %parallel_loop3A_317 {add = true, strides = array<i32>} : memref<2x64x16xf32, #tpu.memory_space<vmem>>, vector<1x1x16xf32>,
      } {sc.loop_unroll_factor = 8 : i64, sc.parallel_access}
      %get3A_248 = arith.constant 416 : index
      %get3A_249 = tpu.vector_load %arg7[%get3A_248] {strides = array<i32>} : memref<512xf32, #tpu.memory_space<vmem>>, vector<16xf32>,
      %get3A_250 = vector.shape_cast %get3A_249 : vector<16xf32> to vector<16xf32>
      %parallel_loop3A_251 = arith.constant 0 : i32
      %parallel_loop3A_252 = arith.constant 64 : i32
      %parallel_loop3A_253 = arith.constant 1 : i32
      scf.for %parallel_loop3A_304 = %parallel_loop3A_251 to %parallel_loop3A_252 step %parallel_loop3A_253  : i32 {
        %parallel_loop3A_305 = arith.index_cast %rem3A_68 : i32 to index
        %parallel_loop3A_306 = arith.index_cast %parallel_loop3A_304 : i32 to index
        %parallel_loop3A_307 = arith.constant 416 : index
        %parallel_loop3A_308 = tpu.vector_load %arg5[%parallel_loop3A_305, %parallel_loop3A_306, %parallel_loop3A_307] {strides = array<i32>} : memref<2x64x512xf32, #tpu.memory_space<vmem>>, vector<1x1x16xf32>,
        %parallel_loop3A_309 = vector.shape_cast %parallel_loop3A_308 : vector<1x1x16xf32> to vector<16xf32>
        %parallel_loop3A_310 = math.exp %parallel_loop3A_309 : vector<16xf32>
        %parallel_loop3A_311 = arith.mulf %get3A_250, %parallel_loop3A_310 : vector<16xf32>
        %parallel_loop3A_312 = arith.index_cast %rem3A_68 : i32 to index
        %parallel_loop3A_313 = arith.index_cast %parallel_loop3A_304 : i32 to index
        %parallel_loop3A_314 = arith.constant 0 : index
        %parallel_loop3A_315 = tpu.vector_load %arg6[%parallel_loop3A_312, %parallel_loop3A_313, %parallel_loop3A_314] {strides = array<i32>} : memref<2x64x16xf32, #tpu.memory_space<vmem>>, vector<1x1x16xf32>,
        %parallel_loop3A_316 = vector.shape_cast %parallel_loop3A_315 : vector<1x1x16xf32> to vector<16xf32>
        %parallel_loop3A_317 = vector.shape_cast %parallel_loop3A_311 : vector<16xf32> to vector<1x1x16xf32>
        tpu.vector_store %arg6[%parallel_loop3A_312, %parallel_loop3A_313, %parallel_loop3A_314], %parallel_loop3A_317 {add = true, strides = array<i32>} : memref<2x64x16xf32, #tpu.memory_space<vmem>>, vector<1x1x16xf32>,
      } {sc.loop_unroll_factor = 8 : i64, sc.parallel_access}
      %get3A_254 = arith.constant 432 : index
      %get3A_255 = tpu.vector_load %arg7[%get3A_254] {strides = array<i32>} : memref<512xf32, #tpu.memory_space<vmem>>, vector<16xf32>,
      %get3A_256 = vector.shape_cast %get3A_255 : vector<16xf32> to vector<16xf32>
      %parallel_loop3A_257 = arith.constant 0 : i32
      %parallel_loop3A_258 = arith.constant 64 : i32
      %parallel_loop3A_259 = arith.constant 1 : i32
      scf.for %parallel_loop3A_304 = %parallel_loop3A_257 to %parallel_loop3A_258 step %parallel_loop3A_259  : i32 {
        %parallel_loop3A_305 = arith.index_cast %rem3A_68 : i32 to index
        %parallel_loop3A_306 = arith.index_cast %parallel_loop3A_304 : i32 to index
        %parallel_loop3A_307 = arith.constant 432 : index
        %parallel_loop3A_308 = tpu.vector_load %arg5[%parallel_loop3A_305, %parallel_loop3A_306, %parallel_loop3A_307] {strides = array<i32>} : memref<2x64x512xf32, #tpu.memory_space<vmem>>, vector<1x1x16xf32>,
        %parallel_loop3A_309 = vector.shape_cast %parallel_loop3A_308 : vector<1x1x16xf32> to vector<16xf32>
        %parallel_loop3A_310 = math.exp %parallel_loop3A_309 : vector<16xf32>
        %parallel_loop3A_311 = arith.mulf %get3A_256, %parallel_loop3A_310 : vector<16xf32>
        %parallel_loop3A_312 = arith.index_cast %rem3A_68 : i32 to index
        %parallel_loop3A_313 = arith.index_cast %parallel_loop3A_304 : i32 to index
        %parallel_loop3A_314 = arith.constant 0 : index
        %parallel_loop3A_315 = tpu.vector_load %arg6[%parallel_loop3A_312, %parallel_loop3A_313, %parallel_loop3A_314] {strides = array<i32>} : memref<2x64x16xf32, #tpu.memory_space<vmem>>, vector<1x1x16xf32>,
        %parallel_loop3A_316 = vector.shape_cast %parallel_loop3A_315 : vector<1x1x16xf32> to vector<16xf32>
        %parallel_loop3A_317 = vector.shape_cast %parallel_loop3A_311 : vector<16xf32> to vector<1x1x16xf32>
        tpu.vector_store %arg6[%parallel_loop3A_312, %parallel_loop3A_313, %parallel_loop3A_314], %parallel_loop3A_317 {add = true, strides = array<i32>} : memref<2x64x16xf32, #tpu.memory_space<vmem>>, vector<1x1x16xf32>,
      } {sc.loop_unroll_factor = 8 : i64, sc.parallel_access}
      %get3A_260 = arith.constant 448 : index
      %get3A_261 = tpu.vector_load %arg7[%get3A_260] {strides = array<i32>} : memref<512xf32, #tpu.memory_space<vmem>>, vector<16xf32>,
      %get3A_262 = vector.shape_cast %get3A_261 : vector<16xf32> to vector<16xf32>
      %parallel_loop3A_263 = arith.constant 0 : i32
      %parallel_loop3A_264 = arith.constant 64 : i32
      %parallel_loop3A_265 = arith.constant 1 : i32
      scf.for %parallel_loop3A_304 = %parallel_loop3A_263 to %parallel_loop3A_264 step %parallel_loop3A_265  : i32 {
        %parallel_loop3A_305 = arith.index_cast %rem3A_68 : i32 to index
        %parallel_loop3A_306 = arith.index_cast %parallel_loop3A_304 : i32 to index
        %parallel_loop3A_307 = arith.constant 448 : index
        %parallel_loop3A_308 = tpu.vector_load %arg5[%parallel_loop3A_305, %parallel_loop3A_306, %parallel_loop3A_307] {strides = array<i32>} : memref<2x64x512xf32, #tpu.memory_space<vmem>>, vector<1x1x16xf32>,
        %parallel_loop3A_309 = vector.shape_cast %parallel_loop3A_308 : vector<1x1x16xf32> to vector<16xf32>
        %parallel_loop3A_310 = math.exp %parallel_loop3A_309 : vector<16xf32>
        %parallel_loop3A_311 = arith.mulf %get3A_262, %parallel_loop3A_310 : vector<16xf32>
        %parallel_loop3A_312 = arith.index_cast %rem3A_68 : i32 to index
        %parallel_loop3A_313 = arith.index_cast %parallel_loop3A_304 : i32 to index
        %parallel_loop3A_314 = arith.constant 0 : index
        %parallel_loop3A_315 = tpu.vector_load %arg6[%parallel_loop3A_312, %parallel_loop3A_313, %parallel_loop3A_314] {strides = array<i32>} : memref<2x64x16xf32, #tpu.memory_space<vmem>>, vector<1x1x16xf32>,
        %parallel_loop3A_316 = vector.shape_cast %parallel_loop3A_315 : vector<1x1x16xf32> to vector<16xf32>
        %parallel_loop3A_317 = vector.shape_cast %parallel_loop3A_311 : vector<16xf32> to vector<1x1x16xf32>
        tpu.vector_store %arg6[%parallel_loop3A_312, %parallel_loop3A_313, %parallel_loop3A_314], %parallel_loop3A_317 {add = true, strides = array<i32>} : memref<2x64x16xf32, #tpu.memory_space<vmem>>, vector<1x1x16xf32>,
      } {sc.loop_unroll_factor = 8 : i64, sc.parallel_access}
      %get3A_266 = arith.constant 464 : index
      %get3A_267 = tpu.vector_load %arg7[%get3A_266] {strides = array<i32>} : memref<512xf32, #tpu.memory_space<vmem>>, vector<16xf32>,
      %get3A_268 = vector.shape_cast %get3A_267 : vector<16xf32> to vector<16xf32>
      %parallel_loop3A_269 = arith.constant 0 : i32
      %parallel_loop3A_270 = arith.constant 64 : i32
      %parallel_loop3A_271 = arith.constant 1 : i32
      scf.for %parallel_loop3A_304 = %parallel_loop3A_269 to %parallel_loop3A_270 step %parallel_loop3A_271  : i32 {
        %parallel_loop3A_305 = arith.index_cast %rem3A_68 : i32 to index
        %parallel_loop3A_306 = arith.index_cast %parallel_loop3A_304 : i32 to index
        %parallel_loop3A_307 = arith.constant 464 : index
        %parallel_loop3A_308 = tpu.vector_load %arg5[%parallel_loop3A_305, %parallel_loop3A_306, %parallel_loop3A_307] {strides = array<i32>} : memref<2x64x512xf32, #tpu.memory_space<vmem>>, vector<1x1x16xf32>,
        %parallel_loop3A_309 = vector.shape_cast %parallel_loop3A_308 : vector<1x1x16xf32> to vector<16xf32>
        %parallel_loop3A_310 = math.exp %parallel_loop3A_309 : vector<16xf32>
        %parallel_loop3A_311 = arith.mulf %get3A_268, %parallel_loop3A_310 : vector<16xf32>
        %parallel_loop3A_312 = arith.index_cast %rem3A_68 : i32 to index
        %parallel_loop3A_313 = arith.index_cast %parallel_loop3A_304 : i32 to index
        %parallel_loop3A_314 = arith.constant 0 : index
        %parallel_loop3A_315 = tpu.vector_load %arg6[%parallel_loop3A_312, %parallel_loop3A_313, %parallel_loop3A_314] {strides = array<i32>} : memref<2x64x16xf32, #tpu.memory_space<vmem>>, vector<1x1x16xf32>,
        %parallel_loop3A_316 = vector.shape_cast %parallel_loop3A_315 : vector<1x1x16xf32> to vector<16xf32>
        %parallel_loop3A_317 = vector.shape_cast %parallel_loop3A_311 : vector<16xf32> to vector<1x1x16xf32>
        tpu.vector_store %arg6[%parallel_loop3A_312, %parallel_loop3A_313, %parallel_loop3A_314], %parallel_loop3A_317 {add = true, strides = array<i32>} : memref<2x64x16xf32, #tpu.memory_space<vmem>>, vector<1x1x16xf32>,
      } {sc.loop_unroll_factor = 8 : i64, sc.parallel_access}
      %get3A_272 = arith.constant 480 : index
      %get3A_273 = tpu.vector_load %arg7[%get3A_272] {strides = array<i32>} : memref<512xf32, #tpu.memory_space<vmem>>, vector<16xf32>,
      %get3A_274 = vector.shape_cast %get3A_273 : vector<16xf32> to vector<16xf32>
      %parallel_loop3A_275 = arith.constant 0 : i32
      %parallel_loop3A_276 = arith.constant 64 : i32
      %parallel_loop3A_277 = arith.constant 1 : i32
      scf.for %parallel_loop3A_304 = %parallel_loop3A_275 to %parallel_loop3A_276 step %parallel_loop3A_277  : i32 {
        %parallel_loop3A_305 = arith.index_cast %rem3A_68 : i32 to index
        %parallel_loop3A_306 = arith.index_cast %parallel_loop3A_304 : i32 to index
        %parallel_loop3A_307 = arith.constant 480 : index
        %parallel_loop3A_308 = tpu.vector_load %arg5[%parallel_loop3A_305, %parallel_loop3A_306, %parallel_loop3A_307] {strides = array<i32>} : memref<2x64x512xf32, #tpu.memory_space<vmem>>, vector<1x1x16xf32>,
        %parallel_loop3A_309 = vector.shape_cast %parallel_loop3A_308 : vector<1x1x16xf32> to vector<16xf32>
        %parallel_loop3A_310 = math.exp %parallel_loop3A_309 : vector<16xf32>
        %parallel_loop3A_311 = arith.mulf %get3A_274, %parallel_loop3A_310 : vector<16xf32>
        %parallel_loop3A_312 = arith.index_cast %rem3A_68 : i32 to index
        %parallel_loop3A_313 = arith.index_cast %parallel_loop3A_304 : i32 to index
        %parallel_loop3A_314 = arith.constant 0 : index
        %parallel_loop3A_315 = tpu.vector_load %arg6[%parallel_loop3A_312, %parallel_loop3A_313, %parallel_loop3A_314] {strides = array<i32>} : memref<2x64x16xf32, #tpu.memory_space<vmem>>, vector<1x1x16xf32>,
        %parallel_loop3A_316 = vector.shape_cast %parallel_loop3A_315 : vector<1x1x16xf32> to vector<16xf32>
        %parallel_loop3A_317 = vector.shape_cast %parallel_loop3A_311 : vector<16xf32> to vector<1x1x16xf32>
        tpu.vector_store %arg6[%parallel_loop3A_312, %parallel_loop3A_313, %parallel_loop3A_314], %parallel_loop3A_317 {add = true, strides = array<i32>} : memref<2x64x16xf32, #tpu.memory_space<vmem>>, vector<1x1x16xf32>,
      } {sc.loop_unroll_factor = 8 : i64, sc.parallel_access}
      %get3A_278 = arith.constant 496 : index
      %get3A_279 = tpu.vector_load %arg7[%get3A_278] {strides = array<i32>} : memref<512xf32, #tpu.memory_space<vmem>>, vector<16xf32>,
      %get3A_280 = vector.shape_cast %get3A_279 : vector<16xf32> to vector<16xf32>
      %parallel_loop3A_281 = arith.constant 0 : i32
      %parallel_loop3A_282 = arith.constant 64 : i32
      %parallel_loop3A_283 = arith.constant 1 : i32
      scf.for %parallel_loop3A_304 = %parallel_loop3A_281 to %parallel_loop3A_282 step %parallel_loop3A_283  : i32 {
        %parallel_loop3A_305 = arith.index_cast %rem3A_68 : i32 to index
        %parallel_loop3A_306 = arith.index_cast %parallel_loop3A_304 : i32 to index
        %parallel_loop3A_307 = arith.constant 496 : index
        %parallel_loop3A_308 = tpu.vector_load %arg5[%parallel_loop3A_305, %parallel_loop3A_306, %parallel_loop3A_307] {strides = array<i32>} : memref<2x64x512xf32, #tpu.memory_space<vmem>>, vector<1x1x16xf32>,
        %parallel_loop3A_309 = vector.shape_cast %parallel_loop3A_308 : vector<1x1x16xf32> to vector<16xf32>
        %parallel_loop3A_310 = math.exp %parallel_loop3A_309 : vector<16xf32>
        %parallel_loop3A_311 = arith.mulf %get3A_280, %parallel_loop3A_310 : vector<16xf32>
        %parallel_loop3A_312 = arith.index_cast %rem3A_68 : i32 to index
        %parallel_loop3A_313 = arith.index_cast %parallel_loop3A_304 : i32 to index
        %parallel_loop3A_314 = arith.constant 0 : index
        %parallel_loop3A_315 = tpu.vector_load %arg6[%parallel_loop3A_312, %parallel_loop3A_313, %parallel_loop3A_314] {strides = array<i32>} : memref<2x64x16xf32, #tpu.memory_space<vmem>>, vector<1x1x16xf32>,
        %parallel_loop3A_316 = vector.shape_cast %parallel_loop3A_315 : vector<1x1x16xf32> to vector<16xf32>
        %parallel_loop3A_317 = vector.shape_cast %parallel_loop3A_311 : vector<16xf32> to vector<1x1x16xf32>
        tpu.vector_store %arg6[%parallel_loop3A_312, %parallel_loop3A_313, %parallel_loop3A_314], %parallel_loop3A_317 {add = true, strides = array<i32>} : memref<2x64x16xf32, #tpu.memory_space<vmem>>, vector<1x1x16xf32>,
      } {sc.loop_unroll_factor = 8 : i64, sc.parallel_access}
      %mul3A_284 = arith.constant 1024 : i32
      %mul3A_285 = arith.muli %add3A, %mul3A_284 : i32
      %mul3A_286 = arith.constant 64 : i32
      %mul3A_287 = arith.muli %scan3A_67, %mul3A_286 : i32
      %add3A_288 = arith.addi %mul3A_285, %mul3A_287 : i32
      %multiple_of3A_289 = tpu.assume_multiple %add3A_288, 8 : i32
      %dma_start3A_290 = arith.constant 0 : i32
      %dma_start3A_291 = arith.constant 0 : i32
      %dma_start3A_292 = tpu.memref_slice %arg6[%rem3A_68, %dma_start3A_290, %dma_start3A_291] : memref<2x64x16xf32, #tpu.memory_space<vmem>> -> memref<1x64x16xf32, #tpu.memory_space<vmem>>
      %dma_start3A_293 = tpu.memref_squeeze %dma_start3A_292 : memref<1x64x16xf32, #tpu.memory_space<vmem>> -> memref<64x16xf32, #tpu.memory_space<vmem>>
      %dma_start3A_294 = arith.constant 0 : i32
      %dma_start3A_295 = tpu.memref_slice %arg4[%multiple_of3A_289, %dma_start3A_294] : memref<32768x16xf32, #tpu.memory_space<hbm>> -> memref<64x16xf32, #tpu.memory_space<hbm>>
      %dma_start3A_296 = tpu.memref_slice %arg9[%rem3A_68] : memref<2x!tpu.dma_semaphore, #tpu.memory_space<semaphore_mem>> -> memref<1x!tpu.dma_semaphore, #tpu.memory_space<semaphore_mem>>
      %dma_start3A_297 = tpu.memref_squeeze %dma_start3A_296 : memref<1x!tpu.dma_semaphore, #tpu.memory_space<semaphore_mem>> -> memref<!tpu.dma_semaphore, #tpu.memory_space<semaphore_mem>>
      %dma_start3A_298 = arith.constant 0 : i32
      %dma_start3A_299 = tpu.memref_slice %arg4[%multiple_of3A_289, %dma_start3A_298] : memref<32768x16xf32, #tpu.memory_space<hbm>> -> memref<64x16xf32, #tpu.memory_space<hbm>>
      %dma_start3A_300 = arith.constant 0 : i32
      %dma_start3A_301 = arith.constant 0 : i32
      %dma_start3A_302 = tpu.memref_slice %arg6[%rem3A_68, %dma_start3A_300, %dma_start3A_301] : memref<2x64x16xf32, #tpu.memory_space<vmem>> -> memref<1x64x16xf32, #tpu.memory_space<vmem>>
      %dma_start3A_303 = tpu.memref_squeeze %dma_start3A_302 : memref<1x64x16xf32, #tpu.memory_space<vmem>> -> memref<64x16xf32, #tpu.memory_space<vmem>>
      tpu.enqueue_dma source(%dma_start3A_303 : memref<64x16xf32, #tpu.memory_space<vmem>>) target(%dma_start3A_299 : memref<64x16xf32, #tpu.memory_space<hbm>>) target_semaphore(%dma_start3A_297 : memref<!tpu.dma_semaphore, #tpu.memory_space<semaphore_mem>>)
    }
    %scan3A_26 = arith.constant 16 : i32
    %mul3A_27 = arith.constant 1024 : i32
    %mul3A_28 = arith.muli %add3A, %mul3A_27 : i32
    %add3A_29 = arith.constant 896 : i32
    %add3A_30 = arith.addi %mul3A_28, %add3A_29 : i32
    %multiple_of3A = tpu.assume_multiple %add3A_30, 8 : i32
    %dma_wait3A = arith.constant 0 : i32
    %dma_wait3A_31 = arith.constant 0 : i32
    %dma_wait3A_32 = arith.constant 0 : i32
    %dma_wait3A_33 = arith.constant 0 : i32
    %dma_wait3A_34 = tpu.memref_slice %arg6[%dma_wait3A, %dma_wait3A_32, %dma_wait3A_33] : memref<2x64x16xf32, #tpu.memory_space<vmem>> -> memref<1x64x16xf32, #tpu.memory_space<vmem>>
    %dma_wait3A_35 = tpu.memref_squeeze %dma_wait3A_34 : memref<1x64x16xf32, #tpu.memory_space<vmem>> -> memref<64x16xf32, #tpu.memory_space<vmem>>
    %dma_wait3A_36 = arith.constant 0 : i32
    %dma_wait3A_37 = tpu.memref_slice %arg4[%multiple_of3A, %dma_wait3A_36] : memref<32768x16xf32, #tpu.memory_space<hbm>> -> memref<64x16xf32, #tpu.memory_space<hbm>>
    %dma_wait3A_38 = tpu.memref_slice %arg9[%dma_wait3A_31] : memref<2x!tpu.dma_semaphore, #tpu.memory_space<semaphore_mem>> -> memref<1x!tpu.dma_semaphore, #tpu.memory_space<semaphore_mem>>
    %dma_wait3A_39 = tpu.memref_squeeze %dma_wait3A_38 : memref<1x!tpu.dma_semaphore, #tpu.memory_space<semaphore_mem>> -> memref<!tpu.dma_semaphore, #tpu.memory_space<semaphore_mem>>
    %dma_wait3A_40 = arith.constant 0 : i32
    %dma_wait3A_41 = tpu.memref_slice %arg4[%multiple_of3A, %dma_wait3A_40] : memref<32768x16xf32, #tpu.memory_space<hbm>> -> memref<64x16xf32, #tpu.memory_space<hbm>>
    %dma_wait3A_42 = arith.constant 0 : i32
    %dma_wait3A_43 = arith.constant 0 : i32
    %dma_wait3A_44 = tpu.memref_slice %arg6[%dma_wait3A, %dma_wait3A_42, %dma_wait3A_43] : memref<2x64x16xf32, #tpu.memory_space<vmem>> -> memref<1x64x16xf32, #tpu.memory_space<vmem>>
    %dma_wait3A_45 = tpu.memref_squeeze %dma_wait3A_44 : memref<1x64x16xf32, #tpu.memory_space<vmem>> -> memref<64x16xf32, #tpu.memory_space<vmem>>
    tpu.wait_dma2 semaphore(%dma_wait3A_39 : memref<!tpu.dma_semaphore, #tpu.memory_space<semaphore_mem>>) src(%dma_wait3A_45 : memref<64x16xf32, #tpu.memory_space<vmem>>) dst(%dma_wait3A_41 : memref<64x16xf32, #tpu.memory_space<hbm>>)
    %mul3A_46 = arith.constant 1024 : i32
    %mul3A_47 = arith.muli %add3A, %mul3A_46 : i32
    %add3A_48 = arith.constant 960 : i32
    %add3A_49 = arith.addi %mul3A_47, %add3A_48 : i32
    %multiple_of3A_50 = tpu.assume_multiple %add3A_49, 8 : i32
    %dma_wait3A_51 = arith.constant 1 : i32
    %dma_wait3A_52 = arith.constant 1 : i32
    %dma_wait3A_53 = arith.constant 0 : i32
    %dma_wait3A_54 = arith.constant 0 : i32
    %dma_wait3A_55 = tpu.memref_slice %arg6[%dma_wait3A_51, %dma_wait3A_53, %dma_wait3A_54] : memref<2x64x16xf32, #tpu.memory_space<vmem>> -> memref<1x64x16xf32, #tpu.memory_space<vmem>>
    %dma_wait3A_56 = tpu.memref_squeeze %dma_wait3A_55 : memref<1x64x16xf32, #tpu.memory_space<vmem>> -> memref<64x16xf32, #tpu.memory_space<vmem>>
    %dma_wait3A_57 = arith.constant 0 : i32
    %dma_wait3A_58 = tpu.memref_slice %arg4[%multiple_of3A_50, %dma_wait3A_57] : memref<32768x16xf32, #tpu.memory_space<hbm>> -> memref<64x16xf32, #tpu.memory_space<hbm>>
    %dma_wait3A_59 = tpu.memref_slice %arg9[%dma_wait3A_52] : memref<2x!tpu.dma_semaphore, #tpu.memory_space<semaphore_mem>> -> memref<1x!tpu.dma_semaphore, #tpu.memory_space<semaphore_mem>>
    %dma_wait3A_60 = tpu.memref_squeeze %dma_wait3A_59 : memref<1x!tpu.dma_semaphore, #tpu.memory_space<semaphore_mem>> -> memref<!tpu.dma_semaphore, #tpu.memory_space<semaphore_mem>>
    %dma_wait3A_61 = arith.constant 0 : i32
    %dma_wait3A_62 = tpu.memref_slice %arg4[%multiple_of3A_50, %dma_wait3A_61] : memref<32768x16xf32, #tpu.memory_space<hbm>> -> memref<64x16xf32, #tpu.memory_space<hbm>>
    %dma_wait3A_63 = arith.constant 0 : i32
    %dma_wait3A_64 = arith.constant 0 : i32
    %dma_wait3A_65 = tpu.memref_slice %arg6[%dma_wait3A_51, %dma_wait3A_63, %dma_wait3A_64] : memref<2x64x16xf32, #tpu.memory_space<vmem>> -> memref<1x64x16xf32, #tpu.memory_space<vmem>>
    %dma_wait3A_66 = tpu.memref_squeeze %dma_wait3A_65 : memref<1x64x16xf32, #tpu.memory_space<vmem>> -> memref<64x16xf32, #tpu.memory_space<vmem>>
    tpu.wait_dma2 semaphore(%dma_wait3A_60 : memref<!tpu.dma_semaphore, #tpu.memory_space<semaphore_mem>>) src(%dma_wait3A_66 : memref<64x16xf32, #tpu.memory_space<vmem>>) dst(%dma_wait3A_62 : memref<64x16xf32, #tpu.memory_space<hbm>>)
    return
  }
}

module attributes {stable_mosaic.version = 14 : i64} {
  func.func @_tc_finish_body(%arg0: memref<4096x128xf32, #tpu.memory_space<vmem>>, %arg1: memref<4096x8xf32, #tpu.memory_space<vmem>>) attributes {dimension_semantics = [], scalar_prefetch = 0 : i64, scratch_operands = 0 : i64, tpu.core_type = #tpu.core_type<tc>} {
    %iota3A = tpu.iota {dimensions = array<i32: 0>} : vector<128x8xi32>
    %iota3A_0 = tpu.iota {dimensions = array<i32: 1>} : vector<128x8xi32>
    %jit3A = arith.constant 16 : i32
    %div3A = vector.broadcast %jit3A : i32 to vector<128x8xi32>
    %div3A_1 = arith.divsi %iota3A, %div3A : vector<128x8xi32>
    %sign3A = arith.constant 0 : i32
    %sign3A_2 = vector.broadcast %sign3A : i32 to vector<128x8xi32>
    %sign3A_3 = arith.cmpi sgt, %iota3A, %sign3A_2 : vector<128x8xi32>
    %sign3A_4 = arith.extui %sign3A_3 : vector<128x8xi1> to vector<128x8xi32>
    %sign3A_5 = arith.constant 0 : i32
    %sign3A_6 = vector.broadcast %sign3A_5 : i32 to vector<128x8xi32>
    %sign3A_7 = arith.cmpi slt, %iota3A, %sign3A_6 : vector<128x8xi32>
    %sign3A_8 = arith.extui %sign3A_7 : vector<128x8xi1> to vector<128x8xi32>
    %sign3A_9 = arith.subi %sign3A_4, %sign3A_8 : vector<128x8xi32>
    %sign3A_10 = arith.constant 0 : i32
    %sign3A_11 = arith.cmpi sgt, %jit3A, %sign3A_10 : i32
    %sign3A_12 = arith.extui %sign3A_11 : i1 to i32
    %sign3A_13 = arith.constant 0 : i32
    %sign3A_14 = arith.cmpi slt, %jit3A, %sign3A_13 : i32
    %sign3A_15 = arith.extui %sign3A_14 : i1 to i32
    %sign3A_16 = arith.subi %sign3A_12, %sign3A_15 : i32
    %ne3A = vector.broadcast %sign3A_16 : i32 to vector<128x8xi32>
    %ne3A_17 = arith.cmpi ne, %sign3A_9, %ne3A : vector<128x8xi32>
    %rem3A = vector.broadcast %jit3A : i32 to vector<128x8xi32>
    %rem3A_18 = arith.remsi %iota3A, %rem3A : vector<128x8xi32>
    %ne3A_19 = arith.constant 0 : i32
    %ne3A_20 = vector.broadcast %ne3A_19 : i32 to vector<128x8xi32>
    %ne3A_21 = arith.cmpi ne, %rem3A_18, %ne3A_20 : vector<128x8xi32>
    %and3A = arith.andi %ne3A_17, %ne3A_21 : vector<128x8xi1>
    %sub3A = arith.constant 1 : i32
    %sub3A_22 = vector.broadcast %sub3A : i32 to vector<128x8xi32>
    %sub3A_23 = arith.subi %div3A_1, %sub3A_22 : vector<128x8xi32>
    %select_n3A = arith.select %and3A, %sub3A_23, %div3A_1 : vector<128x8xi1>, vector<128x8xi32>
    %eq3A = arith.cmpi eq, %select_n3A, %iota3A_0 : vector<128x8xi32>
    %convert_element_type3A = arith.extui %eq3A : vector<128x8xi1> to vector<128x8xi32>
    %convert_element_type3A_24 = arith.sitofp %convert_element_type3A : vector<128x8xi32> to vector<128x8xf32>
    %get3A = arith.constant 0 : index
    %get3A_25 = arith.constant 0 : index
    %get3A_26 = vector.load %arg0[%get3A, %get3A_25] : memref<4096x128xf32, #tpu.memory_space<vmem>>, vector<4096x128xf32>
    %dot_general3A = arith.constant dense<0.000000e+00> : vector<4096x8xf32>
    %dot_general3A_27 = tpu.matmul %get3A_26, %convert_element_type3A_24, %dot_general3A {dimension_numbers = #tpu.dot_dimension_numbers<[1], [0], [0], [1], [0, 0, 1, 1], [], []>, precision = #tpu.contract_precision<fp32>, transpose_lhs_hint = false} : vector<4096x128xf32>, vector<128x8xf32>, vector<4096x8xf32> -> vector<4096x8xf32>
    %log3A = math.log %dot_general3A_27 : vector<4096x8xf32>
    %swap3A = arith.constant 0 : index
    %swap3A_28 = arith.constant 0 : index
    %swap3A_29 = vector.load %arg1[%swap3A, %swap3A_28] : memref<4096x8xf32, #tpu.memory_space<vmem>>, vector<4096x8xf32>
    tpu.vector_store %arg1[%swap3A, %swap3A_28], %log3A {strides = array<i32>} : memref<4096x8xf32, #tpu.memory_space<vmem>>, vector<4096x8xf32>,
    return
  }
}

module attributes {stable_mosaic.version = 14 : i64} {
  func.func @_tc_main_body(%arg0: i32, %arg1: memref<4096x512xf32, #tpu.memory_space<vmem>>, %arg2: memref<512xf32, #tpu.memory_space<vmem>>, %arg3: memref<1x1x4096xf32, #tpu.memory_space<vmem>>) attributes {dimension_semantics = [#tpu.dimension_semantics<arbitrary>], iteration_bounds = array<i64: 24>, scalar_prefetch = 0 : i64, scratch_operands = 0 : i64, tpu.core_type = #tpu.core_type<tc>, window_params = [{transform_indices = @transform_0, window_bounds = array<i64: 4096, 512>}, {pipeline_mode = #tpu.pipeline_mode<synchronous>, transform_indices = @transform_1, window_bounds = array<i64: 512>}, {transform_indices = @transform_2, window_bounds = array<i64: 1, 1, 4096>}]} {
    %get3A = arith.constant 0 : index
    %get3A_0 = arith.constant 0 : index
    %get3A_1 = vector.load %arg1[%get3A, %get3A_0] : memref<4096x512xf32, #tpu.memory_space<vmem>>, vector<4096x512xf32>
    %exp3A = math.exp %get3A_1 : vector<4096x512xf32>
    %get3A_2 = arith.constant 0 : index
    %get3A_3 = vector.load %arg2[%get3A_2] : memref<512xf32, #tpu.memory_space<vmem>>, vector<512xf32>
    %broadcast_in_dim3A = vector.shape_cast %get3A_3 : vector<512xf32> to vector<1x512xf32>
    %mul3A = vector.broadcast %broadcast_in_dim3A : vector<1x512xf32> to vector<4096x512xf32>
    %mul3A_4 = arith.mulf %exp3A, %mul3A : vector<4096x512xf32>
    %slice3A = vector.extract_strided_slice %mul3A_4 {offsets = [0, 0], sizes = [4096, 128], strides = [1, 1]} : vector<4096x512xf32> to vector<4096x128xf32>
    %slice3A_5 = vector.extract_strided_slice %mul3A_4 {offsets = [0, 128], sizes = [4096, 128], strides = [1, 1]} : vector<4096x512xf32> to vector<4096x128xf32>
    %add3A = arith.addf %slice3A, %slice3A_5 : vector<4096x128xf32>
    %slice3A_6 = vector.extract_strided_slice %mul3A_4 {offsets = [0, 256], sizes = [4096, 128], strides = [1, 1]} : vector<4096x512xf32> to vector<4096x128xf32>
    %add3A_7 = arith.addf %add3A, %slice3A_6 : vector<4096x128xf32>
    %slice3A_8 = vector.extract_strided_slice %mul3A_4 {offsets = [0, 384], sizes = [4096, 128], strides = [1, 1]} : vector<4096x512xf32> to vector<4096x128xf32>
    %add3A_9 = arith.addf %add3A_7, %slice3A_8 : vector<4096x128xf32>
    %broadcast_in_dim3A_10 = arith.constant 1.000000e+00 : f32
    %broadcast_in_dim3A_11 = vector.broadcast %broadcast_in_dim3A_10 : f32 to vector<8x128xf32>
    %dot_general3A = arith.constant dense<0.000000e+00> : vector<8x4096xf32>
    %dot_general3A_12 = tpu.matmul %broadcast_in_dim3A_11, %add3A_9, %dot_general3A {dimension_numbers = #tpu.dot_dimension_numbers<[1], [1], [0], [0], [0, 0, 1, 0], [], []>, precision = #tpu.contract_precision<fp32>, transpose_lhs_hint = false} : vector<8x128xf32>, vector<4096x128xf32>, vector<8x4096xf32> -> vector<8x4096xf32>
    %slice3A_13 = vector.extract_strided_slice %dot_general3A_12 {offsets = [0, 0], sizes = [1, 4096], strides = [1, 1]} : vector<8x4096xf32> to vector<1x4096xf32>
    %log3A = math.log %slice3A_13 : vector<1x4096xf32>
    %broadcast_in_dim3A_14 = vector.shape_cast %log3A : vector<1x4096xf32> to vector<1x1x4096xf32>
    %swap3A = arith.constant 0 : index
    %swap3A_15 = arith.constant 0 : index
    %swap3A_16 = arith.constant 0 : index
    %swap3A_17 = vector.load %arg3[%swap3A, %swap3A_15, %swap3A_16] : memref<1x1x4096xf32, #tpu.memory_space<vmem>>, vector<1x1x4096xf32>
    tpu.vector_store %arg3[%swap3A, %swap3A_15, %swap3A_16], %broadcast_in_dim3A_14 {strides = array<i32>} : memref<1x1x4096xf32, #tpu.memory_space<vmem>>, vector<1x1x4096xf32>,
    return
  }
  func.func @transform_0(%arg0: i32) -> (i32, i32) {
    %c0_i32 = arith.constant 0 : i32
    %c0_i32_0 = arith.constant 0 : i32
    return %arg0, %c0_i32 : i32, i32
  }
  func.func @transform_1(%arg0: i32) -> i32 {
    %c0_i32 = arith.constant 0 : i32
    %c0_i32_0 = arith.constant 0 : i32
    return %c0_i32 : i32
  }
  func.func @transform_2(%arg0: i32) -> (i32, i32, i32) {
    %c0_i32 = arith.constant 0 : i32
    %c0_i32_0 = arith.constant 0 : i32
    %c0_i32_1 = arith.constant 0 : i32
    return %arg0, %c0_i32, %c0_i32_0 : i32, i32, i32
  }
}

</mosaic_0001>

<sc_bundles>
// kernel: kernel.5.cloned.1.call-start
scs
__scs_entry_jumppad:
0x0: {  	(pc) =	sbr.rel $0x88, $3  }
0x1: {  	(tag) =	ssettag $0x0;
	lr =	simm.s32 $0x1  }
0x2: {  	[smem:$0x3F9F] =	sst lr;
	_ =	strace $0xD0000000  }
0x3: {  	_ = 	snop  }
0x4: {  	_ = 	snop  }
0x5: {  	_ = 	snop  }
0x6: {  	_ = 	snop  }
0x7: {  	_ = 	snop  }
__scs_overlays_trampoline_lowered:
0x8: {  	[smem:$0x3FAE] =	sst s0  }
0x9: {  	[smem:$0x3FAF] =	sst s1  }
0xa: {  	[smem:$0x3FB0] =	sst s2  }
0xb: {  	[smem:$0x3FB1] =	sst s3  }
0xc: {  	[smem:$0x3FB2] =	sst s4  }
0xd: {  	[smem:$0x3FB3] =	sst s5  }
0xe: {  	[smem:$0x3FB4] =	sst s6  }
0xf: {  	[smem:$0x3FB5] =	sst s7  }
0x10: {  	[smem:$0x3FB6] =	sst s8  }
0x11: {  	[smem:$0x3FB7] =	sst s9;
	s0 =	simm.s32 @!p0 $0x0  }
0x12: {  	s1 =	sld [smem:$0x3F9D];
	s0 =	simm.s32 @p0 $0x1  }
0x13: {  	[smem:$0x3FB8] =	sst s0;
	s0 =	simm.s32 @!p1 $0x0  }
0x14: {  	s2 =	sld [smem:$0x3F9C];
	s0 =	simm.s32 @p1 $0x1  }
0x15: {  	[smem:$0x3FB9] =	sst s0;
	s0 =	simm.s32 @!p2 $0x0  }
0x16: {  	s3 =	sld [smem:$0x3FDB];
	s0 =	simm.s32 @p2 $0x1  }
0x17: {  	s4 =	simm.s32 $0x1BF5;
	[smem:$0x3FBB] =	sst s0  }
0x18: {  	s0 =	sld [smem:$0x3F9E];
	_ =	swait.ge [sflag:s4], $0x0  }
0x19: {  	s7 =	sld [smem:$0x3F9F]  }
0x1a: {  	s8 =	sadd.s32 $0xFFFFE003, lr  }
0x1b: {  	s9 =	sadd.s32 $0xFFFFFEF7, lr;
	s5 =	simm.s32 $0xFFFFFFFF;
	p2 =	slt.u32 s8, $0xFFFFF086  }
0x1c: {  	p1 =	slt.u32 s9, $0xF7A;
	s5 =	simm.s32 @!p2 $0x0  }
0x1d: {  	s5 =	simm.s32 @p1 $0x1;
	p0 =	seq.s32 s7, s2  }
0x1e: {  	s7 =	smul.u32 @!p0 $0xF7A, s2;
	p2 =	seq.s32 @!p0 s5, $0x0  }
0x1f: {  	s9 =	smul.u32 $0xF7A, s1;
	s8 =	simm.s32 @!p0 $0x1BF5;
	p2 =	por !p2, p0  }
0x20: {  	[sflag:s8] =	ssyncset.s32 @!p0 $0xFFFFF086;
	s6 =	sadd.s32 @!p0 s3, s7;
	s7 =	simm.s32 @!p0 $0x108  }
0x21: {  	s3 =	sadd.s32 s3, s9;
	s6 =	sadd.s32 @!p0 $0x88, s6;
	s7 =	simm.s32 @p2 $0x1082  }
0x22: {  	[simem:s7], [sflag:s8] =	dma.local @!p0 [hbm:s6], $0xF7A  }
0x23: {  	s9 =	sor.u32 $0xD0000000, s2;
	s6 =	simm.s32 $0x108;
	_ =	swait.ge @!p0 [sflag:s8], $0x0  }
0x24: {  	s3 =	sadd.s32 $0x88, s3;
	s6 =	simm.s32 @!p1 $0x1082;
	[sflag:s4] =	ssyncset.s32 $0xFFFFF086  }
0x25: {  	[simem:s6], [sflag:s4] =	dma.local [hbm:s3], $0xF7A  }
0x26: {  	[smem:$0x3F9F] =	sst s1;
	(tag) =	ssettag s2;
	_ =	strace s9  }
0x27: {  	s1 =	sld [smem:$0x3FAF]  }
0x28: {  	s2 =	sld [smem:$0x3FB0]  }
0x29: {  	s4 =	sld [smem:$0x3FB2]  }
0x2a: {  	p0 =	seq.s32 s5, $0x0;
	s5 =	sld [smem:$0x3FB3]  }
0x2b: {  	s6 =	sld [smem:$0x3FB4]  }
0x2c: {  	s7 =	sld [smem:$0x3FB5]  }
0x2d: {  	s3 =	simm.s32 $0x108;
	s8 =	sld [smem:$0x3FB6]  }
0x2e: {  	s3 =	simm.s32 @!p0 $0x1082;
	s9 =	sld [smem:$0x3FB7]  }
0x2f: {  	lr =	sadd.s32 s0, s3;
	s0 =	sld [smem:$0x3FAE]  }
0x30: {  	s3 =	sld [smem:$0x3FB1]  }
0x31: {  	[smem:$0x3FBA] =	sst s10  }
0x32: {  	s10 =	sld [smem:$0x3FB8];
	_ =	sdelay $0x3  }
0x33: {  	p0 =	seq.s32 s10, $0x1;
	s10 =	sld [smem:$0x3FBA];
	_ =	sdelay $0x3  }
0x34: {  	[smem:$0x3FBA] =	sst s10  }
0x35: {  	s10 =	sld [smem:$0x3FB9];
	_ =	sdelay $0x3  }
0x36: {  	p1 =	seq.s32 s10, $0x1;
	s10 =	sld [smem:$0x3FBA];
	_ =	sdelay $0x3  }
0x37: {  	[smem:$0x3FBA] =	sst s10  }
0x38: {  	s10 =	sld [smem:$0x3FBB]  }
0x39: {  	_ = 	snop;
	(pc) =	sbr.ind lr, $3  }
0x3a: {  	_ = 	snop  }
0x3b: {  	_ = 	snop  }
0x3c: {  	p2 =	seq.s32 s10, $0x1;
	s10 =	sld [smem:$0x3FBA]  }
0x3d: {  	_ =	shalt  }
0x3e: {  	_ =	shalt  }
0x3f: {  	_ =	shalt  }
0x40: {  	_ =	shalt  }
0x41: {  	_ =	shalt  }
0x42: {  	_ =	shalt  }
0x43: {  	_ =	shalt  }
0x44: {  	_ =	shalt  }
0x45: {  	_ =	shalt  }
0x46: {  	_ =	shalt  }
0x47: {  	_ =	shalt  }
0x48: {  	_ =	shalt  }
0x49: {  	_ =	shalt  }
0x4a: {  	_ =	shalt  }
0x4b: {  	_ =	shalt  }
0x4c: {  	_ =	shalt  }
0x4d: {  	_ =	shalt  }
0x4e: {  	_ =	shalt  }
0x4f: {  	_ =	shalt  }
0x50: {  	_ =	shalt  }
0x51: {  	_ =	shalt  }
0x52: {  	_ =	shalt  }
0x53: {  	_ =	shalt  }
0x54: {  	_ =	shalt  }
0x55: {  	_ =	shalt  }
0x56: {  	_ =	shalt  }
0x57: {  	_ =	shalt  }
0x58: {  	_ =	shalt  }
0x59: {  	_ =	shalt  }
0x5a: {  	_ =	shalt  }
0x5b: {  	_ =	shalt  }
0x5c: {  	_ =	shalt  }
0x5d: {  	_ =	shalt  }
0x5e: {  	_ =	shalt  }
0x5f: {  	_ =	shalt  }
0x60: {  	_ =	shalt  }
0x61: {  	_ =	shalt  }
0x62: {  	_ =	shalt  }
0x63: {  	_ =	shalt  }
0x64: {  	_ =	shalt  }
0x65: {  	_ =	shalt  }
0x66: {  	_ =	shalt  }
0x67: {  	_ =	shalt  }
0x68: {  	_ =	shalt  }
0x69: {  	_ =	shalt  }
0x6a: {  	_ =	shalt  }
0x6b: {  	_ =	shalt  }
0x6c: {  	_ =	shalt  }
0x6d: {  	_ =	shalt  }
0x6e: {  	_ =	shalt  }
0x6f: {  	_ =	shalt  }
0x70: {  	_ =	shalt  }
0x71: {  	_ =	shalt  }
0x72: {  	_ =	shalt  }
0x73: {  	_ =	shalt  }
0x74: {  	_ =	shalt  }
0x75: {  	_ =	shalt  }
0x76: {  	_ =	shalt  }
0x77: {  	_ =	shalt  }
0x78: {  	_ =	shalt  }
0x79: {  	_ =	shalt  }
0x7a: {  	_ =	shalt  }
0x7b: {  	_ =	shalt  }
0x7c: {  	_ =	shalt  }
0x7d: {  	_ =	shalt  }
0x7e: {  	_ =	shalt  }
0x7f: {  	_ =	shalt  }
0x80: {  	_ =	shalt  }
0x81: {  	_ =	shalt  }
0x82: {  	_ =	shalt  }
0x83: {  	_ =	shalt  }
0x84: {  	_ =	shalt  }
0x85: {  	_ =	shalt  }
0x86: {  	_ =	shalt  }
0x87: {  	_ =	shalt  }
.Lfunc_end0:
.L_simem_size_0:
called_computation_lowered:
.L_overlay_start_0:
0x88: {  	s2 =	sld [smem:$0x3FD9]  }
0x89: {  	s3 =	sld [smem:$0x3FFE];
	_ =	sdelay $0x1  }
0x8a: {  	s1 =	srdreg.scid  }
0x8b: {  	s0 =	sand.u32 $0x1, s1  }
0x8c: {  	s17 =	sshll.u32 s0, $0xA;
	s2 =	sadd.s32 s3, s2  }
0x8d: {  	s2 =	sadd.s32 s2, s17  }
0x8e: {  	[smem:$0x3FC6] =	sst s2  }
0x8f: {  	_ = 	snop  }
0x90: {  	s2 =	sld [smem:$0x3FC9]  }
0x91: {  	s18 =	sld [smem:$0x3FC8];
	(tm) =	ssettm $0x1  }
0x92: {  	s4 =	sld [smem:$0x3FFB];
	_ =	sdelay $0x3  }
0x93: {  	_ =	strace s4  }
0x94: {  	s4 =	sld [smem:$0x3FFC];
	_ =	sdelay $0x3  }
0x95: {  	_ =	strace s4  }
0x96: {  	s4 =	sld [smem:$0x3FFD];
	_ =	sdelay $0x3  }
0x97: {  	_ =	strace s4  }
0x98: {  	_ =	strace $0x8FFFFFFF  }
0x99: {  	s19 =	sld [smem:$0x3FDB];
	_ =	sdelay $0x1  }
0x9a: {  	s5 =	simm.s32 $_scs_section_size  }
0x9b: {  	s6 =	simm.s32 $_size__tile_overlayer_lowered;
	s7 =	simm.s32 $_tile_overlayer_lowered  }
0x9c: {  	s22 =	simm.s32 $0x1BFF;
	s21 =	sshll.u32 s7, $0x1;
	s4 =	sadd.s32 s5, s19  }
0x9d: {  	s8 =	simm.s32 $0x0;
	s20 =	sshll.u32 s6, $0x1;
	s6 =	sadd.s32 s21, s4  }
0x9e: {  	[timem:s8], [sflag:s22] =	dma.local [hbm:s6], s20  }
0x9f: {  	_ =	swait.ge [sflag:s22], s20  }
0xa0: {  	s5 =	ssub.s32 $0x0, s20;
	[sflag:s22] =	ssyncset.done $0x0  }
0xa1: {  	[sflag:s22] =	ssyncadd.s32 s5;
	_ =	sdelay $0x1  }
0xa2: {  	s23 =	simm.s32 $0x1B8B  }
0xa3: {  	_ =	swait.ge [sflag:s23], $0x1  }
0xa4: {  	[sflag:s23] =	ssyncset.done $0x0  }
0xa5: {  	s25 =	simm.s32 $0x1B8E;
	s24 =	sld [smem:$0x3FFE];
	[sflag:s23] =	ssyncadd.s32 $0xFFFFFFFF  }
0xa6: {  	s26 =	simm.s32 $execute0_lowered;
	[smem:$0x3FD2] =	sst s25  }
0xa7: {  	s6 =	sshll.u32 s26, $0x1;
	_ =	strace $0x80000046;
	[dreg:$0x1] =	wrdreg $0xFFFFFFFF  }
0xa8: {  	s28 =	simm.s32 $_size_execute0_lowered;
	s4 =	sadd.s32 s4, s6;
	[dreg:$0x0] =	wrdreg $0x0  }
0xa9: {  	s6 =	sshll.u32 s28, $0x1;
	[dreg:$0x2] =	wrdreg s4  }
0xaa: {  	[dreg:$0x3] =	wrdreg s6  }
0xab: {  	[dreg:$0x4] =	wrdreg $0xC0  }
0xac: {  	_ =	task [dreg:s8], $0x5FFFF  }
0xad: {  	[dreg:$0x1] =	wrdreg $0xFFFFFFFF  }
0xae: {  	[dreg:$0x0] =	wrdreg $0x60  }
0xaf: {  	[dreg:$0x2] =	wrdreg s2  }
0xb0: {  	[dreg:$0x3] =	wrdreg s18  }
0xb1: {  	[dreg:$0x4] =	wrdreg s24  }
0xb2: {  	[dreg:$0x5] =	wrdreg $0x9  }
0xb3: {  	_ =	task.clear_ibuf [dreg:s8], $0x6FFFF;
	_ =	strace $0x90000046  }
0xb4: {  	s29 =	simm.s32 $0x9;
	_ =	strace $0x80000048  }
0xb5: {  	_ =	swait.ge [sflag:s29], $0x1  }
0xb6: {  	[sflag:s29] =	ssyncadd.s32 $0xFFFFFFFF  }
0xb7: {  	_ =	strace $0x90000048  }
0xb8: {  	_ =	sfence  }
0xb9: {  	s30 =	sld [smem:$0x0];
	_ =	sdelay $0x2  }
0xba: {  	s31 =	sshll.u32 s1, $0xD;
	s1 =	sshrl.u32 s1, $0x2  }
0xbb: {  	s3 =	sand.u32 $0x4000, s31;
	s1 =	sadd.s32 s1, s30  }
0xbc: {  	s0 =	sor.u32 s3, s0;
	s1 =	sshll.u32 s1, $0x11  }
0xbd: {  	s0 =	sor.u32 s1, s0  }
0xbe: {  	s0 =	sadd.s32 $0x8F2B, s0  }
0xbf: {  	[sflag:s0] =	ssyncadd.remote.s32 $0x1  }
0xc0: {  	_ =	sfence.sel $0xFFFF  }
0xc1: {  	[dreg:$0x0] =	wrdreg $0xFFFFFFFF;
	(pc) =	sbr.abs _section_cstart, $3  }
0xc2: {  	[dreg:$0x1] =	wrdreg $0xFFFFFFFF  }
0xc3: {  	_ =	task.clear_ibuf [dreg:s8], $0x2FFFF;
	_ =	strace $0x9FFFFFFF  }
0xc4: {  	(tm) =	ssettm $0x7FFFFFFF  }
0xc5: {  	_ =	shalt  }
tec
execute0_lowered:
.L_overlay_start_1:
0x0: {  	(tag) =	ssettag $0x1  }
0x1: {  	s0 =	rddreg [dreg:$0x0]  }
0x2: {  	s1 =	rddreg [dreg:$0x2];
	s2 =	srdreg.scid  }
0x3: {  	s4 =	simm.s32 $0x0;
	s3 =	stileid.u32;
	s2 =	sand.u32 $0x1, s2  }
0x4: {  	s3 =	sshll.u32 s3, $0xB;
	s28 =	sshll.u32 s2, $0xA;
	s2 =	ssub.s32 $0x2, s2  }
0x5: {  	[smem:$0x7FF] =	sst s4;
	s3 =	sor.u32 s28, s3;
	s29 =	sshrl.u32 s2, $0x1  }
0x6: {  	s4 =	sshll.u32 s3, $0x4;
	s3 =	sshll.u32 s3, $0x6;
	s2 =	ssub.s32 s2, s29  }
0x7: {  	_ =	strace $0x80000047;
	s0 =	sadd.s32 s3, s0;
	s31 =	smax.u32 s2, $0x1  }
0x8: {  	s1 =	sadd.s32 s4, s1;
	s0 =	sadd.s32 $0x600000, s0;
	[dreg:$0x6] =	wrdreg s31  }
0x9: {  	s30 =	sadd.s32 $0x600, s1;
	[dreg:$0x4] =	wrdreg s0  }
0xa: {  	s2 =	simm.s32 $0x0;
	[dreg:$0x5] =	wrdreg s30  }
.LBB2_1:
0xb: {  	[dreg:$0x7] =	wrdreg s2  }
0xc: {  	s0 =	rddreg [dreg:$0x1]  }
0xd: {  	s1 =	simm.s32 $0x0;
	s29 =	simm.s32 $0x14000;
	s30 =	simm.s32 $0x5  }
0xe: {  	[tilespmem:s29], [sflag:$0x5] =	stream.linear.gather [hbm4b:s0+s1], $0x200, $0x38;
	[tilespmem:$0x14200] =	vst v63  }
0xf: {  	_ =	swait.ge [sflag:s30], $0x200  }
0x10: {  	p0 =	por $0x0, $0x0;
	[sflag:s30] =	ssyncset.done $0x0  }
0x11: {  	s4 =	simm.s32 $0x0;
	s31 =	rddreg [dreg:$0x4];
	[sflag:s30] =	ssyncadd.s32 $0xFFFFFE00  }
0x12: {  	[tilespmem:s1], [sflag:$0x1] =	stream.linear.gather [hbm4b:s31+s1], $0x8000, $0x38;
	[tilespmem:$0x14200] =	vst v63  }
.LBB2_2:
0x13: {  	s20 =	sand.u32 $0x1, s4  }
0x14: {  	p1 =	seq.s32 s4, $0xF;
	s1 =	sadd.s32 $0x1, s4;
	s3 =	rddreg [dreg:$0x4]  }
0x15: {  	s0 =	sxor.u32 @!p1 $0x1, s20;
	[dreg:$0x8] =	wrdreg s1  }
0x16: {  	s1 =	sshll.u32 @!p1 s1, $0xC;
	s18 =	sadd.s32 $0x1, s20;
	s2 =	sshll.u32 @!p1 s0, $0xF  }
0x17: {  	s0 =	sadd.s32 @!p1 $0x1, s0;
	s1 =	sadd.s32 @!p1 s1, s3;
	s3 =	simm.s32 @!p1 $0x0  }
0x18: {  	[tilespmem:s2], [sflag:s0] =	stream.linear.gather @!p1 [hbm4b:s1+s3], $0x8000, $0x38;
	[tilespmem:$0x14200] =	vst v63  }
0x19: {  	_ =	swait.ge [sflag:s18], $0x8000  }
0x1a: {  	p1 =	slt.u32 s4, $0x2;
	s1 =	simm.s32 $0x1;
	[sflag:s18] =	ssyncset.done $0x0  }
0x1b: {  	[dreg:$0x9] =	wrdreg s4;
	s0 =	sadd.s32 @!p1 $0x3, s20;
	[sflag:s18] =	ssyncadd.s32 $0xFFFF8000  }
0x1c: {  	s1 =	simm.s32 @!p0 $0x0;
	_ =	swait.ge @!p1 [sflag:s0], $0x2000  }
0x1d: {  	s17 =	sshll.u32 s1, $0xF;
	[sflag:s0] =	ssyncset.done @!p1 $0x0  }
0x1e: {  	s19 =	sor.u32 $0x200, s17;
	[sflag:s0] =	ssyncadd.s32 @!p1 $0xFFFFE000  }
0x1f: {  	v0 =	vld [tilespmem:s19+$0x180];
	_ =	sdelay $0x2  }
0x20: {  	v1 =	vld [tilespmem:s19+$0xFFFFFE80]  }
0x21: {  	v2 =	vld [tilespmem:s19+$0xFFFFFF00]  }
0x22: {  	v3 =	vld [tilespmem:s19+$0xFFFFFF80];
	v0 =	vmul.f32 $1.442695020e+00, v0;
	_ =	sdelay $0x1  }
0x23: {  	v4 =	vld [tilespmem:s19+$0x0];
	(erf) = vpow2.f32 v0  }
0x24: {  	v5 =	vld [tilespmem:s19+$0x80];
	v1 =	vmul.f32 $1.442695020e+00, v1  }
0x25: {  	s22 =	sor.u32 $0xFF0, s17;
	v6 =	vld [tilespmem:s19+$0x100];
	v2 =	vmul.f32 $1.442695020e+00, v2  }
0x26: {  	s23 =	sor.u32 $0xFE0, s17;
	v7 =	vld [tilespmem:s19+$0xFFFFFE00];
	[dreg:$0xc] =	wrdreg s22;
	v0 =	vmul.f32 $1.442695020e+00, v3;
	(erf) = vpow2.f32 v1  }
0x27: {  	s24 =	sor.u32 $0xFD0, s17;
	[dreg:$0xd] =	wrdreg s23;
	(erf) = vpow2.f32 v2  }
0x28: {  	s25 =	sor.u32 $0xFC0, s17;
	[dreg:$0xe] =	wrdreg s24;
	v1 =	vmul.f32 $1.442695020e+00, v4;
	(erf) = vpow2.f32 v0;
	v0 =	vld [tilespmem:$0x14000]  }
0x29: {  	s26 =	sor.u32 $0xFB0, s17;
	s19 =	sadd.s32 $0x1000, s19;
	[dreg:$0xf] =	wrdreg s25;
	v2 =	vmul.f32 $1.442695020e+00, v5  }
0x2a: {  	s21 =	sshll.u32 s1, $0xD;
	v3 =	vmul.f32 $1.442695020e+00, v6;
	(erf) = vpow2.f32 v1;
	v1 =	vld [tilespmem:s19+$0x180];
	[dreg:$0x10] =	wrdreg s26  }
0x2b: {  	s15 =	sor.u32 $0x10380, s21;
	(erf) = vpow2.f32 v2;
	v2 =	vld [tilespmem:s19+$0xFFFFFE80]  }
0x2c: {  	s28 =	sor.u32 $0xBD0, s17;
	s29 =	sor.u32 $0xBC0, s17;
	v4 =	vmul.f32 $1.442695020e+00, v7;
	(erf) = vpow2.f32 v3;
	v3 =	vld [tilespmem:s19+$0xFFFFFF00];
	v6 =	vpop (erf)  }
0x2d: {  	s30 =	sor.u32 $0xBB0, s17;
	s31 =	sor.u32 $0xBA0, s17;
	s2 =	sor.u32 $0xB80, s17;
	v5 =	vld [tilespmem:s19+$0x0];
	v6 =	vmul.f32 v6, v0  }
0x2e: {  	s1 =	sor.u32 $0x7F0, s17;
	s7 =	sor.u32 $0x7E0, s17;
	s18 =	sor.u32 $0x10200, s21;
	v7 =	vld [tilespmem:s19+$0x80];
	(erf) = vpow2.f32 v4  }
0x2f: {  	s6 =	sor.u32 $0x7D0, s17;
	s8 =	sor.u32 $0x7C0, s17;
	s9 =	sor.u32 $0x7B0, s17;
	v4 =	vld [tilespmem:s19+$0xFFFFFF80];
	[tilespmem:s18+$0x180] =	vst v6  }
0x30: {  	s10 =	sor.u32 $0x7A0, s17;
	v10 =	vld [tilespmem:s19+$0x100];
	v8 =	vmul.f32 $1.442695020e+00, v1;
	[dreg:$0xa] =	wrdreg s20;
	s20 =	sshll.u32 s20, $0xD  }
0x31: {  	s11 =	sor.u32 $0x790, s17;
	s3 =	sor.u32 $0x780, s17;
	v1 =	vpop (erf);
	v9 =	vmul.f32 $1.442695020e+00, v2;
	v3 =	vmul.f32 $1.442695020e+00, v3;
	s20 =	sor.u32 $0x10000, s20  }
0x32: {  	s5 =	sor.u32 $0x270, s17;
	s4 =	sor.u32 $0x260, s17;
	v11 =	vmul.f32 v1, v0;
	v1 =	vpop (erf);
	(erf) = vpow2.f32 v8;
	[dreg:$0xb] =	wrdreg s20  }
0x33: {  	s16 =	sor.u32 $0x250, s17;
	s12 =	sor.u32 $0x240, s17;
	v2 =	vpop (erf);
	(erf) = vpow2.f32 v9;
	v9 =	vmul.f32 $1.442695020e+00, v5;
	v6 =	vld [tilespmem:s19+$0xFFFFFE00]  }
0x34: {  	s14 =	sor.u32 $0x230, s17;
	s13 =	sor.u32 $0x220, s17;
	s21 =	simm.s32 $0x8;
	v8 =	vmul.f32 $1.442695020e+00, v4;
	v4 =	vpop (erf)  }
0x35: {  	s0 =	sor.u32 $0xB90, s17;
	s22 =	sor.u32 $0xFA0, s17;
	s23 =	sor.u32 $0xF90, s17;
	(erf) = vpow2.f32 v3;
	v3 =	vpop (erf)  }
0x36: {  	s24 =	sor.u32 $0xF80, s17;
	s25 =	sor.u32 $0xBF0, s17;
	s26 =	sor.u32 $0xBE0, s17;
	v7 =	vmul.f32 $1.442695020e+00, v7;
	(erf) = vpow2.f32 v8;
	v5 =	vpop (erf)  }
0x37: {  	s17 =	sor.u32 $0x210, s17;
	v8 =	vmul.f32 $1.442695020e+00, v10;
	s20 =	sadd.s32 $0x1000, s19;
	[tilespmem:s18+$0xFFFFFE80] =	vst v11;
	(erf) = vpow2.f32 v9;
	s19 =	smov.u32 s18;
	v9 =	vpop (erf)  }
.LBB2_3:
0x38: {  	v10 =	vld [tilespmem:s20+$0x180];
	s21 =	sadd.s32 $0x8, s21;
	v6 =	vmul.f32 $1.442695020e+00, v6;
	(erf) = vpow2.f32 v7  }
0x39: {  	v7 =	vld [tilespmem:s20+$0xFFFFFE80];
	p1 =	slt.u32 s21, $0x38;
	(erf) = vpow2.f32 v8;
	v8 =	vmul.f32 v9, v0  }
0x3a: {  	v14 =	vmul.f32 v1, v0;
	v9 =	vld [tilespmem:s20+$0xFFFFFF00];
	(erf) = vpow2.f32 v6  }
0x3b: {  	v2 =	vmul.f32 v2, v0;
	v4 =	vmul.f32 v4, v0;
	v11 =	vld [tilespmem:s20+$0xFFFFFF80];
	[tilespmem:s18+$0xFFFFFE00] =	vst v8  }
0x3c: {  	v12 =	vmul.f32 v3, v0;
	v13 =	vmul.f32 v5, v0;
	v8 =	vld [tilespmem:s20+$0x0];
	v6 =	vpop (erf);
	[tilespmem:s18+$0xFFFFFF00] =	vst v14  }
0x3d: {  	v5 =	vld [tilespmem:s20+$0x80];
	v3 =	vmul.f32 $1.442695020e+00, v10;
	v10 =	vmul.f32 v6, v0;
	v1 =	vpop (erf);
	[tilespmem:s18+$0xFFFFFF80] =	vst v2  }
0x3e: {  	s18 =	sadd.s32 $0x400, s18;
	v7 =	vmul.f32 $1.442695020e+00, v7;
	v14 =	vld [tilespmem:s20+$0x100];
	v15 =	vmul.f32 v1, v0;
	v1 =	vpop (erf);
	[tilespmem:s19+$0x0] =	vst v4  }
.Ltmp0:
0x3f: {  	v6 =	vld [tilespmem:s20+$0xFFFFFE00];
	v9 =	vmul.f32 $1.442695020e+00, v9;
	(erf) = vpow2.f32 v3;
	[tilespmem:s18+$0x180] =	vst v10;
	v2 =	vpop (erf);
	(pc) =	sbr.rel @p1 .LBB2_3-.Ltmp0, $4  }
0x40: {  	v10 =	vmul.f32 $1.442695020e+00, v11;
	(erf) = vpow2.f32 v7;
	[tilespmem:s18+$0xFFFFFE80] =	vst v15;
	v4 =	vpop (erf)  }
0x41: {  	v11 =	vmul.f32 $1.442695020e+00, v8;
	(erf) = vpow2.f32 v9;
	v3 =	vpop (erf);
	[tilespmem:s19+$0x80] =	vst v12  }
0x42: {  	v7 =	vmul.f32 $1.442695020e+00, v5;
	(erf) = vpow2.f32 v10;
	v5 =	vpop (erf);
	[tilespmem:s19+$0x100] =	vst v13;
	s19 =	smov.u32 s18  }
0x43: {  	s20 =	sadd.s32 $0x1000, s20;
	v8 =	vmul.f32 $1.442695020e+00, v14;
	(erf) = vpow2.f32 v11;
	v9 =	vpop (erf)  }
0x44: {  	v6 =	vmul.f32 $1.442695020e+00, v6;
	(erf) = vpow2.f32 v7  }
0x45: {  	(erf) = vpow2.f32 v8  }
0x46: {  	v44 =	vmul.f32 v9, v0;
	(erf) = vpow2.f32 v6  }
0x47: {  	v1 =	vmul.f32 v1, v0  }
0x48: {  	v2 =	vmul.f32 v2, v0;
	[tilespmem:s18+$0xFFFFFE00] =	vst v44;
	v45 =	vpop (erf)  }
0x49: {  	v4 =	vmul.f32 v4, v0;
	[tilespmem:s18+$0xFFFFFF00] =	vst v1;
	v46 =	vpop (erf)  }
0x4a: {  	v3 =	vmul.f32 v3, v0;
	[tilespmem:s18+$0xFFFFFF80] =	vst v2;
	v47 =	vpop (erf)  }
0x4b: {  	v5 =	vmul.f32 v5, v0;
	[tilespmem:s19+$0x0] =	vst v4;
	v1 =	vpop (erf)  }
0x4c: {  	[tilespmem:s19+$0x80] =	vst v3;
	v7 =	vmul.f32 v45, v0;
	v2 =	vpop (erf)  }
0x4d: {  	s20 =	sadd.s32 $0x400, s18;
	[tilespmem:s19+$0x100] =	vst v5;
	v8 =	vmul.f32 v46, v0;
	v48 =	vpop (erf)  }
0x4e: {  	[tilespmem:s20+$0x180] =	vst v7;
	v51 =	vmul.f32 v47, v0;
	v49 =	vpop (erf)  }
0x4f: {  	[tilespmem:s20+$0xFFFFFE80] =	vst v8;
	v1 =	vmul.f32 v1, v0;
	v50 =	vpop (erf)  }
0x50: {  	[tilespmem:s20+$0xFFFFFF00] =	vst v51;
	v3 =	vmul.f32 v50, v0  }
0x51: {  	v2 =	vmul.f32 v2, v0;
	[tilespmem:s20+$0xFFFFFF80] =	vst v1  }
0x52: {  	[tilespmem:s20+$0xFFFFFE00] =	vst v3;
	v3 =	vmul.f32 v48, v0  }
0x53: {  	[tilespmem:s20+$0x0] =	vst v2;
	v0 =	vmul.f32 v49, v0  }
0x54: {  	[tilespmem:s20+$0x80] =	vst v3  }
0x55: {  	[tilespmem:s20+$0x100] =	vst v0  }
0x56: {  	v0 =	vld [tilespmem:s17+$0x180]  }
0x57: {  	v1 =	vld [tilespmem:s17+$0xFFFFFE80]  }
0x58: {  	v2 =	vld [tilespmem:s17+$0xFFFFFF00]  }
0x59: {  	v3 =	vld [tilespmem:s17+$0xFFFFFF80]  }
0x5a: {  	v52 =	vld [tilespmem:s17+$0x0]  }
0x5b: {  	v5 =	vld [tilespmem:s17+$0x80];
	v0 =	vmul.f32 $1.442695020e+00, v0  }
0x5c: {  	v53 =	vld [tilespmem:s17+$0x100];
	v1 =	vmul.f32 $1.442695020e+00, v1  }
0x5d: {  	s21 =	sadd.s32 $0x1000, s17;
	v54 =	vld [tilespmem:s17+$0xFFFFFE00];
	v2 =	vmul.f32 $1.442695020e+00, v2;
	(erf) = vpow2.f32 v0  }
0x5e: {  	v58 =	vld [tilespmem:s21+$0xFFFFFF80];
	v0 =	vmul.f32 $1.442695020e+00, v3;
	(erf) = vpow2.f32 v1  }
0x5f: {  	v60 =	vld [tilespmem:s21+$0x0];
	v1 =	vmul.f32 $1.442695020e+00, v52;
	(erf) = vpow2.f32 v2  }
0x60: {  	v11 =	vld [tilespmem:s21+$0x80];
	v2 =	vmul.f32 $1.442695020e+00, v5;
	(erf) = vpow2.f32 v0  }
0x61: {  	v13 =	vld [tilespmem:s21+$0x100];
	(erf) = vpow2.f32 v1;
	v1 =	vmul.f32 $1.442695020e+00, v53  }
0x62: {  	v3 =	vmul.f32 $1.442695020e+00, v54;
	v0 =	vld [tilespmem:$0x14010];
	(erf) = vpow2.f32 v2  }
0x63: {  	(erf) = vpow2.f32 v1;
	v1 =	vld [tilespmem:s21+$0x180]  }
0x64: {  	(erf) = vpow2.f32 v3;
	v3 =	vld [tilespmem:s21+$0xFFFFFE80]  }
0x65: {  	v56 =	vld [tilespmem:s21+$0xFFFFFF00]  }
0x66: {  	v7 =	vmul.f32 $1.442695020e+00, v58;
	v2 =	vpop (erf)  }
0x67: {  	v61 =	vmul.f32 $1.442695020e+00, v60;
	v62 =	vmul.f32 $1.442695020e+00, v11;
	v55 =	vpop (erf)  }
0x68: {  	v63 =	vmul.f32 $1.442695020e+00, v13;
	v57 =	vpop (erf);
	v1 =	vmul.f32 $1.442695020e+00, v1  }
0x69: {  	v2 =	vmul.f32 v2, v0;
	v59 =	vpop (erf);
	v3 =	vmul.f32 $1.442695020e+00, v3  }
0x6a: {  	v5 =	vmul.f32 $1.442695020e+00, v56;
	v10 =	vpop (erf);
	(erf) = vpow2.f32 v1  }
0x6b: {  	v4 =	vmul.f32 v55, v0;
	v12 =	vpop (erf);
	(erf) = vpow2.f32 v3;
	v3 =	vld [tilespmem:s21+$0xFFFFFE00]  }
0x6c: {  	v6 =	vmul.f32 v57, v0;
	[tilespmem:s15+$0x0] =	vst.add.f32.msk $0xffff, v2;
	v1 =	vpop (erf);
	(erf) = vpow2.f32 v5  }
0x6d: {  	v8 =	vmul.f32 v59, v0;
	[tilespmem:s15+$0xFFFFFD00] =	vst.add.f32.msk $0xffff, v4;
	v10 =	vmul.f32 v10, v0;
	v2 =	vpop (erf)  }
0x6e: {  	[tilespmem:s15+$0xFFFFFD80] =	vst.add.f32.msk $0xffff, v6;
	(erf) = vpow2.f32 v7;
	v2 =	vmul.f32 v2, v0  }
0x6f: {  	v12 =	vmul.f32 v12, v0;
	[tilespmem:s15+$0xFFFFFE00] =	vst.add.f32.msk $0xffff, v8;
	(erf) = vpow2.f32 v61  }
0x70: {  	(erf) = vpow2.f32 v62;
	[tilespmem:s15+$0xFFFFFC80] =	vst.add.f32.msk $0xffff, v2;
	v2 =	vmul.f32 $1.442695020e+00, v3  }
0x71: {  	s19 =	simm.s32 $0x8;
	[tilespmem:s15+$0xFFFFFE80] =	vst.add.f32.msk $0xffff, v10;
	v1 =	vmul.f32 v1, v0;
	(erf) = vpow2.f32 v63  }
0x72: {  	s18 =	smov.u32 s15;
	s20 =	sadd.s32 $0x1000, s21;
	s17 =	smov.u32 s15;
	[tilespmem:s15+$0xFFFFFF00] =	vst.add.f32.msk $0xffff, v12;
	(erf) = vpow2.f32 v2  }
.LBB2_5:
0x73: {  	v2 =	vld [tilespmem:s20+$0x180];
	s19 =	sadd.s32 $0x8, s19;
	v3 =	vpop (erf);
	v4 =	vmov v1  }
0x74: {  	v1 =	vld [tilespmem:s20+$0xFFFFFE80];
	p1 =	slt.u32 s19, $0x38;
	v3 =	vmul.f32 v3, v0;
	v5 =	vpop (erf)  }
0x75: {  	s18 =	sadd.s32 $0x400, s18;
	v6 =	vld [tilespmem:s20+$0xFFFFFF00];
	v5 =	vmul.f32 v5, v0;
	v7 =	vpop (erf)  }
0x76: {  	v7 =	vmul.f32 v7, v0;
	[tilespmem:s18+$0x0] =	vst.add.f32.msk $0xffff, v3  }
0x77: {  	v3 =	vld [tilespmem:s20+$0xFFFFFF80];
	v8 =	vpop (erf)  }
0x78: {  	v9 =	vld [tilespmem:s20+$0x0];
	v14 =	vmul.f32 $1.442695020e+00, v2;
	v8 =	vmul.f32 v8, v0;
	v10 =	vpop (erf)  }
0x79: {  	v1 =	vmul.f32 $1.442695020e+00, v1;
	v11 =	vld [tilespmem:s20+$0x80];
	v10 =	vmul.f32 v10, v0;
	v12 =	vpop (erf)  }
0x7a: {  	v6 =	vmul.f32 $1.442695020e+00, v6;
	v13 =	vld [tilespmem:s20+$0x100];
	(erf) = vpow2.f32 v14;
	v2 =	vpop (erf)  }
0x7b: {  	v14 =	vld [tilespmem:s20+$0xFFFFFE00];
	(erf) = vpow2.f32 v1;
	v1 =	vmul.f32 v12, v0;
	v12 =	vpop (erf)  }
0x7c: {  	v3 =	vmul.f32 $1.442695020e+00, v3;
	(erf) = vpow2.f32 v6;
	[tilespmem:s18+$0xFFFFFD00] =	vst.add.f32.msk $0xffff, v5  }
0x7d: {  	v6 =	vmul.f32 v12, v0;
	v5 =	vmul.f32 $1.442695020e+00, v9;
	[tilespmem:s18+$0xFFFFFD80] =	vst.add.f32.msk $0xffff, v7  }
.Ltmp1:
0x7e: {  	v7 =	vmul.f32 $1.442695020e+00, v11;
	(erf) = vpow2.f32 v3;
	[tilespmem:s18+$0xFFFFFE00] =	vst.add.f32.msk $0xffff, v8;
	(pc) =	sbr.rel @p1 .LBB2_5-.Ltmp1, $4  }
0x7f: {  	v3 =	vmul.f32 $1.442695020e+00, v13;
	(erf) = vpow2.f32 v5;
	[tilespmem:s18+$0xFFFFFC80] =	vst.add.f32.msk $0xffff, v6  }
0x80: {  	v5 =	vmul.f32 $1.442695020e+00, v14;
	(erf) = vpow2.f32 v7;
	[tilespmem:s18+$0xFFFFFE80] =	vst.add.f32.msk $0xffff, v10  }
0x81: {  	(erf) = vpow2.f32 v3;
	[tilespmem:s18+$0xFFFFFF00] =	vst.add.f32.msk $0xffff, v1;
	v1 =	vmul.f32 v2, v0  }
0x82: {  	s20 =	sadd.s32 $0x1000, s20;
	(erf) = vpow2.f32 v5;
	[tilespmem:s17+$0xFFFFFF80] =	vst.add.f32.msk $0xffff, v4;
	s17 =	smov.u32 s18  }
0x83: {  	_ = 	snop  }
0x84: {  	v2 =	vpop (erf)  }
0x85: {  	v3 =	vpop (erf)  }
0x86: {  	v2 =	vmul.f32 v2, v0;
	v4 =	vpop (erf)  }
0x87: {  	s18 =	sadd.s32 $0x400, s18;
	[tilespmem:s17+$0xFFFFFF80] =	vst.add.f32.msk $0xffff, v1;
	v3 =	vmul.f32 v3, v0;
	v5 =	vpop (erf)  }
0x88: {  	v4 =	vmul.f32 v4, v0;
	[tilespmem:s18+$0x0] =	vst.add.f32.msk $0xffff, v2;
	v6 =	vpop (erf)  }
0x89: {  	[tilespmem:s18+$0xFFFFFD00] =	vst.add.f32.msk $0xffff, v3;
	v5 =	vmul.f32 v5, v0;
	v7 =	vpop (erf)  }
0x8a: {  	[tilespmem:s18+$0xFFFFFD80] =	vst.add.f32.msk $0xffff, v4;
	v52 =	vmul.f32 v6, v0;
	v2 =	vpop (erf)  }
0x8b: {  	[tilespmem:s18+$0xFFFFFE00] =	vst.add.f32.msk $0xffff, v5;
	v53 =	vmul.f32 v7, v0;
	v8 =	vpop (erf)  }
0x8c: {  	[tilespmem:s18+$0xFFFFFE80] =	vst.add.f32.msk $0xffff, v52;
	v3 =	vmul.f32 v8, v0  }
0x8d: {  	[tilespmem:s18+$0xFFFFFF00] =	vst.add.f32.msk $0xffff, v53;
	v0 =	vmul.f32 v2, v0  }
0x8e: {  	[tilespmem:s18+$0xFFFFFC80] =	vst.add.f32.msk $0xffff, v3  }
0x8f: {  	[tilespmem:s18+$0xFFFFFF80] =	vst.add.f32.msk $0xffff, v0  }
0x90: {  	v0 =	vld [tilespmem:s13+$0x180]  }
0x91: {  	v1 =	vld [tilespmem:s13+$0xFFFFFE80]  }
0x92: {  	v2 =	vld [tilespmem:s13+$0xFFFFFF00]  }
0x93: {  	v3 =	vld [tilespmem:s13+$0xFFFFFF80]  }
0x94: {  	v4 =	vld [tilespmem:s13+$0x0]  }
0x95: {  	v5 =	vld [tilespmem:s13+$0x80];
	v0 =	vmul.f32 $1.442695020e+00, v0  }
0x96: {  	v54 =	vld [tilespmem:s13+$0x100];
	v1 =	vmul.f32 $1.442695020e+00, v1  }
0x97: {  	s21 =	sadd.s32 $0x1000, s13;
	v55 =	vld [tilespmem:s13+$0xFFFFFE00];
	v2 =	vmul.f32 $1.442695020e+00, v2;
	(erf) = vpow2.f32 v0  }
0x98: {  	v59 =	vld [tilespmem:s21+$0xFFFFFF80];
	v0 =	vmul.f32 $1.442695020e+00, v3;
	(erf) = vpow2.f32 v1  }
0x99: {  	v9 =	vld [tilespmem:s21+$0x0];
	v1 =	vmul.f32 $1.442695020e+00, v4;
	(erf) = vpow2.f32 v2  }
0x9a: {  	v11 =	vld [tilespmem:s21+$0x80];
	v2 =	vmul.f32 $1.442695020e+00, v5;
	(erf) = vpow2.f32 v0  }
0x9b: {  	v13 =	vld [tilespmem:s21+$0x100];
	(erf) = vpow2.f32 v1;
	v1 =	vmul.f32 $1.442695020e+00, v54  }
0x9c: {  	v3 =	vmul.f32 $1.442695020e+00, v55;
	v0 =	vld [tilespmem:$0x14020];
	(erf) = vpow2.f32 v2  }
0x9d: {  	(erf) = vpow2.f32 v1;
	v1 =	vld [tilespmem:s21+$0x180]  }
0x9e: {  	(erf) = vpow2.f32 v3;
	v3 =	vld [tilespmem:s21+$0xFFFFFE80]  }
0x9f: {  	v57 =	vld [tilespmem:s21+$0xFFFFFF00]  }
0xa0: {  	v7 =	vmul.f32 $1.442695020e+00, v59;
	v2 =	vpop (erf)  }
0xa1: {  	v61 =	vmul.f32 $1.442695020e+00, v9;
	v62 =	vmul.f32 $1.442695020e+00, v11;
	v56 =	vpop (erf)  }
0xa2: {  	v63 =	vmul.f32 $1.442695020e+00, v13;
	v58 =	vpop (erf);
	v1 =	vmul.f32 $1.442695020e+00, v1  }
0xa3: {  	v2 =	vmul.f32 v2, v0;
	v60 =	vpop (erf);
	v3 =	vmul.f32 $1.442695020e+00, v3  }
0xa4: {  	v5 =	vmul.f32 $1.442695020e+00, v57;
	v10 =	vpop (erf);
	(erf) = vpow2.f32 v1  }
0xa5: {  	v4 =	vmul.f32 v56, v0;
	v12 =	vpop (erf);
	(erf) = vpow2.f32 v3;
	v3 =	vld [tilespmem:s21+$0xFFFFFE00]  }
0xa6: {  	v6 =	vmul.f32 v58, v0;
	[tilespmem:s15+$0x0] =	vst.add.f32.msk $0xffff, v2;
	v1 =	vpop (erf);
	(erf) = vpow2.f32 v5  }
0xa7: {  	v8 =	vmul.f32 v60, v0;
	[tilespmem:s15+$0xFFFFFD00] =	vst.add.f32.msk $0xffff, v4;
	v10 =	vmul.f32 v10, v0;
	v2 =	vpop (erf)  }
0xa8: {  	[tilespmem:s15+$0xFFFFFD80] =	vst.add.f32.msk $0xffff, v6;
	(erf) = vpow2.f32 v7;
	v2 =	vmul.f32 v2, v0  }
0xa9: {  	v12 =	vmul.f32 v12, v0;
	[tilespmem:s15+$0xFFFFFE00] =	vst.add.f32.msk $0xffff, v8;
	(erf) = vpow2.f32 v61  }
0xaa: {  	(erf) = vpow2.f32 v62;
	[tilespmem:s15+$0xFFFFFC80] =	vst.add.f32.msk $0xffff, v2;
	v2 =	vmul.f32 $1.442695020e+00, v3  }
0xab: {  	s17 =	smov.u32 s15;
	[tilespmem:s15+$0xFFFFFE80] =	vst.add.f32.msk $0xffff, v10;
	v1 =	vmul.f32 v1, v0;
	(erf) = vpow2.f32 v63  }
0xac: {  	s19 =	sadd.s32 $0x1000, s21;
	s18 =	simm.s32 $0x8;
	s13 =	smov.u32 s15;
	[tilespmem:s15+$0xFFFFFF00] =	vst.add.f32.msk $0xffff, v12;
	(erf) = vpow2.f32 v2  }
.LBB2_7:
0xad: {  	v2 =	vld [tilespmem:s19+$0x180];
	s18 =	sadd.s32 $0x8, s18;
	v3 =	vpop (erf);
	v4 =	vmov v1  }
0xae: {  	v1 =	vld [tilespmem:s19+$0xFFFFFE80];
	p1 =	slt.u32 s18, $0x38;
	v3 =	vmul.f32 v3, v0;
	v5 =	vpop (erf)  }
0xaf: {  	s17 =	sadd.s32 $0x400, s17;
	v6 =	vld [tilespmem:s19+$0xFFFFFF00];
	v5 =	vmul.f32 v5, v0;
	v7 =	vpop (erf)  }
0xb0: {  	v7 =	vmul.f32 v7, v0;
	[tilespmem:s17+$0x0] =	vst.add.f32.msk $0xffff, v3  }
0xb1: {  	v3 =	vld [tilespmem:s19+$0xFFFFFF80];
	v8 =	vpop (erf)  }
0xb2: {  	v9 =	vld [tilespmem:s19+$0x0];
	v14 =	vmul.f32 $1.442695020e+00, v2;
	v8 =	vmul.f32 v8, v0;
	v10 =	vpop (erf)  }
0xb3: {  	v1 =	vmul.f32 $1.442695020e+00, v1;
	v11 =	vld [tilespmem:s19+$0x80];
	v10 =	vmul.f32 v10, v0;
	v12 =	vpop (erf)  }
0xb4: {  	v6 =	vmul.f32 $1.442695020e+00, v6;
	v13 =	vld [tilespmem:s19+$0x100];
	(erf) = vpow2.f32 v14;
	v2 =	vpop (erf)  }
0xb5: {  	v14 =	vld [tilespmem:s19+$0xFFFFFE00];
	(erf) = vpow2.f32 v1;
	v1 =	vmul.f32 v12, v0;
	v12 =	vpop (erf)  }
0xb6: {  	v3 =	vmul.f32 $1.442695020e+00, v3;
	(erf) = vpow2.f32 v6;
	[tilespmem:s17+$0xFFFFFD00] =	vst.add.f32.msk $0xffff, v5  }
0xb7: {  	v6 =	vmul.f32 v12, v0;
	v5 =	vmul.f32 $1.442695020e+00, v9;
	[tilespmem:s17+$0xFFFFFD80] =	vst.add.f32.msk $0xffff, v7  }
.Ltmp2:
0xb8: {  	v7 =	vmul.f32 $1.442695020e+00, v11;
	(erf) = vpow2.f32 v3;
	[tilespmem:s17+$0xFFFFFE00] =	vst.add.f32.msk $0xffff, v8;
	(pc) =	sbr.rel @p1 .LBB2_7-.Ltmp2, $4  }
0xb9: {  	v3 =	vmul.f32 $1.442695020e+00, v13;
	(erf) = vpow2.f32 v5;
	[tilespmem:s17+$0xFFFFFC80] =	vst.add.f32.msk $0xffff, v6  }
0xba: {  	v5 =	vmul.f32 $1.442695020e+00, v14;
	(erf) = vpow2.f32 v7;
	[tilespmem:s17+$0xFFFFFE80] =	vst.add.f32.msk $0xffff, v10  }
0xbb: {  	(erf) = vpow2.f32 v3;
	[tilespmem:s17+$0xFFFFFF00] =	vst.add.f32.msk $0xffff, v1;
	v1 =	vmul.f32 v2, v0  }
0xbc: {  	s19 =	sadd.s32 $0x1000, s19;
	(erf) = vpow2.f32 v5;
	[tilespmem:s13+$0xFFFFFF80] =	vst.add.f32.msk $0xffff, v4;
	s13 =	smov.u32 s17  }
0xbd: {  	_ = 	snop  }
0xbe: {  	v2 =	vpop (erf)  }
0xbf: {  	v3 =	vpop (erf)  }
0xc0: {  	v2 =	vmul.f32 v2, v0;
	v4 =	vpop (erf)  }
0xc1: {  	s17 =	sadd.s32 $0x400, s17;
	[tilespmem:s13+$0xFFFFFF80] =	vst.add.f32.msk $0xffff, v1;
	v3 =	vmul.f32 v3, v0;
	v5 =	vpop (erf)  }
0xc2: {  	v4 =	vmul.f32 v4, v0;
	[tilespmem:s17+$0x0] =	vst.add.f32.msk $0xffff, v2;
	v6 =	vpop (erf)  }
0xc3: {  	[tilespmem:s17+$0xFFFFFD00] =	vst.add.f32.msk $0xffff, v3;
	v5 =	vmul.f32 v5, v0;
	v7 =	vpop (erf)  }
0xc4: {  	[tilespmem:s17+$0xFFFFFD80] =	vst.add.f32.msk $0xffff, v4;
	v52 =	vmul.f32 v6, v0;
	v2 =	vpop (erf)  }
0xc5: {  	[tilespmem:s17+$0xFFFFFE00] =	vst.add.f32.msk $0xffff, v5;
	v53 =	vmul.f32 v7, v0;
	v8 =	vpop (erf)  }
0xc6: {  	[tilespmem:s17+$0xFFFFFE80] =	vst.add.f32.msk $0xffff, v52;
	v3 =	vmul.f32 v8, v0  }
0xc7: {  	[tilespmem:s17+$0xFFFFFF00] =	vst.add.f32.msk $0xffff, v53;
	v0 =	vmul.f32 v2, v0  }
0xc8: {  	[tilespmem:s17+$0xFFFFFC80] =	vst.add.f32.msk $0xffff, v3  }
0xc9: {  	[tilespmem:s17+$0xFFFFFF80] =	vst.add.f32.msk $0xffff, v0  }
0xca: {  	v0 =	vld [tilespmem:s14+$0x180]  }
0xcb: {  	v1 =	vld [tilespmem:s14+$0xFFFFFE80]  }
0xcc: {  	v2 =	vld [tilespmem:s14+$0xFFFFFF00]  }
0xcd: {  	v3 =	vld [tilespmem:s14+$0xFFFFFF80]  }
0xce: {  	v4 =	vld [tilespmem:s14+$0x0]  }
0xcf: {  	v5 =	vld [tilespmem:s14+$0x80];
	v0 =	vmul.f32 $1.442695020e+00, v0  }
0xd0: {  	v54 =	vld [tilespmem:s14+$0x100];
	v1 =	vmul.f32 $1.442695020e+00, v1  }
0xd1: {  	s21 =	sadd.s32 $0x1000, s14;
	v55 =	vld [tilespmem:s14+$0xFFFFFE00];
	v2 =	vmul.f32 $1.442695020e+00, v2;
	(erf) = vpow2.f32 v0  }
0xd2: {  	v59 =	vld [tilespmem:s21+$0xFFFFFF80];
	v0 =	vmul.f32 $1.442695020e+00, v3;
	(erf) = vpow2.f32 v1  }
0xd3: {  	v9 =	vld [tilespmem:s21+$0x0];
	v1 =	vmul.f32 $1.442695020e+00, v4;
	(erf) = vpow2.f32 v2  }
0xd4: {  	v11 =	vld [tilespmem:s21+$0x80];
	v2 =	vmul.f32 $1.442695020e+00, v5;
	(erf) = vpow2.f32 v0  }
0xd5: {  	v13 =	vld [tilespmem:s21+$0x100];
	(erf) = vpow2.f32 v1;
	v1 =	vmul.f32 $1.442695020e+00, v54  }
0xd6: {  	v3 =	vmul.f32 $1.442695020e+00, v55;
	v0 =	vld [tilespmem:$0x14030];
	(erf) = vpow2.f32 v2  }
0xd7: {  	(erf) = vpow2.f32 v1;
	v1 =	vld [tilespmem:s21+$0x180]  }
0xd8: {  	(erf) = vpow2.f32 v3;
	v3 =	vld [tilespmem:s21+$0xFFFFFE80]  }
0xd9: {  	v57 =	vld [tilespmem:s21+$0xFFFFFF00]  }
0xda: {  	v7 =	vmul.f32 $1.442695020e+00, v59;
	v2 =	vpop (erf)  }
0xdb: {  	v61 =	vmul.f32 $1.442695020e+00, v9;
	v62 =	vmul.f32 $1.442695020e+00, v11;
	v56 =	vpop (erf)  }
0xdc: {  	v63 =	vmul.f32 $1.442695020e+00, v13;
	v58 =	vpop (erf);
	v1 =	vmul.f32 $1.442695020e+00, v1  }
0xdd: {  	v2 =	vmul.f32 v2, v0;
	v60 =	vpop (erf);
	v3 =	vmul.f32 $1.442695020e+00, v3  }
0xde: {  	v5 =	vmul.f32 $1.442695020e+00, v57;
	v10 =	vpop (erf);
	(erf) = vpow2.f32 v1  }
0xdf: {  	v4 =	vmul.f32 v56, v0;
	v12 =	vpop (erf);
	(erf) = vpow2.f32 v3;
	v3 =	vld [tilespmem:s21+$0xFFFFFE00]  }
0xe0: {  	v6 =	vmul.f32 v58, v0;
	[tilespmem:s15+$0x0] =	vst.add.f32.msk $0xffff, v2;
	v1 =	vpop (erf);
	(erf) = vpow2.f32 v5  }
0xe1: {  	v8 =	vmul.f32 v60, v0;
	[tilespmem:s15+$0xFFFFFD00] =	vst.add.f32.msk $0xffff, v4;
	v10 =	vmul.f32 v10, v0;
	v2 =	vpop (erf)  }
0xe2: {  	[tilespmem:s15+$0xFFFFFD80] =	vst.add.f32.msk $0xffff, v6;
	(erf) = vpow2.f32 v7;
	v2 =	vmul.f32 v2, v0  }
0xe3: {  	v12 =	vmul.f32 v12, v0;
	[tilespmem:s15+$0xFFFFFE00] =	vst.add.f32.msk $0xffff, v8;
	(erf) = vpow2.f32 v61  }
0xe4: {  	(erf) = vpow2.f32 v62;
	[tilespmem:s15+$0xFFFFFC80] =	vst.add.f32.msk $0xffff, v2;
	v2 =	vmul.f32 $1.442695020e+00, v3  }
0xe5: {  	s13 =	smov.u32 s15;
	[tilespmem:s15+$0xFFFFFE80] =	vst.add.f32.msk $0xffff, v10;
	v1 =	vmul.f32 v1, v0;
	(erf) = vpow2.f32 v63  }
0xe6: {  	s18 =	sadd.s32 $0x1000, s21;
	s17 =	simm.s32 $0x8;
	s14 =	smov.u32 s15;
	[tilespmem:s15+$0xFFFFFF00] =	vst.add.f32.msk $0xffff, v12;
	(erf) = vpow2.f32 v2  }
.LBB2_9:
0xe7: {  	v2 =	vld [tilespmem:s18+$0x180];
	s17 =	sadd.s32 $0x8, s17;
	v3 =	vpop (erf);
	v4 =	vmov v1  }
0xe8: {  	v1 =	vld [tilespmem:s18+$0xFFFFFE80];
	p1 =	slt.u32 s17, $0x38;
	v3 =	vmul.f32 v3, v0;
	v5 =	vpop (erf)  }
0xe9: {  	s14 =	sadd.s32 $0x400, s14;
	v6 =	vld [tilespmem:s18+$0xFFFFFF00];
	v5 =	vmul.f32 v5, v0;
	v7 =	vpop (erf)  }
0xea: {  	v7 =	vmul.f32 v7, v0;
	[tilespmem:s14+$0x0] =	vst.add.f32.msk $0xffff, v3  }
0xeb: {  	v3 =	vld [tilespmem:s18+$0xFFFFFF80];
	v8 =	vpop (erf)  }
0xec: {  	v9 =	vld [tilespmem:s18+$0x0];
	v14 =	vmul.f32 $1.442695020e+00, v2;
	v8 =	vmul.f32 v8, v0;
	v10 =	vpop (erf)  }
0xed: {  	v1 =	vmul.f32 $1.442695020e+00, v1;
	v11 =	vld [tilespmem:s18+$0x80];
	v10 =	vmul.f32 v10, v0;
	v12 =	vpop (erf)  }
0xee: {  	v6 =	vmul.f32 $1.442695020e+00, v6;
	v13 =	vld [tilespmem:s18+$0x100];
	(erf) = vpow2.f32 v14;
	v2 =	vpop (erf)  }
0xef: {  	v14 =	vld [tilespmem:s18+$0xFFFFFE00];
	(erf) = vpow2.f32 v1;
	v1 =	vmul.f32 v12, v0;
	v12 =	vpop (erf)  }
0xf0: {  	v3 =	vmul.f32 $1.442695020e+00, v3;
	(erf) = vpow2.f32 v6;
	[tilespmem:s14+$0xFFFFFD00] =	vst.add.f32.msk $0xffff, v5  }
0xf1: {  	v6 =	vmul.f32 v12, v0;
	v5 =	vmul.f32 $1.442695020e+00, v9;
	[tilespmem:s14+$0xFFFFFD80] =	vst.add.f32.msk $0xffff, v7  }
.Ltmp3:
0xf2: {  	v7 =	vmul.f32 $1.442695020e+00, v11;
	(erf) = vpow2.f32 v3;
	[tilespmem:s14+$0xFFFFFE00] =	vst.add.f32.msk $0xffff, v8;
	(pc) =	sbr.rel @p1 .LBB2_9-.Ltmp3, $4  }
0xf3: {  	v3 =	vmul.f32 $1.442695020e+00, v13;
	(erf) = vpow2.f32 v5;
	[tilespmem:s14+$0xFFFFFC80] =	vst.add.f32.msk $0xffff, v6  }
0xf4: {  	v5 =	vmul.f32 $1.442695020e+00, v14;
	(erf) = vpow2.f32 v7;
	[tilespmem:s14+$0xFFFFFE80] =	vst.add.f32.msk $0xffff, v10  }
0xf5: {  	(erf) = vpow2.f32 v3;
	[tilespmem:s14+$0xFFFFFF00] =	vst.add.f32.msk $0xffff, v1;
	v1 =	vmul.f32 v2, v0  }
0xf6: {  	s18 =	sadd.s32 $0x1000, s18;
	(erf) = vpow2.f32 v5;
	[tilespmem:s13+$0xFFFFFF80] =	vst.add.f32.msk $0xffff, v4;
	s13 =	smov.u32 s14  }
0xf7: {  	_ = 	snop  }
0xf8: {  	v2 =	vpop (erf)  }
0xf9: {  	v3 =	vpop (erf)  }
0xfa: {  	v2 =	vmul.f32 v2, v0;
	v4 =	vpop (erf)  }
0xfb: {  	s14 =	sadd.s32 $0x400, s14;
	[tilespmem:s13+$0xFFFFFF80] =	vst.add.f32.msk $0xffff, v1;
	v3 =	vmul.f32 v3, v0;
	v5 =	vpop (erf)  }
0xfc: {  	v4 =	vmul.f32 v4, v0;
	[tilespmem:s14+$0x0] =	vst.add.f32.msk $0xffff, v2;
	v6 =	vpop (erf)  }
0xfd: {  	[tilespmem:s14+$0xFFFFFD00] =	vst.add.f32.msk $0xffff, v3;
	v5 =	vmul.f32 v5, v0;
	v7 =	vpop (erf)  }
0xfe: {  	[tilespmem:s14+$0xFFFFFD80] =	vst.add.f32.msk $0xffff, v4;
	v52 =	vmul.f32 v6, v0;
	v2 =	vpop (erf)  }
0xff: {  	[tilespmem:s14+$0xFFFFFE00] =	vst.add.f32.msk $0xffff, v5;
	v53 =	vmul.f32 v7, v0;
	v8 =	vpop (erf)  }
0x100: {  	[tilespmem:s14+$0xFFFFFE80] =	vst.add.f32.msk $0xffff, v52;
	v3 =	vmul.f32 v8, v0  }
0x101: {  	[tilespmem:s14+$0xFFFFFF00] =	vst.add.f32.msk $0xffff, v53;
	v0 =	vmul.f32 v2, v0  }
0x102: {  	[tilespmem:s14+$0xFFFFFC80] =	vst.add.f32.msk $0xffff, v3  }
0x103: {  	[tilespmem:s14+$0xFFFFFF80] =	vst.add.f32.msk $0xffff, v0  }
0x104: {  	v0 =	vld [tilespmem:s12+$0x180]  }
0x105: {  	v1 =	vld [tilespmem:s12+$0xFFFFFE80]  }
0x106: {  	v2 =	vld [tilespmem:s12+$0xFFFFFF00]  }
0x107: {  	v3 =	vld [tilespmem:s12+$0xFFFFFF80]  }
0x108: {  	v4 =	vld [tilespmem:s12+$0x0]  }
0x109: {  	v5 =	vld [tilespmem:s12+$0x80];
	v0 =	vmul.f32 $1.442695020e+00, v0  }
0x10a: {  	v54 =	vld [tilespmem:s12+$0x100];
	v1 =	vmul.f32 $1.442695020e+00, v1  }
0x10b: {  	s21 =	sadd.s32 $0x1000, s12;
	v55 =	vld [tilespmem:s12+$0xFFFFFE00];
	v2 =	vmul.f32 $1.442695020e+00, v2;
	(erf) = vpow2.f32 v0  }
0x10c: {  	v59 =	vld [tilespmem:s21+$0xFFFFFF80];
	v0 =	vmul.f32 $1.442695020e+00, v3;
	(erf) = vpow2.f32 v1  }
0x10d: {  	v9 =	vld [tilespmem:s21+$0x0];
	v1 =	vmul.f32 $1.442695020e+00, v4;
	(erf) = vpow2.f32 v2  }
0x10e: {  	v11 =	vld [tilespmem:s21+$0x80];
	v2 =	vmul.f32 $1.442695020e+00, v5;
	(erf) = vpow2.f32 v0  }
0x10f: {  	v13 =	vld [tilespmem:s21+$0x100];
	(erf) = vpow2.f32 v1;
	v1 =	vmul.f32 $1.442695020e+00, v54  }
0x110: {  	v3 =	vmul.f32 $1.442695020e+00, v55;
	v0 =	vld [tilespmem:$0x14040];
	(erf) = vpow2.f32 v2  }
0x111: {  	(erf) = vpow2.f32 v1;
	v1 =	vld [tilespmem:s21+$0x180]  }
0x112: {  	(erf) = vpow2.f32 v3;
	v3 =	vld [tilespmem:s21+$0xFFFFFE80]  }
0x113: {  	v57 =	vld [tilespmem:s21+$0xFFFFFF00]  }
0x114: {  	v7 =	vmul.f32 $1.442695020e+00, v59;
	v2 =	vpop (erf)  }
0x115: {  	v61 =	vmul.f32 $1.442695020e+00, v9;
	v62 =	vmul.f32 $1.442695020e+00, v11;
	v56 =	vpop (erf)  }
0x116: {  	v63 =	vmul.f32 $1.442695020e+00, v13;
	v58 =	vpop (erf);
	v1 =	vmul.f32 $1.442695020e+00, v1  }
0x117: {  	v2 =	vmul.f32 v2, v0;
	v60 =	vpop (erf);
	v3 =	vmul.f32 $1.442695020e+00, v3  }
0x118: {  	v5 =	vmul.f32 $1.442695020e+00, v57;
	v10 =	vpop (erf);
	(erf) = vpow2.f32 v1  }
0x119: {  	v4 =	vmul.f32 v56, v0;
	v12 =	vpop (erf);
	(erf) = vpow2.f32 v3;
	v3 =	vld [tilespmem:s21+$0xFFFFFE00]  }
0x11a: {  	v6 =	vmul.f32 v58, v0;
	[tilespmem:s15+$0x0] =	vst.add.f32.msk $0xffff, v2;
	v1 =	vpop (erf);
	(erf) = vpow2.f32 v5  }
0x11b: {  	v8 =	vmul.f32 v60, v0;
	[tilespmem:s15+$0xFFFFFD00] =	vst.add.f32.msk $0xffff, v4;
	v10 =	vmul.f32 v10, v0;
	v2 =	vpop (erf)  }
0x11c: {  	[tilespmem:s15+$0xFFFFFD80] =	vst.add.f32.msk $0xffff, v6;
	(erf) = vpow2.f32 v7;
	v2 =	vmul.f32 v2, v0  }
0x11d: {  	v12 =	vmul.f32 v12, v0;
	[tilespmem:s15+$0xFFFFFE00] =	vst.add.f32.msk $0xffff, v8;
	(erf) = vpow2.f32 v61  }
0x11e: {  	(erf) = vpow2.f32 v62;
	[tilespmem:s15+$0xFFFFFC80] =	vst.add.f32.msk $0xffff, v2;
	v2 =	vmul.f32 $1.442695020e+00, v3  }
0x11f: {  	s13 =	smov.u32 s15;
	[tilespmem:s15+$0xFFFFFE80] =	vst.add.f32.msk $0xffff, v10;
	v1 =	vmul.f32 v1, v0;
	(erf) = vpow2.f32 v63  }
0x120: {  	s17 =	sadd.s32 $0x1000, s21;
	s14 =	simm.s32 $0x8;
	s12 =	smov.u32 s15;
	[tilespmem:s15+$0xFFFFFF00] =	vst.add.f32.msk $0xffff, v12;
	(erf) = vpow2.f32 v2  }
.LBB2_11:
0x121: {  	v2 =	vld [tilespmem:s17+$0x180];
	s14 =	sadd.s32 $0x8, s14;
	v3 =	vpop (erf);
	v4 =	vmov v1  }
0x122: {  	v1 =	vld [tilespmem:s17+$0xFFFFFE80];
	p1 =	slt.u32 s14, $0x38;
	v3 =	vmul.f32 v3, v0;
	v5 =	vpop (erf)  }
0x123: {  	s13 =	sadd.s32 $0x400, s13;
	v6 =	vld [tilespmem:s17+$0xFFFFFF00];
	v5 =	vmul.f32 v5, v0;
	v7 =	vpop (erf)  }
0x124: {  	v7 =	vmul.f32 v7, v0;
	[tilespmem:s13+$0x0] =	vst.add.f32.msk $0xffff, v3  }
0x125: {  	v3 =	vld [tilespmem:s17+$0xFFFFFF80];
	v8 =	vpop (erf)  }
0x126: {  	v9 =	vld [tilespmem:s17+$0x0];
	v14 =	vmul.f32 $1.442695020e+00, v2;
	v8 =	vmul.f32 v8, v0;
	v10 =	vpop (erf)  }
0x127: {  	v1 =	vmul.f32 $1.442695020e+00, v1;
	v11 =	vld [tilespmem:s17+$0x80];
	v10 =	vmul.f32 v10, v0;
	v12 =	vpop (erf)  }
0x128: {  	v6 =	vmul.f32 $1.442695020e+00, v6;
	v13 =	vld [tilespmem:s17+$0x100];
	(erf) = vpow2.f32 v14;
	v2 =	vpop (erf)  }
0x129: {  	v14 =	vld [tilespmem:s17+$0xFFFFFE00];
	(erf) = vpow2.f32 v1;
	v1 =	vmul.f32 v12, v0;
	v12 =	vpop (erf)  }
0x12a: {  	v3 =	vmul.f32 $1.442695020e+00, v3;
	(erf) = vpow2.f32 v6;
	[tilespmem:s13+$0xFFFFFD00] =	vst.add.f32.msk $0xffff, v5  }
0x12b: {  	v6 =	vmul.f32 v12, v0;
	v5 =	vmul.f32 $1.442695020e+00, v9;
	[tilespmem:s13+$0xFFFFFD80] =	vst.add.f32.msk $0xffff, v7  }
.Ltmp4:
0x12c: {  	v7 =	vmul.f32 $1.442695020e+00, v11;
	(erf) = vpow2.f32 v3;
	[tilespmem:s13+$0xFFFFFE00] =	vst.add.f32.msk $0xffff, v8;
	(pc) =	sbr.rel @p1 .LBB2_11-.Ltmp4, $4  }
0x12d: {  	v3 =	vmul.f32 $1.442695020e+00, v13;
	(erf) = vpow2.f32 v5;
	[tilespmem:s13+$0xFFFFFC80] =	vst.add.f32.msk $0xffff, v6  }
0x12e: {  	v5 =	vmul.f32 $1.442695020e+00, v14;
	(erf) = vpow2.f32 v7;
	[tilespmem:s13+$0xFFFFFE80] =	vst.add.f32.msk $0xffff, v10  }
0x12f: {  	(erf) = vpow2.f32 v3;
	[tilespmem:s13+$0xFFFFFF00] =	vst.add.f32.msk $0xffff, v1;
	v1 =	vmul.f32 v2, v0  }
0x130: {  	s17 =	sadd.s32 $0x1000, s17;
	(erf) = vpow2.f32 v5;
	[tilespmem:s12+$0xFFFFFF80] =	vst.add.f32.msk $0xffff, v4;
	s12 =	smov.u32 s13  }
0x131: {  	_ = 	snop  }
0x132: {  	v2 =	vpop (erf)  }
0x133: {  	v3 =	vpop (erf)  }
0x134: {  	v2 =	vmul.f32 v2, v0;
	v4 =	vpop (erf)  }
0x135: {  	s13 =	sadd.s32 $0x400, s13;
	[tilespmem:s12+$0xFFFFFF80] =	vst.add.f32.msk $0xffff, v1;
	v3 =	vmul.f32 v3, v0;
	v5 =	vpop (erf)  }
0x136: {  	v4 =	vmul.f32 v4, v0;
	[tilespmem:s13+$0x0] =	vst.add.f32.msk $0xffff, v2;
	v6 =	vpop (erf)  }
0x137: {  	[tilespmem:s13+$0xFFFFFD00] =	vst.add.f32.msk $0xffff, v3;
	v5 =	vmul.f32 v5, v0;
	v7 =	vpop (erf)  }
0x138: {  	[tilespmem:s13+$0xFFFFFD80] =	vst.add.f32.msk $0xffff, v4;
	v52 =	vmul.f32 v6, v0;
	v2 =	vpop (erf)  }
0x139: {  	[tilespmem:s13+$0xFFFFFE00] =	vst.add.f32.msk $0xffff, v5;
	v53 =	vmul.f32 v7, v0;
	v8 =	vpop (erf)  }
0x13a: {  	[tilespmem:s13+$0xFFFFFE80] =	vst.add.f32.msk $0xffff, v52;
	v3 =	vmul.f32 v8, v0  }
0x13b: {  	[tilespmem:s13+$0xFFFFFF00] =	vst.add.f32.msk $0xffff, v53;
	v0 =	vmul.f32 v2, v0  }
0x13c: {  	[tilespmem:s13+$0xFFFFFC80] =	vst.add.f32.msk $0xffff, v3  }
0x13d: {  	[tilespmem:s13+$0xFFFFFF80] =	vst.add.f32.msk $0xffff, v0  }
0x13e: {  	v0 =	vld [tilespmem:s16+$0x180]  }
0x13f: {  	v1 =	vld [tilespmem:s16+$0xFFFFFE80]  }
0x140: {  	v2 =	vld [tilespmem:s16+$0xFFFFFF00]  }
0x141: {  	v3 =	vld [tilespmem:s16+$0xFFFFFF80]  }
0x142: {  	v4 =	vld [tilespmem:s16+$0x0]  }
0x143: {  	v5 =	vld [tilespmem:s16+$0x80];
	v0 =	vmul.f32 $1.442695020e+00, v0  }
0x144: {  	v54 =	vld [tilespmem:s16+$0x100];
	v1 =	vmul.f32 $1.442695020e+00, v1  }
0x145: {  	s21 =	sadd.s32 $0x1000, s16;
	v55 =	vld [tilespmem:s16+$0xFFFFFE00];
	v2 =	vmul.f32 $1.442695020e+00, v2;
	(erf) = vpow2.f32 v0  }
0x146: {  	v59 =	vld [tilespmem:s21+$0xFFFFFF80];
	v0 =	vmul.f32 $1.442695020e+00, v3;
	(erf) = vpow2.f32 v1  }
0x147: {  	v9 =	vld [tilespmem:s21+$0x0];
	v1 =	vmul.f32 $1.442695020e+00, v4;
	(erf) = vpow2.f32 v2  }
0x148: {  	v11 =	vld [tilespmem:s21+$0x80];
	v2 =	vmul.f32 $1.442695020e+00, v5;
	(erf) = vpow2.f32 v0  }
0x149: {  	v13 =	vld [tilespmem:s21+$0x100];
	(erf) = vpow2.f32 v1;
	v1 =	vmul.f32 $1.442695020e+00, v54  }
0x14a: {  	v3 =	vmul.f32 $1.442695020e+00, v55;
	v0 =	vld [tilespmem:$0x14050];
	(erf) = vpow2.f32 v2  }
0x14b: {  	(erf) = vpow2.f32 v1;
	v1 =	vld [tilespmem:s21+$0x180]  }
0x14c: {  	(erf) = vpow2.f32 v3;
	v3 =	vld [tilespmem:s21+$0xFFFFFE80]  }
0x14d: {  	v57 =	vld [tilespmem:s21+$0xFFFFFF00]  }
0x14e: {  	v7 =	vmul.f32 $1.442695020e+00, v59;
	v2 =	vpop (erf)  }
0x14f: {  	v61 =	vmul.f32 $1.442695020e+00, v9;
	v62 =	vmul.f32 $1.442695020e+00, v11;
	v56 =	vpop (erf)  }
0x150: {  	v63 =	vmul.f32 $1.442695020e+00, v13;
	v58 =	vpop (erf);
	v1 =	vmul.f32 $1.442695020e+00, v1  }
0x151: {  	v2 =	vmul.f32 v2, v0;
	v60 =	vpop (erf);
	v3 =	vmul.f32 $1.442695020e+00, v3  }
0x152: {  	v5 =	vmul.f32 $1.442695020e+00, v57;
	v10 =	vpop (erf);
	(erf) = vpow2.f32 v1  }
0x153: {  	v4 =	vmul.f32 v56, v0;
	v12 =	vpop (erf);
	(erf) = vpow2.f32 v3;
	v3 =	vld [tilespmem:s21+$0xFFFFFE00]  }
0x154: {  	v6 =	vmul.f32 v58, v0;
	[tilespmem:s15+$0x0] =	vst.add.f32.msk $0xffff, v2;
	v1 =	vpop (erf);
	(erf) = vpow2.f32 v5  }
0x155: {  	v8 =	vmul.f32 v60, v0;
	[tilespmem:s15+$0xFFFFFD00] =	vst.add.f32.msk $0xffff, v4;
	v10 =	vmul.f32 v10, v0;
	v2 =	vpop (erf)  }
0x156: {  	[tilespmem:s15+$0xFFFFFD80] =	vst.add.f32.msk $0xffff, v6;
	(erf) = vpow2.f32 v7;
	v2 =	vmul.f32 v2, v0  }
0x157: {  	v12 =	vmul.f32 v12, v0;
	[tilespmem:s15+$0xFFFFFE00] =	vst.add.f32.msk $0xffff, v8;
	(erf) = vpow2.f32 v61  }
0x158: {  	(erf) = vpow2.f32 v62;
	[tilespmem:s15+$0xFFFFFC80] =	vst.add.f32.msk $0xffff, v2;
	v2 =	vmul.f32 $1.442695020e+00, v3  }
0x159: {  	s14 =	simm.s32 $0x8;
	[tilespmem:s15+$0xFFFFFE80] =	vst.add.f32.msk $0xffff, v10;
	v1 =	vmul.f32 v1, v0;
	(erf) = vpow2.f32 v63  }
0x15a: {  	s12 =	smov.u32 s15;
	s13 =	smov.u32 s15;
	s16 =	sadd.s32 $0x1000, s21;
	[tilespmem:s15+$0xFFFFFF00] =	vst.add.f32.msk $0xffff, v12;
	(erf) = vpow2.f32 v2  }
.LBB2_13:
0x15b: {  	v2 =	vld [tilespmem:s16+$0x180];
	s14 =	sadd.s32 $0x8, s14;
	v3 =	vpop (erf);
	v4 =	vmov v1  }
0x15c: {  	v1 =	vld [tilespmem:s16+$0xFFFFFE80];
	p1 =	slt.u32 s14, $0x38;
	v3 =	vmul.f32 v3, v0;
	v5 =	vpop (erf)  }
0x15d: {  	s13 =	sadd.s32 $0x400, s13;
	v6 =	vld [tilespmem:s16+$0xFFFFFF00];
	v5 =	vmul.f32 v5, v0;
	v7 =	vpop (erf)  }
0x15e: {  	v7 =	vmul.f32 v7, v0;
	[tilespmem:s13+$0x0] =	vst.add.f32.msk $0xffff, v3  }
0x15f: {  	v3 =	vld [tilespmem:s16+$0xFFFFFF80];
	v8 =	vpop (erf)  }
0x160: {  	v9 =	vld [tilespmem:s16+$0x0];
	v14 =	vmul.f32 $1.442695020e+00, v2;
	v8 =	vmul.f32 v8, v0;
	v10 =	vpop (erf)  }
0x161: {  	v1 =	vmul.f32 $1.442695020e+00, v1;
	v11 =	vld [tilespmem:s16+$0x80];
	v10 =	vmul.f32 v10, v0;
	v12 =	vpop (erf)  }
0x162: {  	v6 =	vmul.f32 $1.442695020e+00, v6;
	v13 =	vld [tilespmem:s16+$0x100];
	(erf) = vpow2.f32 v14;
	v2 =	vpop (erf)  }
0x163: {  	v14 =	vld [tilespmem:s16+$0xFFFFFE00];
	(erf) = vpow2.f32 v1;
	v1 =	vmul.f32 v12, v0;
	v12 =	vpop (erf)  }
0x164: {  	v3 =	vmul.f32 $1.442695020e+00, v3;
	(erf) = vpow2.f32 v6;
	[tilespmem:s13+$0xFFFFFD00] =	vst.add.f32.msk $0xffff, v5  }
0x165: {  	v6 =	vmul.f32 v12, v0;
	v5 =	vmul.f32 $1.442695020e+00, v9;
	[tilespmem:s13+$0xFFFFFD80] =	vst.add.f32.msk $0xffff, v7  }
.Ltmp5:
0x166: {  	v7 =	vmul.f32 $1.442695020e+00, v11;
	(erf) = vpow2.f32 v3;
	[tilespmem:s13+$0xFFFFFE00] =	vst.add.f32.msk $0xffff, v8;
	(pc) =	sbr.rel @p1 .LBB2_13-.Ltmp5, $4  }
0x167: {  	v3 =	vmul.f32 $1.442695020e+00, v13;
	(erf) = vpow2.f32 v5;
	[tilespmem:s13+$0xFFFFFC80] =	vst.add.f32.msk $0xffff, v6  }
0x168: {  	v5 =	vmul.f32 $1.442695020e+00, v14;
	(erf) = vpow2.f32 v7;
	[tilespmem:s13+$0xFFFFFE80] =	vst.add.f32.msk $0xffff, v10  }
0x169: {  	(erf) = vpow2.f32 v3;
	[tilespmem:s13+$0xFFFFFF00] =	vst.add.f32.msk $0xffff, v1;
	v1 =	vmul.f32 v2, v0  }
0x16a: {  	s16 =	sadd.s32 $0x1000, s16;
	(erf) = vpow2.f32 v5;
	[tilespmem:s12+$0xFFFFFF80] =	vst.add.f32.msk $0xffff, v4;
	s12 =	smov.u32 s13  }
0x16b: {  	_ = 	snop  }
0x16c: {  	v2 =	vpop (erf)  }
0x16d: {  	v3 =	vpop (erf)  }
0x16e: {  	v2 =	vmul.f32 v2, v0;
	v4 =	vpop (erf)  }
0x16f: {  	s13 =	sadd.s32 $0x400, s13;
	[tilespmem:s12+$0xFFFFFF80] =	vst.add.f32.msk $0xffff, v1;
	v3 =	vmul.f32 v3, v0;
	v5 =	vpop (erf)  }
0x170: {  	v4 =	vmul.f32 v4, v0;
	[tilespmem:s13+$0x0] =	vst.add.f32.msk $0xffff, v2;
	v6 =	vpop (erf)  }
0x171: {  	[tilespmem:s13+$0xFFFFFD00] =	vst.add.f32.msk $0xffff, v3;
	v5 =	vmul.f32 v5, v0;
	v7 =	vpop (erf)  }
0x172: {  	[tilespmem:s13+$0xFFFFFD80] =	vst.add.f32.msk $0xffff, v4;
	v52 =	vmul.f32 v6, v0;
	v2 =	vpop (erf)  }
0x173: {  	[tilespmem:s13+$0xFFFFFE00] =	vst.add.f32.msk $0xffff, v5;
	v53 =	vmul.f32 v7, v0;
	v8 =	vpop (erf)  }
0x174: {  	[tilespmem:s13+$0xFFFFFE80] =	vst.add.f32.msk $0xffff, v52;
	v3 =	vmul.f32 v8, v0  }
0x175: {  	[tilespmem:s13+$0xFFFFFF00] =	vst.add.f32.msk $0xffff, v53;
	v0 =	vmul.f32 v2, v0  }
0x176: {  	[tilespmem:s13+$0xFFFFFC80] =	vst.add.f32.msk $0xffff, v3  }
0x177: {  	[tilespmem:s13+$0xFFFFFF80] =	vst.add.f32.msk $0xffff, v0  }
0x178: {  	v0 =	vld [tilespmem:s4+$0x180]  }
0x179: {  	v1 =	vld [tilespmem:s4+$0xFFFFFE80]  }
0x17a: {  	v2 =	vld [tilespmem:s4+$0xFFFFFF00]  }
0x17b: {  	v3 =	vld [tilespmem:s4+$0xFFFFFF80]  }
0x17c: {  	v4 =	vld [tilespmem:s4+$0x0]  }
0x17d: {  	v5 =	vld [tilespmem:s4+$0x80];
	v0 =	vmul.f32 $1.442695020e+00, v0  }
0x17e: {  	v54 =	vld [tilespmem:s4+$0x100];
	v1 =	vmul.f32 $1.442695020e+00, v1  }
0x17f: {  	s21 =	sadd.s32 $0x1000, s4;
	v55 =	vld [tilespmem:s4+$0xFFFFFE00];
	v2 =	vmul.f32 $1.442695020e+00, v2;
	(erf) = vpow2.f32 v0  }
0x180: {  	v59 =	vld [tilespmem:s21+$0xFFFFFF80];
	v0 =	vmul.f32 $1.442695020e+00, v3;
	(erf) = vpow2.f32 v1  }
0x181: {  	v9 =	vld [tilespmem:s21+$0x0];
	v1 =	vmul.f32 $1.442695020e+00, v4;
	(erf) = vpow2.f32 v2  }
0x182: {  	v11 =	vld [tilespmem:s21+$0x80];
	v2 =	vmul.f32 $1.442695020e+00, v5;
	(erf) = vpow2.f32 v0  }
0x183: {  	v13 =	vld [tilespmem:s21+$0x100];
	(erf) = vpow2.f32 v1;
	v1 =	vmul.f32 $1.442695020e+00, v54  }
0x184: {  	v3 =	vmul.f32 $1.442695020e+00, v55;
	v0 =	vld [tilespmem:$0x14060];
	(erf) = vpow2.f32 v2  }
0x185: {  	(erf) = vpow2.f32 v1;
	v1 =	vld [tilespmem:s21+$0x180]  }
0x186: {  	(erf) = vpow2.f32 v3;
	v3 =	vld [tilespmem:s21+$0xFFFFFE80]  }
0x187: {  	v57 =	vld [tilespmem:s21+$0xFFFFFF00]  }
0x188: {  	v7 =	vmul.f32 $1.442695020e+00, v59;
	v2 =	vpop (erf)  }
0x189: {  	v61 =	vmul.f32 $1.442695020e+00, v9;
	v62 =	vmul.f32 $1.442695020e+00, v11;
	v56 =	vpop (erf)  }
0x18a: {  	v63 =	vmul.f32 $1.442695020e+00, v13;
	v58 =	vpop (erf);
	v1 =	vmul.f32 $1.442695020e+00, v1  }
0x18b: {  	v2 =	vmul.f32 v2, v0;
	v60 =	vpop (erf);
	v3 =	vmul.f32 $1.442695020e+00, v3  }
0x18c: {  	v5 =	vmul.f32 $1.442695020e+00, v57;
	v10 =	vpop (erf);
	(erf) = vpow2.f32 v1  }
0x18d: {  	v4 =	vmul.f32 v56, v0;
	v12 =	vpop (erf);
	(erf) = vpow2.f32 v3;
	v3 =	vld [tilespmem:s21+$0xFFFFFE00]  }
0x18e: {  	v6 =	vmul.f32 v58, v0;
	[tilespmem:s15+$0x0] =	vst.add.f32.msk $0xffff, v2;
	v1 =	vpop (erf);
	(erf) = vpow2.f32 v5  }
0x18f: {  	v8 =	vmul.f32 v60, v0;
	[tilespmem:s15+$0xFFFFFD00] =	vst.add.f32.msk $0xffff, v4;
	v10 =	vmul.f32 v10, v0;
	v2 =	vpop (erf)  }
0x190: {  	[tilespmem:s15+$0xFFFFFD80] =	vst.add.f32.msk $0xffff, v6;
	(erf) = vpow2.f32 v7;
	v2 =	vmul.f32 v2, v0  }
0x191: {  	v12 =	vmul.f32 v12, v0;
	[tilespmem:s15+$0xFFFFFE00] =	vst.add.f32.msk $0xffff, v8;
	(erf) = vpow2.f32 v61  }
0x192: {  	(erf) = vpow2.f32 v62;
	[tilespmem:s15+$0xFFFFFC80] =	vst.add.f32.msk $0xffff, v2;
	v2 =	vmul.f32 $1.442695020e+00, v3  }
0x193: {  	s12 =	smov.u32 s15;
	[tilespmem:s15+$0xFFFFFE80] =	vst.add.f32.msk $0xffff, v10;
	v1 =	vmul.f32 v1, v0;
	(erf) = vpow2.f32 v63  }
0x194: {  	s14 =	sadd.s32 $0x1000, s21;
	s13 =	simm.s32 $0x8;
	s4 =	smov.u32 s15;
	[tilespmem:s15+$0xFFFFFF00] =	vst.add.f32.msk $0xffff, v12;
	(erf) = vpow2.f32 v2  }
.LBB2_15:
0x195: {  	v2 =	vld [tilespmem:s14+$0x180];
	s13 =	sadd.s32 $0x8, s13;
	v3 =	vpop (erf);
	v4 =	vmov v1  }
0x196: {  	v1 =	vld [tilespmem:s14+$0xFFFFFE80];
	p1 =	slt.u32 s13, $0x38;
	v3 =	vmul.f32 v3, v0;
	v5 =	vpop (erf)  }
0x197: {  	s12 =	sadd.s32 $0x400, s12;
	v6 =	vld [tilespmem:s14+$0xFFFFFF00];
	v5 =	vmul.f32 v5, v0;
	v7 =	vpop (erf)  }
0x198: {  	v7 =	vmul.f32 v7, v0;
	[tilespmem:s12+$0x0] =	vst.add.f32.msk $0xffff, v3  }
0x199: {  	v3 =	vld [tilespmem:s14+$0xFFFFFF80];
	v8 =	vpop (erf)  }
0x19a: {  	v9 =	vld [tilespmem:s14+$0x0];
	v14 =	vmul.f32 $1.442695020e+00, v2;
	v8 =	vmul.f32 v8, v0;
	v10 =	vpop (erf)  }
0x19b: {  	v1 =	vmul.f32 $1.442695020e+00, v1;
	v11 =	vld [tilespmem:s14+$0x80];
	v10 =	vmul.f32 v10, v0;
	v12 =	vpop (erf)  }
0x19c: {  	v6 =	vmul.f32 $1.442695020e+00, v6;
	v13 =	vld [tilespmem:s14+$0x100];
	(erf) = vpow2.f32 v14;
	v2 =	vpop (erf)  }
0x19d: {  	v14 =	vld [tilespmem:s14+$0xFFFFFE00];
	(erf) = vpow2.f32 v1;
	v1 =	vmul.f32 v12, v0;
	v12 =	vpop (erf)  }
0x19e: {  	v3 =	vmul.f32 $1.442695020e+00, v3;
	(erf) = vpow2.f32 v6;
	[tilespmem:s12+$0xFFFFFD00] =	vst.add.f32.msk $0xffff, v5  }
0x19f: {  	v6 =	vmul.f32 v12, v0;
	v5 =	vmul.f32 $1.442695020e+00, v9;
	[tilespmem:s12+$0xFFFFFD80] =	vst.add.f32.msk $0xffff, v7  }
.Ltmp6:
0x1a0: {  	v7 =	vmul.f32 $1.442695020e+00, v11;
	(erf) = vpow2.f32 v3;
	[tilespmem:s12+$0xFFFFFE00] =	vst.add.f32.msk $0xffff, v8;
	(pc) =	sbr.rel @p1 .LBB2_15-.Ltmp6, $4  }
0x1a1: {  	v3 =	vmul.f32 $1.442695020e+00, v13;
	(erf) = vpow2.f32 v5;
	[tilespmem:s12+$0xFFFFFC80] =	vst.add.f32.msk $0xffff, v6  }
0x1a2: {  	v5 =	vmul.f32 $1.442695020e+00, v14;
	(erf) = vpow2.f32 v7;
	[tilespmem:s12+$0xFFFFFE80] =	vst.add.f32.msk $0xffff, v10  }
0x1a3: {  	(erf) = vpow2.f32 v3;
	[tilespmem:s12+$0xFFFFFF00] =	vst.add.f32.msk $0xffff, v1;
	v1 =	vmul.f32 v2, v0  }
0x1a4: {  	s14 =	sadd.s32 $0x1000, s14;
	(erf) = vpow2.f32 v5;
	[tilespmem:s4+$0xFFFFFF80] =	vst.add.f32.msk $0xffff, v4;
	s4 =	smov.u32 s12  }
0x1a5: {  	_ = 	snop  }
0x1a6: {  	v2 =	vpop (erf)  }
0x1a7: {  	v3 =	vpop (erf)  }
0x1a8: {  	v2 =	vmul.f32 v2, v0;
	v4 =	vpop (erf)  }
0x1a9: {  	s12 =	sadd.s32 $0x400, s12;
	[tilespmem:s4+$0xFFFFFF80] =	vst.add.f32.msk $0xffff, v1;
	v3 =	vmul.f32 v3, v0;
	v5 =	vpop (erf)  }
0x1aa: {  	v4 =	vmul.f32 v4, v0;
	[tilespmem:s12+$0x0] =	vst.add.f32.msk $0xffff, v2;
	v6 =	vpop (erf)  }
0x1ab: {  	[tilespmem:s12+$0xFFFFFD00] =	vst.add.f32.msk $0xffff, v3;
	v5 =	vmul.f32 v5, v0;
	v7 =	vpop (erf)  }
0x1ac: {  	[tilespmem:s12+$0xFFFFFD80] =	vst.add.f32.msk $0xffff, v4;
	v52 =	vmul.f32 v6, v0;
	v2 =	vpop (erf)  }
0x1ad: {  	[tilespmem:s12+$0xFFFFFE00] =	vst.add.f32.msk $0xffff, v5;
	v53 =	vmul.f32 v7, v0;
	v8 =	vpop (erf)  }
0x1ae: {  	[tilespmem:s12+$0xFFFFFE80] =	vst.add.f32.msk $0xffff, v52;
	v3 =	vmul.f32 v8, v0  }
0x1af: {  	[tilespmem:s12+$0xFFFFFF00] =	vst.add.f32.msk $0xffff, v53;
	v0 =	vmul.f32 v2, v0  }
0x1b0: {  	[tilespmem:s12+$0xFFFFFC80] =	vst.add.f32.msk $0xffff, v3  }
0x1b1: {  	[tilespmem:s12+$0xFFFFFF80] =	vst.add.f32.msk $0xffff, v0  }
0x1b2: {  	v0 =	vld [tilespmem:s5+$0x180]  }
0x1b3: {  	v1 =	vld [tilespmem:s5+$0xFFFFFE80]  }
0x1b4: {  	v2 =	vld [tilespmem:s5+$0xFFFFFF00]  }
0x1b5: {  	v3 =	vld [tilespmem:s5+$0xFFFFFF80]  }
0x1b6: {  	v4 =	vld [tilespmem:s5+$0x0]  }
0x1b7: {  	v5 =	vld [tilespmem:s5+$0x80];
	v0 =	vmul.f32 $1.442695020e+00, v0  }
0x1b8: {  	v54 =	vld [tilespmem:s5+$0x100];
	v1 =	vmul.f32 $1.442695020e+00, v1  }
0x1b9: {  	s21 =	sadd.s32 $0x1000, s5;
	v55 =	vld [tilespmem:s5+$0xFFFFFE00];
	v2 =	vmul.f32 $1.442695020e+00, v2;
	(erf) = vpow2.f32 v0  }
0x1ba: {  	v59 =	vld [tilespmem:s21+$0xFFFFFF80];
	v0 =	vmul.f32 $1.442695020e+00, v3;
	(erf) = vpow2.f32 v1  }
0x1bb: {  	v9 =	vld [tilespmem:s21+$0x0];
	v1 =	vmul.f32 $1.442695020e+00, v4;
	(erf) = vpow2.f32 v2  }
0x1bc: {  	v11 =	vld [tilespmem:s21+$0x80];
	v2 =	vmul.f32 $1.442695020e+00, v5;
	(erf) = vpow2.f32 v0  }
0x1bd: {  	v13 =	vld [tilespmem:s21+$0x100];
	(erf) = vpow2.f32 v1;
	v1 =	vmul.f32 $1.442695020e+00, v54  }
0x1be: {  	v3 =	vmul.f32 $1.442695020e+00, v55;
	v0 =	vld [tilespmem:$0x14070];
	(erf) = vpow2.f32 v2  }
0x1bf: {  	(erf) = vpow2.f32 v1;
	v1 =	vld [tilespmem:s21+$0x180]  }
0x1c0: {  	(erf) = vpow2.f32 v3;
	v3 =	vld [tilespmem:s21+$0xFFFFFE80]  }
0x1c1: {  	v57 =	vld [tilespmem:s21+$0xFFFFFF00]  }
0x1c2: {  	v7 =	vmul.f32 $1.442695020e+00, v59;
	v2 =	vpop (erf)  }
0x1c3: {  	v61 =	vmul.f32 $1.442695020e+00, v9;
	v62 =	vmul.f32 $1.442695020e+00, v11;
	v56 =	vpop (erf)  }
0x1c4: {  	v63 =	vmul.f32 $1.442695020e+00, v13;
	v58 =	vpop (erf);
	v1 =	vmul.f32 $1.442695020e+00, v1  }
0x1c5: {  	v2 =	vmul.f32 v2, v0;
	v60 =	vpop (erf);
	v3 =	vmul.f32 $1.442695020e+00, v3  }
0x1c6: {  	v5 =	vmul.f32 $1.442695020e+00, v57;
	v10 =	vpop (erf);
	(erf) = vpow2.f32 v1  }
0x1c7: {  	v4 =	vmul.f32 v56, v0;
	v12 =	vpop (erf);
	(erf) = vpow2.f32 v3;
	v3 =	vld [tilespmem:s21+$0xFFFFFE00]  }
0x1c8: {  	v6 =	vmul.f32 v58, v0;
	[tilespmem:s15+$0x0] =	vst.add.f32.msk $0xffff, v2;
	v1 =	vpop (erf);
	(erf) = vpow2.f32 v5  }
0x1c9: {  	v8 =	vmul.f32 v60, v0;
	[tilespmem:s15+$0xFFFFFD00] =	vst.add.f32.msk $0xffff, v4;
	v10 =	vmul.f32 v10, v0;
	v2 =	vpop (erf)  }
0x1ca: {  	[tilespmem:s15+$0xFFFFFD80] =	vst.add.f32.msk $0xffff, v6;
	(erf) = vpow2.f32 v7;
	v2 =	vmul.f32 v2, v0  }
0x1cb: {  	v12 =	vmul.f32 v12, v0;
	[tilespmem:s15+$0xFFFFFE00] =	vst.add.f32.msk $0xffff, v8;
	(erf) = vpow2.f32 v61  }
0x1cc: {  	(erf) = vpow2.f32 v62;
	[tilespmem:s15+$0xFFFFFC80] =	vst.add.f32.msk $0xffff, v2;
	v2 =	vmul.f32 $1.442695020e+00, v3  }
0x1cd: {  	s4 =	smov.u32 s15;
	[tilespmem:s15+$0xFFFFFE80] =	vst.add.f32.msk $0xffff, v10;
	v1 =	vmul.f32 v1, v0;
	(erf) = vpow2.f32 v63  }
0x1ce: {  	s13 =	sadd.s32 $0x1000, s21;
	s12 =	simm.s32 $0x8;
	s5 =	smov.u32 s15;
	[tilespmem:s15+$0xFFFFFF00] =	vst.add.f32.msk $0xffff, v12;
	(erf) = vpow2.f32 v2  }
.LBB2_17:
0x1cf: {  	v2 =	vld [tilespmem:s13+$0x180];
	s12 =	sadd.s32 $0x8, s12;
	v3 =	vpop (erf);
	v4 =	vmov v1  }
0x1d0: {  	v1 =	vld [tilespmem:s13+$0xFFFFFE80];
	p1 =	slt.u32 s12, $0x38;
	v3 =	vmul.f32 v3, v0;
	v5 =	vpop (erf)  }
0x1d1: {  	s5 =	sadd.s32 $0x400, s5;
	v6 =	vld [tilespmem:s13+$0xFFFFFF00];
	v5 =	vmul.f32 v5, v0;
	v7 =	vpop (erf)  }
0x1d2: {  	v7 =	vmul.f32 v7, v0;
	[tilespmem:s5+$0x0] =	vst.add.f32.msk $0xffff, v3  }
0x1d3: {  	v3 =	vld [tilespmem:s13+$0xFFFFFF80];
	v8 =	vpop (erf)  }
0x1d4: {  	v9 =	vld [tilespmem:s13+$0x0];
	v14 =	vmul.f32 $1.442695020e+00, v2;
	v8 =	vmul.f32 v8, v0;
	v10 =	vpop (erf)  }
0x1d5: {  	v1 =	vmul.f32 $1.442695020e+00, v1;
	v11 =	vld [tilespmem:s13+$0x80];
	v10 =	vmul.f32 v10, v0;
	v12 =	vpop (erf)  }
0x1d6: {  	v6 =	vmul.f32 $1.442695020e+00, v6;
	v13 =	vld [tilespmem:s13+$0x100];
	(erf) = vpow2.f32 v14;
	v2 =	vpop (erf)  }
0x1d7: {  	v14 =	vld [tilespmem:s13+$0xFFFFFE00];
	(erf) = vpow2.f32 v1;
	v1 =	vmul.f32 v12, v0;
	v12 =	vpop (erf)  }
0x1d8: {  	v3 =	vmul.f32 $1.442695020e+00, v3;
	(erf) = vpow2.f32 v6;
	[tilespmem:s5+$0xFFFFFD00] =	vst.add.f32.msk $0xffff, v5  }
0x1d9: {  	v6 =	vmul.f32 v12, v0;
	v5 =	vmul.f32 $1.442695020e+00, v9;
	[tilespmem:s5+$0xFFFFFD80] =	vst.add.f32.msk $0xffff, v7  }
.Ltmp7:
0x1da: {  	v7 =	vmul.f32 $1.442695020e+00, v11;
	(erf) = vpow2.f32 v3;
	[tilespmem:s5+$0xFFFFFE00] =	vst.add.f32.msk $0xffff, v8;
	(pc) =	sbr.rel @p1 .LBB2_17-.Ltmp7, $4  }
0x1db: {  	v3 =	vmul.f32 $1.442695020e+00, v13;
	(erf) = vpow2.f32 v5;
	[tilespmem:s5+$0xFFFFFC80] =	vst.add.f32.msk $0xffff, v6  }
0x1dc: {  	v5 =	vmul.f32 $1.442695020e+00, v14;
	(erf) = vpow2.f32 v7;
	[tilespmem:s5+$0xFFFFFE80] =	vst.add.f32.msk $0xffff, v10  }
0x1dd: {  	(erf) = vpow2.f32 v3;
	[tilespmem:s5+$0xFFFFFF00] =	vst.add.f32.msk $0xffff, v1;
	v1 =	vmul.f32 v2, v0  }
0x1de: {  	s13 =	sadd.s32 $0x1000, s13;
	(erf) = vpow2.f32 v5;
	[tilespmem:s4+$0xFFFFFF80] =	vst.add.f32.msk $0xffff, v4;
	s4 =	smov.u32 s5  }
0x1df: {  	_ = 	snop  }
0x1e0: {  	v2 =	vpop (erf)  }
0x1e1: {  	v3 =	vpop (erf)  }
0x1e2: {  	v2 =	vmul.f32 v2, v0;
	v4 =	vpop (erf)  }
0x1e3: {  	s5 =	sadd.s32 $0x400, s5;
	[tilespmem:s4+$0xFFFFFF80] =	vst.add.f32.msk $0xffff, v1;
	v3 =	vmul.f32 v3, v0;
	v5 =	vpop (erf)  }
0x1e4: {  	v4 =	vmul.f32 v4, v0;
	[tilespmem:s5+$0x0] =	vst.add.f32.msk $0xffff, v2;
	v6 =	vpop (erf)  }
0x1e5: {  	[tilespmem:s5+$0xFFFFFD00] =	vst.add.f32.msk $0xffff, v3;
	v5 =	vmul.f32 v5, v0;
	v7 =	vpop (erf)  }
0x1e6: {  	[tilespmem:s5+$0xFFFFFD80] =	vst.add.f32.msk $0xffff, v4;
	v52 =	vmul.f32 v6, v0;
	v2 =	vpop (erf)  }
0x1e7: {  	[tilespmem:s5+$0xFFFFFE00] =	vst.add.f32.msk $0xffff, v5;
	v53 =	vmul.f32 v7, v0;
	v8 =	vpop (erf)  }
0x1e8: {  	[tilespmem:s5+$0xFFFFFE80] =	vst.add.f32.msk $0xffff, v52;
	v3 =	vmul.f32 v8, v0  }
0x1e9: {  	[tilespmem:s5+$0xFFFFFF00] =	vst.add.f32.msk $0xffff, v53;
	v0 =	vmul.f32 v2, v0  }
0x1ea: {  	[tilespmem:s5+$0xFFFFFC80] =	vst.add.f32.msk $0xffff, v3  }
0x1eb: {  	[tilespmem:s5+$0xFFFFFF80] =	vst.add.f32.msk $0xffff, v0  }
0x1ec: {  	v0 =	vld [tilespmem:s3+$0x0]  }
0x1ed: {  	v1 =	vld [tilespmem:s3+$0xFFFFFD00]  }
0x1ee: {  	v2 =	vld [tilespmem:s3+$0xFFFFFD80]  }
0x1ef: {  	v3 =	vld [tilespmem:s3+$0xFFFFFE00]  }
0x1f0: {  	v4 =	vld [tilespmem:s3+$0xFFFFFE80]  }
0x1f1: {  	v5 =	vld [tilespmem:s3+$0xFFFFFF00];
	v0 =	vmul.f32 $1.442695020e+00, v0  }
0x1f2: {  	v54 =	vld [tilespmem:s3+$0xFFFFFF80];
	v1 =	vmul.f32 $1.442695020e+00, v1  }
0x1f3: {  	s21 =	sadd.s32 $0x1000, s3;
	v55 =	vld [tilespmem:s3+$0xFFFFFC80];
	v2 =	vmul.f32 $1.442695020e+00, v2;
	(erf) = vpow2.f32 v0  }
0x1f4: {  	v59 =	vld [tilespmem:s21+$0xFFFFFE00];
	v0 =	vmul.f32 $1.442695020e+00, v3;
	(erf) = vpow2.f32 v1  }
0x1f5: {  	v9 =	vld [tilespmem:s21+$0xFFFFFE80];
	v1 =	vmul.f32 $1.442695020e+00, v4;
	(erf) = vpow2.f32 v2  }
0x1f6: {  	v11 =	vld [tilespmem:s21+$0xFFFFFF00];
	v2 =	vmul.f32 $1.442695020e+00, v5;
	(erf) = vpow2.f32 v0  }
0x1f7: {  	v13 =	vld [tilespmem:s21+$0xFFFFFF80];
	(erf) = vpow2.f32 v1;
	v1 =	vmul.f32 $1.442695020e+00, v54  }
0x1f8: {  	v3 =	vmul.f32 $1.442695020e+00, v55;
	v0 =	vld [tilespmem:$0x14080];
	(erf) = vpow2.f32 v2  }
0x1f9: {  	(erf) = vpow2.f32 v1;
	v1 =	vld [tilespmem:s21+$0x0]  }
0x1fa: {  	(erf) = vpow2.f32 v3;
	v3 =	vld [tilespmem:s21+$0xFFFFFD00]  }
0x1fb: {  	v57 =	vld [tilespmem:s21+$0xFFFFFD80]  }
0x1fc: {  	v7 =	vmul.f32 $1.442695020e+00, v59;
	v2 =	vpop (erf)  }
0x1fd: {  	v61 =	vmul.f32 $1.442695020e+00, v9;
	v62 =	vmul.f32 $1.442695020e+00, v11;
	v56 =	vpop (erf)  }
0x1fe: {  	v63 =	vmul.f32 $1.442695020e+00, v13;
	v58 =	vpop (erf);
	v1 =	vmul.f32 $1.442695020e+00, v1  }
0x1ff: {  	v2 =	vmul.f32 v2, v0;
	v60 =	vpop (erf);
	v3 =	vmul.f32 $1.442695020e+00, v3  }
0x200: {  	v5 =	vmul.f32 $1.442695020e+00, v57;
	v10 =	vpop (erf);
	(erf) = vpow2.f32 v1  }
0x201: {  	v4 =	vmul.f32 v56, v0;
	v12 =	vpop (erf);
	(erf) = vpow2.f32 v3;
	v3 =	vld [tilespmem:s21+$0xFFFFFC80]  }
0x202: {  	v6 =	vmul.f32 v58, v0;
	[tilespmem:s15+$0x0] =	vst.add.f32.msk $0xffff, v2;
	v1 =	vpop (erf);
	(erf) = vpow2.f32 v5  }
0x203: {  	v8 =	vmul.f32 v60, v0;
	[tilespmem:s15+$0xFFFFFD00] =	vst.add.f32.msk $0xffff, v4;
	v10 =	vmul.f32 v10, v0;
	v2 =	vpop (erf)  }
0x204: {  	[tilespmem:s15+$0xFFFFFD80] =	vst.add.f32.msk $0xffff, v6;
	(erf) = vpow2.f32 v7;
	v2 =	vmul.f32 v2, v0  }
0x205: {  	v12 =	vmul.f32 v12, v0;
	[tilespmem:s15+$0xFFFFFE00] =	vst.add.f32.msk $0xffff, v8;
	(erf) = vpow2.f32 v61  }
0x206: {  	(erf) = vpow2.f32 v62;
	[tilespmem:s15+$0xFFFFFC80] =	vst.add.f32.msk $0xffff, v2;
	v2 =	vmul.f32 $1.442695020e+00, v3  }
0x207: {  	s4 =	smov.u32 s15;
	[tilespmem:s15+$0xFFFFFE80] =	vst.add.f32.msk $0xffff, v10;
	v1 =	vmul.f32 v1, v0;
	(erf) = vpow2.f32 v63  }
0x208: {  	s12 =	sadd.s32 $0x1000, s21;
	s5 =	simm.s32 $0x8;
	s3 =	smov.u32 s15;
	[tilespmem:s15+$0xFFFFFF00] =	vst.add.f32.msk $0xffff, v12;
	(erf) = vpow2.f32 v2  }
.LBB2_19:
0x209: {  	v2 =	vld [tilespmem:s12+$0x0];
	s5 =	sadd.s32 $0x8, s5;
	v3 =	vpop (erf);
	v4 =	vmov v1  }
0x20a: {  	v1 =	vld [tilespmem:s12+$0xFFFFFD00];
	p1 =	slt.u32 s5, $0x38;
	v3 =	vmul.f32 v3, v0;
	v5 =	vpop (erf)  }
0x20b: {  	s4 =	sadd.s32 $0x400, s4;
	v6 =	vld [tilespmem:s12+$0xFFFFFD80];
	v5 =	vmul.f32 v5, v0;
	v7 =	vpop (erf)  }
0x20c: {  	v7 =	vmul.f32 v7, v0;
	[tilespmem:s4+$0x0] =	vst.add.f32.msk $0xffff, v3  }
0x20d: {  	v3 =	vld [tilespmem:s12+$0xFFFFFE00];
	v8 =	vpop (erf)  }
0x20e: {  	v9 =	vld [tilespmem:s12+$0xFFFFFE80];
	v14 =	vmul.f32 $1.442695020e+00, v2;
	v8 =	vmul.f32 v8, v0;
	v10 =	vpop (erf)  }
0x20f: {  	v1 =	vmul.f32 $1.442695020e+00, v1;
	v11 =	vld [tilespmem:s12+$0xFFFFFF00];
	v10 =	vmul.f32 v10, v0;
	v12 =	vpop (erf)  }
0x210: {  	v6 =	vmul.f32 $1.442695020e+00, v6;
	v13 =	vld [tilespmem:s12+$0xFFFFFF80];
	(erf) = vpow2.f32 v14;
	v2 =	vpop (erf)  }
0x211: {  	v14 =	vld [tilespmem:s12+$0xFFFFFC80];
	(erf) = vpow2.f32 v1;
	v1 =	vmul.f32 v12, v0;
	v12 =	vpop (erf)  }
0x212: {  	v3 =	vmul.f32 $1.442695020e+00, v3;
	(erf) = vpow2.f32 v6;
	[tilespmem:s4+$0xFFFFFD00] =	vst.add.f32.msk $0xffff, v5  }
0x213: {  	v6 =	vmul.f32 v12, v0;
	v5 =	vmul.f32 $1.442695020e+00, v9;
	[tilespmem:s4+$0xFFFFFD80] =	vst.add.f32.msk $0xffff, v7  }
.Ltmp8:
0x214: {  	v7 =	vmul.f32 $1.442695020e+00, v11;
	(erf) = vpow2.f32 v3;
	[tilespmem:s4+$0xFFFFFE00] =	vst.add.f32.msk $0xffff, v8;
	(pc) =	sbr.rel @p1 .LBB2_19-.Ltmp8, $4  }
0x215: {  	v3 =	vmul.f32 $1.442695020e+00, v13;
	(erf) = vpow2.f32 v5;
	[tilespmem:s4+$0xFFFFFC80] =	vst.add.f32.msk $0xffff, v6  }
0x216: {  	v5 =	vmul.f32 $1.442695020e+00, v14;
	(erf) = vpow2.f32 v7;
	[tilespmem:s4+$0xFFFFFE80] =	vst.add.f32.msk $0xffff, v10  }
0x217: {  	(erf) = vpow2.f32 v3;
	[tilespmem:s4+$0xFFFFFF00] =	vst.add.f32.msk $0xffff, v1;
	v1 =	vmul.f32 v2, v0  }
0x218: {  	s12 =	sadd.s32 $0x1000, s12;
	(erf) = vpow2.f32 v5;
	[tilespmem:s3+$0xFFFFFF80] =	vst.add.f32.msk $0xffff, v4;
	s3 =	smov.u32 s4  }
0x219: {  	_ = 	snop  }
0x21a: {  	v2 =	vpop (erf)  }
0x21b: {  	v3 =	vpop (erf)  }
0x21c: {  	v2 =	vmul.f32 v2, v0;
	v4 =	vpop (erf)  }
0x21d: {  	s4 =	sadd.s32 $0x400, s4;
	[tilespmem:s3+$0xFFFFFF80] =	vst.add.f32.msk $0xffff, v1;
	v3 =	vmul.f32 v3, v0;
	v5 =	vpop (erf)  }
0x21e: {  	v4 =	vmul.f32 v4, v0;
	[tilespmem:s4+$0x0] =	vst.add.f32.msk $0xffff, v2;
	v6 =	vpop (erf)  }
0x21f: {  	[tilespmem:s4+$0xFFFFFD00] =	vst.add.f32.msk $0xffff, v3;
	v5 =	vmul.f32 v5, v0;
	v7 =	vpop (erf)  }
0x220: {  	[tilespmem:s4+$0xFFFFFD80] =	vst.add.f32.msk $0xffff, v4;
	v52 =	vmul.f32 v6, v0;
	v2 =	vpop (erf)  }
0x221: {  	[tilespmem:s4+$0xFFFFFE00] =	vst.add.f32.msk $0xffff, v5;
	v53 =	vmul.f32 v7, v0;
	v8 =	vpop (erf)  }
0x222: {  	[tilespmem:s4+$0xFFFFFE80] =	vst.add.f32.msk $0xffff, v52;
	v3 =	vmul.f32 v8, v0  }
0x223: {  	[tilespmem:s4+$0xFFFFFF00] =	vst.add.f32.msk $0xffff, v53;
	v0 =	vmul.f32 v2, v0  }
0x224: {  	[tilespmem:s4+$0xFFFFFC80] =	vst.add.f32.msk $0xffff, v3  }
0x225: {  	[tilespmem:s4+$0xFFFFFF80] =	vst.add.f32.msk $0xffff, v0  }
0x226: {  	v0 =	vld [tilespmem:s11+$0x0]  }
0x227: {  	v1 =	vld [tilespmem:s11+$0xFFFFFD00]  }
0x228: {  	v2 =	vld [tilespmem:s11+$0xFFFFFD80]  }
0x229: {  	v3 =	vld [tilespmem:s11+$0xFFFFFE00]  }
0x22a: {  	v4 =	vld [tilespmem:s11+$0xFFFFFE80]  }
0x22b: {  	v5 =	vld [tilespmem:s11+$0xFFFFFF00];
	v0 =	vmul.f32 $1.442695020e+00, v0  }
0x22c: {  	v54 =	vld [tilespmem:s11+$0xFFFFFF80];
	v1 =	vmul.f32 $1.442695020e+00, v1  }
0x22d: {  	s21 =	sadd.s32 $0x1000, s11;
	v55 =	vld [tilespmem:s11+$0xFFFFFC80];
	v2 =	vmul.f32 $1.442695020e+00, v2;
	(erf) = vpow2.f32 v0  }
0x22e: {  	v59 =	vld [tilespmem:s21+$0xFFFFFE00];
	v0 =	vmul.f32 $1.442695020e+00, v3;
	(erf) = vpow2.f32 v1  }
0x22f: {  	v9 =	vld [tilespmem:s21+$0xFFFFFE80];
	v1 =	vmul.f32 $1.442695020e+00, v4;
	(erf) = vpow2.f32 v2  }
0x230: {  	v11 =	vld [tilespmem:s21+$0xFFFFFF00];
	v2 =	vmul.f32 $1.442695020e+00, v5;
	(erf) = vpow2.f32 v0  }
0x231: {  	v13 =	vld [tilespmem:s21+$0xFFFFFF80];
	(erf) = vpow2.f32 v1;
	v1 =	vmul.f32 $1.442695020e+00, v54  }
0x232: {  	v3 =	vmul.f32 $1.442695020e+00, v55;
	v0 =	vld [tilespmem:$0x14090];
	(erf) = vpow2.f32 v2  }
0x233: {  	(erf) = vpow2.f32 v1;
	v1 =	vld [tilespmem:s21+$0x0]  }
0x234: {  	(erf) = vpow2.f32 v3;
	v3 =	vld [tilespmem:s21+$0xFFFFFD00]  }
0x235: {  	v57 =	vld [tilespmem:s21+$0xFFFFFD80]  }
0x236: {  	v7 =	vmul.f32 $1.442695020e+00, v59;
	v2 =	vpop (erf)  }
0x237: {  	v61 =	vmul.f32 $1.442695020e+00, v9;
	v62 =	vmul.f32 $1.442695020e+00, v11;
	v56 =	vpop (erf)  }
0x238: {  	v63 =	vmul.f32 $1.442695020e+00, v13;
	v58 =	vpop (erf);
	v1 =	vmul.f32 $1.442695020e+00, v1  }
0x239: {  	v2 =	vmul.f32 v2, v0;
	v60 =	vpop (erf);
	v3 =	vmul.f32 $1.442695020e+00, v3  }
0x23a: {  	v5 =	vmul.f32 $1.442695020e+00, v57;
	v10 =	vpop (erf);
	(erf) = vpow2.f32 v1  }
0x23b: {  	v4 =	vmul.f32 v56, v0;
	v12 =	vpop (erf);
	(erf) = vpow2.f32 v3;
	v3 =	vld [tilespmem:s21+$0xFFFFFC80]  }
0x23c: {  	v6 =	vmul.f32 v58, v0;
	[tilespmem:s15+$0x0] =	vst.add.f32.msk $0xffff, v2;
	v1 =	vpop (erf);
	(erf) = vpow2.f32 v5  }
0x23d: {  	v8 =	vmul.f32 v60, v0;
	[tilespmem:s15+$0xFFFFFD00] =	vst.add.f32.msk $0xffff, v4;
	v10 =	vmul.f32 v10, v0;
	v2 =	vpop (erf)  }
0x23e: {  	[tilespmem:s15+$0xFFFFFD80] =	vst.add.f32.msk $0xffff, v6;
	(erf) = vpow2.f32 v7;
	v2 =	vmul.f32 v2, v0  }
0x23f: {  	v12 =	vmul.f32 v12, v0;
	[tilespmem:s15+$0xFFFFFE00] =	vst.add.f32.msk $0xffff, v8;
	(erf) = vpow2.f32 v61  }
0x240: {  	(erf) = vpow2.f32 v62;
	[tilespmem:s15+$0xFFFFFC80] =	vst.add.f32.msk $0xffff, v2;
	v2 =	vmul.f32 $1.442695020e+00, v3  }
0x241: {  	s5 =	simm.s32 $0x8;
	[tilespmem:s15+$0xFFFFFE80] =	vst.add.f32.msk $0xffff, v10;
	v1 =	vmul.f32 v1, v0;
	(erf) = vpow2.f32 v63  }
0x242: {  	s3 =	smov.u32 s15;
	s4 =	smov.u32 s15;
	s11 =	sadd.s32 $0x1000, s21;
	[tilespmem:s15+$0xFFFFFF00] =	vst.add.f32.msk $0xffff, v12;
	(erf) = vpow2.f32 v2  }
.LBB2_21:
0x243: {  	v2 =	vld [tilespmem:s11+$0x0];
	s5 =	sadd.s32 $0x8, s5;
	v3 =	vpop (erf);
	v4 =	vmov v1  }
0x244: {  	v1 =	vld [tilespmem:s11+$0xFFFFFD00];
	p1 =	slt.u32 s5, $0x38;
	v3 =	vmul.f32 v3, v0;
	v5 =	vpop (erf)  }
0x245: {  	s4 =	sadd.s32 $0x400, s4;
	v6 =	vld [tilespmem:s11+$0xFFFFFD80];
	v5 =	vmul.f32 v5, v0;
	v7 =	vpop (erf)  }
0x246: {  	v7 =	vmul.f32 v7, v0;
	[tilespmem:s4+$0x0] =	vst.add.f32.msk $0xffff, v3  }
0x247: {  	v3 =	vld [tilespmem:s11+$0xFFFFFE00];
	v8 =	vpop (erf)  }
0x248: {  	v9 =	vld [tilespmem:s11+$0xFFFFFE80];
	v14 =	vmul.f32 $1.442695020e+00, v2;
	v8 =	vmul.f32 v8, v0;
	v10 =	vpop (erf)  }
0x249: {  	v1 =	vmul.f32 $1.442695020e+00, v1;
	v11 =	vld [tilespmem:s11+$0xFFFFFF00];
	v10 =	vmul.f32 v10, v0;
	v12 =	vpop (erf)  }
0x24a: {  	v6 =	vmul.f32 $1.442695020e+00, v6;
	v13 =	vld [tilespmem:s11+$0xFFFFFF80];
	(erf) = vpow2.f32 v14;
	v2 =	vpop (erf)  }
0x24b: {  	v14 =	vld [tilespmem:s11+$0xFFFFFC80];
	(erf) = vpow2.f32 v1;
	v1 =	vmul.f32 v12, v0;
	v12 =	vpop (erf)  }
0x24c: {  	v3 =	vmul.f32 $1.442695020e+00, v3;
	(erf) = vpow2.f32 v6;
	[tilespmem:s4+$0xFFFFFD00] =	vst.add.f32.msk $0xffff, v5  }
0x24d: {  	v6 =	vmul.f32 v12, v0;
	v5 =	vmul.f32 $1.442695020e+00, v9;
	[tilespmem:s4+$0xFFFFFD80] =	vst.add.f32.msk $0xffff, v7  }
.Ltmp9:
0x24e: {  	v7 =	vmul.f32 $1.442695020e+00, v11;
	(erf) = vpow2.f32 v3;
	[tilespmem:s4+$0xFFFFFE00] =	vst.add.f32.msk $0xffff, v8;
	(pc) =	sbr.rel @p1 .LBB2_21-.Ltmp9, $4  }
0x24f: {  	v3 =	vmul.f32 $1.442695020e+00, v13;
	(erf) = vpow2.f32 v5;
	[tilespmem:s4+$0xFFFFFC80] =	vst.add.f32.msk $0xffff, v6  }
0x250: {  	v5 =	vmul.f32 $1.442695020e+00, v14;
	(erf) = vpow2.f32 v7;
	[tilespmem:s4+$0xFFFFFE80] =	vst.add.f32.msk $0xffff, v10  }
0x251: {  	(erf) = vpow2.f32 v3;
	[tilespmem:s4+$0xFFFFFF00] =	vst.add.f32.msk $0xffff, v1;
	v1 =	vmul.f32 v2, v0  }
0x252: {  	s11 =	sadd.s32 $0x1000, s11;
	(erf) = vpow2.f32 v5;
	[tilespmem:s3+$0xFFFFFF80] =	vst.add.f32.msk $0xffff, v4;
	s3 =	smov.u32 s4  }
0x253: {  	_ = 	snop  }
0x254: {  	v2 =	vpop (erf)  }
0x255: {  	v3 =	vpop (erf)  }
0x256: {  	v2 =	vmul.f32 v2, v0;
	v4 =	vpop (erf)  }
0x257: {  	s4 =	sadd.s32 $0x400, s4;
	[tilespmem:s3+$0xFFFFFF80] =	vst.add.f32.msk $0xffff, v1;
	v3 =	vmul.f32 v3, v0;
	v5 =	vpop (erf)  }
0x258: {  	v4 =	vmul.f32 v4, v0;
	[tilespmem:s4+$0x0] =	vst.add.f32.msk $0xffff, v2;
	v6 =	vpop (erf)  }
0x259: {  	[tilespmem:s4+$0xFFFFFD00] =	vst.add.f32.msk $0xffff, v3;
	v5 =	vmul.f32 v5, v0;
	v7 =	vpop (erf)  }
0x25a: {  	[tilespmem:s4+$0xFFFFFD80] =	vst.add.f32.msk $0xffff, v4;
	v52 =	vmul.f32 v6, v0;
	v2 =	vpop (erf)  }
0x25b: {  	[tilespmem:s4+$0xFFFFFE00] =	vst.add.f32.msk $0xffff, v5;
	v53 =	vmul.f32 v7, v0;
	v8 =	vpop (erf)  }
0x25c: {  	[tilespmem:s4+$0xFFFFFE80] =	vst.add.f32.msk $0xffff, v52;
	v3 =	vmul.f32 v8, v0  }
0x25d: {  	[tilespmem:s4+$0xFFFFFF00] =	vst.add.f32.msk $0xffff, v53;
	v0 =	vmul.f32 v2, v0  }
0x25e: {  	[tilespmem:s4+$0xFFFFFC80] =	vst.add.f32.msk $0xffff, v3  }
0x25f: {  	[tilespmem:s4+$0xFFFFFF80] =	vst.add.f32.msk $0xffff, v0  }
0x260: {  	v0 =	vld [tilespmem:s10+$0x0]  }
0x261: {  	v1 =	vld [tilespmem:s10+$0xFFFFFD00]  }
0x262: {  	v2 =	vld [tilespmem:s10+$0xFFFFFD80]  }
0x263: {  	v3 =	vld [tilespmem:s10+$0xFFFFFE00]  }
0x264: {  	v4 =	vld [tilespmem:s10+$0xFFFFFE80]  }
0x265: {  	v5 =	vld [tilespmem:s10+$0xFFFFFF00];
	v0 =	vmul.f32 $1.442695020e+00, v0  }
0x266: {  	v54 =	vld [tilespmem:s10+$0xFFFFFF80];
	v1 =	vmul.f32 $1.442695020e+00, v1  }
0x267: {  	s21 =	sadd.s32 $0x1000, s10;
	v55 =	vld [tilespmem:s10+$0xFFFFFC80];
	v2 =	vmul.f32 $1.442695020e+00, v2;
	(erf) = vpow2.f32 v0  }
0x268: {  	v59 =	vld [tilespmem:s21+$0xFFFFFE00];
	v0 =	vmul.f32 $1.442695020e+00, v3;
	(erf) = vpow2.f32 v1  }
0x269: {  	v9 =	vld [tilespmem:s21+$0xFFFFFE80];
	v1 =	vmul.f32 $1.442695020e+00, v4;
	(erf) = vpow2.f32 v2  }
0x26a: {  	v11 =	vld [tilespmem:s21+$0xFFFFFF00];
	v2 =	vmul.f32 $1.442695020e+00, v5;
	(erf) = vpow2.f32 v0  }
0x26b: {  	v13 =	vld [tilespmem:s21+$0xFFFFFF80];
	(erf) = vpow2.f32 v1;
	v1 =	vmul.f32 $1.442695020e+00, v54  }
0x26c: {  	v3 =	vmul.f32 $1.442695020e+00, v55;
	v0 =	vld [tilespmem:$0x140A0];
	(erf) = vpow2.f32 v2  }
0x26d: {  	(erf) = vpow2.f32 v1;
	v1 =	vld [tilespmem:s21+$0x0]  }
0x26e: {  	(erf) = vpow2.f32 v3;
	v3 =	vld [tilespmem:s21+$0xFFFFFD00]  }
0x26f: {  	v57 =	vld [tilespmem:s21+$0xFFFFFD80]  }
0x270: {  	v7 =	vmul.f32 $1.442695020e+00, v59;
	v2 =	vpop (erf)  }
0x271: {  	v61 =	vmul.f32 $1.442695020e+00, v9;
	v62 =	vmul.f32 $1.442695020e+00, v11;
	v56 =	vpop (erf)  }
0x272: {  	v63 =	vmul.f32 $1.442695020e+00, v13;
	v58 =	vpop (erf);
	v1 =	vmul.f32 $1.442695020e+00, v1  }
0x273: {  	v2 =	vmul.f32 v2, v0;
	v60 =	vpop (erf);
	v3 =	vmul.f32 $1.442695020e+00, v3  }
0x274: {  	v5 =	vmul.f32 $1.442695020e+00, v57;
	v10 =	vpop (erf);
	(erf) = vpow2.f32 v1  }
0x275: {  	v4 =	vmul.f32 v56, v0;
	v12 =	vpop (erf);
	(erf) = vpow2.f32 v3;
	v3 =	vld [tilespmem:s21+$0xFFFFFC80]  }
0x276: {  	v6 =	vmul.f32 v58, v0;
	[tilespmem:s15+$0x0] =	vst.add.f32.msk $0xffff, v2;
	v1 =	vpop (erf);
	(erf) = vpow2.f32 v5  }
0x277: {  	v8 =	vmul.f32 v60, v0;
	[tilespmem:s15+$0xFFFFFD00] =	vst.add.f32.msk $0xffff, v4;
	v10 =	vmul.f32 v10, v0;
	v2 =	vpop (erf)  }
0x278: {  	[tilespmem:s15+$0xFFFFFD80] =	vst.add.f32.msk $0xffff, v6;
	(erf) = vpow2.f32 v7;
	v2 =	vmul.f32 v2, v0  }
0x279: {  	v12 =	vmul.f32 v12, v0;
	[tilespmem:s15+$0xFFFFFE00] =	vst.add.f32.msk $0xffff, v8;
	(erf) = vpow2.f32 v61  }
0x27a: {  	(erf) = vpow2.f32 v62;
	[tilespmem:s15+$0xFFFFFC80] =	vst.add.f32.msk $0xffff, v2;
	v2 =	vmul.f32 $1.442695020e+00, v3  }
0x27b: {  	s5 =	simm.s32 $0x8;
	[tilespmem:s15+$0xFFFFFE80] =	vst.add.f32.msk $0xffff, v10;
	v1 =	vmul.f32 v1, v0;
	(erf) = vpow2.f32 v63  }
0x27c: {  	s3 =	smov.u32 s15;
	s4 =	smov.u32 s15;
	s10 =	sadd.s32 $0x1000, s21;
	[tilespmem:s15+$0xFFFFFF00] =	vst.add.f32.msk $0xffff, v12;
	(erf) = vpow2.f32 v2  }
.LBB2_23:
0x27d: {  	v2 =	vld [tilespmem:s10+$0x0];
	s5 =	sadd.s32 $0x8, s5;
	v3 =	vpop (erf);
	v4 =	vmov v1  }
0x27e: {  	v1 =	vld [tilespmem:s10+$0xFFFFFD00];
	p1 =	slt.u32 s5, $0x38;
	v3 =	vmul.f32 v3, v0;
	v5 =	vpop (erf)  }
0x27f: {  	s4 =	sadd.s32 $0x400, s4;
	v6 =	vld [tilespmem:s10+$0xFFFFFD80];
	v5 =	vmul.f32 v5, v0;
	v7 =	vpop (erf)  }
0x280: {  	v7 =	vmul.f32 v7, v0;
	[tilespmem:s4+$0x0] =	vst.add.f32.msk $0xffff, v3  }
0x281: {  	v3 =	vld [tilespmem:s10+$0xFFFFFE00];
	v8 =	vpop (erf)  }
0x282: {  	v9 =	vld [tilespmem:s10+$0xFFFFFE80];
	v14 =	vmul.f32 $1.442695020e+00, v2;
	v8 =	vmul.f32 v8, v0;
	v10 =	vpop (erf)  }
0x283: {  	v1 =	vmul.f32 $1.442695020e+00, v1;
	v11 =	vld [tilespmem:s10+$0xFFFFFF00];
	v10 =	vmul.f32 v10, v0;
	v12 =	vpop (erf)  }
0x284: {  	v6 =	vmul.f32 $1.442695020e+00, v6;
	v13 =	vld [tilespmem:s10+$0xFFFFFF80];
	(erf) = vpow2.f32 v14;
	v2 =	vpop (erf)  }
0x285: {  	v14 =	vld [tilespmem:s10+$0xFFFFFC80];
	(erf) = vpow2.f32 v1;
	v1 =	vmul.f32 v12, v0;
	v12 =	vpop (erf)  }
0x286: {  	v3 =	vmul.f32 $1.442695020e+00, v3;
	(erf) = vpow2.f32 v6;
	[tilespmem:s4+$0xFFFFFD00] =	vst.add.f32.msk $0xffff, v5  }
0x287: {  	v6 =	vmul.f32 v12, v0;
	v5 =	vmul.f32 $1.442695020e+00, v9;
	[tilespmem:s4+$0xFFFFFD80] =	vst.add.f32.msk $0xffff, v7  }
.Ltmp10:
0x288: {  	v7 =	vmul.f32 $1.442695020e+00, v11;
	(erf) = vpow2.f32 v3;
	[tilespmem:s4+$0xFFFFFE00] =	vst.add.f32.msk $0xffff, v8;
	(pc) =	sbr.rel @p1 .LBB2_23-.Ltmp10, $4  }
0x289: {  	v3 =	vmul.f32 $1.442695020e+00, v13;
	(erf) = vpow2.f32 v5;
	[tilespmem:s4+$0xFFFFFC80] =	vst.add.f32.msk $0xffff, v6  }
0x28a: {  	v5 =	vmul.f32 $1.442695020e+00, v14;
	(erf) = vpow2.f32 v7;
	[tilespmem:s4+$0xFFFFFE80] =	vst.add.f32.msk $0xffff, v10  }
0x28b: {  	(erf) = vpow2.f32 v3;
	[tilespmem:s4+$0xFFFFFF00] =	vst.add.f32.msk $0xffff, v1;
	v1 =	vmul.f32 v2, v0  }
0x28c: {  	s10 =	sadd.s32 $0x1000, s10;
	(erf) = vpow2.f32 v5;
	[tilespmem:s3+$0xFFFFFF80] =	vst.add.f32.msk $0xffff, v4;
	s3 =	smov.u32 s4  }
0x28d: {  	_ = 	snop  }
0x28e: {  	v2 =	vpop (erf)  }
0x28f: {  	v3 =	vpop (erf)  }
0x290: {  	v2 =	vmul.f32 v2, v0;
	v4 =	vpop (erf)  }
0x291: {  	s4 =	sadd.s32 $0x400, s4;
	[tilespmem:s3+$0xFFFFFF80] =	vst.add.f32.msk $0xffff, v1;
	v3 =	vmul.f32 v3, v0;
	v5 =	vpop (erf)  }
0x292: {  	v4 =	vmul.f32 v4, v0;
	[tilespmem:s4+$0x0] =	vst.add.f32.msk $0xffff, v2;
	v6 =	vpop (erf)  }
0x293: {  	[tilespmem:s4+$0xFFFFFD00] =	vst.add.f32.msk $0xffff, v3;
	v5 =	vmul.f32 v5, v0;
	v7 =	vpop (erf)  }
0x294: {  	[tilespmem:s4+$0xFFFFFD80] =	vst.add.f32.msk $0xffff, v4;
	v52 =	vmul.f32 v6, v0;
	v2 =	vpop (erf)  }
0x295: {  	[tilespmem:s4+$0xFFFFFE00] =	vst.add.f32.msk $0xffff, v5;
	v53 =	vmul.f32 v7, v0;
	v8 =	vpop (erf)  }
0x296: {  	[tilespmem:s4+$0xFFFFFE80] =	vst.add.f32.msk $0xffff, v52;
	v3 =	vmul.f32 v8, v0  }
0x297: {  	[tilespmem:s4+$0xFFFFFF00] =	vst.add.f32.msk $0xffff, v53;
	v0 =	vmul.f32 v2, v0  }
0x298: {  	[tilespmem:s4+$0xFFFFFC80] =	vst.add.f32.msk $0xffff, v3  }
0x299: {  	[tilespmem:s4+$0xFFFFFF80] =	vst.add.f32.msk $0xffff, v0  }
0x29a: {  	v0 =	vld [tilespmem:s9+$0x0]  }
0x29b: {  	v1 =	vld [tilespmem:s9+$0xFFFFFD00]  }
0x29c: {  	v2 =	vld [tilespmem:s9+$0xFFFFFD80]  }
0x29d: {  	v3 =	vld [tilespmem:s9+$0xFFFFFE00]  }
0x29e: {  	v4 =	vld [tilespmem:s9+$0xFFFFFE80]  }
0x29f: {  	v5 =	vld [tilespmem:s9+$0xFFFFFF00];
	v0 =	vmul.f32 $1.442695020e+00, v0  }
0x2a0: {  	v54 =	vld [tilespmem:s9+$0xFFFFFF80];
	v1 =	vmul.f32 $1.442695020e+00, v1  }
0x2a1: {  	s21 =	sadd.s32 $0x1000, s9;
	v55 =	vld [tilespmem:s9+$0xFFFFFC80];
	v2 =	vmul.f32 $1.442695020e+00, v2;
	(erf) = vpow2.f32 v0  }
0x2a2: {  	v59 =	vld [tilespmem:s21+$0xFFFFFE00];
	v0 =	vmul.f32 $1.442695020e+00, v3;
	(erf) = vpow2.f32 v1  }
0x2a3: {  	v9 =	vld [tilespmem:s21+$0xFFFFFE80];
	v1 =	vmul.f32 $1.442695020e+00, v4;
	(erf) = vpow2.f32 v2  }
0x2a4: {  	v11 =	vld [tilespmem:s21+$0xFFFFFF00];
	v2 =	vmul.f32 $1.442695020e+00, v5;
	(erf) = vpow2.f32 v0  }
0x2a5: {  	v13 =	vld [tilespmem:s21+$0xFFFFFF80];
	(erf) = vpow2.f32 v1;
	v1 =	vmul.f32 $1.442695020e+00, v54  }
0x2a6: {  	v3 =	vmul.f32 $1.442695020e+00, v55;
	v0 =	vld [tilespmem:$0x140B0];
	(erf) = vpow2.f32 v2  }
0x2a7: {  	(erf) = vpow2.f32 v1;
	v1 =	vld [tilespmem:s21+$0x0]  }
0x2a8: {  	(erf) = vpow2.f32 v3;
	v3 =	vld [tilespmem:s21+$0xFFFFFD00]  }
0x2a9: {  	v57 =	vld [tilespmem:s21+$0xFFFFFD80]  }
0x2aa: {  	v7 =	vmul.f32 $1.442695020e+00, v59;
	v2 =	vpop (erf)  }
0x2ab: {  	v61 =	vmul.f32 $1.442695020e+00, v9;
	v62 =	vmul.f32 $1.442695020e+00, v11;
	v56 =	vpop (erf)  }
0x2ac: {  	v63 =	vmul.f32 $1.442695020e+00, v13;
	v58 =	vpop (erf);
	v1 =	vmul.f32 $1.442695020e+00, v1  }
0x2ad: {  	v2 =	vmul.f32 v2, v0;
	v60 =	vpop (erf);
	v3 =	vmul.f32 $1.442695020e+00, v3  }
0x2ae: {  	v5 =	vmul.f32 $1.442695020e+00, v57;
	v10 =	vpop (erf);
	(erf) = vpow2.f32 v1  }
0x2af: {  	v4 =	vmul.f32 v56, v0;
	v12 =	vpop (erf);
	(erf) = vpow2.f32 v3;
	v3 =	vld [tilespmem:s21+$0xFFFFFC80]  }
0x2b0: {  	v6 =	vmul.f32 v58, v0;
	[tilespmem:s15+$0x0] =	vst.add.f32.msk $0xffff, v2;
	v1 =	vpop (erf);
	(erf) = vpow2.f32 v5  }
0x2b1: {  	v8 =	vmul.f32 v60, v0;
	[tilespmem:s15+$0xFFFFFD00] =	vst.add.f32.msk $0xffff, v4;
	v10 =	vmul.f32 v10, v0;
	v2 =	vpop (erf)  }
0x2b2: {  	[tilespmem:s15+$0xFFFFFD80] =	vst.add.f32.msk $0xffff, v6;
	(erf) = vpow2.f32 v7;
	v2 =	vmul.f32 v2, v0  }
0x2b3: {  	v12 =	vmul.f32 v12, v0;
	[tilespmem:s15+$0xFFFFFE00] =	vst.add.f32.msk $0xffff, v8;
	(erf) = vpow2.f32 v61  }
0x2b4: {  	(erf) = vpow2.f32 v62;
	[tilespmem:s15+$0xFFFFFC80] =	vst.add.f32.msk $0xffff, v2;
	v2 =	vmul.f32 $1.442695020e+00, v3  }
0x2b5: {  	s5 =	simm.s32 $0x8;
	[tilespmem:s15+$0xFFFFFE80] =	vst.add.f32.msk $0xffff, v10;
	v1 =	vmul.f32 v1, v0;
	(erf) = vpow2.f32 v63  }
0x2b6: {  	s3 =	smov.u32 s15;
	s4 =	smov.u32 s15;
	s9 =	sadd.s32 $0x1000, s21;
	[tilespmem:s15+$0xFFFFFF00] =	vst.add.f32.msk $0xffff, v12;
	(erf) = vpow2.f32 v2  }
.LBB2_25:
0x2b7: {  	v2 =	vld [tilespmem:s9+$0x0];
	s5 =	sadd.s32 $0x8, s5;
	v3 =	vpop (erf);
	v4 =	vmov v1  }
0x2b8: {  	v1 =	vld [tilespmem:s9+$0xFFFFFD00];
	p1 =	slt.u32 s5, $0x38;
	v3 =	vmul.f32 v3, v0;
	v5 =	vpop (erf)  }
0x2b9: {  	s4 =	sadd.s32 $0x400, s4;
	v6 =	vld [tilespmem:s9+$0xFFFFFD80];
	v5 =	vmul.f32 v5, v0;
	v7 =	vpop (erf)  }
0x2ba: {  	v7 =	vmul.f32 v7, v0;
	[tilespmem:s4+$0x0] =	vst.add.f32.msk $0xffff, v3  }
0x2bb: {  	v3 =	vld [tilespmem:s9+$0xFFFFFE00];
	v8 =	vpop (erf)  }
0x2bc: {  	v9 =	vld [tilespmem:s9+$0xFFFFFE80];
	v14 =	vmul.f32 $1.442695020e+00, v2;
	v8 =	vmul.f32 v8, v0;
	v10 =	vpop (erf)  }
0x2bd: {  	v1 =	vmul.f32 $1.442695020e+00, v1;
	v11 =	vld [tilespmem:s9+$0xFFFFFF00];
	v10 =	vmul.f32 v10, v0;
	v12 =	vpop (erf)  }
0x2be: {  	v6 =	vmul.f32 $1.442695020e+00, v6;
	v13 =	vld [tilespmem:s9+$0xFFFFFF80];
	(erf) = vpow2.f32 v14;
	v2 =	vpop (erf)  }
0x2bf: {  	v14 =	vld [tilespmem:s9+$0xFFFFFC80];
	(erf) = vpow2.f32 v1;
	v1 =	vmul.f32 v12, v0;
	v12 =	vpop (erf)  }
0x2c0: {  	v3 =	vmul.f32 $1.442695020e+00, v3;
	(erf) = vpow2.f32 v6;
	[tilespmem:s4+$0xFFFFFD00] =	vst.add.f32.msk $0xffff, v5  }
0x2c1: {  	v6 =	vmul.f32 v12, v0;
	v5 =	vmul.f32 $1.442695020e+00, v9;
	[tilespmem:s4+$0xFFFFFD80] =	vst.add.f32.msk $0xffff, v7  }
.Ltmp11:
0x2c2: {  	v7 =	vmul.f32 $1.442695020e+00, v11;
	(erf) = vpow2.f32 v3;
	[tilespmem:s4+$0xFFFFFE00] =	vst.add.f32.msk $0xffff, v8;
	(pc) =	sbr.rel @p1 .LBB2_25-.Ltmp11, $4  }
0x2c3: {  	v3 =	vmul.f32 $1.442695020e+00, v13;
	(erf) = vpow2.f32 v5;
	[tilespmem:s4+$0xFFFFFC80] =	vst.add.f32.msk $0xffff, v6  }
0x2c4: {  	v5 =	vmul.f32 $1.442695020e+00, v14;
	(erf) = vpow2.f32 v7;
	[tilespmem:s4+$0xFFFFFE80] =	vst.add.f32.msk $0xffff, v10  }
0x2c5: {  	(erf) = vpow2.f32 v3;
	[tilespmem:s4+$0xFFFFFF00] =	vst.add.f32.msk $0xffff, v1;
	v1 =	vmul.f32 v2, v0  }
0x2c6: {  	s9 =	sadd.s32 $0x1000, s9;
	(erf) = vpow2.f32 v5;
	[tilespmem:s3+$0xFFFFFF80] =	vst.add.f32.msk $0xffff, v4;
	s3 =	smov.u32 s4  }
0x2c7: {  	_ = 	snop  }
0x2c8: {  	v2 =	vpop (erf)  }
0x2c9: {  	v3 =	vpop (erf)  }
0x2ca: {  	v2 =	vmul.f32 v2, v0;
	v4 =	vpop (erf)  }
0x2cb: {  	s4 =	sadd.s32 $0x400, s4;
	[tilespmem:s3+$0xFFFFFF80] =	vst.add.f32.msk $0xffff, v1;
	v3 =	vmul.f32 v3, v0;
	v5 =	vpop (erf)  }
0x2cc: {  	v4 =	vmul.f32 v4, v0;
	[tilespmem:s4+$0x0] =	vst.add.f32.msk $0xffff, v2;
	v6 =	vpop (erf)  }
0x2cd: {  	[tilespmem:s4+$0xFFFFFD00] =	vst.add.f32.msk $0xffff, v3;
	v5 =	vmul.f32 v5, v0;
	v7 =	vpop (erf)  }
0x2ce: {  	[tilespmem:s4+$0xFFFFFD80] =	vst.add.f32.msk $0xffff, v4;
	v52 =	vmul.f32 v6, v0;
	v2 =	vpop (erf)  }
0x2cf: {  	[tilespmem:s4+$0xFFFFFE00] =	vst.add.f32.msk $0xffff, v5;
	v53 =	vmul.f32 v7, v0;
	v8 =	vpop (erf)  }
0x2d0: {  	[tilespmem:s4+$0xFFFFFE80] =	vst.add.f32.msk $0xffff, v52;
	v3 =	vmul.f32 v8, v0  }
0x2d1: {  	[tilespmem:s4+$0xFFFFFF00] =	vst.add.f32.msk $0xffff, v53;
	v0 =	vmul.f32 v2, v0  }
0x2d2: {  	[tilespmem:s4+$0xFFFFFC80] =	vst.add.f32.msk $0xffff, v3  }
0x2d3: {  	[tilespmem:s4+$0xFFFFFF80] =	vst.add.f32.msk $0xffff, v0  }
0x2d4: {  	v0 =	vld [tilespmem:s8+$0x0]  }
0x2d5: {  	v1 =	vld [tilespmem:s8+$0xFFFFFD00]  }
0x2d6: {  	v2 =	vld [tilespmem:s8+$0xFFFFFD80]  }
0x2d7: {  	v3 =	vld [tilespmem:s8+$0xFFFFFE00]  }
0x2d8: {  	v4 =	vld [tilespmem:s8+$0xFFFFFE80]  }
0x2d9: {  	v5 =	vld [tilespmem:s8+$0xFFFFFF00];
	v0 =	vmul.f32 $1.442695020e+00, v0  }
0x2da: {  	v54 =	vld [tilespmem:s8+$0xFFFFFF80];
	v1 =	vmul.f32 $1.442695020e+00, v1  }
0x2db: {  	s21 =	sadd.s32 $0x1000, s8;
	v55 =	vld [tilespmem:s8+$0xFFFFFC80];
	v2 =	vmul.f32 $1.442695020e+00, v2;
	(erf) = vpow2.f32 v0  }
0x2dc: {  	v59 =	vld [tilespmem:s21+$0xFFFFFE00];
	v0 =	vmul.f32 $1.442695020e+00, v3;
	(erf) = vpow2.f32 v1  }
0x2dd: {  	v9 =	vld [tilespmem:s21+$0xFFFFFE80];
	v1 =	vmul.f32 $1.442695020e+00, v4;
	(erf) = vpow2.f32 v2  }
0x2de: {  	v11 =	vld [tilespmem:s21+$0xFFFFFF00];
	v2 =	vmul.f32 $1.442695020e+00, v5;
	(erf) = vpow2.f32 v0  }
0x2df: {  	v13 =	vld [tilespmem:s21+$0xFFFFFF80];
	(erf) = vpow2.f32 v1;
	v1 =	vmul.f32 $1.442695020e+00, v54  }
0x2e0: {  	v3 =	vmul.f32 $1.442695020e+00, v55;
	v0 =	vld [tilespmem:$0x140C0];
	(erf) = vpow2.f32 v2  }
0x2e1: {  	(erf) = vpow2.f32 v1;
	v1 =	vld [tilespmem:s21+$0x0]  }
0x2e2: {  	(erf) = vpow2.f32 v3;
	v3 =	vld [tilespmem:s21+$0xFFFFFD00]  }
0x2e3: {  	v57 =	vld [tilespmem:s21+$0xFFFFFD80]  }
0x2e4: {  	v7 =	vmul.f32 $1.442695020e+00, v59;
	v2 =	vpop (erf)  }
0x2e5: {  	v61 =	vmul.f32 $1.442695020e+00, v9;
	v62 =	vmul.f32 $1.442695020e+00, v11;
	v56 =	vpop (erf)  }
0x2e6: {  	v63 =	vmul.f32 $1.442695020e+00, v13;
	v58 =	vpop (erf);
	v1 =	vmul.f32 $1.442695020e+00, v1  }
0x2e7: {  	v2 =	vmul.f32 v2, v0;
	v60 =	vpop (erf);
	v3 =	vmul.f32 $1.442695020e+00, v3  }
0x2e8: {  	v5 =	vmul.f32 $1.442695020e+00, v57;
	v10 =	vpop (erf);
	(erf) = vpow2.f32 v1  }
0x2e9: {  	v4 =	vmul.f32 v56, v0;
	v12 =	vpop (erf);
	(erf) = vpow2.f32 v3;
	v3 =	vld [tilespmem:s21+$0xFFFFFC80]  }
0x2ea: {  	v6 =	vmul.f32 v58, v0;
	[tilespmem:s15+$0x0] =	vst.add.f32.msk $0xffff, v2;
	v1 =	vpop (erf);
	(erf) = vpow2.f32 v5  }
0x2eb: {  	v8 =	vmul.f32 v60, v0;
	[tilespmem:s15+$0xFFFFFD00] =	vst.add.f32.msk $0xffff, v4;
	v10 =	vmul.f32 v10, v0;
	v2 =	vpop (erf)  }
0x2ec: {  	[tilespmem:s15+$0xFFFFFD80] =	vst.add.f32.msk $0xffff, v6;
	(erf) = vpow2.f32 v7;
	v2 =	vmul.f32 v2, v0  }
0x2ed: {  	v12 =	vmul.f32 v12, v0;
	[tilespmem:s15+$0xFFFFFE00] =	vst.add.f32.msk $0xffff, v8;
	(erf) = vpow2.f32 v61  }
0x2ee: {  	(erf) = vpow2.f32 v62;
	[tilespmem:s15+$0xFFFFFC80] =	vst.add.f32.msk $0xffff, v2;
	v2 =	vmul.f32 $1.442695020e+00, v3  }
0x2ef: {  	s5 =	simm.s32 $0x8;
	[tilespmem:s15+$0xFFFFFE80] =	vst.add.f32.msk $0xffff, v10;
	v1 =	vmul.f32 v1, v0;
	(erf) = vpow2.f32 v63  }
0x2f0: {  	s3 =	smov.u32 s15;
	s4 =	smov.u32 s15;
	s8 =	sadd.s32 $0x1000, s21;
	[tilespmem:s15+$0xFFFFFF00] =	vst.add.f32.msk $0xffff, v12;
	(erf) = vpow2.f32 v2  }
.LBB2_27:
0x2f1: {  	v2 =	vld [tilespmem:s8+$0x0];
	s5 =	sadd.s32 $0x8, s5;
	v3 =	vpop (erf);
	v4 =	vmov v1  }
0x2f2: {  	v1 =	vld [tilespmem:s8+$0xFFFFFD00];
	p1 =	slt.u32 s5, $0x38;
	v3 =	vmul.f32 v3, v0;
	v5 =	vpop (erf)  }
0x2f3: {  	s4 =	sadd.s32 $0x400, s4;
	v6 =	vld [tilespmem:s8+$0xFFFFFD80];
	v5 =	vmul.f32 v5, v0;
	v7 =	vpop (erf)  }
0x2f4: {  	v7 =	vmul.f32 v7, v0;
	[tilespmem:s4+$0x0] =	vst.add.f32.msk $0xffff, v3  }
0x2f5: {  	v3 =	vld [tilespmem:s8+$0xFFFFFE00];
	v8 =	vpop (erf)  }
0x2f6: {  	v9 =	vld [tilespmem:s8+$0xFFFFFE80];
	v14 =	vmul.f32 $1.442695020e+00, v2;
	v8 =	vmul.f32 v8, v0;
	v10 =	vpop (erf)  }
0x2f7: {  	v1 =	vmul.f32 $1.442695020e+00, v1;
	v11 =	vld [tilespmem:s8+$0xFFFFFF00];
	v10 =	vmul.f32 v10, v0;
	v12 =	vpop (erf)  }
0x2f8: {  	v6 =	vmul.f32 $1.442695020e+00, v6;
	v13 =	vld [tilespmem:s8+$0xFFFFFF80];
	(erf) = vpow2.f32 v14;
	v2 =	vpop (erf)  }
0x2f9: {  	v14 =	vld [tilespmem:s8+$0xFFFFFC80];
	(erf) = vpow2.f32 v1;
	v1 =	vmul.f32 v12, v0;
	v12 =	vpop (erf)  }
0x2fa: {  	v3 =	vmul.f32 $1.442695020e+00, v3;
	(erf) = vpow2.f32 v6;
	[tilespmem:s4+$0xFFFFFD00] =	vst.add.f32.msk $0xffff, v5  }
0x2fb: {  	v6 =	vmul.f32 v12, v0;
	v5 =	vmul.f32 $1.442695020e+00, v9;
	[tilespmem:s4+$0xFFFFFD80] =	vst.add.f32.msk $0xffff, v7  }
.Ltmp12:
0x2fc: {  	v7 =	vmul.f32 $1.442695020e+00, v11;
	(erf) = vpow2.f32 v3;
	[tilespmem:s4+$0xFFFFFE00] =	vst.add.f32.msk $0xffff, v8;
	(pc) =	sbr.rel @p1 .LBB2_27-.Ltmp12, $4  }
0x2fd: {  	v3 =	vmul.f32 $1.442695020e+00, v13;
	(erf) = vpow2.f32 v5;
	[tilespmem:s4+$0xFFFFFC80] =	vst.add.f32.msk $0xffff, v6  }
0x2fe: {  	v5 =	vmul.f32 $1.442695020e+00, v14;
	(erf) = vpow2.f32 v7;
	[tilespmem:s4+$0xFFFFFE80] =	vst.add.f32.msk $0xffff, v10  }
0x2ff: {  	(erf) = vpow2.f32 v3;
	[tilespmem:s4+$0xFFFFFF00] =	vst.add.f32.msk $0xffff, v1;
	v1 =	vmul.f32 v2, v0  }
0x300: {  	s8 =	sadd.s32 $0x1000, s8;
	(erf) = vpow2.f32 v5;
	[tilespmem:s3+$0xFFFFFF80] =	vst.add.f32.msk $0xffff, v4;
	s3 =	smov.u32 s4  }
0x301: {  	_ = 	snop  }
0x302: {  	v2 =	vpop (erf)  }
0x303: {  	v3 =	vpop (erf)  }
0x304: {  	v2 =	vmul.f32 v2, v0;
	v4 =	vpop (erf)  }
0x305: {  	s4 =	sadd.s32 $0x400, s4;
	[tilespmem:s3+$0xFFFFFF80] =	vst.add.f32.msk $0xffff, v1;
	v3 =	vmul.f32 v3, v0;
	v5 =	vpop (erf)  }
0x306: {  	v4 =	vmul.f32 v4, v0;
	[tilespmem:s4+$0x0] =	vst.add.f32.msk $0xffff, v2;
	v6 =	vpop (erf)  }
0x307: {  	[tilespmem:s4+$0xFFFFFD00] =	vst.add.f32.msk $0xffff, v3;
	v5 =	vmul.f32 v5, v0;
	v7 =	vpop (erf)  }
0x308: {  	[tilespmem:s4+$0xFFFFFD80] =	vst.add.f32.msk $0xffff, v4;
	v52 =	vmul.f32 v6, v0;
	v2 =	vpop (erf)  }
0x309: {  	[tilespmem:s4+$0xFFFFFE00] =	vst.add.f32.msk $0xffff, v5;
	v53 =	vmul.f32 v7, v0;
	v8 =	vpop (erf)  }
0x30a: {  	[tilespmem:s4+$0xFFFFFE80] =	vst.add.f32.msk $0xffff, v52;
	v3 =	vmul.f32 v8, v0  }
0x30b: {  	[tilespmem:s4+$0xFFFFFF00] =	vst.add.f32.msk $0xffff, v53;
	v0 =	vmul.f32 v2, v0  }
0x30c: {  	[tilespmem:s4+$0xFFFFFC80] =	vst.add.f32.msk $0xffff, v3  }
0x30d: {  	[tilespmem:s4+$0xFFFFFF80] =	vst.add.f32.msk $0xffff, v0  }
0x30e: {  	v0 =	vld [tilespmem:s6+$0x0]  }
0x30f: {  	v1 =	vld [tilespmem:s6+$0xFFFFFD00]  }
0x310: {  	v2 =	vld [tilespmem:s6+$0xFFFFFD80]  }
0x311: {  	v3 =	vld [tilespmem:s6+$0xFFFFFE00]  }
0x312: {  	v4 =	vld [tilespmem:s6+$0xFFFFFE80]  }
0x313: {  	v5 =	vld [tilespmem:s6+$0xFFFFFF00];
	v0 =	vmul.f32 $1.442695020e+00, v0  }
0x314: {  	v54 =	vld [tilespmem:s6+$0xFFFFFF80];
	v1 =	vmul.f32 $1.442695020e+00, v1  }
0x315: {  	s21 =	sadd.s32 $0x1000, s6;
	v55 =	vld [tilespmem:s6+$0xFFFFFC80];
	v2 =	vmul.f32 $1.442695020e+00, v2;
	(erf) = vpow2.f32 v0  }
0x316: {  	v59 =	vld [tilespmem:s21+$0xFFFFFE00];
	v0 =	vmul.f32 $1.442695020e+00, v3;
	(erf) = vpow2.f32 v1  }
0x317: {  	v9 =	vld [tilespmem:s21+$0xFFFFFE80];
	v1 =	vmul.f32 $1.442695020e+00, v4;
	(erf) = vpow2.f32 v2  }
0x318: {  	v11 =	vld [tilespmem:s21+$0xFFFFFF00];
	v2 =	vmul.f32 $1.442695020e+00, v5;
	(erf) = vpow2.f32 v0  }
0x319: {  	v13 =	vld [tilespmem:s21+$0xFFFFFF80];
	(erf) = vpow2.f32 v1;
	v1 =	vmul.f32 $1.442695020e+00, v54  }
0x31a: {  	v3 =	vmul.f32 $1.442695020e+00, v55;
	v0 =	vld [tilespmem:$0x140D0];
	(erf) = vpow2.f32 v2  }
0x31b: {  	(erf) = vpow2.f32 v1;
	v1 =	vld [tilespmem:s21+$0x0]  }
0x31c: {  	(erf) = vpow2.f32 v3;
	v3 =	vld [tilespmem:s21+$0xFFFFFD00]  }
0x31d: {  	v57 =	vld [tilespmem:s21+$0xFFFFFD80]  }
0x31e: {  	v7 =	vmul.f32 $1.442695020e+00, v59;
	v2 =	vpop (erf)  }
0x31f: {  	v61 =	vmul.f32 $1.442695020e+00, v9;
	v62 =	vmul.f32 $1.442695020e+00, v11;
	v56 =	vpop (erf)  }
0x320: {  	v63 =	vmul.f32 $1.442695020e+00, v13;
	v58 =	vpop (erf);
	v1 =	vmul.f32 $1.442695020e+00, v1  }
0x321: {  	v2 =	vmul.f32 v2, v0;
	v60 =	vpop (erf);
	v3 =	vmul.f32 $1.442695020e+00, v3  }
0x322: {  	v5 =	vmul.f32 $1.442695020e+00, v57;
	v10 =	vpop (erf);
	(erf) = vpow2.f32 v1  }
0x323: {  	v4 =	vmul.f32 v56, v0;
	v12 =	vpop (erf);
	(erf) = vpow2.f32 v3;
	v3 =	vld [tilespmem:s21+$0xFFFFFC80]  }
0x324: {  	v6 =	vmul.f32 v58, v0;
	[tilespmem:s15+$0x0] =	vst.add.f32.msk $0xffff, v2;
	v1 =	vpop (erf);
	(erf) = vpow2.f32 v5  }
0x325: {  	v8 =	vmul.f32 v60, v0;
	[tilespmem:s15+$0xFFFFFD00] =	vst.add.f32.msk $0xffff, v4;
	v10 =	vmul.f32 v10, v0;
	v2 =	vpop (erf)  }
0x326: {  	[tilespmem:s15+$0xFFFFFD80] =	vst.add.f32.msk $0xffff, v6;
	(erf) = vpow2.f32 v7;
	v2 =	vmul.f32 v2, v0  }
0x327: {  	v12 =	vmul.f32 v12, v0;
	[tilespmem:s15+$0xFFFFFE00] =	vst.add.f32.msk $0xffff, v8;
	(erf) = vpow2.f32 v61  }
0x328: {  	(erf) = vpow2.f32 v62;
	[tilespmem:s15+$0xFFFFFC80] =	vst.add.f32.msk $0xffff, v2;
	v2 =	vmul.f32 $1.442695020e+00, v3  }
0x329: {  	s5 =	simm.s32 $0x8;
	[tilespmem:s15+$0xFFFFFE80] =	vst.add.f32.msk $0xffff, v10;
	v1 =	vmul.f32 v1, v0;
	(erf) = vpow2.f32 v63  }
0x32a: {  	s3 =	smov.u32 s15;
	s4 =	smov.u32 s15;
	s6 =	sadd.s32 $0x1000, s21;
	[tilespmem:s15+$0xFFFFFF00] =	vst.add.f32.msk $0xffff, v12;
	(erf) = vpow2.f32 v2  }
.LBB2_29:
0x32b: {  	v2 =	vld [tilespmem:s6+$0x0];
	s5 =	sadd.s32 $0x8, s5;
	v3 =	vpop (erf);
	v4 =	vmov v1  }
0x32c: {  	v1 =	vld [tilespmem:s6+$0xFFFFFD00];
	p1 =	slt.u32 s5, $0x38;
	v3 =	vmul.f32 v3, v0;
	v5 =	vpop (erf)  }
0x32d: {  	s4 =	sadd.s32 $0x400, s4;
	v6 =	vld [tilespmem:s6+$0xFFFFFD80];
	v5 =	vmul.f32 v5, v0;
	v7 =	vpop (erf)  }
0x32e: {  	v7 =	vmul.f32 v7, v0;
	[tilespmem:s4+$0x0] =	vst.add.f32.msk $0xffff, v3  }
0x32f: {  	v3 =	vld [tilespmem:s6+$0xFFFFFE00];
	v8 =	vpop (erf)  }
0x330: {  	v9 =	vld [tilespmem:s6+$0xFFFFFE80];
	v14 =	vmul.f32 $1.442695020e+00, v2;
	v8 =	vmul.f32 v8, v0;
	v10 =	vpop (erf)  }
0x331: {  	v1 =	vmul.f32 $1.442695020e+00, v1;
	v11 =	vld [tilespmem:s6+$0xFFFFFF00];
	v10 =	vmul.f32 v10, v0;
	v12 =	vpop (erf)  }
0x332: {  	v6 =	vmul.f32 $1.442695020e+00, v6;
	v13 =	vld [tilespmem:s6+$0xFFFFFF80];
	(erf) = vpow2.f32 v14;
	v2 =	vpop (erf)  }
0x333: {  	v14 =	vld [tilespmem:s6+$0xFFFFFC80];
	(erf) = vpow2.f32 v1;
	v1 =	vmul.f32 v12, v0;
	v12 =	vpop (erf)  }
0x334: {  	v3 =	vmul.f32 $1.442695020e+00, v3;
	(erf) = vpow2.f32 v6;
	[tilespmem:s4+$0xFFFFFD00] =	vst.add.f32.msk $0xffff, v5  }
0x335: {  	v6 =	vmul.f32 v12, v0;
	v5 =	vmul.f32 $1.442695020e+00, v9;
	[tilespmem:s4+$0xFFFFFD80] =	vst.add.f32.msk $0xffff, v7  }
.Ltmp13:
0x336: {  	v7 =	vmul.f32 $1.442695020e+00, v11;
	(erf) = vpow2.f32 v3;
	[tilespmem:s4+$0xFFFFFE00] =	vst.add.f32.msk $0xffff, v8;
	(pc) =	sbr.rel @p1 .LBB2_29-.Ltmp13, $4  }
0x337: {  	v3 =	vmul.f32 $1.442695020e+00, v13;
	(erf) = vpow2.f32 v5;
	[tilespmem:s4+$0xFFFFFC80] =	vst.add.f32.msk $0xffff, v6  }
0x338: {  	v5 =	vmul.f32 $1.442695020e+00, v14;
	(erf) = vpow2.f32 v7;
	[tilespmem:s4+$0xFFFFFE80] =	vst.add.f32.msk $0xffff, v10  }
0x339: {  	(erf) = vpow2.f32 v3;
	[tilespmem:s4+$0xFFFFFF00] =	vst.add.f32.msk $0xffff, v1;
	v1 =	vmul.f32 v2, v0  }
0x33a: {  	s6 =	sadd.s32 $0x1000, s6;
	(erf) = vpow2.f32 v5;
	[tilespmem:s3+$0xFFFFFF80] =	vst.add.f32.msk $0xffff, v4;
	s3 =	smov.u32 s4  }
0x33b: {  	_ = 	snop  }
0x33c: {  	v2 =	vpop (erf)  }
0x33d: {  	v3 =	vpop (erf)  }
0x33e: {  	v2 =	vmul.f32 v2, v0;
	v4 =	vpop (erf)  }
0x33f: {  	s4 =	sadd.s32 $0x400, s4;
	[tilespmem:s3+$0xFFFFFF80] =	vst.add.f32.msk $0xffff, v1;
	v3 =	vmul.f32 v3, v0;
	v5 =	vpop (erf)  }
0x340: {  	v4 =	vmul.f32 v4, v0;
	[tilespmem:s4+$0x0] =	vst.add.f32.msk $0xffff, v2;
	v6 =	vpop (erf)  }
0x341: {  	[tilespmem:s4+$0xFFFFFD00] =	vst.add.f32.msk $0xffff, v3;
	v5 =	vmul.f32 v5, v0;
	v7 =	vpop (erf)  }
0x342: {  	[tilespmem:s4+$0xFFFFFD80] =	vst.add.f32.msk $0xffff, v4;
	v52 =	vmul.f32 v6, v0;
	v2 =	vpop (erf)  }
0x343: {  	[tilespmem:s4+$0xFFFFFE00] =	vst.add.f32.msk $0xffff, v5;
	v53 =	vmul.f32 v7, v0;
	v8 =	vpop (erf)  }
0x344: {  	[tilespmem:s4+$0xFFFFFE80] =	vst.add.f32.msk $0xffff, v52;
	v3 =	vmul.f32 v8, v0  }
0x345: {  	[tilespmem:s4+$0xFFFFFF00] =	vst.add.f32.msk $0xffff, v53;
	v0 =	vmul.f32 v2, v0  }
0x346: {  	[tilespmem:s4+$0xFFFFFC80] =	vst.add.f32.msk $0xffff, v3  }
0x347: {  	[tilespmem:s4+$0xFFFFFF80] =	vst.add.f32.msk $0xffff, v0  }
0x348: {  	v0 =	vld [tilespmem:s7+$0x0]  }
0x349: {  	v1 =	vld [tilespmem:s7+$0xFFFFFD00]  }
0x34a: {  	v2 =	vld [tilespmem:s7+$0xFFFFFD80]  }
0x34b: {  	v3 =	vld [tilespmem:s7+$0xFFFFFE00]  }
0x34c: {  	v4 =	vld [tilespmem:s7+$0xFFFFFE80]  }
0x34d: {  	v5 =	vld [tilespmem:s7+$0xFFFFFF00];
	v0 =	vmul.f32 $1.442695020e+00, v0  }
0x34e: {  	v54 =	vld [tilespmem:s7+$0xFFFFFF80];
	v1 =	vmul.f32 $1.442695020e+00, v1  }
0x34f: {  	s21 =	sadd.s32 $0x1000, s7;
	v55 =	vld [tilespmem:s7+$0xFFFFFC80];
	v2 =	vmul.f32 $1.442695020e+00, v2;
	(erf) = vpow2.f32 v0  }
0x350: {  	v59 =	vld [tilespmem:s21+$0xFFFFFE00];
	v0 =	vmul.f32 $1.442695020e+00, v3;
	(erf) = vpow2.f32 v1  }
0x351: {  	v9 =	vld [tilespmem:s21+$0xFFFFFE80];
	v1 =	vmul.f32 $1.442695020e+00, v4;
	(erf) = vpow2.f32 v2  }
0x352: {  	v11 =	vld [tilespmem:s21+$0xFFFFFF00];
	v2 =	vmul.f32 $1.442695020e+00, v5;
	(erf) = vpow2.f32 v0  }
0x353: {  	v13 =	vld [tilespmem:s21+$0xFFFFFF80];
	(erf) = vpow2.f32 v1;
	v1 =	vmul.f32 $1.442695020e+00, v54  }
0x354: {  	v3 =	vmul.f32 $1.442695020e+00, v55;
	v0 =	vld [tilespmem:$0x140E0];
	(erf) = vpow2.f32 v2  }
0x355: {  	(erf) = vpow2.f32 v1;
	v1 =	vld [tilespmem:s21+$0x0]  }
0x356: {  	(erf) = vpow2.f32 v3;
	v3 =	vld [tilespmem:s21+$0xFFFFFD00]  }
0x357: {  	v57 =	vld [tilespmem:s21+$0xFFFFFD80]  }
0x358: {  	v7 =	vmul.f32 $1.442695020e+00, v59;
	v2 =	vpop (erf)  }
0x359: {  	v61 =	vmul.f32 $1.442695020e+00, v9;
	v62 =	vmul.f32 $1.442695020e+00, v11;
	v56 =	vpop (erf)  }
0x35a: {  	v63 =	vmul.f32 $1.442695020e+00, v13;
	v58 =	vpop (erf);
	v1 =	vmul.f32 $1.442695020e+00, v1  }
0x35b: {  	v2 =	vmul.f32 v2, v0;
	v60 =	vpop (erf);
	v3 =	vmul.f32 $1.442695020e+00, v3  }
0x35c: {  	v5 =	vmul.f32 $1.442695020e+00, v57;
	v10 =	vpop (erf);
	(erf) = vpow2.f32 v1  }
0x35d: {  	v4 =	vmul.f32 v56, v0;
	v12 =	vpop (erf);
	(erf) = vpow2.f32 v3;
	v3 =	vld [tilespmem:s21+$0xFFFFFC80]  }
0x35e: {  	v6 =	vmul.f32 v58, v0;
	[tilespmem:s15+$0x0] =	vst.add.f32.msk $0xffff, v2;
	v1 =	vpop (erf);
	(erf) = vpow2.f32 v5  }
0x35f: {  	v8 =	vmul.f32 v60, v0;
	[tilespmem:s15+$0xFFFFFD00] =	vst.add.f32.msk $0xffff, v4;
	v10 =	vmul.f32 v10, v0;
	v2 =	vpop (erf)  }
0x360: {  	[tilespmem:s15+$0xFFFFFD80] =	vst.add.f32.msk $0xffff, v6;
	(erf) = vpow2.f32 v7;
	v2 =	vmul.f32 v2, v0  }
0x361: {  	v12 =	vmul.f32 v12, v0;
	[tilespmem:s15+$0xFFFFFE00] =	vst.add.f32.msk $0xffff, v8;
	(erf) = vpow2.f32 v61  }
0x362: {  	(erf) = vpow2.f32 v62;
	[tilespmem:s15+$0xFFFFFC80] =	vst.add.f32.msk $0xffff, v2;
	v2 =	vmul.f32 $1.442695020e+00, v3  }
0x363: {  	s5 =	simm.s32 $0x8;
	[tilespmem:s15+$0xFFFFFE80] =	vst.add.f32.msk $0xffff, v10;
	v1 =	vmul.f32 v1, v0;
	(erf) = vpow2.f32 v63  }
0x364: {  	s3 =	smov.u32 s15;
	s6 =	sadd.s32 $0x1000, s21;
	s4 =	smov.u32 s15;
	[tilespmem:s15+$0xFFFFFF00] =	vst.add.f32.msk $0xffff, v12;
	(erf) = vpow2.f32 v2  }
.LBB2_31:
0x365: {  	v2 =	vld [tilespmem:s6+$0x0];
	s5 =	sadd.s32 $0x8, s5;
	v3 =	vpop (erf);
	v4 =	vmov v1  }
0x366: {  	v1 =	vld [tilespmem:s6+$0xFFFFFD00];
	p1 =	slt.u32 s5, $0x38;
	v3 =	vmul.f32 v3, v0;
	v5 =	vpop (erf)  }
0x367: {  	s4 =	sadd.s32 $0x400, s4;
	v6 =	vld [tilespmem:s6+$0xFFFFFD80];
	v5 =	vmul.f32 v5, v0;
	v7 =	vpop (erf)  }
0x368: {  	v7 =	vmul.f32 v7, v0;
	[tilespmem:s4+$0x0] =	vst.add.f32.msk $0xffff, v3  }
0x369: {  	v3 =	vld [tilespmem:s6+$0xFFFFFE00];
	v8 =	vpop (erf)  }
0x36a: {  	v9 =	vld [tilespmem:s6+$0xFFFFFE80];
	v14 =	vmul.f32 $1.442695020e+00, v2;
	v8 =	vmul.f32 v8, v0;
	v10 =	vpop (erf)  }
0x36b: {  	v1 =	vmul.f32 $1.442695020e+00, v1;
	v11 =	vld [tilespmem:s6+$0xFFFFFF00];
	v10 =	vmul.f32 v10, v0;
	v12 =	vpop (erf)  }
0x36c: {  	v6 =	vmul.f32 $1.442695020e+00, v6;
	v13 =	vld [tilespmem:s6+$0xFFFFFF80];
	(erf) = vpow2.f32 v14;
	v2 =	vpop (erf)  }
0x36d: {  	v14 =	vld [tilespmem:s6+$0xFFFFFC80];
	(erf) = vpow2.f32 v1;
	v1 =	vmul.f32 v12, v0;
	v12 =	vpop (erf)  }
0x36e: {  	v3 =	vmul.f32 $1.442695020e+00, v3;
	(erf) = vpow2.f32 v6;
	[tilespmem:s4+$0xFFFFFD00] =	vst.add.f32.msk $0xffff, v5  }
0x36f: {  	v6 =	vmul.f32 v12, v0;
	v5 =	vmul.f32 $1.442695020e+00, v9;
	[tilespmem:s4+$0xFFFFFD80] =	vst.add.f32.msk $0xffff, v7  }
.Ltmp14:
0x370: {  	v7 =	vmul.f32 $1.442695020e+00, v11;
	(erf) = vpow2.f32 v3;
	[tilespmem:s4+$0xFFFFFE00] =	vst.add.f32.msk $0xffff, v8;
	(pc) =	sbr.rel @p1 .LBB2_31-.Ltmp14, $4  }
0x371: {  	v3 =	vmul.f32 $1.442695020e+00, v13;
	(erf) = vpow2.f32 v5;
	[tilespmem:s4+$0xFFFFFC80] =	vst.add.f32.msk $0xffff, v6  }
0x372: {  	v5 =	vmul.f32 $1.442695020e+00, v14;
	(erf) = vpow2.f32 v7;
	[tilespmem:s4+$0xFFFFFE80] =	vst.add.f32.msk $0xffff, v10  }
0x373: {  	(erf) = vpow2.f32 v3;
	[tilespmem:s4+$0xFFFFFF00] =	vst.add.f32.msk $0xffff, v1;
	v1 =	vmul.f32 v2, v0  }
0x374: {  	s6 =	sadd.s32 $0x1000, s6;
	(erf) = vpow2.f32 v5;
	[tilespmem:s3+$0xFFFFFF80] =	vst.add.f32.msk $0xffff, v4;
	s3 =	smov.u32 s4  }
0x375: {  	_ = 	snop  }
0x376: {  	v2 =	vpop (erf)  }
0x377: {  	v3 =	vpop (erf)  }
0x378: {  	v2 =	vmul.f32 v2, v0;
	v4 =	vpop (erf)  }
0x379: {  	s4 =	sadd.s32 $0x400, s4;
	[tilespmem:s3+$0xFFFFFF80] =	vst.add.f32.msk $0xffff, v1;
	v3 =	vmul.f32 v3, v0;
	v5 =	vpop (erf)  }
0x37a: {  	v4 =	vmul.f32 v4, v0;
	[tilespmem:s4+$0x0] =	vst.add.f32.msk $0xffff, v2;
	v6 =	vpop (erf)  }
0x37b: {  	[tilespmem:s4+$0xFFFFFD00] =	vst.add.f32.msk $0xffff, v3;
	v5 =	vmul.f32 v5, v0;
	v7 =	vpop (erf)  }
0x37c: {  	[tilespmem:s4+$0xFFFFFD80] =	vst.add.f32.msk $0xffff, v4;
	v52 =	vmul.f32 v6, v0;
	v2 =	vpop (erf)  }
0x37d: {  	[tilespmem:s4+$0xFFFFFE00] =	vst.add.f32.msk $0xffff, v5;
	v53 =	vmul.f32 v7, v0;
	v8 =	vpop (erf)  }
0x37e: {  	[tilespmem:s4+$0xFFFFFE80] =	vst.add.f32.msk $0xffff, v52;
	v3 =	vmul.f32 v8, v0  }
0x37f: {  	[tilespmem:s4+$0xFFFFFF00] =	vst.add.f32.msk $0xffff, v53;
	v0 =	vmul.f32 v2, v0  }
0x380: {  	[tilespmem:s4+$0xFFFFFC80] =	vst.add.f32.msk $0xffff, v3  }
0x381: {  	[tilespmem:s4+$0xFFFFFF80] =	vst.add.f32.msk $0xffff, v0  }
0x382: {  	v0 =	vld [tilespmem:s1+$0x0]  }
0x383: {  	v1 =	vld [tilespmem:s1+$0xFFFFFD00]  }
0x384: {  	v2 =	vld [tilespmem:s1+$0xFFFFFD80]  }
0x385: {  	v3 =	vld [tilespmem:s1+$0xFFFFFE00]  }
0x386: {  	v4 =	vld [tilespmem:s1+$0xFFFFFE80]  }
0x387: {  	v5 =	vld [tilespmem:s1+$0xFFFFFF00];
	v0 =	vmul.f32 $1.442695020e+00, v0  }
0x388: {  	v54 =	vld [tilespmem:s1+$0xFFFFFF80];
	v1 =	vmul.f32 $1.442695020e+00, v1  }
0x389: {  	s21 =	sadd.s32 $0x1000, s1;
	v55 =	vld [tilespmem:s1+$0xFFFFFC80];
	v2 =	vmul.f32 $1.442695020e+00, v2;
	(erf) = vpow2.f32 v0  }
0x38a: {  	v59 =	vld [tilespmem:s21+$0xFFFFFE00];
	v0 =	vmul.f32 $1.442695020e+00, v3;
	(erf) = vpow2.f32 v1  }
0x38b: {  	v9 =	vld [tilespmem:s21+$0xFFFFFE80];
	v1 =	vmul.f32 $1.442695020e+00, v4;
	(erf) = vpow2.f32 v2  }
0x38c: {  	v11 =	vld [tilespmem:s21+$0xFFFFFF00];
	v2 =	vmul.f32 $1.442695020e+00, v5;
	(erf) = vpow2.f32 v0  }
0x38d: {  	v13 =	vld [tilespmem:s21+$0xFFFFFF80];
	(erf) = vpow2.f32 v1;
	v1 =	vmul.f32 $1.442695020e+00, v54  }
0x38e: {  	v3 =	vmul.f32 $1.442695020e+00, v55;
	v0 =	vld [tilespmem:$0x140F0];
	(erf) = vpow2.f32 v2  }
0x38f: {  	(erf) = vpow2.f32 v1;
	v1 =	vld [tilespmem:s21+$0x0]  }
0x390: {  	(erf) = vpow2.f32 v3;
	v3 =	vld [tilespmem:s21+$0xFFFFFD00]  }
0x391: {  	v57 =	vld [tilespmem:s21+$0xFFFFFD80]  }
0x392: {  	v7 =	vmul.f32 $1.442695020e+00, v59;
	v2 =	vpop (erf)  }
0x393: {  	v61 =	vmul.f32 $1.442695020e+00, v9;
	v62 =	vmul.f32 $1.442695020e+00, v11;
	v56 =	vpop (erf)  }
0x394: {  	v63 =	vmul.f32 $1.442695020e+00, v13;
	v58 =	vpop (erf);
	v1 =	vmul.f32 $1.442695020e+00, v1  }
0x395: {  	v2 =	vmul.f32 v2, v0;
	v60 =	vpop (erf);
	v3 =	vmul.f32 $1.442695020e+00, v3  }
0x396: {  	v5 =	vmul.f32 $1.442695020e+00, v57;
	v10 =	vpop (erf);
	(erf) = vpow2.f32 v1  }
0x397: {  	v4 =	vmul.f32 v56, v0;
	v12 =	vpop (erf);
	(erf) = vpow2.f32 v3;
	v3 =	vld [tilespmem:s21+$0xFFFFFC80]  }
0x398: {  	v6 =	vmul.f32 v58, v0;
	[tilespmem:s15+$0x0] =	vst.add.f32.msk $0xffff, v2;
	v1 =	vpop (erf);
	(erf) = vpow2.f32 v5  }
0x399: {  	v8 =	vmul.f32 v60, v0;
	[tilespmem:s15+$0xFFFFFD00] =	vst.add.f32.msk $0xffff, v4;
	v10 =	vmul.f32 v10, v0;
	v2 =	vpop (erf)  }
0x39a: {  	[tilespmem:s15+$0xFFFFFD80] =	vst.add.f32.msk $0xffff, v6;
	(erf) = vpow2.f32 v7;
	v2 =	vmul.f32 v2, v0  }
0x39b: {  	v12 =	vmul.f32 v12, v0;
	[tilespmem:s15+$0xFFFFFE00] =	vst.add.f32.msk $0xffff, v8;
	(erf) = vpow2.f32 v61  }
0x39c: {  	(erf) = vpow2.f32 v62;
	[tilespmem:s15+$0xFFFFFC80] =	vst.add.f32.msk $0xffff, v2;
	v2 =	vmul.f32 $1.442695020e+00, v3  }
0x39d: {  	s3 =	smov.u32 s15;
	[tilespmem:s15+$0xFFFFFE80] =	vst.add.f32.msk $0xffff, v10;
	v1 =	vmul.f32 v1, v0;
	(erf) = vpow2.f32 v63  }
0x39e: {  	s5 =	sadd.s32 $0x1000, s21;
	s4 =	simm.s32 $0x8;
	s1 =	smov.u32 s15;
	[tilespmem:s15+$0xFFFFFF00] =	vst.add.f32.msk $0xffff, v12;
	(erf) = vpow2.f32 v2  }
.LBB2_33:
0x39f: {  	v2 =	vld [tilespmem:s5+$0x0];
	s4 =	sadd.s32 $0x8, s4;
	v3 =	vpop (erf);
	v4 =	vmov v1  }
0x3a0: {  	v1 =	vld [tilespmem:s5+$0xFFFFFD00];
	p1 =	slt.u32 s4, $0x38;
	v3 =	vmul.f32 v3, v0;
	v5 =	vpop (erf)  }
0x3a1: {  	s3 =	sadd.s32 $0x400, s3;
	v6 =	vld [tilespmem:s5+$0xFFFFFD80];
	v5 =	vmul.f32 v5, v0;
	v7 =	vpop (erf)  }
0x3a2: {  	v7 =	vmul.f32 v7, v0;
	[tilespmem:s3+$0x0] =	vst.add.f32.msk $0xffff, v3  }
0x3a3: {  	v3 =	vld [tilespmem:s5+$0xFFFFFE00];
	v8 =	vpop (erf)  }
0x3a4: {  	v9 =	vld [tilespmem:s5+$0xFFFFFE80];
	v14 =	vmul.f32 $1.442695020e+00, v2;
	v8 =	vmul.f32 v8, v0;
	v10 =	vpop (erf)  }
0x3a5: {  	v1 =	vmul.f32 $1.442695020e+00, v1;
	v11 =	vld [tilespmem:s5+$0xFFFFFF00];
	v10 =	vmul.f32 v10, v0;
	v12 =	vpop (erf)  }
0x3a6: {  	v6 =	vmul.f32 $1.442695020e+00, v6;
	v13 =	vld [tilespmem:s5+$0xFFFFFF80];
	(erf) = vpow2.f32 v14;
	v2 =	vpop (erf)  }
0x3a7: {  	v14 =	vld [tilespmem:s5+$0xFFFFFC80];
	(erf) = vpow2.f32 v1;
	v1 =	vmul.f32 v12, v0;
	v12 =	vpop (erf)  }
0x3a8: {  	v3 =	vmul.f32 $1.442695020e+00, v3;
	(erf) = vpow2.f32 v6;
	[tilespmem:s3+$0xFFFFFD00] =	vst.add.f32.msk $0xffff, v5  }
0x3a9: {  	v6 =	vmul.f32 v12, v0;
	v5 =	vmul.f32 $1.442695020e+00, v9;
	[tilespmem:s3+$0xFFFFFD80] =	vst.add.f32.msk $0xffff, v7  }
.Ltmp15:
0x3aa: {  	v7 =	vmul.f32 $1.442695020e+00, v11;
	(erf) = vpow2.f32 v3;
	[tilespmem:s3+$0xFFFFFE00] =	vst.add.f32.msk $0xffff, v8;
	(pc) =	sbr.rel @p1 .LBB2_33-.Ltmp15, $4  }
0x3ab: {  	v3 =	vmul.f32 $1.442695020e+00, v13;
	(erf) = vpow2.f32 v5;
	[tilespmem:s3+$0xFFFFFC80] =	vst.add.f32.msk $0xffff, v6  }
0x3ac: {  	v5 =	vmul.f32 $1.442695020e+00, v14;
	(erf) = vpow2.f32 v7;
	[tilespmem:s3+$0xFFFFFE80] =	vst.add.f32.msk $0xffff, v10  }
0x3ad: {  	(erf) = vpow2.f32 v3;
	[tilespmem:s3+$0xFFFFFF00] =	vst.add.f32.msk $0xffff, v1;
	v1 =	vmul.f32 v2, v0  }
0x3ae: {  	s5 =	sadd.s32 $0x1000, s5;
	(erf) = vpow2.f32 v5;
	[tilespmem:s1+$0xFFFFFF80] =	vst.add.f32.msk $0xffff, v4;
	s1 =	smov.u32 s3  }
0x3af: {  	_ = 	snop  }
0x3b0: {  	v2 =	vpop (erf)  }
0x3b1: {  	v3 =	vpop (erf)  }
0x3b2: {  	v2 =	vmul.f32 v2, v0;
	v4 =	vpop (erf)  }
0x3b3: {  	s3 =	sadd.s32 $0x400, s3;
	[tilespmem:s1+$0xFFFFFF80] =	vst.add.f32.msk $0xffff, v1;
	v3 =	vmul.f32 v3, v0;
	v5 =	vpop (erf)  }
0x3b4: {  	v4 =	vmul.f32 v4, v0;
	[tilespmem:s3+$0x0] =	vst.add.f32.msk $0xffff, v2;
	v6 =	vpop (erf)  }
0x3b5: {  	[tilespmem:s3+$0xFFFFFD00] =	vst.add.f32.msk $0xffff, v3;
	v5 =	vmul.f32 v5, v0;
	v7 =	vpop (erf)  }
0x3b6: {  	[tilespmem:s3+$0xFFFFFD80] =	vst.add.f32.msk $0xffff, v4;
	v52 =	vmul.f32 v6, v0;
	v2 =	vpop (erf)  }
0x3b7: {  	[tilespmem:s3+$0xFFFFFE00] =	vst.add.f32.msk $0xffff, v5;
	v53 =	vmul.f32 v7, v0;
	v8 =	vpop (erf)  }
0x3b8: {  	[tilespmem:s3+$0xFFFFFE80] =	vst.add.f32.msk $0xffff, v52;
	v3 =	vmul.f32 v8, v0  }
0x3b9: {  	[tilespmem:s3+$0xFFFFFF00] =	vst.add.f32.msk $0xffff, v53;
	v0 =	vmul.f32 v2, v0  }
0x3ba: {  	[tilespmem:s3+$0xFFFFFC80] =	vst.add.f32.msk $0xffff, v3  }
0x3bb: {  	[tilespmem:s3+$0xFFFFFF80] =	vst.add.f32.msk $0xffff, v0  }
0x3bc: {  	v0 =	vld [tilespmem:s2+$0x0]  }
0x3bd: {  	v1 =	vld [tilespmem:s2+$0xFFFFFD00]  }
0x3be: {  	v2 =	vld [tilespmem:s2+$0xFFFFFD80]  }
0x3bf: {  	v3 =	vld [tilespmem:s2+$0xFFFFFE00]  }
0x3c0: {  	v4 =	vld [tilespmem:s2+$0xFFFFFE80]  }
0x3c1: {  	v5 =	vld [tilespmem:s2+$0xFFFFFF00];
	v0 =	vmul.f32 $1.442695020e+00, v0  }
0x3c2: {  	v54 =	vld [tilespmem:s2+$0xFFFFFF80];
	v1 =	vmul.f32 $1.442695020e+00, v1  }
0x3c3: {  	s21 =	sadd.s32 $0x1000, s2;
	v55 =	vld [tilespmem:s2+$0xFFFFFC80];
	v2 =	vmul.f32 $1.442695020e+00, v2;
	(erf) = vpow2.f32 v0  }
0x3c4: {  	v59 =	vld [tilespmem:s21+$0xFFFFFE00];
	v0 =	vmul.f32 $1.442695020e+00, v3;
	(erf) = vpow2.f32 v1  }
0x3c5: {  	v9 =	vld [tilespmem:s21+$0xFFFFFE80];
	v1 =	vmul.f32 $1.442695020e+00, v4;
	(erf) = vpow2.f32 v2  }
0x3c6: {  	v11 =	vld [tilespmem:s21+$0xFFFFFF00];
	v2 =	vmul.f32 $1.442695020e+00, v5;
	(erf) = vpow2.f32 v0  }
0x3c7: {  	v13 =	vld [tilespmem:s21+$0xFFFFFF80];
	(erf) = vpow2.f32 v1;
	v1 =	vmul.f32 $1.442695020e+00, v54  }
0x3c8: {  	v3 =	vmul.f32 $1.442695020e+00, v55;
	v0 =	vld [tilespmem:$0x14100];
	(erf) = vpow2.f32 v2  }
0x3c9: {  	(erf) = vpow2.f32 v1;
	v1 =	vld [tilespmem:s21+$0x0]  }
0x3ca: {  	(erf) = vpow2.f32 v3;
	v3 =	vld [tilespmem:s21+$0xFFFFFD00]  }
0x3cb: {  	v57 =	vld [tilespmem:s21+$0xFFFFFD80]  }
0x3cc: {  	v7 =	vmul.f32 $1.442695020e+00, v59;
	v2 =	vpop (erf)  }
0x3cd: {  	v61 =	vmul.f32 $1.442695020e+00, v9;
	v62 =	vmul.f32 $1.442695020e+00, v11;
	v56 =	vpop (erf)  }
0x3ce: {  	v63 =	vmul.f32 $1.442695020e+00, v13;
	v58 =	vpop (erf);
	v1 =	vmul.f32 $1.442695020e+00, v1  }
0x3cf: {  	v2 =	vmul.f32 v2, v0;
	v60 =	vpop (erf);
	v3 =	vmul.f32 $1.442695020e+00, v3  }
0x3d0: {  	v5 =	vmul.f32 $1.442695020e+00, v57;
	v10 =	vpop (erf);
	(erf) = vpow2.f32 v1  }
0x3d1: {  	v4 =	vmul.f32 v56, v0;
	v12 =	vpop (erf);
	(erf) = vpow2.f32 v3;
	v3 =	vld [tilespmem:s21+$0xFFFFFC80]  }
0x3d2: {  	v6 =	vmul.f32 v58, v0;
	[tilespmem:s15+$0x0] =	vst.add.f32.msk $0xffff, v2;
	v1 =	vpop (erf);
	(erf) = vpow2.f32 v5  }
0x3d3: {  	v8 =	vmul.f32 v60, v0;
	[tilespmem:s15+$0xFFFFFD00] =	vst.add.f32.msk $0xffff, v4;
	v10 =	vmul.f32 v10, v0;
	v2 =	vpop (erf)  }
0x3d4: {  	[tilespmem:s15+$0xFFFFFD80] =	vst.add.f32.msk $0xffff, v6;
	(erf) = vpow2.f32 v7;
	v2 =	vmul.f32 v2, v0  }
0x3d5: {  	v12 =	vmul.f32 v12, v0;
	[tilespmem:s15+$0xFFFFFE00] =	vst.add.f32.msk $0xffff, v8;
	(erf) = vpow2.f32 v61  }
0x3d6: {  	(erf) = vpow2.f32 v62;
	[tilespmem:s15+$0xFFFFFC80] =	vst.add.f32.msk $0xffff, v2;
	v2 =	vmul.f32 $1.442695020e+00, v3  }
0x3d7: {  	s1 =	smov.u32 s15;
	[tilespmem:s15+$0xFFFFFE80] =	vst.add.f32.msk $0xffff, v10;
	v1 =	vmul.f32 v1, v0;
	(erf) = vpow2.f32 v63  }
0x3d8: {  	s4 =	sadd.s32 $0x1000, s21;
	s3 =	simm.s32 $0x8;
	s2 =	smov.u32 s15;
	[tilespmem:s15+$0xFFFFFF00] =	vst.add.f32.msk $0xffff, v12;
	(erf) = vpow2.f32 v2  }
.LBB2_35:
0x3d9: {  	v2 =	vld [tilespmem:s4+$0x0];
	s3 =	sadd.s32 $0x8, s3;
	v3 =	vpop (erf);
	v4 =	vmov v1  }
0x3da: {  	v1 =	vld [tilespmem:s4+$0xFFFFFD00];
	p1 =	slt.u32 s3, $0x38;
	v3 =	vmul.f32 v3, v0;
	v5 =	vpop (erf)  }
0x3db: {  	s2 =	sadd.s32 $0x400, s2;
	v6 =	vld [tilespmem:s4+$0xFFFFFD80];
	v5 =	vmul.f32 v5, v0;
	v7 =	vpop (erf)  }
0x3dc: {  	v7 =	vmul.f32 v7, v0;
	[tilespmem:s2+$0x0] =	vst.add.f32.msk $0xffff, v3  }
0x3dd: {  	v3 =	vld [tilespmem:s4+$0xFFFFFE00];
	v8 =	vpop (erf)  }
0x3de: {  	v9 =	vld [tilespmem:s4+$0xFFFFFE80];
	v14 =	vmul.f32 $1.442695020e+00, v2;
	v8 =	vmul.f32 v8, v0;
	v10 =	vpop (erf)  }
0x3df: {  	v1 =	vmul.f32 $1.442695020e+00, v1;
	v11 =	vld [tilespmem:s4+$0xFFFFFF00];
	v10 =	vmul.f32 v10, v0;
	v12 =	vpop (erf)  }
0x3e0: {  	v6 =	vmul.f32 $1.442695020e+00, v6;
	v13 =	vld [tilespmem:s4+$0xFFFFFF80];
	(erf) = vpow2.f32 v14;
	v2 =	vpop (erf)  }
0x3e1: {  	v14 =	vld [tilespmem:s4+$0xFFFFFC80];
	(erf) = vpow2.f32 v1;
	v1 =	vmul.f32 v12, v0;
	v12 =	vpop (erf)  }
0x3e2: {  	v3 =	vmul.f32 $1.442695020e+00, v3;
	(erf) = vpow2.f32 v6;
	[tilespmem:s2+$0xFFFFFD00] =	vst.add.f32.msk $0xffff, v5  }
0x3e3: {  	v6 =	vmul.f32 v12, v0;
	v5 =	vmul.f32 $1.442695020e+00, v9;
	[tilespmem:s2+$0xFFFFFD80] =	vst.add.f32.msk $0xffff, v7  }
.Ltmp16:
0x3e4: {  	v7 =	vmul.f32 $1.442695020e+00, v11;
	(erf) = vpow2.f32 v3;
	[tilespmem:s2+$0xFFFFFE00] =	vst.add.f32.msk $0xffff, v8;
	(pc) =	sbr.rel @p1 .LBB2_35-.Ltmp16, $4  }
0x3e5: {  	v3 =	vmul.f32 $1.442695020e+00, v13;
	(erf) = vpow2.f32 v5;
	[tilespmem:s2+$0xFFFFFC80] =	vst.add.f32.msk $0xffff, v6  }
0x3e6: {  	v5 =	vmul.f32 $1.442695020e+00, v14;
	(erf) = vpow2.f32 v7;
	[tilespmem:s2+$0xFFFFFE80] =	vst.add.f32.msk $0xffff, v10  }
0x3e7: {  	(erf) = vpow2.f32 v3;
	[tilespmem:s2+$0xFFFFFF00] =	vst.add.f32.msk $0xffff, v1;
	v1 =	vmul.f32 v2, v0  }
0x3e8: {  	s4 =	sadd.s32 $0x1000, s4;
	(erf) = vpow2.f32 v5;
	[tilespmem:s1+$0xFFFFFF80] =	vst.add.f32.msk $0xffff, v4;
	s1 =	smov.u32 s2  }
0x3e9: {  	_ = 	snop  }
0x3ea: {  	v2 =	vpop (erf)  }
0x3eb: {  	v3 =	vpop (erf)  }
0x3ec: {  	v2 =	vmul.f32 v2, v0;
	v4 =	vpop (erf)  }
0x3ed: {  	s2 =	sadd.s32 $0x400, s2;
	[tilespmem:s1+$0xFFFFFF80] =	vst.add.f32.msk $0xffff, v1;
	v3 =	vmul.f32 v3, v0;
	v5 =	vpop (erf)  }
0x3ee: {  	v4 =	vmul.f32 v4, v0;
	[tilespmem:s2+$0x0] =	vst.add.f32.msk $0xffff, v2;
	v6 =	vpop (erf)  }
0x3ef: {  	[tilespmem:s2+$0xFFFFFD00] =	vst.add.f32.msk $0xffff, v3;
	v5 =	vmul.f32 v5, v0;
	v7 =	vpop (erf)  }
0x3f0: {  	[tilespmem:s2+$0xFFFFFD80] =	vst.add.f32.msk $0xffff, v4;
	v52 =	vmul.f32 v6, v0;
	v2 =	vpop (erf)  }
0x3f1: {  	[tilespmem:s2+$0xFFFFFE00] =	vst.add.f32.msk $0xffff, v5;
	v53 =	vmul.f32 v7, v0;
	v8 =	vpop (erf)  }
0x3f2: {  	[tilespmem:s2+$0xFFFFFE80] =	vst.add.f32.msk $0xffff, v52;
	v3 =	vmul.f32 v8, v0  }
0x3f3: {  	[tilespmem:s2+$0xFFFFFF00] =	vst.add.f32.msk $0xffff, v53;
	v0 =	vmul.f32 v2, v0  }
0x3f4: {  	[tilespmem:s2+$0xFFFFFC80] =	vst.add.f32.msk $0xffff, v3  }
0x3f5: {  	[tilespmem:s2+$0xFFFFFF80] =	vst.add.f32.msk $0xffff, v0  }
0x3f6: {  	v0 =	vld [tilespmem:s0+$0x0]  }
0x3f7: {  	v1 =	vld [tilespmem:s0+$0xFFFFFD00]  }
0x3f8: {  	v2 =	vld [tilespmem:s0+$0xFFFFFD80]  }
0x3f9: {  	v3 =	vld [tilespmem:s0+$0xFFFFFE00]  }
0x3fa: {  	v4 =	vld [tilespmem:s0+$0xFFFFFE80]  }
0x3fb: {  	v5 =	vld [tilespmem:s0+$0xFFFFFF00];
	v0 =	vmul.f32 $1.442695020e+00, v0  }
0x3fc: {  	v54 =	vld [tilespmem:s0+$0xFFFFFF80];
	v1 =	vmul.f32 $1.442695020e+00, v1  }
0x3fd: {  	s21 =	sadd.s32 $0x1000, s0;
	v55 =	vld [tilespmem:s0+$0xFFFFFC80];
	v2 =	vmul.f32 $1.442695020e+00, v2;
	(erf) = vpow2.f32 v0  }
0x3fe: {  	v59 =	vld [tilespmem:s21+$0xFFFFFE00];
	v0 =	vmul.f32 $1.442695020e+00, v3;
	(erf) = vpow2.f32 v1  }
0x3ff: {  	v9 =	vld [tilespmem:s21+$0xFFFFFE80];
	v1 =	vmul.f32 $1.442695020e+00, v4;
	(erf) = vpow2.f32 v2  }
0x400: {  	v11 =	vld [tilespmem:s21+$0xFFFFFF00];
	v2 =	vmul.f32 $1.442695020e+00, v5;
	(erf) = vpow2.f32 v0  }
0x401: {  	v13 =	vld [tilespmem:s21+$0xFFFFFF80];
	(erf) = vpow2.f32 v1;
	v1 =	vmul.f32 $1.442695020e+00, v54  }
0x402: {  	v3 =	vmul.f32 $1.442695020e+00, v55;
	v0 =	vld [tilespmem:$0x14110];
	(erf) = vpow2.f32 v2  }
0x403: {  	(erf) = vpow2.f32 v1;
	v1 =	vld [tilespmem:s21+$0x0]  }
0x404: {  	(erf) = vpow2.f32 v3;
	v3 =	vld [tilespmem:s21+$0xFFFFFD00]  }
0x405: {  	v57 =	vld [tilespmem:s21+$0xFFFFFD80]  }
0x406: {  	v7 =	vmul.f32 $1.442695020e+00, v59;
	v2 =	vpop (erf)  }
0x407: {  	v61 =	vmul.f32 $1.442695020e+00, v9;
	v62 =	vmul.f32 $1.442695020e+00, v11;
	v56 =	vpop (erf)  }
0x408: {  	v63 =	vmul.f32 $1.442695020e+00, v13;
	v58 =	vpop (erf);
	v1 =	vmul.f32 $1.442695020e+00, v1  }
0x409: {  	v2 =	vmul.f32 v2, v0;
	v60 =	vpop (erf);
	v3 =	vmul.f32 $1.442695020e+00, v3  }
0x40a: {  	v5 =	vmul.f32 $1.442695020e+00, v57;
	v10 =	vpop (erf);
	(erf) = vpow2.f32 v1  }
0x40b: {  	v4 =	vmul.f32 v56, v0;
	v12 =	vpop (erf);
	(erf) = vpow2.f32 v3;
	v3 =	vld [tilespmem:s21+$0xFFFFFC80]  }
0x40c: {  	v6 =	vmul.f32 v58, v0;
	[tilespmem:s15+$0x0] =	vst.add.f32.msk $0xffff, v2;
	v1 =	vpop (erf);
	(erf) = vpow2.f32 v5  }
0x40d: {  	v8 =	vmul.f32 v60, v0;
	[tilespmem:s15+$0xFFFFFD00] =	vst.add.f32.msk $0xffff, v4;
	v10 =	vmul.f32 v10, v0;
	v2 =	vpop (erf)  }
0x40e: {  	[tilespmem:s15+$0xFFFFFD80] =	vst.add.f32.msk $0xffff, v6;
	(erf) = vpow2.f32 v7;
	v2 =	vmul.f32 v2, v0  }
0x40f: {  	v12 =	vmul.f32 v12, v0;
	[tilespmem:s15+$0xFFFFFE00] =	vst.add.f32.msk $0xffff, v8;
	(erf) = vpow2.f32 v61  }
0x410: {  	(erf) = vpow2.f32 v62;
	[tilespmem:s15+$0xFFFFFC80] =	vst.add.f32.msk $0xffff, v2;
	v2 =	vmul.f32 $1.442695020e+00, v3  }
0x411: {  	s1 =	smov.u32 s15;
	[tilespmem:s15+$0xFFFFFE80] =	vst.add.f32.msk $0xffff, v10;
	v1 =	vmul.f32 v1, v0;
	(erf) = vpow2.f32 v63  }
0x412: {  	s3 =	sadd.s32 $0x1000, s21;
	s2 =	simm.s32 $0x8;
	s0 =	smov.u32 s15;
	[tilespmem:s15+$0xFFFFFF00] =	vst.add.f32.msk $0xffff, v12;
	(erf) = vpow2.f32 v2  }
.LBB2_37:
0x413: {  	v2 =	vld [tilespmem:s3+$0x0];
	s2 =	sadd.s32 $0x8, s2;
	v3 =	vpop (erf);
	v4 =	vmov v1  }
0x414: {  	v1 =	vld [tilespmem:s3+$0xFFFFFD00];
	p1 =	slt.u32 s2, $0x38;
	v3 =	vmul.f32 v3, v0;
	v5 =	vpop (erf)  }
0x415: {  	s1 =	sadd.s32 $0x400, s1;
	v6 =	vld [tilespmem:s3+$0xFFFFFD80];
	v5 =	vmul.f32 v5, v0;
	v7 =	vpop (erf)  }
0x416: {  	v7 =	vmul.f32 v7, v0;
	[tilespmem:s1+$0x0] =	vst.add.f32.msk $0xffff, v3  }
0x417: {  	v3 =	vld [tilespmem:s3+$0xFFFFFE00];
	v8 =	vpop (erf)  }
0x418: {  	v9 =	vld [tilespmem:s3+$0xFFFFFE80];
	v14 =	vmul.f32 $1.442695020e+00, v2;
	v8 =	vmul.f32 v8, v0;
	v10 =	vpop (erf)  }
0x419: {  	v1 =	vmul.f32 $1.442695020e+00, v1;
	v11 =	vld [tilespmem:s3+$0xFFFFFF00];
	v10 =	vmul.f32 v10, v0;
	v12 =	vpop (erf)  }
0x41a: {  	v6 =	vmul.f32 $1.442695020e+00, v6;
	v13 =	vld [tilespmem:s3+$0xFFFFFF80];
	(erf) = vpow2.f32 v14;
	v2 =	vpop (erf)  }
0x41b: {  	v14 =	vld [tilespmem:s3+$0xFFFFFC80];
	(erf) = vpow2.f32 v1;
	v1 =	vmul.f32 v12, v0;
	v12 =	vpop (erf)  }
0x41c: {  	v3 =	vmul.f32 $1.442695020e+00, v3;
	(erf) = vpow2.f32 v6;
	[tilespmem:s1+$0xFFFFFD00] =	vst.add.f32.msk $0xffff, v5  }
0x41d: {  	v6 =	vmul.f32 v12, v0;
	v5 =	vmul.f32 $1.442695020e+00, v9;
	[tilespmem:s1+$0xFFFFFD80] =	vst.add.f32.msk $0xffff, v7  }
.Ltmp17:
0x41e: {  	v7 =	vmul.f32 $1.442695020e+00, v11;
	(erf) = vpow2.f32 v3;
	[tilespmem:s1+$0xFFFFFE00] =	vst.add.f32.msk $0xffff, v8;
	(pc) =	sbr.rel @p1 .LBB2_37-.Ltmp17, $4  }
0x41f: {  	v3 =	vmul.f32 $1.442695020e+00, v13;
	(erf) = vpow2.f32 v5;
	[tilespmem:s1+$0xFFFFFC80] =	vst.add.f32.msk $0xffff, v6  }
0x420: {  	v5 =	vmul.f32 $1.442695020e+00, v14;
	(erf) = vpow2.f32 v7;
	[tilespmem:s1+$0xFFFFFE80] =	vst.add.f32.msk $0xffff, v10  }
0x421: {  	(erf) = vpow2.f32 v3;
	[tilespmem:s1+$0xFFFFFF00] =	vst.add.f32.msk $0xffff, v1;
	v1 =	vmul.f32 v2, v0  }
0x422: {  	s3 =	sadd.s32 $0x1000, s3;
	(erf) = vpow2.f32 v5;
	[tilespmem:s0+$0xFFFFFF80] =	vst.add.f32.msk $0xffff, v4;
	s0 =	smov.u32 s1  }
0x423: {  	_ = 	snop  }
0x424: {  	v2 =	vpop (erf)  }
0x425: {  	v3 =	vpop (erf)  }
0x426: {  	v2 =	vmul.f32 v2, v0;
	v4 =	vpop (erf)  }
0x427: {  	s1 =	sadd.s32 $0x400, s1;
	[tilespmem:s0+$0xFFFFFF80] =	vst.add.f32.msk $0xffff, v1;
	v3 =	vmul.f32 v3, v0;
	v5 =	vpop (erf)  }
0x428: {  	v4 =	vmul.f32 v4, v0;
	[tilespmem:s1+$0x0] =	vst.add.f32.msk $0xffff, v2;
	v6 =	vpop (erf)  }
0x429: {  	[tilespmem:s1+$0xFFFFFD00] =	vst.add.f32.msk $0xffff, v3;
	v5 =	vmul.f32 v5, v0;
	v7 =	vpop (erf)  }
0x42a: {  	[tilespmem:s1+$0xFFFFFD80] =	vst.add.f32.msk $0xffff, v4;
	v52 =	vmul.f32 v6, v0;
	v2 =	vpop (erf)  }
0x42b: {  	[tilespmem:s1+$0xFFFFFE00] =	vst.add.f32.msk $0xffff, v5;
	v53 =	vmul.f32 v7, v0;
	v8 =	vpop (erf)  }
0x42c: {  	[tilespmem:s1+$0xFFFFFE80] =	vst.add.f32.msk $0xffff, v52;
	v3 =	vmul.f32 v8, v0  }
0x42d: {  	[tilespmem:s1+$0xFFFFFF00] =	vst.add.f32.msk $0xffff, v53;
	v0 =	vmul.f32 v2, v0  }
0x42e: {  	[tilespmem:s1+$0xFFFFFC80] =	vst.add.f32.msk $0xffff, v3  }
0x42f: {  	[tilespmem:s1+$0xFFFFFF80] =	vst.add.f32.msk $0xffff, v0  }
0x430: {  	v0 =	vld [tilespmem:s31+$0x0]  }
0x431: {  	v1 =	vld [tilespmem:s31+$0xFFFFFD00]  }
0x432: {  	v2 =	vld [tilespmem:s31+$0xFFFFFD80]  }
0x433: {  	v3 =	vld [tilespmem:s31+$0xFFFFFE00]  }
0x434: {  	v4 =	vld [tilespmem:s31+$0xFFFFFE80]  }
0x435: {  	v5 =	vld [tilespmem:s31+$0xFFFFFF00];
	v0 =	vmul.f32 $1.442695020e+00, v0  }
0x436: {  	v54 =	vld [tilespmem:s31+$0xFFFFFF80];
	v1 =	vmul.f32 $1.442695020e+00, v1  }
0x437: {  	v55 =	vld [tilespmem:s31+$0xFFFFFC80];
	s31 =	sadd.s32 $0x1000, s31;
	v2 =	vmul.f32 $1.442695020e+00, v2;
	(erf) = vpow2.f32 v0  }
0x438: {  	v57 =	vld [tilespmem:s31+$0xFFFFFD80];
	v0 =	vmul.f32 $1.442695020e+00, v3;
	(erf) = vpow2.f32 v1  }
0x439: {  	v59 =	vld [tilespmem:s31+$0xFFFFFE00];
	v1 =	vmul.f32 $1.442695020e+00, v4;
	(erf) = vpow2.f32 v2  }
0x43a: {  	v9 =	vld [tilespmem:s31+$0xFFFFFE80];
	v2 =	vmul.f32 $1.442695020e+00, v5;
	(erf) = vpow2.f32 v0  }
0x43b: {  	v11 =	vld [tilespmem:s31+$0xFFFFFF00];
	(erf) = vpow2.f32 v1;
	v1 =	vmul.f32 $1.442695020e+00, v54  }
0x43c: {  	v3 =	vmul.f32 $1.442695020e+00, v55;
	v0 =	vld [tilespmem:$0x14120];
	(erf) = vpow2.f32 v2  }
0x43d: {  	(erf) = vpow2.f32 v1;
	v1 =	vld [tilespmem:s31+$0x0]  }
0x43e: {  	(erf) = vpow2.f32 v3;
	v3 =	vld [tilespmem:s31+$0xFFFFFD00];
	_ =	sdelay $0x1  }
0x43f: {  	v7 =	vmul.f32 $1.442695020e+00, v59;
	v2 =	vpop (erf)  }
0x440: {  	v61 =	vmul.f32 $1.442695020e+00, v9;
	v62 =	vmul.f32 $1.442695020e+00, v11;
	v56 =	vpop (erf)  }
0x441: {  	v13 =	vld [tilespmem:s31+$0xFFFFFF80];
	v2 =	vmul.f32 v2, v0;
	v58 =	vpop (erf);
	v1 =	vmul.f32 $1.442695020e+00, v1  }
0x442: {  	v5 =	vmul.f32 $1.442695020e+00, v57;
	v60 =	vpop (erf);
	v3 =	vmul.f32 $1.442695020e+00, v3  }
0x443: {  	v4 =	vmul.f32 v56, v0;
	[tilespmem:s15+$0x0] =	vst.add.f32.msk $0xffff, v2;
	v10 =	vpop (erf);
	(erf) = vpow2.f32 v1  }
0x444: {  	v6 =	vmul.f32 v58, v0;
	v12 =	vpop (erf);
	(erf) = vpow2.f32 v3;
	v3 =	vld [tilespmem:s31+$0xFFFFFC80]  }
0x445: {  	v8 =	vmul.f32 v60, v0;
	[tilespmem:s15+$0xFFFFFD00] =	vst.add.f32.msk $0xffff, v4;
	v1 =	vpop (erf);
	(erf) = vpow2.f32 v5  }
0x446: {  	v63 =	vmul.f32 $1.442695020e+00, v13;
	v10 =	vmul.f32 v10, v0;
	[tilespmem:s15+$0xFFFFFD80] =	vst.add.f32.msk $0xffff, v6;
	v2 =	vpop (erf)  }
0x447: {  	[tilespmem:s15+$0xFFFFFE00] =	vst.add.f32.msk $0xffff, v8;
	(erf) = vpow2.f32 v7;
	v2 =	vmul.f32 v2, v0  }
0x448: {  	v12 =	vmul.f32 v12, v0;
	[tilespmem:s15+$0xFFFFFE80] =	vst.add.f32.msk $0xffff, v10;
	(erf) = vpow2.f32 v61  }
0x449: {  	(erf) = vpow2.f32 v62;
	[tilespmem:s15+$0xFFFFFC80] =	vst.add.f32.msk $0xffff, v2;
	v2 =	vmul.f32 $1.442695020e+00, v3  }
0x44a: {  	s2 =	simm.s32 $0x8;
	s0 =	smov.u32 s15;
	v1 =	vmul.f32 v1, v0;
	[tilespmem:s15+$0xFFFFFF00] =	vst.add.f32.msk $0xffff, v12;
	(erf) = vpow2.f32 v63  }
0x44b: {  	s1 =	smov.u32 s15;
	s3 =	sadd.s32 $0x1000, s31;
	s4 =	rddreg [dreg:$0x9];
	(erf) = vpow2.f32 v2  }
.LBB2_39:
0x44c: {  	v2 =	vld [tilespmem:s3+$0x0];
	s2 =	sadd.s32 $0x8, s2;
	v3 =	vpop (erf);
	v4 =	vmov v1  }
0x44d: {  	v1 =	vld [tilespmem:s3+$0xFFFFFD00];
	p1 =	slt.u32 s2, $0x38;
	v3 =	vmul.f32 v3, v0;
	v5 =	vpop (erf)  }
0x44e: {  	s1 =	sadd.s32 $0x400, s1;
	v6 =	vld [tilespmem:s3+$0xFFFFFD80];
	v5 =	vmul.f32 v5, v0;
	v7 =	vpop (erf)  }
0x44f: {  	v7 =	vmul.f32 v7, v0;
	[tilespmem:s1+$0x0] =	vst.add.f32.msk $0xffff, v3  }
0x450: {  	v3 =	vld [tilespmem:s3+$0xFFFFFE00];
	v8 =	vpop (erf)  }
0x451: {  	v9 =	vld [tilespmem:s3+$0xFFFFFE80];
	v14 =	vmul.f32 $1.442695020e+00, v2;
	v8 =	vmul.f32 v8, v0;
	v10 =	vpop (erf)  }
0x452: {  	v1 =	vmul.f32 $1.442695020e+00, v1;
	v11 =	vld [tilespmem:s3+$0xFFFFFF00];
	v10 =	vmul.f32 v10, v0;
	v12 =	vpop (erf)  }
0x453: {  	v6 =	vmul.f32 $1.442695020e+00, v6;
	v13 =	vld [tilespmem:s3+$0xFFFFFF80];
	(erf) = vpow2.f32 v14;
	v2 =	vpop (erf)  }
0x454: {  	v14 =	vld [tilespmem:s3+$0xFFFFFC80];
	(erf) = vpow2.f32 v1;
	v1 =	vmul.f32 v12, v0;
	v12 =	vpop (erf)  }
0x455: {  	v3 =	vmul.f32 $1.442695020e+00, v3;
	(erf) = vpow2.f32 v6;
	[tilespmem:s1+$0xFFFFFD00] =	vst.add.f32.msk $0xffff, v5  }
0x456: {  	v6 =	vmul.f32 v12, v0;
	v5 =	vmul.f32 $1.442695020e+00, v9;
	[tilespmem:s1+$0xFFFFFD80] =	vst.add.f32.msk $0xffff, v7  }
.Ltmp18:
0x457: {  	v7 =	vmul.f32 $1.442695020e+00, v11;
	(erf) = vpow2.f32 v3;
	[tilespmem:s1+$0xFFFFFE00] =	vst.add.f32.msk $0xffff, v8;
	(pc) =	sbr.rel @p1 .LBB2_39-.Ltmp18, $4  }
0x458: {  	v3 =	vmul.f32 $1.442695020e+00, v13;
	(erf) = vpow2.f32 v5;
	[tilespmem:s1+$0xFFFFFC80] =	vst.add.f32.msk $0xffff, v6  }
0x459: {  	v5 =	vmul.f32 $1.442695020e+00, v14;
	(erf) = vpow2.f32 v7;
	[tilespmem:s1+$0xFFFFFE80] =	vst.add.f32.msk $0xffff, v10  }
0x45a: {  	(erf) = vpow2.f32 v3;
	[tilespmem:s1+$0xFFFFFF00] =	vst.add.f32.msk $0xffff, v1;
	v1 =	vmul.f32 v2, v0  }
0x45b: {  	s3 =	sadd.s32 $0x1000, s3;
	(erf) = vpow2.f32 v5;
	[tilespmem:s0+$0xFFFFFF80] =	vst.add.f32.msk $0xffff, v4;
	s0 =	smov.u32 s1  }
0x45c: {  	_ = 	snop  }
0x45d: {  	v2 =	vpop (erf)  }
0x45e: {  	v3 =	vpop (erf)  }
0x45f: {  	v2 =	vmul.f32 v2, v0;
	v4 =	vpop (erf)  }
0x460: {  	s1 =	sadd.s32 $0x400, s1;
	[tilespmem:s0+$0xFFFFFF80] =	vst.add.f32.msk $0xffff, v1;
	v3 =	vmul.f32 v3, v0;
	v5 =	vpop (erf)  }
0x461: {  	v4 =	vmul.f32 v4, v0;
	[tilespmem:s1+$0x0] =	vst.add.f32.msk $0xffff, v2;
	v6 =	vpop (erf)  }
0x462: {  	[tilespmem:s1+$0xFFFFFD00] =	vst.add.f32.msk $0xffff, v3;
	v5 =	vmul.f32 v5, v0;
	v7 =	vpop (erf)  }
0x463: {  	[tilespmem:s1+$0xFFFFFD80] =	vst.add.f32.msk $0xffff, v4;
	v52 =	vmul.f32 v6, v0;
	v2 =	vpop (erf)  }
0x464: {  	[tilespmem:s1+$0xFFFFFE00] =	vst.add.f32.msk $0xffff, v5;
	v53 =	vmul.f32 v7, v0;
	v8 =	vpop (erf)  }
0x465: {  	[tilespmem:s1+$0xFFFFFE80] =	vst.add.f32.msk $0xffff, v52;
	v3 =	vmul.f32 v8, v0  }
0x466: {  	[tilespmem:s1+$0xFFFFFF00] =	vst.add.f32.msk $0xffff, v53;
	v0 =	vmul.f32 v2, v0  }
0x467: {  	[tilespmem:s1+$0xFFFFFC80] =	vst.add.f32.msk $0xffff, v3  }
0x468: {  	[tilespmem:s1+$0xFFFFFF80] =	vst.add.f32.msk $0xffff, v0  }
0x469: {  	v0 =	vld [tilespmem:s30+$0x0]  }
0x46a: {  	v1 =	vld [tilespmem:s30+$0xFFFFFD00]  }
0x46b: {  	v2 =	vld [tilespmem:s30+$0xFFFFFD80]  }
0x46c: {  	v3 =	vld [tilespmem:s30+$0xFFFFFE00]  }
0x46d: {  	v4 =	vld [tilespmem:s30+$0xFFFFFE80]  }
0x46e: {  	v5 =	vld [tilespmem:s30+$0xFFFFFF00];
	v0 =	vmul.f32 $1.442695020e+00, v0  }
0x46f: {  	v54 =	vld [tilespmem:s30+$0xFFFFFF80];
	v1 =	vmul.f32 $1.442695020e+00, v1  }
0x470: {  	s31 =	sadd.s32 $0x1000, s30;
	v55 =	vld [tilespmem:s30+$0xFFFFFC80];
	v2 =	vmul.f32 $1.442695020e+00, v2;
	(erf) = vpow2.f32 v0  }
0x471: {  	v59 =	vld [tilespmem:s31+$0xFFFFFE00];
	v0 =	vmul.f32 $1.442695020e+00, v3;
	(erf) = vpow2.f32 v1  }
0x472: {  	v9 =	vld [tilespmem:s31+$0xFFFFFE80];
	v1 =	vmul.f32 $1.442695020e+00, v4;
	(erf) = vpow2.f32 v2  }
0x473: {  	v11 =	vld [tilespmem:s31+$0xFFFFFF00];
	v2 =	vmul.f32 $1.442695020e+00, v5;
	(erf) = vpow2.f32 v0  }
0x474: {  	v13 =	vld [tilespmem:s31+$0xFFFFFF80];
	(erf) = vpow2.f32 v1;
	v1 =	vmul.f32 $1.442695020e+00, v54  }
0x475: {  	v3 =	vmul.f32 $1.442695020e+00, v55;
	v0 =	vld [tilespmem:$0x14130];
	(erf) = vpow2.f32 v2  }
0x476: {  	(erf) = vpow2.f32 v1;
	v1 =	vld [tilespmem:s31+$0x0]  }
0x477: {  	(erf) = vpow2.f32 v3;
	v3 =	vld [tilespmem:s31+$0xFFFFFD00]  }
0x478: {  	v57 =	vld [tilespmem:s31+$0xFFFFFD80]  }
0x479: {  	v7 =	vmul.f32 $1.442695020e+00, v59;
	v2 =	vpop (erf)  }
0x47a: {  	v61 =	vmul.f32 $1.442695020e+00, v9;
	v62 =	vmul.f32 $1.442695020e+00, v11;
	v56 =	vpop (erf)  }
0x47b: {  	v63 =	vmul.f32 $1.442695020e+00, v13;
	v58 =	vpop (erf);
	v1 =	vmul.f32 $1.442695020e+00, v1  }
0x47c: {  	v2 =	vmul.f32 v2, v0;
	v60 =	vpop (erf);
	v3 =	vmul.f32 $1.442695020e+00, v3  }
0x47d: {  	v5 =	vmul.f32 $1.442695020e+00, v57;
	v10 =	vpop (erf);
	(erf) = vpow2.f32 v1  }
0x47e: {  	v4 =	vmul.f32 v56, v0;
	v12 =	vpop (erf);
	(erf) = vpow2.f32 v3;
	v3 =	vld [tilespmem:s31+$0xFFFFFC80]  }
0x47f: {  	v6 =	vmul.f32 v58, v0;
	[tilespmem:s15+$0x0] =	vst.add.f32.msk $0xffff, v2;
	v1 =	vpop (erf);
	(erf) = vpow2.f32 v5  }
0x480: {  	v8 =	vmul.f32 v60, v0;
	[tilespmem:s15+$0xFFFFFD00] =	vst.add.f32.msk $0xffff, v4;
	v10 =	vmul.f32 v10, v0;
	v2 =	vpop (erf)  }
0x481: {  	[tilespmem:s15+$0xFFFFFD80] =	vst.add.f32.msk $0xffff, v6;
	(erf) = vpow2.f32 v7;
	v2 =	vmul.f32 v2, v0  }
0x482: {  	v12 =	vmul.f32 v12, v0;
	[tilespmem:s15+$0xFFFFFE00] =	vst.add.f32.msk $0xffff, v8;
	(erf) = vpow2.f32 v61  }
0x483: {  	(erf) = vpow2.f32 v62;
	[tilespmem:s15+$0xFFFFFC80] =	vst.add.f32.msk $0xffff, v2;
	v2 =	vmul.f32 $1.442695020e+00, v3  }
0x484: {  	s2 =	simm.s32 $0x8;
	[tilespmem:s15+$0xFFFFFE80] =	vst.add.f32.msk $0xffff, v10;
	v1 =	vmul.f32 v1, v0;
	(erf) = vpow2.f32 v63  }
0x485: {  	s0 =	smov.u32 s15;
	s3 =	sadd.s32 $0x1000, s31;
	s1 =	smov.u32 s15;
	[tilespmem:s15+$0xFFFFFF00] =	vst.add.f32.msk $0xffff, v12;
	(erf) = vpow2.f32 v2  }
.LBB2_41:
0x486: {  	v2 =	vld [tilespmem:s3+$0x0];
	s2 =	sadd.s32 $0x8, s2;
	v3 =	vpop (erf);
	v4 =	vmov v1  }
0x487: {  	v1 =	vld [tilespmem:s3+$0xFFFFFD00];
	p1 =	slt.u32 s2, $0x38;
	v3 =	vmul.f32 v3, v0;
	v5 =	vpop (erf)  }
0x488: {  	s1 =	sadd.s32 $0x400, s1;
	v6 =	vld [tilespmem:s3+$0xFFFFFD80];
	v5 =	vmul.f32 v5, v0;
	v7 =	vpop (erf)  }
0x489: {  	v7 =	vmul.f32 v7, v0;
	[tilespmem:s1+$0x0] =	vst.add.f32.msk $0xffff, v3  }
0x48a: {  	v3 =	vld [tilespmem:s3+$0xFFFFFE00];
	v8 =	vpop (erf)  }
0x48b: {  	v9 =	vld [tilespmem:s3+$0xFFFFFE80];
	v14 =	vmul.f32 $1.442695020e+00, v2;
	v8 =	vmul.f32 v8, v0;
	v10 =	vpop (erf)  }
0x48c: {  	v1 =	vmul.f32 $1.442695020e+00, v1;
	v11 =	vld [tilespmem:s3+$0xFFFFFF00];
	v10 =	vmul.f32 v10, v0;
	v12 =	vpop (erf)  }
0x48d: {  	v6 =	vmul.f32 $1.442695020e+00, v6;
	v13 =	vld [tilespmem:s3+$0xFFFFFF80];
	(erf) = vpow2.f32 v14;
	v2 =	vpop (erf)  }
0x48e: {  	v14 =	vld [tilespmem:s3+$0xFFFFFC80];
	(erf) = vpow2.f32 v1;
	v1 =	vmul.f32 v12, v0;
	v12 =	vpop (erf)  }
0x48f: {  	v3 =	vmul.f32 $1.442695020e+00, v3;
	(erf) = vpow2.f32 v6;
	[tilespmem:s1+$0xFFFFFD00] =	vst.add.f32.msk $0xffff, v5  }
0x490: {  	v6 =	vmul.f32 v12, v0;
	v5 =	vmul.f32 $1.442695020e+00, v9;
	[tilespmem:s1+$0xFFFFFD80] =	vst.add.f32.msk $0xffff, v7  }
.Ltmp19:
0x491: {  	v7 =	vmul.f32 $1.442695020e+00, v11;
	(erf) = vpow2.f32 v3;
	[tilespmem:s1+$0xFFFFFE00] =	vst.add.f32.msk $0xffff, v8;
	(pc) =	sbr.rel @p1 .LBB2_41-.Ltmp19, $4  }
0x492: {  	v3 =	vmul.f32 $1.442695020e+00, v13;
	(erf) = vpow2.f32 v5;
	[tilespmem:s1+$0xFFFFFC80] =	vst.add.f32.msk $0xffff, v6  }
0x493: {  	v5 =	vmul.f32 $1.442695020e+00, v14;
	(erf) = vpow2.f32 v7;
	[tilespmem:s1+$0xFFFFFE80] =	vst.add.f32.msk $0xffff, v10  }
0x494: {  	(erf) = vpow2.f32 v3;
	[tilespmem:s1+$0xFFFFFF00] =	vst.add.f32.msk $0xffff, v1;
	v1 =	vmul.f32 v2, v0  }
0x495: {  	s3 =	sadd.s32 $0x1000, s3;
	(erf) = vpow2.f32 v5;
	[tilespmem:s0+$0xFFFFFF80] =	vst.add.f32.msk $0xffff, v4;
	s0 =	smov.u32 s1  }
0x496: {  	_ = 	snop  }
0x497: {  	v2 =	vpop (erf)  }
0x498: {  	v3 =	vpop (erf)  }
0x499: {  	v2 =	vmul.f32 v2, v0;
	v4 =	vpop (erf)  }
0x49a: {  	s1 =	sadd.s32 $0x400, s1;
	[tilespmem:s0+$0xFFFFFF80] =	vst.add.f32.msk $0xffff, v1;
	v3 =	vmul.f32 v3, v0;
	v5 =	vpop (erf)  }
0x49b: {  	v4 =	vmul.f32 v4, v0;
	[tilespmem:s1+$0x0] =	vst.add.f32.msk $0xffff, v2;
	v6 =	vpop (erf)  }
0x49c: {  	[tilespmem:s1+$0xFFFFFD00] =	vst.add.f32.msk $0xffff, v3;
	v5 =	vmul.f32 v5, v0;
	v7 =	vpop (erf)  }
0x49d: {  	[tilespmem:s1+$0xFFFFFD80] =	vst.add.f32.msk $0xffff, v4;
	v52 =	vmul.f32 v6, v0;
	v2 =	vpop (erf)  }
0x49e: {  	[tilespmem:s1+$0xFFFFFE00] =	vst.add.f32.msk $0xffff, v5;
	v53 =	vmul.f32 v7, v0;
	v8 =	vpop (erf)  }
0x49f: {  	[tilespmem:s1+$0xFFFFFE80] =	vst.add.f32.msk $0xffff, v52;
	v3 =	vmul.f32 v8, v0  }
0x4a0: {  	[tilespmem:s1+$0xFFFFFF00] =	vst.add.f32.msk $0xffff, v53;
	v0 =	vmul.f32 v2, v0  }
0x4a1: {  	[tilespmem:s1+$0xFFFFFC80] =	vst.add.f32.msk $0xffff, v3  }
0x4a2: {  	[tilespmem:s1+$0xFFFFFF80] =	vst.add.f32.msk $0xffff, v0  }
0x4a3: {  	v0 =	vld [tilespmem:s29+$0x0]  }
0x4a4: {  	v1 =	vld [tilespmem:s29+$0xFFFFFD00]  }
0x4a5: {  	v2 =	vld [tilespmem:s29+$0xFFFFFD80]  }
0x4a6: {  	v3 =	vld [tilespmem:s29+$0xFFFFFE00]  }
0x4a7: {  	v4 =	vld [tilespmem:s29+$0xFFFFFE80]  }
0x4a8: {  	v5 =	vld [tilespmem:s29+$0xFFFFFF00];
	v0 =	vmul.f32 $1.442695020e+00, v0  }
0x4a9: {  	v54 =	vld [tilespmem:s29+$0xFFFFFF80];
	v1 =	vmul.f32 $1.442695020e+00, v1  }
0x4aa: {  	s31 =	sadd.s32 $0x1000, s29;
	v55 =	vld [tilespmem:s29+$0xFFFFFC80];
	v2 =	vmul.f32 $1.442695020e+00, v2;
	(erf) = vpow2.f32 v0  }
0x4ab: {  	v59 =	vld [tilespmem:s31+$0xFFFFFE00];
	v0 =	vmul.f32 $1.442695020e+00, v3;
	(erf) = vpow2.f32 v1  }
0x4ac: {  	v9 =	vld [tilespmem:s31+$0xFFFFFE80];
	v1 =	vmul.f32 $1.442695020e+00, v4;
	(erf) = vpow2.f32 v2  }
0x4ad: {  	v11 =	vld [tilespmem:s31+$0xFFFFFF00];
	v2 =	vmul.f32 $1.442695020e+00, v5;
	(erf) = vpow2.f32 v0  }
0x4ae: {  	v13 =	vld [tilespmem:s31+$0xFFFFFF80];
	(erf) = vpow2.f32 v1;
	v1 =	vmul.f32 $1.442695020e+00, v54  }
0x4af: {  	v3 =	vmul.f32 $1.442695020e+00, v55;
	v0 =	vld [tilespmem:$0x14140];
	(erf) = vpow2.f32 v2  }
0x4b0: {  	(erf) = vpow2.f32 v1;
	v1 =	vld [tilespmem:s31+$0x0]  }
0x4b1: {  	(erf) = vpow2.f32 v3;
	v3 =	vld [tilespmem:s31+$0xFFFFFD00]  }
0x4b2: {  	v57 =	vld [tilespmem:s31+$0xFFFFFD80]  }
0x4b3: {  	v7 =	vmul.f32 $1.442695020e+00, v59;
	v2 =	vpop (erf)  }
0x4b4: {  	v61 =	vmul.f32 $1.442695020e+00, v9;
	v62 =	vmul.f32 $1.442695020e+00, v11;
	v56 =	vpop (erf)  }
0x4b5: {  	v63 =	vmul.f32 $1.442695020e+00, v13;
	v58 =	vpop (erf);
	v1 =	vmul.f32 $1.442695020e+00, v1  }
0x4b6: {  	v2 =	vmul.f32 v2, v0;
	v60 =	vpop (erf);
	v3 =	vmul.f32 $1.442695020e+00, v3  }
0x4b7: {  	v5 =	vmul.f32 $1.442695020e+00, v57;
	v10 =	vpop (erf);
	(erf) = vpow2.f32 v1  }
0x4b8: {  	v4 =	vmul.f32 v56, v0;
	v12 =	vpop (erf);
	(erf) = vpow2.f32 v3;
	v3 =	vld [tilespmem:s31+$0xFFFFFC80]  }
0x4b9: {  	v6 =	vmul.f32 v58, v0;
	[tilespmem:s15+$0x0] =	vst.add.f32.msk $0xffff, v2;
	v1 =	vpop (erf);
	(erf) = vpow2.f32 v5  }
0x4ba: {  	v8 =	vmul.f32 v60, v0;
	[tilespmem:s15+$0xFFFFFD00] =	vst.add.f32.msk $0xffff, v4;
	v10 =	vmul.f32 v10, v0;
	v2 =	vpop (erf)  }
0x4bb: {  	[tilespmem:s15+$0xFFFFFD80] =	vst.add.f32.msk $0xffff, v6;
	(erf) = vpow2.f32 v7;
	v2 =	vmul.f32 v2, v0  }
0x4bc: {  	v12 =	vmul.f32 v12, v0;
	[tilespmem:s15+$0xFFFFFE00] =	vst.add.f32.msk $0xffff, v8;
	(erf) = vpow2.f32 v61  }
0x4bd: {  	(erf) = vpow2.f32 v62;
	[tilespmem:s15+$0xFFFFFC80] =	vst.add.f32.msk $0xffff, v2;
	v2 =	vmul.f32 $1.442695020e+00, v3  }
0x4be: {  	s2 =	simm.s32 $0x8;
	[tilespmem:s15+$0xFFFFFE80] =	vst.add.f32.msk $0xffff, v10;
	v1 =	vmul.f32 v1, v0;
	(erf) = vpow2.f32 v63  }
0x4bf: {  	s0 =	smov.u32 s15;
	s3 =	sadd.s32 $0x1000, s31;
	s1 =	smov.u32 s15;
	[tilespmem:s15+$0xFFFFFF00] =	vst.add.f32.msk $0xffff, v12;
	(erf) = vpow2.f32 v2  }
.LBB2_43:
0x4c0: {  	v2 =	vld [tilespmem:s3+$0x0];
	s2 =	sadd.s32 $0x8, s2;
	v3 =	vpop (erf);
	v4 =	vmov v1  }
0x4c1: {  	v1 =	vld [tilespmem:s3+$0xFFFFFD00];
	p1 =	slt.u32 s2, $0x38;
	v3 =	vmul.f32 v3, v0;
	v5 =	vpop (erf)  }
0x4c2: {  	s1 =	sadd.s32 $0x400, s1;
	v6 =	vld [tilespmem:s3+$0xFFFFFD80];
	v5 =	vmul.f32 v5, v0;
	v7 =	vpop (erf)  }
0x4c3: {  	v7 =	vmul.f32 v7, v0;
	[tilespmem:s1+$0x0] =	vst.add.f32.msk $0xffff, v3  }
0x4c4: {  	v3 =	vld [tilespmem:s3+$0xFFFFFE00];
	v8 =	vpop (erf)  }
0x4c5: {  	v9 =	vld [tilespmem:s3+$0xFFFFFE80];
	v14 =	vmul.f32 $1.442695020e+00, v2;
	v8 =	vmul.f32 v8, v0;
	v10 =	vpop (erf)  }
0x4c6: {  	v1 =	vmul.f32 $1.442695020e+00, v1;
	v11 =	vld [tilespmem:s3+$0xFFFFFF00];
	v10 =	vmul.f32 v10, v0;
	v12 =	vpop (erf)  }
0x4c7: {  	v6 =	vmul.f32 $1.442695020e+00, v6;
	v13 =	vld [tilespmem:s3+$0xFFFFFF80];
	(erf) = vpow2.f32 v14;
	v2 =	vpop (erf)  }
0x4c8: {  	v14 =	vld [tilespmem:s3+$0xFFFFFC80];
	(erf) = vpow2.f32 v1;
	v1 =	vmul.f32 v12, v0;
	v12 =	vpop (erf)  }
0x4c9: {  	v3 =	vmul.f32 $1.442695020e+00, v3;
	(erf) = vpow2.f32 v6;
	[tilespmem:s1+$0xFFFFFD00] =	vst.add.f32.msk $0xffff, v5  }
0x4ca: {  	v6 =	vmul.f32 v12, v0;
	v5 =	vmul.f32 $1.442695020e+00, v9;
	[tilespmem:s1+$0xFFFFFD80] =	vst.add.f32.msk $0xffff, v7  }
.Ltmp20:
0x4cb: {  	v7 =	vmul.f32 $1.442695020e+00, v11;
	(erf) = vpow2.f32 v3;
	[tilespmem:s1+$0xFFFFFE00] =	vst.add.f32.msk $0xffff, v8;
	(pc) =	sbr.rel @p1 .LBB2_43-.Ltmp20, $4  }
0x4cc: {  	v3 =	vmul.f32 $1.442695020e+00, v13;
	(erf) = vpow2.f32 v5;
	[tilespmem:s1+$0xFFFFFC80] =	vst.add.f32.msk $0xffff, v6  }
0x4cd: {  	v5 =	vmul.f32 $1.442695020e+00, v14;
	(erf) = vpow2.f32 v7;
	[tilespmem:s1+$0xFFFFFE80] =	vst.add.f32.msk $0xffff, v10  }
0x4ce: {  	(erf) = vpow2.f32 v3;
	[tilespmem:s1+$0xFFFFFF00] =	vst.add.f32.msk $0xffff, v1;
	v1 =	vmul.f32 v2, v0  }
0x4cf: {  	s3 =	sadd.s32 $0x1000, s3;
	(erf) = vpow2.f32 v5;
	[tilespmem:s0+$0xFFFFFF80] =	vst.add.f32.msk $0xffff, v4;
	s0 =	smov.u32 s1  }
0x4d0: {  	_ = 	snop  }
0x4d1: {  	v2 =	vpop (erf)  }
0x4d2: {  	v3 =	vpop (erf)  }
0x4d3: {  	v2 =	vmul.f32 v2, v0;
	v4 =	vpop (erf)  }
0x4d4: {  	s1 =	sadd.s32 $0x400, s1;
	[tilespmem:s0+$0xFFFFFF80] =	vst.add.f32.msk $0xffff, v1;
	v3 =	vmul.f32 v3, v0;
	v5 =	vpop (erf)  }
0x4d5: {  	v4 =	vmul.f32 v4, v0;
	[tilespmem:s1+$0x0] =	vst.add.f32.msk $0xffff, v2;
	v6 =	vpop (erf)  }
0x4d6: {  	[tilespmem:s1+$0xFFFFFD00] =	vst.add.f32.msk $0xffff, v3;
	v5 =	vmul.f32 v5, v0;
	v7 =	vpop (erf)  }
0x4d7: {  	[tilespmem:s1+$0xFFFFFD80] =	vst.add.f32.msk $0xffff, v4;
	v52 =	vmul.f32 v6, v0;
	v2 =	vpop (erf)  }
0x4d8: {  	[tilespmem:s1+$0xFFFFFE00] =	vst.add.f32.msk $0xffff, v5;
	v53 =	vmul.f32 v7, v0;
	v8 =	vpop (erf)  }
0x4d9: {  	[tilespmem:s1+$0xFFFFFE80] =	vst.add.f32.msk $0xffff, v52;
	v3 =	vmul.f32 v8, v0  }
0x4da: {  	[tilespmem:s1+$0xFFFFFF00] =	vst.add.f32.msk $0xffff, v53;
	v0 =	vmul.f32 v2, v0  }
0x4db: {  	[tilespmem:s1+$0xFFFFFC80] =	vst.add.f32.msk $0xffff, v3  }
0x4dc: {  	[tilespmem:s1+$0xFFFFFF80] =	vst.add.f32.msk $0xffff, v0  }
0x4dd: {  	v0 =	vld [tilespmem:s28+$0x0]  }
0x4de: {  	v1 =	vld [tilespmem:s28+$0xFFFFFD00]  }
0x4df: {  	v2 =	vld [tilespmem:s28+$0xFFFFFD80]  }
0x4e0: {  	v3 =	vld [tilespmem:s28+$0xFFFFFE00]  }
0x4e1: {  	v4 =	vld [tilespmem:s28+$0xFFFFFE80]  }
0x4e2: {  	v5 =	vld [tilespmem:s28+$0xFFFFFF00];
	v0 =	vmul.f32 $1.442695020e+00, v0  }
0x4e3: {  	v54 =	vld [tilespmem:s28+$0xFFFFFF80];
	v1 =	vmul.f32 $1.442695020e+00, v1  }
0x4e4: {  	s31 =	sadd.s32 $0x1000, s28;
	v55 =	vld [tilespmem:s28+$0xFFFFFC80];
	v2 =	vmul.f32 $1.442695020e+00, v2;
	(erf) = vpow2.f32 v0  }
0x4e5: {  	v59 =	vld [tilespmem:s31+$0xFFFFFE00];
	v0 =	vmul.f32 $1.442695020e+00, v3;
	(erf) = vpow2.f32 v1  }
0x4e6: {  	v9 =	vld [tilespmem:s31+$0xFFFFFE80];
	v1 =	vmul.f32 $1.442695020e+00, v4;
	(erf) = vpow2.f32 v2  }
0x4e7: {  	v11 =	vld [tilespmem:s31+$0xFFFFFF00];
	v2 =	vmul.f32 $1.442695020e+00, v5;
	(erf) = vpow2.f32 v0  }
0x4e8: {  	v13 =	vld [tilespmem:s31+$0xFFFFFF80];
	(erf) = vpow2.f32 v1;
	v1 =	vmul.f32 $1.442695020e+00, v54  }
0x4e9: {  	v3 =	vmul.f32 $1.442695020e+00, v55;
	v0 =	vld [tilespmem:$0x14150];
	(erf) = vpow2.f32 v2  }
0x4ea: {  	(erf) = vpow2.f32 v1;
	v1 =	vld [tilespmem:s31+$0x0]  }
0x4eb: {  	(erf) = vpow2.f32 v3;
	v3 =	vld [tilespmem:s31+$0xFFFFFD00]  }
0x4ec: {  	v57 =	vld [tilespmem:s31+$0xFFFFFD80]  }
0x4ed: {  	v7 =	vmul.f32 $1.442695020e+00, v59;
	v2 =	vpop (erf)  }
0x4ee: {  	v61 =	vmul.f32 $1.442695020e+00, v9;
	v62 =	vmul.f32 $1.442695020e+00, v11;
	v56 =	vpop (erf)  }
0x4ef: {  	v63 =	vmul.f32 $1.442695020e+00, v13;
	v58 =	vpop (erf);
	v1 =	vmul.f32 $1.442695020e+00, v1  }
0x4f0: {  	v2 =	vmul.f32 v2, v0;
	v60 =	vpop (erf);
	v3 =	vmul.f32 $1.442695020e+00, v3  }
0x4f1: {  	v5 =	vmul.f32 $1.442695020e+00, v57;
	v10 =	vpop (erf);
	(erf) = vpow2.f32 v1  }
0x4f2: {  	v4 =	vmul.f32 v56, v0;
	v12 =	vpop (erf);
	(erf) = vpow2.f32 v3;
	v3 =	vld [tilespmem:s31+$0xFFFFFC80]  }
0x4f3: {  	v6 =	vmul.f32 v58, v0;
	[tilespmem:s15+$0x0] =	vst.add.f32.msk $0xffff, v2;
	v1 =	vpop (erf);
	(erf) = vpow2.f32 v5  }
0x4f4: {  	v8 =	vmul.f32 v60, v0;
	[tilespmem:s15+$0xFFFFFD00] =	vst.add.f32.msk $0xffff, v4;
	v10 =	vmul.f32 v10, v0;
	v2 =	vpop (erf)  }
0x4f5: {  	[tilespmem:s15+$0xFFFFFD80] =	vst.add.f32.msk $0xffff, v6;
	(erf) = vpow2.f32 v7;
	v2 =	vmul.f32 v2, v0  }
0x4f6: {  	v12 =	vmul.f32 v12, v0;
	[tilespmem:s15+$0xFFFFFE00] =	vst.add.f32.msk $0xffff, v8;
	(erf) = vpow2.f32 v61  }
0x4f7: {  	(erf) = vpow2.f32 v62;
	[tilespmem:s15+$0xFFFFFC80] =	vst.add.f32.msk $0xffff, v2;
	v2 =	vmul.f32 $1.442695020e+00, v3  }
0x4f8: {  	s2 =	simm.s32 $0x8;
	[tilespmem:s15+$0xFFFFFE80] =	vst.add.f32.msk $0xffff, v10;
	v1 =	vmul.f32 v1, v0;
	(erf) = vpow2.f32 v63  }
0x4f9: {  	s0 =	smov.u32 s15;
	s3 =	sadd.s32 $0x1000, s31;
	s1 =	smov.u32 s15;
	[tilespmem:s15+$0xFFFFFF00] =	vst.add.f32.msk $0xffff, v12;
	(erf) = vpow2.f32 v2  }
.LBB2_45:
0x4fa: {  	v2 =	vld [tilespmem:s3+$0x0];
	s2 =	sadd.s32 $0x8, s2;
	v3 =	vpop (erf);
	v4 =	vmov v1  }
0x4fb: {  	v1 =	vld [tilespmem:s3+$0xFFFFFD00];
	p1 =	slt.u32 s2, $0x38;
	v3 =	vmul.f32 v3, v0;
	v5 =	vpop (erf)  }
0x4fc: {  	s1 =	sadd.s32 $0x400, s1;
	v6 =	vld [tilespmem:s3+$0xFFFFFD80];
	v5 =	vmul.f32 v5, v0;
	v7 =	vpop (erf)  }
0x4fd: {  	v7 =	vmul.f32 v7, v0;
	[tilespmem:s1+$0x0] =	vst.add.f32.msk $0xffff, v3  }
0x4fe: {  	v3 =	vld [tilespmem:s3+$0xFFFFFE00];
	v8 =	vpop (erf)  }
0x4ff: {  	v9 =	vld [tilespmem:s3+$0xFFFFFE80];
	v14 =	vmul.f32 $1.442695020e+00, v2;
	v8 =	vmul.f32 v8, v0;
	v10 =	vpop (erf)  }
0x500: {  	v1 =	vmul.f32 $1.442695020e+00, v1;
	v11 =	vld [tilespmem:s3+$0xFFFFFF00];
	v10 =	vmul.f32 v10, v0;
	v12 =	vpop (erf)  }
0x501: {  	v6 =	vmul.f32 $1.442695020e+00, v6;
	v13 =	vld [tilespmem:s3+$0xFFFFFF80];
	(erf) = vpow2.f32 v14;
	v2 =	vpop (erf)  }
0x502: {  	v14 =	vld [tilespmem:s3+$0xFFFFFC80];
	(erf) = vpow2.f32 v1;
	v1 =	vmul.f32 v12, v0;
	v12 =	vpop (erf)  }
0x503: {  	v3 =	vmul.f32 $1.442695020e+00, v3;
	(erf) = vpow2.f32 v6;
	[tilespmem:s1+$0xFFFFFD00] =	vst.add.f32.msk $0xffff, v5  }
0x504: {  	v6 =	vmul.f32 v12, v0;
	v5 =	vmul.f32 $1.442695020e+00, v9;
	[tilespmem:s1+$0xFFFFFD80] =	vst.add.f32.msk $0xffff, v7  }
.Ltmp21:
0x505: {  	v7 =	vmul.f32 $1.442695020e+00, v11;
	(erf) = vpow2.f32 v3;
	[tilespmem:s1+$0xFFFFFE00] =	vst.add.f32.msk $0xffff, v8;
	(pc) =	sbr.rel @p1 .LBB2_45-.Ltmp21, $4  }
0x506: {  	v3 =	vmul.f32 $1.442695020e+00, v13;
	(erf) = vpow2.f32 v5;
	[tilespmem:s1+$0xFFFFFC80] =	vst.add.f32.msk $0xffff, v6  }
0x507: {  	v5 =	vmul.f32 $1.442695020e+00, v14;
	(erf) = vpow2.f32 v7;
	[tilespmem:s1+$0xFFFFFE80] =	vst.add.f32.msk $0xffff, v10  }
0x508: {  	(erf) = vpow2.f32 v3;
	[tilespmem:s1+$0xFFFFFF00] =	vst.add.f32.msk $0xffff, v1;
	v1 =	vmul.f32 v2, v0  }
0x509: {  	s3 =	sadd.s32 $0x1000, s3;
	(erf) = vpow2.f32 v5;
	[tilespmem:s0+$0xFFFFFF80] =	vst.add.f32.msk $0xffff, v4;
	s0 =	smov.u32 s1  }
0x50a: {  	_ = 	snop  }
0x50b: {  	v2 =	vpop (erf)  }
0x50c: {  	v3 =	vpop (erf)  }
0x50d: {  	v2 =	vmul.f32 v2, v0;
	v4 =	vpop (erf)  }
0x50e: {  	s1 =	sadd.s32 $0x400, s1;
	[tilespmem:s0+$0xFFFFFF80] =	vst.add.f32.msk $0xffff, v1;
	v3 =	vmul.f32 v3, v0;
	v5 =	vpop (erf)  }
0x50f: {  	v4 =	vmul.f32 v4, v0;
	[tilespmem:s1+$0x0] =	vst.add.f32.msk $0xffff, v2;
	v6 =	vpop (erf)  }
0x510: {  	[tilespmem:s1+$0xFFFFFD00] =	vst.add.f32.msk $0xffff, v3;
	v5 =	vmul.f32 v5, v0;
	v7 =	vpop (erf)  }
0x511: {  	[tilespmem:s1+$0xFFFFFD80] =	vst.add.f32.msk $0xffff, v4;
	v52 =	vmul.f32 v6, v0;
	v2 =	vpop (erf)  }
0x512: {  	[tilespmem:s1+$0xFFFFFE00] =	vst.add.f32.msk $0xffff, v5;
	v53 =	vmul.f32 v7, v0;
	v8 =	vpop (erf)  }
0x513: {  	[tilespmem:s1+$0xFFFFFE80] =	vst.add.f32.msk $0xffff, v52;
	v3 =	vmul.f32 v8, v0  }
0x514: {  	[tilespmem:s1+$0xFFFFFF00] =	vst.add.f32.msk $0xffff, v53;
	v0 =	vmul.f32 v2, v0  }
0x515: {  	[tilespmem:s1+$0xFFFFFC80] =	vst.add.f32.msk $0xffff, v3  }
0x516: {  	[tilespmem:s1+$0xFFFFFF80] =	vst.add.f32.msk $0xffff, v0  }
0x517: {  	v0 =	vld [tilespmem:s26+$0x0]  }
0x518: {  	v1 =	vld [tilespmem:s26+$0xFFFFFD00]  }
0x519: {  	v2 =	vld [tilespmem:s26+$0xFFFFFD80]  }
0x51a: {  	v3 =	vld [tilespmem:s26+$0xFFFFFE00]  }
0x51b: {  	v4 =	vld [tilespmem:s26+$0xFFFFFE80]  }
0x51c: {  	v5 =	vld [tilespmem:s26+$0xFFFFFF00];
	v0 =	vmul.f32 $1.442695020e+00, v0  }
0x51d: {  	v54 =	vld [tilespmem:s26+$0xFFFFFF80];
	v1 =	vmul.f32 $1.442695020e+00, v1  }
0x51e: {  	s31 =	sadd.s32 $0x1000, s26;
	v55 =	vld [tilespmem:s26+$0xFFFFFC80];
	v2 =	vmul.f32 $1.442695020e+00, v2;
	(erf) = vpow2.f32 v0  }
0x51f: {  	v59 =	vld [tilespmem:s31+$0xFFFFFE00];
	v0 =	vmul.f32 $1.442695020e+00, v3;
	(erf) = vpow2.f32 v1  }
0x520: {  	v9 =	vld [tilespmem:s31+$0xFFFFFE80];
	v1 =	vmul.f32 $1.442695020e+00, v4;
	(erf) = vpow2.f32 v2  }
0x521: {  	v11 =	vld [tilespmem:s31+$0xFFFFFF00];
	v2 =	vmul.f32 $1.442695020e+00, v5;
	(erf) = vpow2.f32 v0  }
0x522: {  	v13 =	vld [tilespmem:s31+$0xFFFFFF80];
	(erf) = vpow2.f32 v1;
	v1 =	vmul.f32 $1.442695020e+00, v54  }
0x523: {  	v3 =	vmul.f32 $1.442695020e+00, v55;
	v0 =	vld [tilespmem:$0x14160];
	(erf) = vpow2.f32 v2  }
0x524: {  	(erf) = vpow2.f32 v1;
	v1 =	vld [tilespmem:s31+$0x0]  }
0x525: {  	(erf) = vpow2.f32 v3;
	v3 =	vld [tilespmem:s31+$0xFFFFFD00]  }
0x526: {  	v57 =	vld [tilespmem:s31+$0xFFFFFD80]  }
0x527: {  	v7 =	vmul.f32 $1.442695020e+00, v59;
	v2 =	vpop (erf)  }
0x528: {  	v61 =	vmul.f32 $1.442695020e+00, v9;
	v62 =	vmul.f32 $1.442695020e+00, v11;
	v56 =	vpop (erf)  }
0x529: {  	v63 =	vmul.f32 $1.442695020e+00, v13;
	v58 =	vpop (erf);
	v1 =	vmul.f32 $1.442695020e+00, v1  }
0x52a: {  	v2 =	vmul.f32 v2, v0;
	v60 =	vpop (erf);
	v3 =	vmul.f32 $1.442695020e+00, v3  }
0x52b: {  	v5 =	vmul.f32 $1.442695020e+00, v57;
	v10 =	vpop (erf);
	(erf) = vpow2.f32 v1  }
0x52c: {  	v4 =	vmul.f32 v56, v0;
	v12 =	vpop (erf);
	(erf) = vpow2.f32 v3;
	v3 =	vld [tilespmem:s31+$0xFFFFFC80]  }
0x52d: {  	v6 =	vmul.f32 v58, v0;
	[tilespmem:s15+$0x0] =	vst.add.f32.msk $0xffff, v2;
	v1 =	vpop (erf);
	(erf) = vpow2.f32 v5  }
0x52e: {  	v8 =	vmul.f32 v60, v0;
	[tilespmem:s15+$0xFFFFFD00] =	vst.add.f32.msk $0xffff, v4;
	v10 =	vmul.f32 v10, v0;
	v2 =	vpop (erf)  }
0x52f: {  	[tilespmem:s15+$0xFFFFFD80] =	vst.add.f32.msk $0xffff, v6;
	(erf) = vpow2.f32 v7;
	v2 =	vmul.f32 v2, v0  }
0x530: {  	v12 =	vmul.f32 v12, v0;
	[tilespmem:s15+$0xFFFFFE00] =	vst.add.f32.msk $0xffff, v8;
	(erf) = vpow2.f32 v61  }
0x531: {  	(erf) = vpow2.f32 v62;
	[tilespmem:s15+$0xFFFFFC80] =	vst.add.f32.msk $0xffff, v2;
	v2 =	vmul.f32 $1.442695020e+00, v3  }
0x532: {  	s2 =	simm.s32 $0x8;
	[tilespmem:s15+$0xFFFFFE80] =	vst.add.f32.msk $0xffff, v10;
	v1 =	vmul.f32 v1, v0;
	(erf) = vpow2.f32 v63  }
0x533: {  	s0 =	smov.u32 s15;
	s3 =	sadd.s32 $0x1000, s31;
	s1 =	smov.u32 s15;
	[tilespmem:s15+$0xFFFFFF00] =	vst.add.f32.msk $0xffff, v12;
	(erf) = vpow2.f32 v2  }
.LBB2_47:
0x534: {  	v2 =	vld [tilespmem:s3+$0x0];
	s2 =	sadd.s32 $0x8, s2;
	v3 =	vpop (erf);
	v4 =	vmov v1  }
0x535: {  	v1 =	vld [tilespmem:s3+$0xFFFFFD00];
	p1 =	slt.u32 s2, $0x38;
	v3 =	vmul.f32 v3, v0;
	v5 =	vpop (erf)  }
0x536: {  	s1 =	sadd.s32 $0x400, s1;
	v6 =	vld [tilespmem:s3+$0xFFFFFD80];
	v5 =	vmul.f32 v5, v0;
	v7 =	vpop (erf)  }
0x537: {  	v7 =	vmul.f32 v7, v0;
	[tilespmem:s1+$0x0] =	vst.add.f32.msk $0xffff, v3  }
0x538: {  	v3 =	vld [tilespmem:s3+$0xFFFFFE00];
	v8 =	vpop (erf)  }
0x539: {  	v9 =	vld [tilespmem:s3+$0xFFFFFE80];
	v14 =	vmul.f32 $1.442695020e+00, v2;
	v8 =	vmul.f32 v8, v0;
	v10 =	vpop (erf)  }
0x53a: {  	v1 =	vmul.f32 $1.442695020e+00, v1;
	v11 =	vld [tilespmem:s3+$0xFFFFFF00];
	v10 =	vmul.f32 v10, v0;
	v12 =	vpop (erf)  }
0x53b: {  	v6 =	vmul.f32 $1.442695020e+00, v6;
	v13 =	vld [tilespmem:s3+$0xFFFFFF80];
	(erf) = vpow2.f32 v14;
	v2 =	vpop (erf)  }
0x53c: {  	v14 =	vld [tilespmem:s3+$0xFFFFFC80];
	(erf) = vpow2.f32 v1;
	v1 =	vmul.f32 v12, v0;
	v12 =	vpop (erf)  }
0x53d: {  	v3 =	vmul.f32 $1.442695020e+00, v3;
	(erf) = vpow2.f32 v6;
	[tilespmem:s1+$0xFFFFFD00] =	vst.add.f32.msk $0xffff, v5  }
0x53e: {  	v6 =	vmul.f32 v12, v0;
	v5 =	vmul.f32 $1.442695020e+00, v9;
	[tilespmem:s1+$0xFFFFFD80] =	vst.add.f32.msk $0xffff, v7  }
.Ltmp22:
0x53f: {  	v7 =	vmul.f32 $1.442695020e+00, v11;
	(erf) = vpow2.f32 v3;
	[tilespmem:s1+$0xFFFFFE00] =	vst.add.f32.msk $0xffff, v8;
	(pc) =	sbr.rel @p1 .LBB2_47-.Ltmp22, $4  }
0x540: {  	v3 =	vmul.f32 $1.442695020e+00, v13;
	(erf) = vpow2.f32 v5;
	[tilespmem:s1+$0xFFFFFC80] =	vst.add.f32.msk $0xffff, v6  }
0x541: {  	v5 =	vmul.f32 $1.442695020e+00, v14;
	(erf) = vpow2.f32 v7;
	[tilespmem:s1+$0xFFFFFE80] =	vst.add.f32.msk $0xffff, v10  }
0x542: {  	(erf) = vpow2.f32 v3;
	[tilespmem:s1+$0xFFFFFF00] =	vst.add.f32.msk $0xffff, v1;
	v1 =	vmul.f32 v2, v0  }
0x543: {  	s3 =	sadd.s32 $0x1000, s3;
	(erf) = vpow2.f32 v5;
	[tilespmem:s0+$0xFFFFFF80] =	vst.add.f32.msk $0xffff, v4;
	s0 =	smov.u32 s1  }
0x544: {  	_ = 	snop  }
0x545: {  	v2 =	vpop (erf)  }
0x546: {  	v3 =	vpop (erf)  }
0x547: {  	v2 =	vmul.f32 v2, v0;
	v4 =	vpop (erf)  }
0x548: {  	s1 =	sadd.s32 $0x400, s1;
	[tilespmem:s0+$0xFFFFFF80] =	vst.add.f32.msk $0xffff, v1;
	v3 =	vmul.f32 v3, v0;
	v5 =	vpop (erf)  }
0x549: {  	v4 =	vmul.f32 v4, v0;
	[tilespmem:s1+$0x0] =	vst.add.f32.msk $0xffff, v2;
	v6 =	vpop (erf)  }
0x54a: {  	[tilespmem:s1+$0xFFFFFD00] =	vst.add.f32.msk $0xffff, v3;
	v5 =	vmul.f32 v5, v0;
	v7 =	vpop (erf)  }
0x54b: {  	[tilespmem:s1+$0xFFFFFD80] =	vst.add.f32.msk $0xffff, v4;
	v52 =	vmul.f32 v6, v0;
	v2 =	vpop (erf)  }
0x54c: {  	[tilespmem:s1+$0xFFFFFE00] =	vst.add.f32.msk $0xffff, v5;
	v53 =	vmul.f32 v7, v0;
	v8 =	vpop (erf)  }
0x54d: {  	[tilespmem:s1+$0xFFFFFE80] =	vst.add.f32.msk $0xffff, v52;
	v3 =	vmul.f32 v8, v0  }
0x54e: {  	[tilespmem:s1+$0xFFFFFF00] =	vst.add.f32.msk $0xffff, v53;
	v0 =	vmul.f32 v2, v0  }
0x54f: {  	[tilespmem:s1+$0xFFFFFC80] =	vst.add.f32.msk $0xffff, v3  }
0x550: {  	[tilespmem:s1+$0xFFFFFF80] =	vst.add.f32.msk $0xffff, v0  }
0x551: {  	v0 =	vld [tilespmem:s25+$0x0]  }
0x552: {  	v1 =	vld [tilespmem:s25+$0xFFFFFD00]  }
0x553: {  	v2 =	vld [tilespmem:s25+$0xFFFFFD80]  }
0x554: {  	v3 =	vld [tilespmem:s25+$0xFFFFFE00]  }
0x555: {  	v4 =	vld [tilespmem:s25+$0xFFFFFE80]  }
0x556: {  	v5 =	vld [tilespmem:s25+$0xFFFFFF00];
	v0 =	vmul.f32 $1.442695020e+00, v0  }
0x557: {  	v54 =	vld [tilespmem:s25+$0xFFFFFF80];
	v1 =	vmul.f32 $1.442695020e+00, v1  }
0x558: {  	s31 =	sadd.s32 $0x1000, s25;
	v55 =	vld [tilespmem:s25+$0xFFFFFC80];
	v2 =	vmul.f32 $1.442695020e+00, v2;
	(erf) = vpow2.f32 v0  }
0x559: {  	v59 =	vld [tilespmem:s31+$0xFFFFFE00];
	v0 =	vmul.f32 $1.442695020e+00, v3;
	(erf) = vpow2.f32 v1  }
0x55a: {  	v9 =	vld [tilespmem:s31+$0xFFFFFE80];
	v1 =	vmul.f32 $1.442695020e+00, v4;
	(erf) = vpow2.f32 v2  }
0x55b: {  	v11 =	vld [tilespmem:s31+$0xFFFFFF00];
	v2 =	vmul.f32 $1.442695020e+00, v5;
	(erf) = vpow2.f32 v0  }
0x55c: {  	v13 =	vld [tilespmem:s31+$0xFFFFFF80];
	(erf) = vpow2.f32 v1;
	v1 =	vmul.f32 $1.442695020e+00, v54  }
0x55d: {  	v3 =	vmul.f32 $1.442695020e+00, v55;
	v0 =	vld [tilespmem:$0x14170];
	(erf) = vpow2.f32 v2  }
0x55e: {  	(erf) = vpow2.f32 v1;
	v1 =	vld [tilespmem:s31+$0x0]  }
0x55f: {  	(erf) = vpow2.f32 v3;
	v3 =	vld [tilespmem:s31+$0xFFFFFD00]  }
0x560: {  	v57 =	vld [tilespmem:s31+$0xFFFFFD80]  }
0x561: {  	v7 =	vmul.f32 $1.442695020e+00, v59;
	v2 =	vpop (erf)  }
0x562: {  	v61 =	vmul.f32 $1.442695020e+00, v9;
	v62 =	vmul.f32 $1.442695020e+00, v11;
	v56 =	vpop (erf)  }
0x563: {  	v63 =	vmul.f32 $1.442695020e+00, v13;
	v58 =	vpop (erf);
	v1 =	vmul.f32 $1.442695020e+00, v1  }
0x564: {  	v2 =	vmul.f32 v2, v0;
	v60 =	vpop (erf);
	v3 =	vmul.f32 $1.442695020e+00, v3  }
0x565: {  	v5 =	vmul.f32 $1.442695020e+00, v57;
	v10 =	vpop (erf);
	(erf) = vpow2.f32 v1  }
0x566: {  	v4 =	vmul.f32 v56, v0;
	v12 =	vpop (erf);
	(erf) = vpow2.f32 v3;
	v3 =	vld [tilespmem:s31+$0xFFFFFC80]  }
0x567: {  	v6 =	vmul.f32 v58, v0;
	[tilespmem:s15+$0x0] =	vst.add.f32.msk $0xffff, v2;
	v1 =	vpop (erf);
	(erf) = vpow2.f32 v5  }
0x568: {  	v8 =	vmul.f32 v60, v0;
	[tilespmem:s15+$0xFFFFFD00] =	vst.add.f32.msk $0xffff, v4;
	v10 =	vmul.f32 v10, v0;
	v2 =	vpop (erf)  }
0x569: {  	[tilespmem:s15+$0xFFFFFD80] =	vst.add.f32.msk $0xffff, v6;
	(erf) = vpow2.f32 v7;
	v2 =	vmul.f32 v2, v0  }
0x56a: {  	v12 =	vmul.f32 v12, v0;
	[tilespmem:s15+$0xFFFFFE00] =	vst.add.f32.msk $0xffff, v8;
	(erf) = vpow2.f32 v61  }
0x56b: {  	(erf) = vpow2.f32 v62;
	[tilespmem:s15+$0xFFFFFC80] =	vst.add.f32.msk $0xffff, v2;
	v2 =	vmul.f32 $1.442695020e+00, v3  }
0x56c: {  	s2 =	simm.s32 $0x8;
	[tilespmem:s15+$0xFFFFFE80] =	vst.add.f32.msk $0xffff, v10;
	v1 =	vmul.f32 v1, v0;
	(erf) = vpow2.f32 v63  }
0x56d: {  	s0 =	smov.u32 s15;
	s3 =	sadd.s32 $0x1000, s31;
	s1 =	smov.u32 s15;
	[tilespmem:s15+$0xFFFFFF00] =	vst.add.f32.msk $0xffff, v12;
	(erf) = vpow2.f32 v2  }
.LBB2_49:
0x56e: {  	v2 =	vld [tilespmem:s3+$0x0];
	s2 =	sadd.s32 $0x8, s2;
	v3 =	vpop (erf);
	v4 =	vmov v1  }
0x56f: {  	v1 =	vld [tilespmem:s3+$0xFFFFFD00];
	p1 =	slt.u32 s2, $0x38;
	v3 =	vmul.f32 v3, v0;
	v5 =	vpop (erf)  }
0x570: {  	s1 =	sadd.s32 $0x400, s1;
	v6 =	vld [tilespmem:s3+$0xFFFFFD80];
	v5 =	vmul.f32 v5, v0;
	v7 =	vpop (erf)  }
0x571: {  	v7 =	vmul.f32 v7, v0;
	[tilespmem:s1+$0x0] =	vst.add.f32.msk $0xffff, v3  }
0x572: {  	v3 =	vld [tilespmem:s3+$0xFFFFFE00];
	v8 =	vpop (erf)  }
0x573: {  	v9 =	vld [tilespmem:s3+$0xFFFFFE80];
	v14 =	vmul.f32 $1.442695020e+00, v2;
	v8 =	vmul.f32 v8, v0;
	v10 =	vpop (erf)  }
0x574: {  	v1 =	vmul.f32 $1.442695020e+00, v1;
	v11 =	vld [tilespmem:s3+$0xFFFFFF00];
	v10 =	vmul.f32 v10, v0;
	v12 =	vpop (erf)  }
0x575: {  	v6 =	vmul.f32 $1.442695020e+00, v6;
	v13 =	vld [tilespmem:s3+$0xFFFFFF80];
	(erf) = vpow2.f32 v14;
	v2 =	vpop (erf)  }
0x576: {  	v14 =	vld [tilespmem:s3+$0xFFFFFC80];
	(erf) = vpow2.f32 v1;
	v1 =	vmul.f32 v12, v0;
	v12 =	vpop (erf)  }
0x577: {  	v3 =	vmul.f32 $1.442695020e+00, v3;
	(erf) = vpow2.f32 v6;
	[tilespmem:s1+$0xFFFFFD00] =	vst.add.f32.msk $0xffff, v5  }
0x578: {  	v6 =	vmul.f32 v12, v0;
	v5 =	vmul.f32 $1.442695020e+00, v9;
	[tilespmem:s1+$0xFFFFFD80] =	vst.add.f32.msk $0xffff, v7  }
.Ltmp23:
0x579: {  	v7 =	vmul.f32 $1.442695020e+00, v11;
	(erf) = vpow2.f32 v3;
	[tilespmem:s1+$0xFFFFFE00] =	vst.add.f32.msk $0xffff, v8;
	(pc) =	sbr.rel @p1 .LBB2_49-.Ltmp23, $4  }
0x57a: {  	v3 =	vmul.f32 $1.442695020e+00, v13;
	(erf) = vpow2.f32 v5;
	[tilespmem:s1+$0xFFFFFC80] =	vst.add.f32.msk $0xffff, v6  }
0x57b: {  	v5 =	vmul.f32 $1.442695020e+00, v14;
	(erf) = vpow2.f32 v7;
	[tilespmem:s1+$0xFFFFFE80] =	vst.add.f32.msk $0xffff, v10  }
0x57c: {  	(erf) = vpow2.f32 v3;
	[tilespmem:s1+$0xFFFFFF00] =	vst.add.f32.msk $0xffff, v1;
	v1 =	vmul.f32 v2, v0  }
0x57d: {  	s3 =	sadd.s32 $0x1000, s3;
	(erf) = vpow2.f32 v5;
	[tilespmem:s0+$0xFFFFFF80] =	vst.add.f32.msk $0xffff, v4;
	s0 =	smov.u32 s1  }
0x57e: {  	_ = 	snop  }
0x57f: {  	v2 =	vpop (erf)  }
0x580: {  	v3 =	vpop (erf)  }
0x581: {  	v2 =	vmul.f32 v2, v0;
	v4 =	vpop (erf)  }
0x582: {  	s1 =	sadd.s32 $0x400, s1;
	[tilespmem:s0+$0xFFFFFF80] =	vst.add.f32.msk $0xffff, v1;
	v3 =	vmul.f32 v3, v0;
	v5 =	vpop (erf)  }
0x583: {  	v4 =	vmul.f32 v4, v0;
	[tilespmem:s1+$0x0] =	vst.add.f32.msk $0xffff, v2;
	v6 =	vpop (erf)  }
0x584: {  	[tilespmem:s1+$0xFFFFFD00] =	vst.add.f32.msk $0xffff, v3;
	v5 =	vmul.f32 v5, v0;
	v7 =	vpop (erf)  }
0x585: {  	[tilespmem:s1+$0xFFFFFD80] =	vst.add.f32.msk $0xffff, v4;
	v52 =	vmul.f32 v6, v0;
	v2 =	vpop (erf)  }
0x586: {  	[tilespmem:s1+$0xFFFFFE00] =	vst.add.f32.msk $0xffff, v5;
	v53 =	vmul.f32 v7, v0;
	v8 =	vpop (erf)  }
0x587: {  	[tilespmem:s1+$0xFFFFFE80] =	vst.add.f32.msk $0xffff, v52;
	v3 =	vmul.f32 v8, v0  }
0x588: {  	[tilespmem:s1+$0xFFFFFF00] =	vst.add.f32.msk $0xffff, v53;
	v0 =	vmul.f32 v2, v0  }
0x589: {  	[tilespmem:s1+$0xFFFFFC80] =	vst.add.f32.msk $0xffff, v3  }
0x58a: {  	[tilespmem:s1+$0xFFFFFF80] =	vst.add.f32.msk $0xffff, v0  }
0x58b: {  	v0 =	vld [tilespmem:s24+$0x0]  }
0x58c: {  	v1 =	vld [tilespmem:s24+$0xFFFFFD00]  }
0x58d: {  	v2 =	vld [tilespmem:s24+$0xFFFFFD80]  }
0x58e: {  	v3 =	vld [tilespmem:s24+$0xFFFFFE00]  }
0x58f: {  	v4 =	vld [tilespmem:s24+$0xFFFFFE80]  }
0x590: {  	v5 =	vld [tilespmem:s24+$0xFFFFFF00];
	v0 =	vmul.f32 $1.442695020e+00, v0  }
0x591: {  	v54 =	vld [tilespmem:s24+$0xFFFFFF80];
	v1 =	vmul.f32 $1.442695020e+00, v1  }
0x592: {  	s31 =	sadd.s32 $0x1000, s24;
	v55 =	vld [tilespmem:s24+$0xFFFFFC80];
	v2 =	vmul.f32 $1.442695020e+00, v2;
	(erf) = vpow2.f32 v0  }
0x593: {  	v59 =	vld [tilespmem:s31+$0xFFFFFE00];
	v0 =	vmul.f32 $1.442695020e+00, v3;
	(erf) = vpow2.f32 v1  }
0x594: {  	v9 =	vld [tilespmem:s31+$0xFFFFFE80];
	v1 =	vmul.f32 $1.442695020e+00, v4;
	(erf) = vpow2.f32 v2  }
0x595: {  	v11 =	vld [tilespmem:s31+$0xFFFFFF00];
	v2 =	vmul.f32 $1.442695020e+00, v5;
	(erf) = vpow2.f32 v0  }
0x596: {  	v13 =	vld [tilespmem:s31+$0xFFFFFF80];
	(erf) = vpow2.f32 v1;
	v1 =	vmul.f32 $1.442695020e+00, v54  }
0x597: {  	v3 =	vmul.f32 $1.442695020e+00, v55;
	v0 =	vld [tilespmem:$0x14180];
	(erf) = vpow2.f32 v2  }
0x598: {  	(erf) = vpow2.f32 v1;
	v1 =	vld [tilespmem:s31+$0x0]  }
0x599: {  	(erf) = vpow2.f32 v3;
	v3 =	vld [tilespmem:s31+$0xFFFFFD00]  }
0x59a: {  	v57 =	vld [tilespmem:s31+$0xFFFFFD80]  }
0x59b: {  	v7 =	vmul.f32 $1.442695020e+00, v59;
	v2 =	vpop (erf)  }
0x59c: {  	v61 =	vmul.f32 $1.442695020e+00, v9;
	v62 =	vmul.f32 $1.442695020e+00, v11;
	v56 =	vpop (erf)  }
0x59d: {  	v63 =	vmul.f32 $1.442695020e+00, v13;
	v58 =	vpop (erf);
	v1 =	vmul.f32 $1.442695020e+00, v1  }
0x59e: {  	v2 =	vmul.f32 v2, v0;
	v60 =	vpop (erf);
	v3 =	vmul.f32 $1.442695020e+00, v3  }
0x59f: {  	v5 =	vmul.f32 $1.442695020e+00, v57;
	v10 =	vpop (erf);
	(erf) = vpow2.f32 v1  }
0x5a0: {  	v4 =	vmul.f32 v56, v0;
	v12 =	vpop (erf);
	(erf) = vpow2.f32 v3;
	v3 =	vld [tilespmem:s31+$0xFFFFFC80]  }
0x5a1: {  	v6 =	vmul.f32 v58, v0;
	[tilespmem:s15+$0x0] =	vst.add.f32.msk $0xffff, v2;
	v1 =	vpop (erf);
	(erf) = vpow2.f32 v5  }
0x5a2: {  	v8 =	vmul.f32 v60, v0;
	[tilespmem:s15+$0xFFFFFD00] =	vst.add.f32.msk $0xffff, v4;
	v10 =	vmul.f32 v10, v0;
	v2 =	vpop (erf)  }
0x5a3: {  	[tilespmem:s15+$0xFFFFFD80] =	vst.add.f32.msk $0xffff, v6;
	(erf) = vpow2.f32 v7;
	v2 =	vmul.f32 v2, v0  }
0x5a4: {  	v12 =	vmul.f32 v12, v0;
	[tilespmem:s15+$0xFFFFFE00] =	vst.add.f32.msk $0xffff, v8;
	(erf) = vpow2.f32 v61  }
0x5a5: {  	(erf) = vpow2.f32 v62;
	[tilespmem:s15+$0xFFFFFC80] =	vst.add.f32.msk $0xffff, v2;
	v2 =	vmul.f32 $1.442695020e+00, v3  }
0x5a6: {  	s2 =	simm.s32 $0x8;
	[tilespmem:s15+$0xFFFFFE80] =	vst.add.f32.msk $0xffff, v10;
	v1 =	vmul.f32 v1, v0;
	(erf) = vpow2.f32 v63  }
0x5a7: {  	s0 =	smov.u32 s15;
	s3 =	sadd.s32 $0x1000, s31;
	s1 =	smov.u32 s15;
	[tilespmem:s15+$0xFFFFFF00] =	vst.add.f32.msk $0xffff, v12;
	(erf) = vpow2.f32 v2  }
.LBB2_51:
0x5a8: {  	v2 =	vld [tilespmem:s3+$0x0];
	s2 =	sadd.s32 $0x8, s2;
	v3 =	vpop (erf);
	v4 =	vmov v1  }
0x5a9: {  	v1 =	vld [tilespmem:s3+$0xFFFFFD00];
	p1 =	slt.u32 s2, $0x38;
	v3 =	vmul.f32 v3, v0;
	v5 =	vpop (erf)  }
0x5aa: {  	s1 =	sadd.s32 $0x400, s1;
	v6 =	vld [tilespmem:s3+$0xFFFFFD80];
	v5 =	vmul.f32 v5, v0;
	v7 =	vpop (erf)  }
0x5ab: {  	v7 =	vmul.f32 v7, v0;
	[tilespmem:s1+$0x0] =	vst.add.f32.msk $0xffff, v3  }
0x5ac: {  	v3 =	vld [tilespmem:s3+$0xFFFFFE00];
	v8 =	vpop (erf)  }
0x5ad: {  	v9 =	vld [tilespmem:s3+$0xFFFFFE80];
	v14 =	vmul.f32 $1.442695020e+00, v2;
	v8 =	vmul.f32 v8, v0;
	v10 =	vpop (erf)  }
0x5ae: {  	v1 =	vmul.f32 $1.442695020e+00, v1;
	v11 =	vld [tilespmem:s3+$0xFFFFFF00];
	v10 =	vmul.f32 v10, v0;
	v12 =	vpop (erf)  }
0x5af: {  	v6 =	vmul.f32 $1.442695020e+00, v6;
	v13 =	vld [tilespmem:s3+$0xFFFFFF80];
	(erf) = vpow2.f32 v14;
	v2 =	vpop (erf)  }
0x5b0: {  	v14 =	vld [tilespmem:s3+$0xFFFFFC80];
	(erf) = vpow2.f32 v1;
	v1 =	vmul.f32 v12, v0;
	v12 =	vpop (erf)  }
0x5b1: {  	v3 =	vmul.f32 $1.442695020e+00, v3;
	(erf) = vpow2.f32 v6;
	[tilespmem:s1+$0xFFFFFD00] =	vst.add.f32.msk $0xffff, v5  }
0x5b2: {  	v6 =	vmul.f32 v12, v0;
	v5 =	vmul.f32 $1.442695020e+00, v9;
	[tilespmem:s1+$0xFFFFFD80] =	vst.add.f32.msk $0xffff, v7  }
.Ltmp24:
0x5b3: {  	v7 =	vmul.f32 $1.442695020e+00, v11;
	(erf) = vpow2.f32 v3;
	[tilespmem:s1+$0xFFFFFE00] =	vst.add.f32.msk $0xffff, v8;
	(pc) =	sbr.rel @p1 .LBB2_51-.Ltmp24, $4  }
0x5b4: {  	v3 =	vmul.f32 $1.442695020e+00, v13;
	(erf) = vpow2.f32 v5;
	[tilespmem:s1+$0xFFFFFC80] =	vst.add.f32.msk $0xffff, v6  }
0x5b5: {  	v5 =	vmul.f32 $1.442695020e+00, v14;
	(erf) = vpow2.f32 v7;
	[tilespmem:s1+$0xFFFFFE80] =	vst.add.f32.msk $0xffff, v10  }
0x5b6: {  	(erf) = vpow2.f32 v3;
	[tilespmem:s1+$0xFFFFFF00] =	vst.add.f32.msk $0xffff, v1;
	v1 =	vmul.f32 v2, v0  }
0x5b7: {  	s3 =	sadd.s32 $0x1000, s3;
	(erf) = vpow2.f32 v5;
	[tilespmem:s0+$0xFFFFFF80] =	vst.add.f32.msk $0xffff, v4;
	s0 =	smov.u32 s1  }
0x5b8: {  	_ = 	snop  }
0x5b9: {  	v2 =	vpop (erf)  }
0x5ba: {  	v3 =	vpop (erf)  }
0x5bb: {  	v2 =	vmul.f32 v2, v0;
	v4 =	vpop (erf)  }
0x5bc: {  	s1 =	sadd.s32 $0x400, s1;
	[tilespmem:s0+$0xFFFFFF80] =	vst.add.f32.msk $0xffff, v1;
	v3 =	vmul.f32 v3, v0;
	v5 =	vpop (erf)  }
0x5bd: {  	v4 =	vmul.f32 v4, v0;
	[tilespmem:s1+$0x0] =	vst.add.f32.msk $0xffff, v2;
	v6 =	vpop (erf)  }
0x5be: {  	[tilespmem:s1+$0xFFFFFD00] =	vst.add.f32.msk $0xffff, v3;
	v5 =	vmul.f32 v5, v0;
	v7 =	vpop (erf)  }
0x5bf: {  	[tilespmem:s1+$0xFFFFFD80] =	vst.add.f32.msk $0xffff, v4;
	v52 =	vmul.f32 v6, v0;
	v2 =	vpop (erf)  }
0x5c0: {  	[tilespmem:s1+$0xFFFFFE00] =	vst.add.f32.msk $0xffff, v5;
	v53 =	vmul.f32 v7, v0;
	v8 =	vpop (erf)  }
0x5c1: {  	[tilespmem:s1+$0xFFFFFE80] =	vst.add.f32.msk $0xffff, v52;
	v3 =	vmul.f32 v8, v0  }
0x5c2: {  	[tilespmem:s1+$0xFFFFFF00] =	vst.add.f32.msk $0xffff, v53;
	v0 =	vmul.f32 v2, v0  }
0x5c3: {  	[tilespmem:s1+$0xFFFFFC80] =	vst.add.f32.msk $0xffff, v3  }
0x5c4: {  	[tilespmem:s1+$0xFFFFFF80] =	vst.add.f32.msk $0xffff, v0  }
0x5c5: {  	v0 =	vld [tilespmem:s23+$0x0]  }
0x5c6: {  	v1 =	vld [tilespmem:s23+$0xFFFFFD00]  }
0x5c7: {  	v2 =	vld [tilespmem:s23+$0xFFFFFD80]  }
0x5c8: {  	v3 =	vld [tilespmem:s23+$0xFFFFFE00]  }
0x5c9: {  	v4 =	vld [tilespmem:s23+$0xFFFFFE80]  }
0x5ca: {  	v5 =	vld [tilespmem:s23+$0xFFFFFF00];
	v0 =	vmul.f32 $1.442695020e+00, v0  }
0x5cb: {  	v54 =	vld [tilespmem:s23+$0xFFFFFF80];
	v1 =	vmul.f32 $1.442695020e+00, v1  }
0x5cc: {  	s31 =	sadd.s32 $0x1000, s23;
	v55 =	vld [tilespmem:s23+$0xFFFFFC80];
	v2 =	vmul.f32 $1.442695020e+00, v2;
	(erf) = vpow2.f32 v0  }
0x5cd: {  	v59 =	vld [tilespmem:s31+$0xFFFFFE00];
	v0 =	vmul.f32 $1.442695020e+00, v3;
	(erf) = vpow2.f32 v1  }
0x5ce: {  	v9 =	vld [tilespmem:s31+$0xFFFFFE80];
	v1 =	vmul.f32 $1.442695020e+00, v4;
	(erf) = vpow2.f32 v2  }
0x5cf: {  	v11 =	vld [tilespmem:s31+$0xFFFFFF00];
	v2 =	vmul.f32 $1.442695020e+00, v5;
	(erf) = vpow2.f32 v0  }
0x5d0: {  	v13 =	vld [tilespmem:s31+$0xFFFFFF80];
	(erf) = vpow2.f32 v1;
	v1 =	vmul.f32 $1.442695020e+00, v54  }
0x5d1: {  	v3 =	vmul.f32 $1.442695020e+00, v55;
	v0 =	vld [tilespmem:$0x14190];
	(erf) = vpow2.f32 v2  }
0x5d2: {  	(erf) = vpow2.f32 v1;
	v1 =	vld [tilespmem:s31+$0x0]  }
0x5d3: {  	(erf) = vpow2.f32 v3;
	v3 =	vld [tilespmem:s31+$0xFFFFFD00]  }
0x5d4: {  	v57 =	vld [tilespmem:s31+$0xFFFFFD80]  }
0x5d5: {  	v7 =	vmul.f32 $1.442695020e+00, v59;
	v2 =	vpop (erf)  }
0x5d6: {  	v61 =	vmul.f32 $1.442695020e+00, v9;
	v62 =	vmul.f32 $1.442695020e+00, v11;
	v56 =	vpop (erf)  }
0x5d7: {  	v63 =	vmul.f32 $1.442695020e+00, v13;
	v58 =	vpop (erf);
	v1 =	vmul.f32 $1.442695020e+00, v1  }
0x5d8: {  	v2 =	vmul.f32 v2, v0;
	v60 =	vpop (erf);
	v3 =	vmul.f32 $1.442695020e+00, v3  }
0x5d9: {  	v5 =	vmul.f32 $1.442695020e+00, v57;
	v10 =	vpop (erf);
	(erf) = vpow2.f32 v1  }
0x5da: {  	v4 =	vmul.f32 v56, v0;
	v12 =	vpop (erf);
	(erf) = vpow2.f32 v3;
	v3 =	vld [tilespmem:s31+$0xFFFFFC80]  }
0x5db: {  	v6 =	vmul.f32 v58, v0;
	[tilespmem:s15+$0x0] =	vst.add.f32.msk $0xffff, v2;
	v1 =	vpop (erf);
	(erf) = vpow2.f32 v5  }
0x5dc: {  	v8 =	vmul.f32 v60, v0;
	[tilespmem:s15+$0xFFFFFD00] =	vst.add.f32.msk $0xffff, v4;
	v10 =	vmul.f32 v10, v0;
	v2 =	vpop (erf)  }
0x5dd: {  	[tilespmem:s15+$0xFFFFFD80] =	vst.add.f32.msk $0xffff, v6;
	(erf) = vpow2.f32 v7;
	v2 =	vmul.f32 v2, v0  }
0x5de: {  	v12 =	vmul.f32 v12, v0;
	[tilespmem:s15+$0xFFFFFE00] =	vst.add.f32.msk $0xffff, v8;
	(erf) = vpow2.f32 v61  }
0x5df: {  	(erf) = vpow2.f32 v62;
	[tilespmem:s15+$0xFFFFFC80] =	vst.add.f32.msk $0xffff, v2;
	v2 =	vmul.f32 $1.442695020e+00, v3  }
0x5e0: {  	s2 =	simm.s32 $0x8;
	[tilespmem:s15+$0xFFFFFE80] =	vst.add.f32.msk $0xffff, v10;
	v1 =	vmul.f32 v1, v0;
	(erf) = vpow2.f32 v63  }
0x5e1: {  	s0 =	smov.u32 s15;
	s3 =	sadd.s32 $0x1000, s31;
	s1 =	smov.u32 s15;
	[tilespmem:s15+$0xFFFFFF00] =	vst.add.f32.msk $0xffff, v12;
	(erf) = vpow2.f32 v2  }
.LBB2_53:
0x5e2: {  	v2 =	vld [tilespmem:s3+$0x0];
	s2 =	sadd.s32 $0x8, s2;
	v3 =	vpop (erf);
	v4 =	vmov v1  }
0x5e3: {  	v1 =	vld [tilespmem:s3+$0xFFFFFD00];
	p1 =	slt.u32 s2, $0x38;
	v3 =	vmul.f32 v3, v0;
	v5 =	vpop (erf)  }
0x5e4: {  	s1 =	sadd.s32 $0x400, s1;
	v6 =	vld [tilespmem:s3+$0xFFFFFD80];
	v5 =	vmul.f32 v5, v0;
	v7 =	vpop (erf)  }
0x5e5: {  	v7 =	vmul.f32 v7, v0;
	[tilespmem:s1+$0x0] =	vst.add.f32.msk $0xffff, v3  }
0x5e6: {  	v3 =	vld [tilespmem:s3+$0xFFFFFE00];
	v8 =	vpop (erf)  }
0x5e7: {  	v9 =	vld [tilespmem:s3+$0xFFFFFE80];
	v14 =	vmul.f32 $1.442695020e+00, v2;
	v8 =	vmul.f32 v8, v0;
	v10 =	vpop (erf)  }
0x5e8: {  	v1 =	vmul.f32 $1.442695020e+00, v1;
	v11 =	vld [tilespmem:s3+$0xFFFFFF00];
	v10 =	vmul.f32 v10, v0;
	v12 =	vpop (erf)  }
0x5e9: {  	v6 =	vmul.f32 $1.442695020e+00, v6;
	v13 =	vld [tilespmem:s3+$0xFFFFFF80];
	(erf) = vpow2.f32 v14;
	v2 =	vpop (erf)  }
0x5ea: {  	v14 =	vld [tilespmem:s3+$0xFFFFFC80];
	(erf) = vpow2.f32 v1;
	v1 =	vmul.f32 v12, v0;
	v12 =	vpop (erf)  }
0x5eb: {  	v3 =	vmul.f32 $1.442695020e+00, v3;
	(erf) = vpow2.f32 v6;
	[tilespmem:s1+$0xFFFFFD00] =	vst.add.f32.msk $0xffff, v5  }
0x5ec: {  	v6 =	vmul.f32 v12, v0;
	v5 =	vmul.f32 $1.442695020e+00, v9;
	[tilespmem:s1+$0xFFFFFD80] =	vst.add.f32.msk $0xffff, v7  }
.Ltmp25:
0x5ed: {  	v7 =	vmul.f32 $1.442695020e+00, v11;
	(erf) = vpow2.f32 v3;
	[tilespmem:s1+$0xFFFFFE00] =	vst.add.f32.msk $0xffff, v8;
	(pc) =	sbr.rel @p1 .LBB2_53-.Ltmp25, $4  }
0x5ee: {  	v3 =	vmul.f32 $1.442695020e+00, v13;
	(erf) = vpow2.f32 v5;
	[tilespmem:s1+$0xFFFFFC80] =	vst.add.f32.msk $0xffff, v6  }
0x5ef: {  	v5 =	vmul.f32 $1.442695020e+00, v14;
	(erf) = vpow2.f32 v7;
	[tilespmem:s1+$0xFFFFFE80] =	vst.add.f32.msk $0xffff, v10  }
0x5f0: {  	(erf) = vpow2.f32 v3;
	[tilespmem:s1+$0xFFFFFF00] =	vst.add.f32.msk $0xffff, v1;
	v1 =	vmul.f32 v2, v0  }
0x5f1: {  	s3 =	sadd.s32 $0x1000, s3;
	(erf) = vpow2.f32 v5;
	[tilespmem:s0+$0xFFFFFF80] =	vst.add.f32.msk $0xffff, v4;
	s0 =	smov.u32 s1  }
0x5f2: {  	_ = 	snop  }
0x5f3: {  	v2 =	vpop (erf)  }
0x5f4: {  	v3 =	vpop (erf)  }
0x5f5: {  	v2 =	vmul.f32 v2, v0;
	v4 =	vpop (erf)  }
0x5f6: {  	s1 =	sadd.s32 $0x400, s1;
	[tilespmem:s0+$0xFFFFFF80] =	vst.add.f32.msk $0xffff, v1;
	v3 =	vmul.f32 v3, v0;
	v5 =	vpop (erf)  }
0x5f7: {  	v4 =	vmul.f32 v4, v0;
	[tilespmem:s1+$0x0] =	vst.add.f32.msk $0xffff, v2;
	v6 =	vpop (erf)  }
0x5f8: {  	[tilespmem:s1+$0xFFFFFD00] =	vst.add.f32.msk $0xffff, v3;
	v5 =	vmul.f32 v5, v0;
	v7 =	vpop (erf)  }
0x5f9: {  	[tilespmem:s1+$0xFFFFFD80] =	vst.add.f32.msk $0xffff, v4;
	v52 =	vmul.f32 v6, v0;
	v2 =	vpop (erf)  }
0x5fa: {  	[tilespmem:s1+$0xFFFFFE00] =	vst.add.f32.msk $0xffff, v5;
	v53 =	vmul.f32 v7, v0;
	v8 =	vpop (erf)  }
0x5fb: {  	[tilespmem:s1+$0xFFFFFE80] =	vst.add.f32.msk $0xffff, v52;
	v3 =	vmul.f32 v8, v0  }
0x5fc: {  	[tilespmem:s1+$0xFFFFFF00] =	vst.add.f32.msk $0xffff, v53;
	v0 =	vmul.f32 v2, v0  }
0x5fd: {  	[tilespmem:s1+$0xFFFFFC80] =	vst.add.f32.msk $0xffff, v3  }
0x5fe: {  	[tilespmem:s1+$0xFFFFFF80] =	vst.add.f32.msk $0xffff, v0  }
0x5ff: {  	v0 =	vld [tilespmem:s22+$0x0]  }
0x600: {  	v1 =	vld [tilespmem:s22+$0xFFFFFD00]  }
0x601: {  	v2 =	vld [tilespmem:s22+$0xFFFFFD80]  }
0x602: {  	v3 =	vld [tilespmem:s22+$0xFFFFFE00]  }
0x603: {  	v4 =	vld [tilespmem:s22+$0xFFFFFE80]  }
0x604: {  	v5 =	vld [tilespmem:s22+$0xFFFFFF00];
	v0 =	vmul.f32 $1.442695020e+00, v0  }
0x605: {  	v54 =	vld [tilespmem:s22+$0xFFFFFF80];
	v1 =	vmul.f32 $1.442695020e+00, v1  }
0x606: {  	s31 =	sadd.s32 $0x1000, s22;
	v55 =	vld [tilespmem:s22+$0xFFFFFC80];
	v2 =	vmul.f32 $1.442695020e+00, v2;
	(erf) = vpow2.f32 v0  }
0x607: {  	v59 =	vld [tilespmem:s31+$0xFFFFFE00];
	v0 =	vmul.f32 $1.442695020e+00, v3;
	(erf) = vpow2.f32 v1  }
0x608: {  	v9 =	vld [tilespmem:s31+$0xFFFFFE80];
	v1 =	vmul.f32 $1.442695020e+00, v4;
	(erf) = vpow2.f32 v2  }
0x609: {  	v11 =	vld [tilespmem:s31+$0xFFFFFF00];
	v2 =	vmul.f32 $1.442695020e+00, v5;
	(erf) = vpow2.f32 v0  }
0x60a: {  	v13 =	vld [tilespmem:s31+$0xFFFFFF80];
	(erf) = vpow2.f32 v1;
	v1 =	vmul.f32 $1.442695020e+00, v54  }
0x60b: {  	v3 =	vmul.f32 $1.442695020e+00, v55;
	v0 =	vld [tilespmem:$0x141A0];
	(erf) = vpow2.f32 v2  }
0x60c: {  	(erf) = vpow2.f32 v1;
	v1 =	vld [tilespmem:s31+$0x0]  }
0x60d: {  	(erf) = vpow2.f32 v3;
	v3 =	vld [tilespmem:s31+$0xFFFFFD00]  }
0x60e: {  	v57 =	vld [tilespmem:s31+$0xFFFFFD80]  }
0x60f: {  	v7 =	vmul.f32 $1.442695020e+00, v59;
	v2 =	vpop (erf)  }
0x610: {  	v61 =	vmul.f32 $1.442695020e+00, v9;
	v62 =	vmul.f32 $1.442695020e+00, v11;
	v56 =	vpop (erf)  }
0x611: {  	v63 =	vmul.f32 $1.442695020e+00, v13;
	v58 =	vpop (erf);
	v1 =	vmul.f32 $1.442695020e+00, v1  }
0x612: {  	v2 =	vmul.f32 v2, v0;
	v60 =	vpop (erf);
	v3 =	vmul.f32 $1.442695020e+00, v3  }
0x613: {  	v5 =	vmul.f32 $1.442695020e+00, v57;
	v10 =	vpop (erf);
	(erf) = vpow2.f32 v1  }
0x614: {  	v4 =	vmul.f32 v56, v0;
	v12 =	vpop (erf);
	(erf) = vpow2.f32 v3;
	v3 =	vld [tilespmem:s31+$0xFFFFFC80]  }
0x615: {  	v6 =	vmul.f32 v58, v0;
	[tilespmem:s15+$0x0] =	vst.add.f32.msk $0xffff, v2;
	v1 =	vpop (erf);
	(erf) = vpow2.f32 v5  }
0x616: {  	v8 =	vmul.f32 v60, v0;
	[tilespmem:s15+$0xFFFFFD00] =	vst.add.f32.msk $0xffff, v4;
	v10 =	vmul.f32 v10, v0;
	v2 =	vpop (erf)  }
0x617: {  	[tilespmem:s15+$0xFFFFFD80] =	vst.add.f32.msk $0xffff, v6;
	(erf) = vpow2.f32 v7;
	v2 =	vmul.f32 v2, v0  }
0x618: {  	v12 =	vmul.f32 v12, v0;
	[tilespmem:s15+$0xFFFFFE00] =	vst.add.f32.msk $0xffff, v8;
	(erf) = vpow2.f32 v61  }
0x619: {  	(erf) = vpow2.f32 v62;
	[tilespmem:s15+$0xFFFFFC80] =	vst.add.f32.msk $0xffff, v2;
	v2 =	vmul.f32 $1.442695020e+00, v3  }
0x61a: {  	s2 =	simm.s32 $0x8;
	[tilespmem:s15+$0xFFFFFE80] =	vst.add.f32.msk $0xffff, v10;
	v1 =	vmul.f32 v1, v0;
	(erf) = vpow2.f32 v63  }
0x61b: {  	s0 =	smov.u32 s15;
	s3 =	sadd.s32 $0x1000, s31;
	s1 =	smov.u32 s15;
	[tilespmem:s15+$0xFFFFFF00] =	vst.add.f32.msk $0xffff, v12;
	(erf) = vpow2.f32 v2  }
.LBB2_55:
0x61c: {  	v2 =	vld [tilespmem:s3+$0x0];
	s2 =	sadd.s32 $0x8, s2;
	v3 =	vpop (erf);
	v4 =	vmov v1  }
0x61d: {  	v1 =	vld [tilespmem:s3+$0xFFFFFD00];
	p1 =	slt.u32 s2, $0x38;
	v3 =	vmul.f32 v3, v0;
	v5 =	vpop (erf)  }
0x61e: {  	s1 =	sadd.s32 $0x400, s1;
	v6 =	vld [tilespmem:s3+$0xFFFFFD80];
	v5 =	vmul.f32 v5, v0;
	v7 =	vpop (erf)  }
0x61f: {  	v7 =	vmul.f32 v7, v0;
	[tilespmem:s1+$0x0] =	vst.add.f32.msk $0xffff, v3  }
0x620: {  	v3 =	vld [tilespmem:s3+$0xFFFFFE00];
	v8 =	vpop (erf)  }
0x621: {  	v9 =	vld [tilespmem:s3+$0xFFFFFE80];
	v14 =	vmul.f32 $1.442695020e+00, v2;
	v8 =	vmul.f32 v8, v0;
	v10 =	vpop (erf)  }
0x622: {  	v1 =	vmul.f32 $1.442695020e+00, v1;
	v11 =	vld [tilespmem:s3+$0xFFFFFF00];
	v10 =	vmul.f32 v10, v0;
	v12 =	vpop (erf)  }
0x623: {  	v6 =	vmul.f32 $1.442695020e+00, v6;
	v13 =	vld [tilespmem:s3+$0xFFFFFF80];
	(erf) = vpow2.f32 v14;
	v2 =	vpop (erf)  }
0x624: {  	v14 =	vld [tilespmem:s3+$0xFFFFFC80];
	(erf) = vpow2.f32 v1;
	v1 =	vmul.f32 v12, v0;
	v12 =	vpop (erf)  }
0x625: {  	v3 =	vmul.f32 $1.442695020e+00, v3;
	(erf) = vpow2.f32 v6;
	[tilespmem:s1+$0xFFFFFD00] =	vst.add.f32.msk $0xffff, v5  }
0x626: {  	v6 =	vmul.f32 v12, v0;
	v5 =	vmul.f32 $1.442695020e+00, v9;
	[tilespmem:s1+$0xFFFFFD80] =	vst.add.f32.msk $0xffff, v7  }
.Ltmp26:
0x627: {  	v7 =	vmul.f32 $1.442695020e+00, v11;
	(erf) = vpow2.f32 v3;
	[tilespmem:s1+$0xFFFFFE00] =	vst.add.f32.msk $0xffff, v8;
	(pc) =	sbr.rel @p1 .LBB2_55-.Ltmp26, $4  }
0x628: {  	v3 =	vmul.f32 $1.442695020e+00, v13;
	(erf) = vpow2.f32 v5;
	[tilespmem:s1+$0xFFFFFC80] =	vst.add.f32.msk $0xffff, v6  }
0x629: {  	v5 =	vmul.f32 $1.442695020e+00, v14;
	(erf) = vpow2.f32 v7;
	[tilespmem:s1+$0xFFFFFE80] =	vst.add.f32.msk $0xffff, v10  }
0x62a: {  	(erf) = vpow2.f32 v3;
	[tilespmem:s1+$0xFFFFFF00] =	vst.add.f32.msk $0xffff, v1;
	v1 =	vmul.f32 v2, v0  }
0x62b: {  	s3 =	sadd.s32 $0x1000, s3;
	(erf) = vpow2.f32 v5;
	[tilespmem:s0+$0xFFFFFF80] =	vst.add.f32.msk $0xffff, v4;
	s0 =	smov.u32 s1  }
0x62c: {  	_ = 	snop  }
0x62d: {  	v2 =	vpop (erf)  }
0x62e: {  	v3 =	vpop (erf)  }
0x62f: {  	v2 =	vmul.f32 v2, v0;
	v4 =	vpop (erf)  }
0x630: {  	s1 =	sadd.s32 $0x400, s1;
	[tilespmem:s0+$0xFFFFFF80] =	vst.add.f32.msk $0xffff, v1;
	v3 =	vmul.f32 v3, v0;
	v5 =	vpop (erf)  }
0x631: {  	v4 =	vmul.f32 v4, v0;
	[tilespmem:s1+$0x0] =	vst.add.f32.msk $0xffff, v2;
	v6 =	vpop (erf)  }
0x632: {  	[tilespmem:s1+$0xFFFFFD00] =	vst.add.f32.msk $0xffff, v3;
	v5 =	vmul.f32 v5, v0;
	v7 =	vpop (erf)  }
0x633: {  	[tilespmem:s1+$0xFFFFFD80] =	vst.add.f32.msk $0xffff, v4;
	v52 =	vmul.f32 v6, v0;
	v2 =	vpop (erf)  }
0x634: {  	[tilespmem:s1+$0xFFFFFE00] =	vst.add.f32.msk $0xffff, v5;
	v53 =	vmul.f32 v7, v0;
	v8 =	vpop (erf)  }
0x635: {  	[tilespmem:s1+$0xFFFFFE80] =	vst.add.f32.msk $0xffff, v52;
	v3 =	vmul.f32 v8, v0  }
0x636: {  	[tilespmem:s1+$0xFFFFFF00] =	vst.add.f32.msk $0xffff, v53;
	v0 =	vmul.f32 v2, v0  }
0x637: {  	[tilespmem:s1+$0xFFFFFC80] =	vst.add.f32.msk $0xffff, v3  }
0x638: {  	[tilespmem:s1+$0xFFFFFF80] =	vst.add.f32.msk $0xffff, v0  }
0x639: {  	s0 =	rddreg [dreg:$0x10]  }
0x63a: {  	v0 =	vld [tilespmem:s0+$0x0]  }
0x63b: {  	v1 =	vld [tilespmem:s0+$0xFFFFFD00]  }
0x63c: {  	v2 =	vld [tilespmem:s0+$0xFFFFFD80]  }
0x63d: {  	v3 =	vld [tilespmem:s0+$0xFFFFFE00]  }
0x63e: {  	v4 =	vld [tilespmem:s0+$0xFFFFFE80]  }
0x63f: {  	v5 =	vld [tilespmem:s0+$0xFFFFFF00];
	v0 =	vmul.f32 $1.442695020e+00, v0  }
0x640: {  	v54 =	vld [tilespmem:s0+$0xFFFFFF80];
	v1 =	vmul.f32 $1.442695020e+00, v1  }
0x641: {  	v55 =	vld [tilespmem:s0+$0xFFFFFC80];
	s0 =	sadd.s32 $0x1000, s0;
	v2 =	vmul.f32 $1.442695020e+00, v2;
	(erf) = vpow2.f32 v0  }
0x642: {  	v59 =	vld [tilespmem:s0+$0xFFFFFE00];
	v0 =	vmul.f32 $1.442695020e+00, v3;
	(erf) = vpow2.f32 v1  }
0x643: {  	v9 =	vld [tilespmem:s0+$0xFFFFFE80];
	v1 =	vmul.f32 $1.442695020e+00, v4;
	(erf) = vpow2.f32 v2  }
0x644: {  	v11 =	vld [tilespmem:s0+$0xFFFFFF00];
	v2 =	vmul.f32 $1.442695020e+00, v5;
	(erf) = vpow2.f32 v0  }
0x645: {  	v13 =	vld [tilespmem:s0+$0xFFFFFF80];
	(erf) = vpow2.f32 v1;
	v1 =	vmul.f32 $1.442695020e+00, v54  }
0x646: {  	v3 =	vmul.f32 $1.442695020e+00, v55;
	v0 =	vld [tilespmem:$0x141B0];
	(erf) = vpow2.f32 v2  }
0x647: {  	(erf) = vpow2.f32 v1;
	v1 =	vld [tilespmem:s0+$0x0]  }
0x648: {  	(erf) = vpow2.f32 v3;
	v3 =	vld [tilespmem:s0+$0xFFFFFD00]  }
0x649: {  	v57 =	vld [tilespmem:s0+$0xFFFFFD80]  }
0x64a: {  	v7 =	vmul.f32 $1.442695020e+00, v59;
	v2 =	vpop (erf)  }
0x64b: {  	v61 =	vmul.f32 $1.442695020e+00, v9;
	v62 =	vmul.f32 $1.442695020e+00, v11;
	v56 =	vpop (erf)  }
0x64c: {  	v63 =	vmul.f32 $1.442695020e+00, v13;
	v58 =	vpop (erf);
	v1 =	vmul.f32 $1.442695020e+00, v1  }
0x64d: {  	v2 =	vmul.f32 v2, v0;
	v60 =	vpop (erf);
	v3 =	vmul.f32 $1.442695020e+00, v3  }
0x64e: {  	v5 =	vmul.f32 $1.442695020e+00, v57;
	v10 =	vpop (erf);
	(erf) = vpow2.f32 v1  }
0x64f: {  	v4 =	vmul.f32 v56, v0;
	v12 =	vpop (erf);
	(erf) = vpow2.f32 v3;
	v3 =	vld [tilespmem:s0+$0xFFFFFC80]  }
0x650: {  	v6 =	vmul.f32 v58, v0;
	[tilespmem:s15+$0x0] =	vst.add.f32.msk $0xffff, v2;
	v1 =	vpop (erf);
	(erf) = vpow2.f32 v5  }
0x651: {  	v8 =	vmul.f32 v60, v0;
	[tilespmem:s15+$0xFFFFFD00] =	vst.add.f32.msk $0xffff, v4;
	v10 =	vmul.f32 v10, v0;
	v2 =	vpop (erf)  }
0x652: {  	[tilespmem:s15+$0xFFFFFD80] =	vst.add.f32.msk $0xffff, v6;
	(erf) = vpow2.f32 v7;
	v2 =	vmul.f32 v2, v0  }
0x653: {  	v12 =	vmul.f32 v12, v0;
	[tilespmem:s15+$0xFFFFFE00] =	vst.add.f32.msk $0xffff, v8;
	(erf) = vpow2.f32 v61  }
0x654: {  	(erf) = vpow2.f32 v62;
	[tilespmem:s15+$0xFFFFFC80] =	vst.add.f32.msk $0xffff, v2;
	v2 =	vmul.f32 $1.442695020e+00, v3  }
0x655: {  	s2 =	simm.s32 $0x8;
	[tilespmem:s15+$0xFFFFFE80] =	vst.add.f32.msk $0xffff, v10;
	v1 =	vmul.f32 v1, v0;
	(erf) = vpow2.f32 v63  }
0x656: {  	s1 =	smov.u32 s15;
	s3 =	sadd.s32 $0x1000, s0;
	s0 =	smov.u32 s15;
	[tilespmem:s15+$0xFFFFFF00] =	vst.add.f32.msk $0xffff, v12;
	(erf) = vpow2.f32 v2  }
.LBB2_57:
0x657: {  	v2 =	vld [tilespmem:s3+$0x0];
	s2 =	sadd.s32 $0x8, s2;
	v3 =	vpop (erf);
	v4 =	vmov v1  }
0x658: {  	v1 =	vld [tilespmem:s3+$0xFFFFFD00];
	p1 =	slt.u32 s2, $0x38;
	v3 =	vmul.f32 v3, v0;
	v5 =	vpop (erf)  }
0x659: {  	s1 =	sadd.s32 $0x400, s1;
	v6 =	vld [tilespmem:s3+$0xFFFFFD80];
	v5 =	vmul.f32 v5, v0;
	v7 =	vpop (erf)  }
0x65a: {  	v7 =	vmul.f32 v7, v0;
	[tilespmem:s1+$0x0] =	vst.add.f32.msk $0xffff, v3  }
0x65b: {  	v3 =	vld [tilespmem:s3+$0xFFFFFE00];
	v8 =	vpop (erf)  }
0x65c: {  	v9 =	vld [tilespmem:s3+$0xFFFFFE80];
	v14 =	vmul.f32 $1.442695020e+00, v2;
	v8 =	vmul.f32 v8, v0;
	v10 =	vpop (erf)  }
0x65d: {  	v1 =	vmul.f32 $1.442695020e+00, v1;
	v11 =	vld [tilespmem:s3+$0xFFFFFF00];
	v10 =	vmul.f32 v10, v0;
	v12 =	vpop (erf)  }
0x65e: {  	v6 =	vmul.f32 $1.442695020e+00, v6;
	v13 =	vld [tilespmem:s3+$0xFFFFFF80];
	(erf) = vpow2.f32 v14;
	v2 =	vpop (erf)  }
0x65f: {  	v14 =	vld [tilespmem:s3+$0xFFFFFC80];
	(erf) = vpow2.f32 v1;
	v1 =	vmul.f32 v12, v0;
	v12 =	vpop (erf)  }
0x660: {  	v3 =	vmul.f32 $1.442695020e+00, v3;
	(erf) = vpow2.f32 v6;
	[tilespmem:s1+$0xFFFFFD00] =	vst.add.f32.msk $0xffff, v5  }
0x661: {  	v6 =	vmul.f32 v12, v0;
	v5 =	vmul.f32 $1.442695020e+00, v9;
	[tilespmem:s1+$0xFFFFFD80] =	vst.add.f32.msk $0xffff, v7  }
.Ltmp27:
0x662: {  	v7 =	vmul.f32 $1.442695020e+00, v11;
	(erf) = vpow2.f32 v3;
	[tilespmem:s1+$0xFFFFFE00] =	vst.add.f32.msk $0xffff, v8;
	(pc) =	sbr.rel @p1 .LBB2_57-.Ltmp27, $4  }
0x663: {  	v3 =	vmul.f32 $1.442695020e+00, v13;
	(erf) = vpow2.f32 v5;
	[tilespmem:s1+$0xFFFFFC80] =	vst.add.f32.msk $0xffff, v6  }
0x664: {  	v5 =	vmul.f32 $1.442695020e+00, v14;
	(erf) = vpow2.f32 v7;
	[tilespmem:s1+$0xFFFFFE80] =	vst.add.f32.msk $0xffff, v10  }
0x665: {  	(erf) = vpow2.f32 v3;
	[tilespmem:s1+$0xFFFFFF00] =	vst.add.f32.msk $0xffff, v1;
	v1 =	vmul.f32 v2, v0  }
0x666: {  	s3 =	sadd.s32 $0x1000, s3;
	(erf) = vpow2.f32 v5;
	[tilespmem:s0+$0xFFFFFF80] =	vst.add.f32.msk $0xffff, v4;
	s0 =	smov.u32 s1  }
0x667: {  	_ = 	snop  }
0x668: {  	v2 =	vpop (erf)  }
0x669: {  	v3 =	vpop (erf)  }
0x66a: {  	v2 =	vmul.f32 v2, v0;
	v4 =	vpop (erf)  }
0x66b: {  	s1 =	sadd.s32 $0x400, s1;
	[tilespmem:s0+$0xFFFFFF80] =	vst.add.f32.msk $0xffff, v1;
	v3 =	vmul.f32 v3, v0;
	v5 =	vpop (erf)  }
0x66c: {  	v4 =	vmul.f32 v4, v0;
	[tilespmem:s1+$0x0] =	vst.add.f32.msk $0xffff, v2;
	v6 =	vpop (erf)  }
0x66d: {  	[tilespmem:s1+$0xFFFFFD00] =	vst.add.f32.msk $0xffff, v3;
	v5 =	vmul.f32 v5, v0;
	v7 =	vpop (erf)  }
0x66e: {  	[tilespmem:s1+$0xFFFFFD80] =	vst.add.f32.msk $0xffff, v4;
	v52 =	vmul.f32 v6, v0;
	v2 =	vpop (erf)  }
0x66f: {  	[tilespmem:s1+$0xFFFFFE00] =	vst.add.f32.msk $0xffff, v5;
	v53 =	vmul.f32 v7, v0;
	v8 =	vpop (erf)  }
0x670: {  	[tilespmem:s1+$0xFFFFFE80] =	vst.add.f32.msk $0xffff, v52;
	v3 =	vmul.f32 v8, v0  }
0x671: {  	[tilespmem:s1+$0xFFFFFF00] =	vst.add.f32.msk $0xffff, v53;
	v0 =	vmul.f32 v2, v0  }
0x672: {  	[tilespmem:s1+$0xFFFFFC80] =	vst.add.f32.msk $0xffff, v3  }
0x673: {  	[tilespmem:s1+$0xFFFFFF80] =	vst.add.f32.msk $0xffff, v0  }
0x674: {  	s0 =	rddreg [dreg:$0xf]  }
0x675: {  	v0 =	vld [tilespmem:s0+$0x0]  }
0x676: {  	v1 =	vld [tilespmem:s0+$0xFFFFFD00]  }
0x677: {  	v2 =	vld [tilespmem:s0+$0xFFFFFD80]  }
0x678: {  	v3 =	vld [tilespmem:s0+$0xFFFFFE00]  }
0x679: {  	v4 =	vld [tilespmem:s0+$0xFFFFFE80]  }
0x67a: {  	v5 =	vld [tilespmem:s0+$0xFFFFFF00];
	v0 =	vmul.f32 $1.442695020e+00, v0  }
0x67b: {  	v54 =	vld [tilespmem:s0+$0xFFFFFF80];
	v1 =	vmul.f32 $1.442695020e+00, v1  }
0x67c: {  	v55 =	vld [tilespmem:s0+$0xFFFFFC80];
	s0 =	sadd.s32 $0x1000, s0;
	v2 =	vmul.f32 $1.442695020e+00, v2;
	(erf) = vpow2.f32 v0  }
0x67d: {  	v59 =	vld [tilespmem:s0+$0xFFFFFE00];
	v0 =	vmul.f32 $1.442695020e+00, v3;
	(erf) = vpow2.f32 v1  }
0x67e: {  	v9 =	vld [tilespmem:s0+$0xFFFFFE80];
	v1 =	vmul.f32 $1.442695020e+00, v4;
	(erf) = vpow2.f32 v2  }
0x67f: {  	v11 =	vld [tilespmem:s0+$0xFFFFFF00];
	v2 =	vmul.f32 $1.442695020e+00, v5;
	(erf) = vpow2.f32 v0  }
0x680: {  	v13 =	vld [tilespmem:s0+$0xFFFFFF80];
	(erf) = vpow2.f32 v1;
	v1 =	vmul.f32 $1.442695020e+00, v54  }
0x681: {  	v3 =	vmul.f32 $1.442695020e+00, v55;
	v0 =	vld [tilespmem:$0x141C0];
	(erf) = vpow2.f32 v2  }
0x682: {  	(erf) = vpow2.f32 v1;
	v1 =	vld [tilespmem:s0+$0x0]  }
0x683: {  	(erf) = vpow2.f32 v3;
	v3 =	vld [tilespmem:s0+$0xFFFFFD00]  }
0x684: {  	v57 =	vld [tilespmem:s0+$0xFFFFFD80]  }
0x685: {  	v7 =	vmul.f32 $1.442695020e+00, v59;
	v2 =	vpop (erf)  }
0x686: {  	v61 =	vmul.f32 $1.442695020e+00, v9;
	v62 =	vmul.f32 $1.442695020e+00, v11;
	v56 =	vpop (erf)  }
0x687: {  	v63 =	vmul.f32 $1.442695020e+00, v13;
	v58 =	vpop (erf);
	v1 =	vmul.f32 $1.442695020e+00, v1  }
0x688: {  	v2 =	vmul.f32 v2, v0;
	v60 =	vpop (erf);
	v3 =	vmul.f32 $1.442695020e+00, v3  }
0x689: {  	v5 =	vmul.f32 $1.442695020e+00, v57;
	v10 =	vpop (erf);
	(erf) = vpow2.f32 v1  }
0x68a: {  	v4 =	vmul.f32 v56, v0;
	v12 =	vpop (erf);
	(erf) = vpow2.f32 v3;
	v3 =	vld [tilespmem:s0+$0xFFFFFC80]  }
0x68b: {  	v6 =	vmul.f32 v58, v0;
	[tilespmem:s15+$0x0] =	vst.add.f32.msk $0xffff, v2;
	v1 =	vpop (erf);
	(erf) = vpow2.f32 v5  }
0x68c: {  	v8 =	vmul.f32 v60, v0;
	[tilespmem:s15+$0xFFFFFD00] =	vst.add.f32.msk $0xffff, v4;
	v10 =	vmul.f32 v10, v0;
	v2 =	vpop (erf)  }
0x68d: {  	[tilespmem:s15+$0xFFFFFD80] =	vst.add.f32.msk $0xffff, v6;
	(erf) = vpow2.f32 v7;
	v2 =	vmul.f32 v2, v0  }
0x68e: {  	v12 =	vmul.f32 v12, v0;
	[tilespmem:s15+$0xFFFFFE00] =	vst.add.f32.msk $0xffff, v8;
	(erf) = vpow2.f32 v61  }
0x68f: {  	(erf) = vpow2.f32 v62;
	[tilespmem:s15+$0xFFFFFC80] =	vst.add.f32.msk $0xffff, v2;
	v2 =	vmul.f32 $1.442695020e+00, v3  }
0x690: {  	s2 =	simm.s32 $0x8;
	[tilespmem:s15+$0xFFFFFE80] =	vst.add.f32.msk $0xffff, v10;
	v1 =	vmul.f32 v1, v0;
	(erf) = vpow2.f32 v63  }
0x691: {  	s1 =	smov.u32 s15;
	s3 =	sadd.s32 $0x1000, s0;
	s0 =	smov.u32 s15;
	[tilespmem:s15+$0xFFFFFF00] =	vst.add.f32.msk $0xffff, v12;
	(erf) = vpow2.f32 v2  }
.LBB2_59:
0x692: {  	v2 =	vld [tilespmem:s3+$0x0];
	s2 =	sadd.s32 $0x8, s2;
	v3 =	vpop (erf);
	v4 =	vmov v1  }
0x693: {  	v1 =	vld [tilespmem:s3+$0xFFFFFD00];
	p1 =	slt.u32 s2, $0x38;
	v3 =	vmul.f32 v3, v0;
	v5 =	vpop (erf)  }
0x694: {  	s1 =	sadd.s32 $0x400, s1;
	v6 =	vld [tilespmem:s3+$0xFFFFFD80];
	v5 =	vmul.f32 v5, v0;
	v7 =	vpop (erf)  }
0x695: {  	v7 =	vmul.f32 v7, v0;
	[tilespmem:s1+$0x0] =	vst.add.f32.msk $0xffff, v3  }
0x696: {  	v3 =	vld [tilespmem:s3+$0xFFFFFE00];
	v8 =	vpop (erf)  }
0x697: {  	v9 =	vld [tilespmem:s3+$0xFFFFFE80];
	v14 =	vmul.f32 $1.442695020e+00, v2;
	v8 =	vmul.f32 v8, v0;
	v10 =	vpop (erf)  }
0x698: {  	v1 =	vmul.f32 $1.442695020e+00, v1;
	v11 =	vld [tilespmem:s3+$0xFFFFFF00];
	v10 =	vmul.f32 v10, v0;
	v12 =	vpop (erf)  }
0x699: {  	v6 =	vmul.f32 $1.442695020e+00, v6;
	v13 =	vld [tilespmem:s3+$0xFFFFFF80];
	(erf) = vpow2.f32 v14;
	v2 =	vpop (erf)  }
0x69a: {  	v14 =	vld [tilespmem:s3+$0xFFFFFC80];
	(erf) = vpow2.f32 v1;
	v1 =	vmul.f32 v12, v0;
	v12 =	vpop (erf)  }
0x69b: {  	v3 =	vmul.f32 $1.442695020e+00, v3;
	(erf) = vpow2.f32 v6;
	[tilespmem:s1+$0xFFFFFD00] =	vst.add.f32.msk $0xffff, v5  }
0x69c: {  	v6 =	vmul.f32 v12, v0;
	v5 =	vmul.f32 $1.442695020e+00, v9;
	[tilespmem:s1+$0xFFFFFD80] =	vst.add.f32.msk $0xffff, v7  }
.Ltmp28:
0x69d: {  	v7 =	vmul.f32 $1.442695020e+00, v11;
	(erf) = vpow2.f32 v3;
	[tilespmem:s1+$0xFFFFFE00] =	vst.add.f32.msk $0xffff, v8;
	(pc) =	sbr.rel @p1 .LBB2_59-.Ltmp28, $4  }
0x69e: {  	v3 =	vmul.f32 $1.442695020e+00, v13;
	(erf) = vpow2.f32 v5;
	[tilespmem:s1+$0xFFFFFC80] =	vst.add.f32.msk $0xffff, v6  }
0x69f: {  	v5 =	vmul.f32 $1.442695020e+00, v14;
	(erf) = vpow2.f32 v7;
	[tilespmem:s1+$0xFFFFFE80] =	vst.add.f32.msk $0xffff, v10  }
0x6a0: {  	(erf) = vpow2.f32 v3;
	[tilespmem:s1+$0xFFFFFF00] =	vst.add.f32.msk $0xffff, v1;
	v1 =	vmul.f32 v2, v0  }
0x6a1: {  	s3 =	sadd.s32 $0x1000, s3;
	(erf) = vpow2.f32 v5;
	[tilespmem:s0+$0xFFFFFF80] =	vst.add.f32.msk $0xffff, v4;
	s0 =	smov.u32 s1  }
0x6a2: {  	_ = 	snop  }
0x6a3: {  	v2 =	vpop (erf)  }
0x6a4: {  	v3 =	vpop (erf)  }
0x6a5: {  	v2 =	vmul.f32 v2, v0;
	v4 =	vpop (erf)  }
0x6a6: {  	s1 =	sadd.s32 $0x400, s1;
	[tilespmem:s0+$0xFFFFFF80] =	vst.add.f32.msk $0xffff, v1;
	v3 =	vmul.f32 v3, v0;
	v5 =	vpop (erf)  }
0x6a7: {  	v4 =	vmul.f32 v4, v0;
	[tilespmem:s1+$0x0] =	vst.add.f32.msk $0xffff, v2;
	v6 =	vpop (erf)  }
0x6a8: {  	[tilespmem:s1+$0xFFFFFD00] =	vst.add.f32.msk $0xffff, v3;
	v5 =	vmul.f32 v5, v0;
	v7 =	vpop (erf)  }
0x6a9: {  	[tilespmem:s1+$0xFFFFFD80] =	vst.add.f32.msk $0xffff, v4;
	v52 =	vmul.f32 v6, v0;
	v2 =	vpop (erf)  }
0x6aa: {  	[tilespmem:s1+$0xFFFFFE00] =	vst.add.f32.msk $0xffff, v5;
	v53 =	vmul.f32 v7, v0;
	v8 =	vpop (erf)  }
0x6ab: {  	[tilespmem:s1+$0xFFFFFE80] =	vst.add.f32.msk $0xffff, v52;
	v3 =	vmul.f32 v8, v0  }
0x6ac: {  	[tilespmem:s1+$0xFFFFFF00] =	vst.add.f32.msk $0xffff, v53;
	v0 =	vmul.f32 v2, v0  }
0x6ad: {  	[tilespmem:s1+$0xFFFFFC80] =	vst.add.f32.msk $0xffff, v3  }
0x6ae: {  	[tilespmem:s1+$0xFFFFFF80] =	vst.add.f32.msk $0xffff, v0  }
0x6af: {  	s0 =	rddreg [dreg:$0xe]  }
0x6b0: {  	v0 =	vld [tilespmem:s0+$0x0]  }
0x6b1: {  	v1 =	vld [tilespmem:s0+$0xFFFFFD00]  }
0x6b2: {  	v2 =	vld [tilespmem:s0+$0xFFFFFD80]  }
0x6b3: {  	v3 =	vld [tilespmem:s0+$0xFFFFFE00]  }
0x6b4: {  	v4 =	vld [tilespmem:s0+$0xFFFFFE80]  }
0x6b5: {  	v5 =	vld [tilespmem:s0+$0xFFFFFF00];
	v0 =	vmul.f32 $1.442695020e+00, v0  }
0x6b6: {  	v54 =	vld [tilespmem:s0+$0xFFFFFF80];
	v1 =	vmul.f32 $1.442695020e+00, v1  }
0x6b7: {  	v55 =	vld [tilespmem:s0+$0xFFFFFC80];
	s0 =	sadd.s32 $0x1000, s0;
	v2 =	vmul.f32 $1.442695020e+00, v2;
	(erf) = vpow2.f32 v0  }
0x6b8: {  	v59 =	vld [tilespmem:s0+$0xFFFFFE00];
	v0 =	vmul.f32 $1.442695020e+00, v3;
	(erf) = vpow2.f32 v1  }
0x6b9: {  	v9 =	vld [tilespmem:s0+$0xFFFFFE80];
	v1 =	vmul.f32 $1.442695020e+00, v4;
	(erf) = vpow2.f32 v2  }
0x6ba: {  	v11 =	vld [tilespmem:s0+$0xFFFFFF00];
	v2 =	vmul.f32 $1.442695020e+00, v5;
	(erf) = vpow2.f32 v0  }
0x6bb: {  	v13 =	vld [tilespmem:s0+$0xFFFFFF80];
	(erf) = vpow2.f32 v1;
	v1 =	vmul.f32 $1.442695020e+00, v54  }
0x6bc: {  	v3 =	vmul.f32 $1.442695020e+00, v55;
	v0 =	vld [tilespmem:$0x141D0];
	(erf) = vpow2.f32 v2  }
0x6bd: {  	(erf) = vpow2.f32 v1;
	v1 =	vld [tilespmem:s0+$0x0]  }
0x6be: {  	(erf) = vpow2.f32 v3;
	v3 =	vld [tilespmem:s0+$0xFFFFFD00]  }
0x6bf: {  	v57 =	vld [tilespmem:s0+$0xFFFFFD80]  }
0x6c0: {  	v7 =	vmul.f32 $1.442695020e+00, v59;
	v2 =	vpop (erf)  }
0x6c1: {  	v61 =	vmul.f32 $1.442695020e+00, v9;
	v62 =	vmul.f32 $1.442695020e+00, v11;
	v56 =	vpop (erf)  }
0x6c2: {  	v63 =	vmul.f32 $1.442695020e+00, v13;
	v58 =	vpop (erf);
	v1 =	vmul.f32 $1.442695020e+00, v1  }
0x6c3: {  	v2 =	vmul.f32 v2, v0;
	v60 =	vpop (erf);
	v3 =	vmul.f32 $1.442695020e+00, v3  }
0x6c4: {  	v5 =	vmul.f32 $1.442695020e+00, v57;
	v10 =	vpop (erf);
	(erf) = vpow2.f32 v1  }
0x6c5: {  	v4 =	vmul.f32 v56, v0;
	v12 =	vpop (erf);
	(erf) = vpow2.f32 v3;
	v3 =	vld [tilespmem:s0+$0xFFFFFC80]  }
0x6c6: {  	v6 =	vmul.f32 v58, v0;
	[tilespmem:s15+$0x0] =	vst.add.f32.msk $0xffff, v2;
	v1 =	vpop (erf);
	(erf) = vpow2.f32 v5  }
0x6c7: {  	v8 =	vmul.f32 v60, v0;
	[tilespmem:s15+$0xFFFFFD00] =	vst.add.f32.msk $0xffff, v4;
	v10 =	vmul.f32 v10, v0;
	v2 =	vpop (erf)  }
0x6c8: {  	[tilespmem:s15+$0xFFFFFD80] =	vst.add.f32.msk $0xffff, v6;
	(erf) = vpow2.f32 v7;
	v2 =	vmul.f32 v2, v0  }
0x6c9: {  	v12 =	vmul.f32 v12, v0;
	[tilespmem:s15+$0xFFFFFE00] =	vst.add.f32.msk $0xffff, v8;
	(erf) = vpow2.f32 v61  }
0x6ca: {  	(erf) = vpow2.f32 v62;
	[tilespmem:s15+$0xFFFFFC80] =	vst.add.f32.msk $0xffff, v2;
	v2 =	vmul.f32 $1.442695020e+00, v3  }
0x6cb: {  	s2 =	simm.s32 $0x8;
	[tilespmem:s15+$0xFFFFFE80] =	vst.add.f32.msk $0xffff, v10;
	v1 =	vmul.f32 v1, v0;
	(erf) = vpow2.f32 v63  }
0x6cc: {  	s1 =	smov.u32 s15;
	s3 =	sadd.s32 $0x1000, s0;
	s0 =	smov.u32 s15;
	[tilespmem:s15+$0xFFFFFF00] =	vst.add.f32.msk $0xffff, v12;
	(erf) = vpow2.f32 v2  }
.LBB2_61:
0x6cd: {  	v2 =	vld [tilespmem:s3+$0x0];
	s2 =	sadd.s32 $0x8, s2;
	v3 =	vpop (erf);
	v4 =	vmov v1  }
0x6ce: {  	v1 =	vld [tilespmem:s3+$0xFFFFFD00];
	p1 =	slt.u32 s2, $0x38;
	v3 =	vmul.f32 v3, v0;
	v5 =	vpop (erf)  }
0x6cf: {  	s1 =	sadd.s32 $0x400, s1;
	v6 =	vld [tilespmem:s3+$0xFFFFFD80];
	v5 =	vmul.f32 v5, v0;
	v7 =	vpop (erf)  }
0x6d0: {  	v7 =	vmul.f32 v7, v0;
	[tilespmem:s1+$0x0] =	vst.add.f32.msk $0xffff, v3  }
0x6d1: {  	v3 =	vld [tilespmem:s3+$0xFFFFFE00];
	v8 =	vpop (erf)  }
0x6d2: {  	v9 =	vld [tilespmem:s3+$0xFFFFFE80];
	v14 =	vmul.f32 $1.442695020e+00, v2;
	v8 =	vmul.f32 v8, v0;
	v10 =	vpop (erf)  }
0x6d3: {  	v1 =	vmul.f32 $1.442695020e+00, v1;
	v11 =	vld [tilespmem:s3+$0xFFFFFF00];
	v10 =	vmul.f32 v10, v0;
	v12 =	vpop (erf)  }
0x6d4: {  	v6 =	vmul.f32 $1.442695020e+00, v6;
	v13 =	vld [tilespmem:s3+$0xFFFFFF80];
	(erf) = vpow2.f32 v14;
	v2 =	vpop (erf)  }
0x6d5: {  	v14 =	vld [tilespmem:s3+$0xFFFFFC80];
	(erf) = vpow2.f32 v1;
	v1 =	vmul.f32 v12, v0;
	v12 =	vpop (erf)  }
0x6d6: {  	v3 =	vmul.f32 $1.442695020e+00, v3;
	(erf) = vpow2.f32 v6;
	[tilespmem:s1+$0xFFFFFD00] =	vst.add.f32.msk $0xffff, v5  }
0x6d7: {  	v6 =	vmul.f32 v12, v0;
	v5 =	vmul.f32 $1.442695020e+00, v9;
	[tilespmem:s1+$0xFFFFFD80] =	vst.add.f32.msk $0xffff, v7  }
.Ltmp29:
0x6d8: {  	v7 =	vmul.f32 $1.442695020e+00, v11;
	(erf) = vpow2.f32 v3;
	[tilespmem:s1+$0xFFFFFE00] =	vst.add.f32.msk $0xffff, v8;
	(pc) =	sbr.rel @p1 .LBB2_61-.Ltmp29, $4  }
0x6d9: {  	v3 =	vmul.f32 $1.442695020e+00, v13;
	(erf) = vpow2.f32 v5;
	[tilespmem:s1+$0xFFFFFC80] =	vst.add.f32.msk $0xffff, v6  }
0x6da: {  	v5 =	vmul.f32 $1.442695020e+00, v14;
	(erf) = vpow2.f32 v7;
	[tilespmem:s1+$0xFFFFFE80] =	vst.add.f32.msk $0xffff, v10  }
0x6db: {  	(erf) = vpow2.f32 v3;
	[tilespmem:s1+$0xFFFFFF00] =	vst.add.f32.msk $0xffff, v1;
	v1 =	vmul.f32 v2, v0  }
0x6dc: {  	s3 =	sadd.s32 $0x1000, s3;
	(erf) = vpow2.f32 v5;
	[tilespmem:s0+$0xFFFFFF80] =	vst.add.f32.msk $0xffff, v4;
	s0 =	smov.u32 s1  }
0x6dd: {  	_ = 	snop  }
0x6de: {  	v2 =	vpop (erf)  }
0x6df: {  	v3 =	vpop (erf)  }
0x6e0: {  	v2 =	vmul.f32 v2, v0;
	v4 =	vpop (erf)  }
0x6e1: {  	s1 =	sadd.s32 $0x400, s1;
	[tilespmem:s0+$0xFFFFFF80] =	vst.add.f32.msk $0xffff, v1;
	v3 =	vmul.f32 v3, v0;
	v5 =	vpop (erf)  }
0x6e2: {  	v4 =	vmul.f32 v4, v0;
	[tilespmem:s1+$0x0] =	vst.add.f32.msk $0xffff, v2;
	v6 =	vpop (erf)  }
0x6e3: {  	[tilespmem:s1+$0xFFFFFD00] =	vst.add.f32.msk $0xffff, v3;
	v5 =	vmul.f32 v5, v0;
	v7 =	vpop (erf)  }
0x6e4: {  	[tilespmem:s1+$0xFFFFFD80] =	vst.add.f32.msk $0xffff, v4;
	v52 =	vmul.f32 v6, v0;
	v2 =	vpop (erf)  }
0x6e5: {  	[tilespmem:s1+$0xFFFFFE00] =	vst.add.f32.msk $0xffff, v5;
	v53 =	vmul.f32 v7, v0;
	v8 =	vpop (erf)  }
0x6e6: {  	[tilespmem:s1+$0xFFFFFE80] =	vst.add.f32.msk $0xffff, v52;
	v3 =	vmul.f32 v8, v0  }
0x6e7: {  	[tilespmem:s1+$0xFFFFFF00] =	vst.add.f32.msk $0xffff, v53;
	v0 =	vmul.f32 v2, v0  }
0x6e8: {  	[tilespmem:s1+$0xFFFFFC80] =	vst.add.f32.msk $0xffff, v3  }
0x6e9: {  	[tilespmem:s1+$0xFFFFFF80] =	vst.add.f32.msk $0xffff, v0  }
0x6ea: {  	s0 =	rddreg [dreg:$0xd]  }
0x6eb: {  	v0 =	vld [tilespmem:s0+$0x0]  }
0x6ec: {  	v1 =	vld [tilespmem:s0+$0xFFFFFD00]  }
0x6ed: {  	v2 =	vld [tilespmem:s0+$0xFFFFFD80]  }
0x6ee: {  	v3 =	vld [tilespmem:s0+$0xFFFFFE00]  }
0x6ef: {  	v4 =	vld [tilespmem:s0+$0xFFFFFE80]  }
0x6f0: {  	v5 =	vld [tilespmem:s0+$0xFFFFFF00];
	v0 =	vmul.f32 $1.442695020e+00, v0  }
0x6f1: {  	v54 =	vld [tilespmem:s0+$0xFFFFFF80];
	v1 =	vmul.f32 $1.442695020e+00, v1  }
0x6f2: {  	v55 =	vld [tilespmem:s0+$0xFFFFFC80];
	s0 =	sadd.s32 $0x1000, s0;
	v2 =	vmul.f32 $1.442695020e+00, v2;
	(erf) = vpow2.f32 v0  }
0x6f3: {  	v59 =	vld [tilespmem:s0+$0xFFFFFE00];
	v0 =	vmul.f32 $1.442695020e+00, v3;
	(erf) = vpow2.f32 v1  }
0x6f4: {  	v9 =	vld [tilespmem:s0+$0xFFFFFE80];
	v1 =	vmul.f32 $1.442695020e+00, v4;
	(erf) = vpow2.f32 v2  }
0x6f5: {  	v11 =	vld [tilespmem:s0+$0xFFFFFF00];
	v2 =	vmul.f32 $1.442695020e+00, v5;
	(erf) = vpow2.f32 v0  }
0x6f6: {  	v13 =	vld [tilespmem:s0+$0xFFFFFF80];
	(erf) = vpow2.f32 v1;
	v1 =	vmul.f32 $1.442695020e+00, v54  }
0x6f7: {  	v3 =	vmul.f32 $1.442695020e+00, v55;
	v0 =	vld [tilespmem:$0x141E0];
	(erf) = vpow2.f32 v2  }
0x6f8: {  	(erf) = vpow2.f32 v1;
	v1 =	vld [tilespmem:s0+$0x0]  }
0x6f9: {  	(erf) = vpow2.f32 v3;
	v3 =	vld [tilespmem:s0+$0xFFFFFD00]  }
0x6fa: {  	v57 =	vld [tilespmem:s0+$0xFFFFFD80]  }
0x6fb: {  	v7 =	vmul.f32 $1.442695020e+00, v59;
	v2 =	vpop (erf)  }
0x6fc: {  	v61 =	vmul.f32 $1.442695020e+00, v9;
	v62 =	vmul.f32 $1.442695020e+00, v11;
	v56 =	vpop (erf)  }
0x6fd: {  	v63 =	vmul.f32 $1.442695020e+00, v13;
	v58 =	vpop (erf);
	v1 =	vmul.f32 $1.442695020e+00, v1  }
0x6fe: {  	v2 =	vmul.f32 v2, v0;
	v60 =	vpop (erf);
	v3 =	vmul.f32 $1.442695020e+00, v3  }
0x6ff: {  	v5 =	vmul.f32 $1.442695020e+00, v57;
	v10 =	vpop (erf);
	(erf) = vpow2.f32 v1  }
0x700: {  	v4 =	vmul.f32 v56, v0;
	v12 =	vpop (erf);
	(erf) = vpow2.f32 v3;
	v3 =	vld [tilespmem:s0+$0xFFFFFC80]  }
0x701: {  	v6 =	vmul.f32 v58, v0;
	[tilespmem:s15+$0x0] =	vst.add.f32.msk $0xffff, v2;
	v1 =	vpop (erf);
	(erf) = vpow2.f32 v5  }
0x702: {  	v8 =	vmul.f32 v60, v0;
	[tilespmem:s15+$0xFFFFFD00] =	vst.add.f32.msk $0xffff, v4;
	v10 =	vmul.f32 v10, v0;
	v2 =	vpop (erf)  }
0x703: {  	[tilespmem:s15+$0xFFFFFD80] =	vst.add.f32.msk $0xffff, v6;
	(erf) = vpow2.f32 v7;
	v2 =	vmul.f32 v2, v0  }
0x704: {  	v12 =	vmul.f32 v12, v0;
	[tilespmem:s15+$0xFFFFFE00] =	vst.add.f32.msk $0xffff, v8;
	(erf) = vpow2.f32 v61  }
0x705: {  	(erf) = vpow2.f32 v62;
	[tilespmem:s15+$0xFFFFFC80] =	vst.add.f32.msk $0xffff, v2;
	v2 =	vmul.f32 $1.442695020e+00, v3  }
0x706: {  	s2 =	simm.s32 $0x8;
	[tilespmem:s15+$0xFFFFFE80] =	vst.add.f32.msk $0xffff, v10;
	v1 =	vmul.f32 v1, v0;
	(erf) = vpow2.f32 v63  }
0x707: {  	s1 =	smov.u32 s15;
	s3 =	sadd.s32 $0x1000, s0;
	s0 =	smov.u32 s15;
	[tilespmem:s15+$0xFFFFFF00] =	vst.add.f32.msk $0xffff, v12;
	(erf) = vpow2.f32 v2  }
.LBB2_63:
0x708: {  	v2 =	vld [tilespmem:s3+$0x0];
	s2 =	sadd.s32 $0x8, s2;
	v3 =	vpop (erf);
	v4 =	vmov v1  }
0x709: {  	v1 =	vld [tilespmem:s3+$0xFFFFFD00];
	p1 =	slt.u32 s2, $0x38;
	v3 =	vmul.f32 v3, v0;
	v5 =	vpop (erf)  }
0x70a: {  	s1 =	sadd.s32 $0x400, s1;
	v6 =	vld [tilespmem:s3+$0xFFFFFD80];
	v5 =	vmul.f32 v5, v0;
	v7 =	vpop (erf)  }
0x70b: {  	v7 =	vmul.f32 v7, v0;
	[tilespmem:s1+$0x0] =	vst.add.f32.msk $0xffff, v3  }
0x70c: {  	v3 =	vld [tilespmem:s3+$0xFFFFFE00];
	v8 =	vpop (erf)  }
0x70d: {  	v9 =	vld [tilespmem:s3+$0xFFFFFE80];
	v14 =	vmul.f32 $1.442695020e+00, v2;
	v8 =	vmul.f32 v8, v0;
	v10 =	vpop (erf)  }
0x70e: {  	v1 =	vmul.f32 $1.442695020e+00, v1;
	v11 =	vld [tilespmem:s3+$0xFFFFFF00];
	v10 =	vmul.f32 v10, v0;
	v12 =	vpop (erf)  }
0x70f: {  	v6 =	vmul.f32 $1.442695020e+00, v6;
	v13 =	vld [tilespmem:s3+$0xFFFFFF80];
	(erf) = vpow2.f32 v14;
	v2 =	vpop (erf)  }
0x710: {  	v14 =	vld [tilespmem:s3+$0xFFFFFC80];
	(erf) = vpow2.f32 v1;
	v1 =	vmul.f32 v12, v0;
	v12 =	vpop (erf)  }
0x711: {  	v3 =	vmul.f32 $1.442695020e+00, v3;
	(erf) = vpow2.f32 v6;
	[tilespmem:s1+$0xFFFFFD00] =	vst.add.f32.msk $0xffff, v5  }
0x712: {  	v6 =	vmul.f32 v12, v0;
	v5 =	vmul.f32 $1.442695020e+00, v9;
	[tilespmem:s1+$0xFFFFFD80] =	vst.add.f32.msk $0xffff, v7  }
.Ltmp30:
0x713: {  	v7 =	vmul.f32 $1.442695020e+00, v11;
	(erf) = vpow2.f32 v3;
	[tilespmem:s1+$0xFFFFFE00] =	vst.add.f32.msk $0xffff, v8;
	(pc) =	sbr.rel @p1 .LBB2_63-.Ltmp30, $4  }
0x714: {  	v3 =	vmul.f32 $1.442695020e+00, v13;
	(erf) = vpow2.f32 v5;
	[tilespmem:s1+$0xFFFFFC80] =	vst.add.f32.msk $0xffff, v6  }
0x715: {  	v5 =	vmul.f32 $1.442695020e+00, v14;
	(erf) = vpow2.f32 v7;
	[tilespmem:s1+$0xFFFFFE80] =	vst.add.f32.msk $0xffff, v10  }
0x716: {  	(erf) = vpow2.f32 v3;
	[tilespmem:s1+$0xFFFFFF00] =	vst.add.f32.msk $0xffff, v1;
	v1 =	vmul.f32 v2, v0  }
0x717: {  	s3 =	sadd.s32 $0x1000, s3;
	(erf) = vpow2.f32 v5;
	[tilespmem:s0+$0xFFFFFF80] =	vst.add.f32.msk $0xffff, v4;
	s0 =	smov.u32 s1  }
0x718: {  	_ = 	snop  }
0x719: {  	v2 =	vpop (erf)  }
0x71a: {  	v3 =	vpop (erf)  }
0x71b: {  	v2 =	vmul.f32 v2, v0;
	v4 =	vpop (erf)  }
0x71c: {  	s1 =	sadd.s32 $0x400, s1;
	[tilespmem:s0+$0xFFFFFF80] =	vst.add.f32.msk $0xffff, v1;
	v3 =	vmul.f32 v3, v0;
	v5 =	vpop (erf)  }
0x71d: {  	v4 =	vmul.f32 v4, v0;
	[tilespmem:s1+$0x0] =	vst.add.f32.msk $0xffff, v2;
	v6 =	vpop (erf)  }
0x71e: {  	[tilespmem:s1+$0xFFFFFD00] =	vst.add.f32.msk $0xffff, v3;
	v5 =	vmul.f32 v5, v0;
	v7 =	vpop (erf)  }
0x71f: {  	[tilespmem:s1+$0xFFFFFD80] =	vst.add.f32.msk $0xffff, v4;
	v52 =	vmul.f32 v6, v0;
	v2 =	vpop (erf)  }
0x720: {  	[tilespmem:s1+$0xFFFFFE00] =	vst.add.f32.msk $0xffff, v5;
	v53 =	vmul.f32 v7, v0;
	v8 =	vpop (erf)  }
0x721: {  	[tilespmem:s1+$0xFFFFFE80] =	vst.add.f32.msk $0xffff, v52;
	v3 =	vmul.f32 v8, v0  }
0x722: {  	[tilespmem:s1+$0xFFFFFF00] =	vst.add.f32.msk $0xffff, v53;
	v0 =	vmul.f32 v2, v0  }
0x723: {  	[tilespmem:s1+$0xFFFFFC80] =	vst.add.f32.msk $0xffff, v3  }
0x724: {  	[tilespmem:s1+$0xFFFFFF80] =	vst.add.f32.msk $0xffff, v0  }
0x725: {  	s0 =	rddreg [dreg:$0xc]  }
0x726: {  	v0 =	vld [tilespmem:s0+$0x0]  }
0x727: {  	v1 =	vld [tilespmem:s0+$0xFFFFFD00]  }
0x728: {  	v2 =	vld [tilespmem:s0+$0xFFFFFD80]  }
0x729: {  	v3 =	vld [tilespmem:s0+$0xFFFFFE00]  }
0x72a: {  	v4 =	vld [tilespmem:s0+$0xFFFFFE80]  }
0x72b: {  	v5 =	vld [tilespmem:s0+$0xFFFFFF00];
	v0 =	vmul.f32 $1.442695020e+00, v0  }
0x72c: {  	v54 =	vld [tilespmem:s0+$0xFFFFFF80];
	v1 =	vmul.f32 $1.442695020e+00, v1  }
0x72d: {  	v55 =	vld [tilespmem:s0+$0xFFFFFC80];
	s0 =	sadd.s32 $0x1000, s0;
	v2 =	vmul.f32 $1.442695020e+00, v2;
	(erf) = vpow2.f32 v0  }
0x72e: {  	v59 =	vld [tilespmem:s0+$0xFFFFFE00];
	v0 =	vmul.f32 $1.442695020e+00, v3;
	(erf) = vpow2.f32 v1  }
0x72f: {  	v9 =	vld [tilespmem:s0+$0xFFFFFE80];
	v1 =	vmul.f32 $1.442695020e+00, v4;
	(erf) = vpow2.f32 v2  }
0x730: {  	v11 =	vld [tilespmem:s0+$0xFFFFFF00];
	v2 =	vmul.f32 $1.442695020e+00, v5;
	(erf) = vpow2.f32 v0  }
0x731: {  	v13 =	vld [tilespmem:s0+$0xFFFFFF80];
	(erf) = vpow2.f32 v1;
	v1 =	vmul.f32 $1.442695020e+00, v54  }
0x732: {  	v3 =	vmul.f32 $1.442695020e+00, v55;
	v0 =	vld [tilespmem:$0x141F0];
	(erf) = vpow2.f32 v2  }
0x733: {  	(erf) = vpow2.f32 v1;
	v1 =	vld [tilespmem:s0+$0x0]  }
0x734: {  	(erf) = vpow2.f32 v3;
	v3 =	vld [tilespmem:s0+$0xFFFFFD00]  }
0x735: {  	v57 =	vld [tilespmem:s0+$0xFFFFFD80]  }
0x736: {  	v7 =	vmul.f32 $1.442695020e+00, v59;
	v2 =	vpop (erf)  }
0x737: {  	v61 =	vmul.f32 $1.442695020e+00, v9;
	v62 =	vmul.f32 $1.442695020e+00, v11;
	v56 =	vpop (erf)  }
0x738: {  	v63 =	vmul.f32 $1.442695020e+00, v13;
	v58 =	vpop (erf);
	v1 =	vmul.f32 $1.442695020e+00, v1  }
0x739: {  	v2 =	vmul.f32 v2, v0;
	v60 =	vpop (erf);
	v3 =	vmul.f32 $1.442695020e+00, v3  }
0x73a: {  	v5 =	vmul.f32 $1.442695020e+00, v57;
	v10 =	vpop (erf);
	(erf) = vpow2.f32 v1  }
0x73b: {  	v4 =	vmul.f32 v56, v0;
	v12 =	vpop (erf);
	(erf) = vpow2.f32 v3;
	v3 =	vld [tilespmem:s0+$0xFFFFFC80]  }
0x73c: {  	v6 =	vmul.f32 v58, v0;
	[tilespmem:s15+$0x0] =	vst.add.f32.msk $0xffff, v2;
	v1 =	vpop (erf);
	(erf) = vpow2.f32 v5  }
0x73d: {  	v8 =	vmul.f32 v60, v0;
	[tilespmem:s15+$0xFFFFFD00] =	vst.add.f32.msk $0xffff, v4;
	v10 =	vmul.f32 v10, v0;
	v2 =	vpop (erf)  }
0x73e: {  	[tilespmem:s15+$0xFFFFFD80] =	vst.add.f32.msk $0xffff, v6;
	(erf) = vpow2.f32 v7;
	v2 =	vmul.f32 v2, v0  }
0x73f: {  	v12 =	vmul.f32 v12, v0;
	[tilespmem:s15+$0xFFFFFE00] =	vst.add.f32.msk $0xffff, v8;
	(erf) = vpow2.f32 v61  }
0x740: {  	(erf) = vpow2.f32 v62;
	[tilespmem:s15+$0xFFFFFC80] =	vst.add.f32.msk $0xffff, v2;
	v2 =	vmul.f32 $1.442695020e+00, v3  }
0x741: {  	[tilespmem:s15+$0xFFFFFE80] =	vst.add.f32.msk $0xffff, v10;
	v1 =	vmul.f32 v1, v0;
	(erf) = vpow2.f32 v63  }
0x742: {  	s1 =	simm.s32 $0x8;
	s2 =	sadd.s32 $0x1000, s0;
	s0 =	smov.u32 s15;
	[tilespmem:s15+$0xFFFFFF00] =	vst.add.f32.msk $0xffff, v12;
	(erf) = vpow2.f32 v2  }
.LBB2_65:
0x743: {  	v2 =	vld [tilespmem:s2+$0x0];
	s1 =	sadd.s32 $0x8, s1;
	v3 =	vpop (erf);
	v4 =	vmov v1  }
0x744: {  	v1 =	vld [tilespmem:s2+$0xFFFFFD00];
	p1 =	slt.u32 s1, $0x38;
	v3 =	vmul.f32 v3, v0;
	v5 =	vpop (erf)  }
0x745: {  	s15 =	sadd.s32 $0x400, s15;
	v6 =	vld [tilespmem:s2+$0xFFFFFD80];
	v5 =	vmul.f32 v5, v0;
	v7 =	vpop (erf)  }
0x746: {  	v7 =	vmul.f32 v7, v0;
	[tilespmem:s15+$0x0] =	vst.add.f32.msk $0xffff, v3  }
0x747: {  	v3 =	vld [tilespmem:s2+$0xFFFFFE00];
	v8 =	vpop (erf)  }
0x748: {  	v9 =	vld [tilespmem:s2+$0xFFFFFE80];
	v14 =	vmul.f32 $1.442695020e+00, v2;
	v8 =	vmul.f32 v8, v0;
	v10 =	vpop (erf)  }
0x749: {  	v1 =	vmul.f32 $1.442695020e+00, v1;
	v11 =	vld [tilespmem:s2+$0xFFFFFF00];
	v10 =	vmul.f32 v10, v0;
	v12 =	vpop (erf)  }
0x74a: {  	v6 =	vmul.f32 $1.442695020e+00, v6;
	v13 =	vld [tilespmem:s2+$0xFFFFFF80];
	(erf) = vpow2.f32 v14;
	v2 =	vpop (erf)  }
0x74b: {  	v14 =	vld [tilespmem:s2+$0xFFFFFC80];
	(erf) = vpow2.f32 v1;
	v1 =	vmul.f32 v12, v0;
	v12 =	vpop (erf)  }
0x74c: {  	v3 =	vmul.f32 $1.442695020e+00, v3;
	(erf) = vpow2.f32 v6;
	[tilespmem:s15+$0xFFFFFD00] =	vst.add.f32.msk $0xffff, v5  }
0x74d: {  	v6 =	vmul.f32 v12, v0;
	v5 =	vmul.f32 $1.442695020e+00, v9;
	[tilespmem:s15+$0xFFFFFD80] =	vst.add.f32.msk $0xffff, v7  }
.Ltmp31:
0x74e: {  	v7 =	vmul.f32 $1.442695020e+00, v11;
	(erf) = vpow2.f32 v3;
	[tilespmem:s15+$0xFFFFFE00] =	vst.add.f32.msk $0xffff, v8;
	(pc) =	sbr.rel @p1 .LBB2_65-.Ltmp31, $4  }
0x74f: {  	v3 =	vmul.f32 $1.442695020e+00, v13;
	(erf) = vpow2.f32 v5;
	[tilespmem:s15+$0xFFFFFC80] =	vst.add.f32.msk $0xffff, v6  }
0x750: {  	v5 =	vmul.f32 $1.442695020e+00, v14;
	(erf) = vpow2.f32 v7;
	[tilespmem:s15+$0xFFFFFE80] =	vst.add.f32.msk $0xffff, v10  }
0x751: {  	(erf) = vpow2.f32 v3;
	[tilespmem:s15+$0xFFFFFF00] =	vst.add.f32.msk $0xffff, v1;
	v1 =	vmul.f32 v2, v0  }
0x752: {  	s2 =	sadd.s32 $0x1000, s2;
	(erf) = vpow2.f32 v5;
	[tilespmem:s0+$0xFFFFFF80] =	vst.add.f32.msk $0xffff, v4;
	s0 =	smov.u32 s15  }
0x753: {  	_ = 	snop  }
0x754: {  	v2 =	vpop (erf)  }
0x755: {  	v3 =	vpop (erf);
	v2 =	vmul.f32 v2, v0  }
0x756: {  	s1 =	sadd.s32 $0x400, s15;
	[tilespmem:s0+$0xFFFFFF80] =	vst.add.f32.msk $0xffff, v1;
	v4 =	vpop (erf);
	v3 =	vmul.f32 v3, v0  }
0x757: {  	v4 =	vmul.f32 v4, v0;
	[tilespmem:s1+$0x0] =	vst.add.f32.msk $0xffff, v2;
	v5 =	vpop (erf)  }
0x758: {  	[tilespmem:s1+$0xFFFFFD00] =	vst.add.f32.msk $0xffff, v3;
	v6 =	vpop (erf);
	v5 =	vmul.f32 v5, v0  }
0x759: {  	[tilespmem:s1+$0xFFFFFD80] =	vst.add.f32.msk $0xffff, v4;
	v7 =	vpop (erf);
	v61 =	vmul.f32 v6, v0  }
0x75a: {  	v59 =	vpop (erf);
	[tilespmem:s1+$0xFFFFFE00] =	vst.add.f32.msk $0xffff, v5;
	v62 =	vmul.f32 v7, v0  }
0x75b: {  	v8 =	vpop (erf);
	[tilespmem:s1+$0xFFFFFE80] =	vst.add.f32.msk $0xffff, v61;
	v63 =	vmul.f32 v59, v0  }
0x75c: {  	v60 =	vmul.f32 v8, v0;
	[tilespmem:s1+$0xFFFFFF00] =	vst.add.f32.msk $0xffff, v62  }
0x75d: {  	[tilespmem:s1+$0xFFFFFF80] =	vst.add.f32.msk $0xffff, v63  }
0x75e: {  	[tilespmem:s1+$0xFFFFFC80] =	vst.add.f32.msk $0xffff, v60  }
0x75f: {  	s31 =	rddreg [dreg:$0x8]  }
0x760: {  	p1 =	sne.s32 s31, $0x10  }
.Ltmp32:
0x761: {  	s1 =	rddreg [dreg:$0xa];
	(pc) =	sbr.rel @p1 .LBB2_2-.Ltmp32, $4  }
0x762: {  	s29 =	sshll.u32 s4, $0xA;
	s2 =	rddreg [dreg:$0x5]  }
0x763: {  	s30 =	simm.s32 $0x0;
	p0 =	por !p0, !p0;
	s3 =	rddreg [dreg:$0xb]  }
0x764: {  	s1 =	sadd.s32 $0x3, s1;
	s0 =	sadd.s32 s29, s2;
	s4 =	smov.u32 s31  }
0x765: {  	[hbm4b:s0+s30] =	stream.linear.scatter [tilespmem:s3], [sflag:s1], $0x2000, $0x38;
	[tilespmem:$0x14200] =	vst v63  }
0x766: {  	s0 =	simm.s32 $0x3  }
0x767: {  	_ =	swait.ge [sflag:s0], $0x2000  }
0x768: {  	[sflag:s0] =	ssyncset.done $0x0  }
0x769: {  	s1 =	simm.s32 $0x4;
	[sflag:s0] =	ssyncadd.s32 $0xFFFFE000  }
0x76a: {  	_ =	swait.ge [sflag:s1], $0x2000  }
0x76b: {  	s2 =	rddreg [dreg:$0x7]  }
0x76c: {  	s31 =	rddreg [dreg:$0x6];
	s2 =	sadd.s32 $0x1, s2  }
0x76d: {  	p0 =	sne.s32 s2, s31  }
.Ltmp33:
0x76e: {  	_ = 	snop;
	(pc) =	sbr.rel @p0 .LBB2_1-.Ltmp33, $3  }
0x76f: {  	_ =	sdelay $0x1  }
0x770: {  	[sflag:s1] =	ssyncset.done $0x0  }
0x771: {  	[sflag:s1] =	ssyncadd.s32 $0xFFFFE000  }
0x772: {  	_ =	sfence.sel $0x180000  }
0x773: {  	[bflag:$0x0] =	sbarrier.arrive $0xFFFF  }
0x774: {  	_ =	strace $0x90000047  }
0x775: {  	s0 =	stileid.u32;
	[bflag:$0x2] =	sbarrier.arrive $0xFFFF  }
0x776: {  	p0 =	sne.s32 s0, $0x0;
	s0 =	rddreg [dreg:$0x3]  }
0x777: {  	s0 =	sadd.s32 @!p0 $0x100000, s0  }
0x778: {  	[sflag:s0] =	ssyncadd.tile.s32 @!p0 $0x1;
	_ =	shalt  }
.Lfunc_end2:
_tile_overlayer_lowered:
.L_overlay_start_2:
0x779: {  	(tag) =	ssettag $0x2  }
0x77a: {  	s0 =	rddreg [dreg:$0x0];
	s2 =	stileid.u32  }
0x77b: {  	s1 =	rddreg [dreg:$0x1];
	p0 =	sne.s32 s2, $0x0  }
0x77c: {  	s3 =	rddreg [dreg:$0x2];
	[bflag:$0x3] =	sbarrier.arrive $0xFFFF;
	s2 =	simm.s32 @!p0 $0x1C05  }
0x77d: {  	[timem:s3], [sflag:s2] =	dma.local @!p0 [hbm:s0], s1  }
0x77e: {  	s0 =	simm.s32 @!p0 $0x5  }
0x77f: {  	_ =	swait.ge @!p0 [sflag:s0], s1  }
0x780: {  	s1 =	ssub.s32 @!p0 $0x0, s1;
	[sflag:s0] =	ssyncset.done @!p0 $0x0  }
0x781: {  	[sflag:s0] =	ssyncadd.s32 @!p0 s1  }
0x782: {  	[bflag:$0x3] =	sbarrier.arrive $0xFFFF  }
0x783: {  	_ =	shalt  }

</sc_bundles>
